<compile_context>
chip_gen: v7x
topology: tpu7x:2x2x1
jax: 0.10.2.dev20260603
libtpu: 0.0.44.dev20260713+nightly
codegen_flags: <defaults>
</compile_context>

<pallas_src>
import functools

import jax
import jax.numpy as jnp
from jax import lax
from jax.experimental import pallas as pl
from jax.experimental.pallas import tpu as pltpu
from jax.experimental.pallas import tpu_sc as plsc

N = 10000
E = 320000
D_IN = 128
D_H = 128
D_A = 64
K = 64
D_CAT = D_H + D_A

NCORES = 2
NSUB = 16
NPAD = 10112
ROWS_PER_SUB = NPAD // NSUB

HALF = D_CAT // 2

CHUNK = 128
EPAD = 327680
ECHUNKS = EPAD // CHUNK

DEG_CH_SUB = ECHUNKS // (NCORES * NSUB)
DEG_FIRE = 8

SC_CH_SUB = ECHUNKS // NSUB
SC_BATCH = 40
SC_NBATCH = SC_CH_SUB // SC_BATCH
NBUF = 4

DEG_W = 8

def _sc_deg_body(dstr_hbm, zeros_hbm, ones_hbm, deg0_hbm, deg1_hbm,
                 deg_sp, dstb, ones_v, sem):
  core = lax.axis_index("c")
  sub = lax.axis_index("s")
  row0 = sub * ROWS_PER_SUB

  pltpu.sync_copy(zeros_hbm, deg_sp.at[pl.ds(row0, ROWS_PER_SUB)])
  pltpu.sync_copy(ones_hbm, ones_v)
  chunk0 = (core * NSUB + sub) * DEG_CH_SUB
  pltpu.sync_copy(dstr_hbm.at[pl.ds(chunk0, DEG_CH_SUB)], dstb)
  plsc.subcore_barrier()

  def batch(g, carry):
    for b in range(DEG_FIRE):
      j = g * DEG_FIRE + b
      pltpu.async_copy(ones_v, deg_sp.at[dstb.at[j]], sem, add=True)
    for b in range(DEG_FIRE):
      j = g * DEG_FIRE + b
      pltpu.make_async_copy(ones_v, deg_sp.at[dstb.at[j]], sem).wait()
    return carry

  lax.fori_loop(0, DEG_CH_SUB // DEG_FIRE, batch, 0)
  plsc.subcore_barrier()

  @pl.when(core == 0)
  def _():
    pltpu.sync_copy(deg_sp.at[pl.ds(row0, ROWS_PER_SUB)],
                    deg0_hbm.at[pl.ds(row0, ROWS_PER_SUB), pl.ds(0, DEG_W)])

  @pl.when(core == 1)
  def _():
    pltpu.sync_copy(deg_sp.at[pl.ds(row0, ROWS_PER_SUB)],
                    deg1_hbm.at[pl.ds(row0, ROWS_PER_SUB), pl.ds(0, DEG_W)])


def _sc_scatter_body(y0_hbm, y1_hbm, srcr_hbm, dstr_hbm,
                     acc0_hbm, acc1_hbm,
                     acc_sp, srcb, dstb, *bufs):
  core = lax.axis_index("c")
  sub = lax.axis_index("s")
  row0 = sub * ROWS_PER_SUB
  rows = bufs[:NBUF]
  gsem = bufs[NBUF:2 * NBUF]
  ssem = bufs[2 * NBUF:]

  def run(y_hbm, acc_hbm):
    pltpu.sync_copy(y_hbm.at[pl.ds(row0, ROWS_PER_SUB)],
                    acc_sp.at[pl.ds(row0, ROWS_PER_SUB)])
    plsc.subcore_barrier()
    def gfire(j, b):
      pltpu.async_copy(y_hbm.at[srcb.at[j]], rows[b], gsem[b])

    def gwait(j, b):
      pltpu.make_async_copy(y_hbm.at[srcb.at[j]], rows[b], gsem[b]).wait()

    def sfire(j, b):
      pltpu.async_copy(rows[b], acc_sp.at[dstb.at[j]], ssem[b], add=True)

    def swait(j, b):
      pltpu.make_async_copy(rows[b], acc_sp.at[dstb.at[j]], ssem[b]).wait()

    for k in range(SC_NBATCH):
      chunk0 = sub * SC_CH_SUB + k * SC_BATCH
      pltpu.sync_copy(srcr_hbm.at[pl.ds(chunk0, SC_BATCH)], srcb)
      pltpu.sync_copy(dstr_hbm.at[pl.ds(chunk0, SC_BATCH)], dstb)
      for b in range(NBUF):
        gfire(b, b)

      def group(g, carry):
        for b in range(NBUF):
          j = g * NBUF + b
          gwait(j, b)
          sfire(j, b)
          swait(j, b)
          gfire(j + NBUF, b)
        return carry

      lax.fori_loop(0, SC_BATCH // NBUF - 1, group, 0)
      for b in range(NBUF):
        j = SC_BATCH - NBUF + b
        gwait(j, b)
        sfire(j, b)
        swait(j, b)

    plsc.subcore_barrier()
    pltpu.sync_copy(acc_sp.at[pl.ds(row0, ROWS_PER_SUB)],
                    acc_hbm.at[pl.ds(row0, ROWS_PER_SUB), pl.ds(0, HALF)])

  @pl.when(core == 0)
  def _():
    run(y0_hbm, acc0_hbm)

  @pl.when(core == 1)
  def _():
    run(y1_hbm, acc1_hbm)


@functools.lru_cache(maxsize=None)
def _sc_kernels():
  mesh = plsc.VectorSubcoreMesh(
      core_axis_name="c", subcore_axis_name="s",
      num_cores=NCORES, num_subcores=NSUB,
  )
  params = pltpu.CompilerParams(use_tc_tiling_on_sc=False)
  sc_deg = pl.kernel(
      _sc_deg_body,
      compiler_params=params,
      out_type=(
          jax.ShapeDtypeStruct((NPAD, 128), jnp.float32),
          jax.ShapeDtypeStruct((NPAD, 128), jnp.float32),
      ),
      mesh=mesh,
      scratch_types=[
          pltpu.VMEM_SHARED((NPAD, DEG_W), jnp.float32),
          pltpu.VMEM((DEG_CH_SUB, CHUNK), jnp.int32),
          pltpu.VMEM((CHUNK, DEG_W), jnp.float32),
          pltpu.SemaphoreType.DMA,
      ],
  )
  sc_scatter = pl.kernel(
      _sc_scatter_body,
      compiler_params=params,
      out_type=(
          jax.ShapeDtypeStruct((NPAD, 128), jnp.float32),
          jax.ShapeDtypeStruct((NPAD, 128), jnp.float32),
      ),
      mesh=mesh,
      scratch_types=(
          [pltpu.VMEM_SHARED((NPAD, HALF), jnp.float32)]
          + [pltpu.VMEM((SC_BATCH, CHUNK), jnp.int32)] * 2
          + [pltpu.VMEM((CHUNK, HALF), jnp.float32)] * NBUF
          + [pltpu.SemaphoreType.DMA] * (2 * NBUF)
      ),
  )
  return sc_deg, sc_scatter


def _tc_y_kernel(x_ref, wcat_ref, d0_ref, d1_ref, y0_ref, y1_ref):
  deg = d0_ref[:, 0:1] + d1_ref[:, 0:1] + 1.0
  dinv = lax.rsqrt(deg)
  xw = jnp.dot(x_ref[...], wcat_ref[...], preferred_element_type=jnp.float32)
  y = xw * dinv
  y0_ref[...] = y[:, :HALF]
  y1_ref[...] = y[:, HALF:]


def _tc_final_kernel(acc0_ref, acc1_ref, d0_ref, d1_ref,
                     wlin_ref, be_ref, ba_ref, bl_ref, out_ref):
  deg = d0_ref[:, 0:1] + d1_ref[:, 0:1] + 1.0
  dinv = lax.rsqrt(deg)
  h0 = acc0_ref[:, :HALF] * dinv
  h1 = acc1_ref[:, :HALF] * dinv
  h = jnp.concatenate([h0, h1], axis=1)
  z = jnp.maximum(h[:, :D_H] + be_ref[...], 0.0)
  sp = jnp.maximum(h[:, D_H:] + ba_ref[...], 0.0)
  logits = jnp.dot(sp, wlin_ref[...],
                   preferred_element_type=jnp.float32) + bl_ref[...]
  m = jnp.max(logits, axis=-1, keepdims=True)
  e = jnp.exp(logits - m)
  s = e / jnp.sum(e, axis=-1, keepdims=True)
  part = lax.dot_general(s, z, (((0,), (0,)), ((), ())),
                         preferred_element_type=jnp.float32)

  @pl.when(pl.program_id(0) == 0)
  def _():
    out_ref[...] = jnp.zeros_like(out_ref)

  out_ref[...] += part


TC_Y_BLOCK = 2528
TC_F_BLOCK = 2000


def kernel(x, edge_index, W_embed, b_embed, W_assign, b_assign, W_lin, b_lin):
  pad_idx = N + (jnp.arange(EPAD - E, dtype=jnp.int32) % (NPAD - N))
  ep = jnp.concatenate([edge_index, jnp.stack([pad_idx, pad_idx])], axis=1)
  srcr = ep[0].reshape(ECHUNKS, CHUNK)
  dstr = ep[1].reshape(ECHUNKS, CHUNK)
  W_cat = jnp.concatenate([W_embed, W_assign], axis=1)
  zeros_deg = jnp.zeros((ROWS_PER_SUB, DEG_W), jnp.float32)
  ones_chunk = jnp.ones((CHUNK, DEG_W), jnp.float32)

  sc_deg, sc_scatter = _sc_kernels()
  deg0, deg1 = sc_deg(dstr, zeros_deg, ones_chunk)

  y0, y1 = pl.pallas_call(
      _tc_y_kernel,
      grid=(NPAD // TC_Y_BLOCK,),
      in_specs=[
          pl.BlockSpec((TC_Y_BLOCK, D_IN), lambda i: (i, 0)),
          pl.BlockSpec((D_IN, D_CAT), lambda i: (0, 0)),
          pl.BlockSpec((TC_Y_BLOCK, 128), lambda i: (i, 0)),
          pl.BlockSpec((TC_Y_BLOCK, 128), lambda i: (i, 0)),
      ],
      out_specs=[
          pl.BlockSpec((TC_Y_BLOCK, HALF), lambda i: (i, 0)),
          pl.BlockSpec((TC_Y_BLOCK, HALF), lambda i: (i, 0)),
      ],
      out_shape=(
          jax.ShapeDtypeStruct((NPAD, HALF), jnp.float32),
          jax.ShapeDtypeStruct((NPAD, HALF), jnp.float32),
      ),
  )(x, W_cat, deg0, deg1)

  acc0, acc1 = sc_scatter(y0, y1, srcr, dstr)

  out = pl.pallas_call(
      _tc_final_kernel,
      grid=(N // TC_F_BLOCK,),
      in_specs=[
          pl.BlockSpec((TC_F_BLOCK, 128), lambda i: (i, 0)),
          pl.BlockSpec((TC_F_BLOCK, 128), lambda i: (i, 0)),
          pl.BlockSpec((TC_F_BLOCK, 128), lambda i: (i, 0)),
          pl.BlockSpec((TC_F_BLOCK, 128), lambda i: (i, 0)),
          pl.BlockSpec((D_A, K), lambda i: (0, 0)),
          pl.BlockSpec((1, D_H), lambda i: (0, 0)),
          pl.BlockSpec((1, D_A), lambda i: (0, 0)),
          pl.BlockSpec((1, K), lambda i: (0, 0)),
      ],
      out_specs=pl.BlockSpec((K, D_H), lambda i: (0, 0)),
      out_shape=jax.ShapeDtypeStruct((K, D_H), jnp.float32),
  )(acc0, acc1, deg0, deg1, W_lin,
    b_embed.reshape(1, D_H), b_assign.reshape(1, D_A), b_lin.reshape(1, K))

  return out

# --- scband reference (transcript-rebuilt; emitter-appended) ---
"""Pipeline reference for scband-diff-pool-16475494547689 (READ-ONLY COPY).

The authoritative reference and input builder live on the scoring server;
editing this copy changes nothing except your own understanding.
"""

import jax, jax.numpy as jnp
import numpy as np

N = 10000
E = 320000
D_IN = 128
D_H = 128
D_A = 64
K = 64


def gcn_conv(x, edge_index, W, b):
    n = x.shape[0]
    loop = jnp.arange(n, dtype=edge_index.dtype)
    src = jnp.concatenate([edge_index[0], loop])
    dst = jnp.concatenate([edge_index[1], loop])
    deg = jnp.zeros((n,), dtype=x.dtype).at[dst].add(1.0)
    dinv = jnp.where(deg > 0, jax.lax.rsqrt(deg), 0.0)
    norm = dinv[src] * dinv[dst]
    xw = x @ W
    msg = xw[src] * norm[:, None]
    out = jnp.zeros((n, W.shape[1]), dtype=x.dtype).at[dst].add(msg)
    return out + b


def setup_inputs(seed: int = 0) -> dict:
    key = jax.random.key(seed)
    ks = jax.random.split(key, 8)
    x = jax.random.normal(ks[0], (N, D_IN), dtype=jnp.float32)
    edge_index = jax.random.randint(ks[1], (2, E), 0, N, dtype=jnp.int32)
    W_embed = jax.random.normal(ks[2], (D_IN, D_H), dtype=jnp.float32) * (1.0 / np.sqrt(D_IN))
    b_embed = jnp.zeros((D_H,), dtype=jnp.float32)
    W_assign = jax.random.normal(ks[3], (D_IN, D_A), dtype=jnp.float32) * (1.0 / np.sqrt(D_IN))
    b_assign = jnp.zeros((D_A,), dtype=jnp.float32)
    W_lin = jax.random.normal(ks[4], (D_A, K), dtype=jnp.float32) * (1.0 / np.sqrt(D_A))
    b_lin = jnp.zeros((K,), dtype=jnp.float32)
    return {"x": x, "edge_index": edge_index, "W_embed": W_embed, "b_embed": b_embed,
            "W_assign": W_assign, "b_assign": b_assign, "W_lin": W_lin, "b_lin": b_lin}


def reference(x, edge_index, W_embed, b_embed, W_assign, b_assign, W_lin, b_lin):
    z = jax.nn.relu(gcn_conv(x, edge_index, W_embed, b_embed))
    s = jax.nn.relu(gcn_conv(x, edge_index, W_assign, b_assign))
    s = s @ W_lin + b_lin
    s = jax.nn.softmax(s, axis=-1)
    x_pool = s.T @ z
    return x_pool

if __name__ == "__main__":
    import jax
    _d = setup_inputs()
    print(jax.jit(kernel)(*tuple(_d.values())))

</pallas_src>

<mosaic_0001>
#map = affine_map<(d0, d1) -> (0, 0)>
module attributes {stable_mosaic.version = 14 : i64} {
  func.func @_sc_deg_body(%arg0: i32, %arg1: i32, %arg2: memref<2560x128xi32, #tpu.memory_space<hbm>>, %arg3: memref<632x8xf32, #tpu.memory_space<hbm>>, %arg4: memref<128x8xf32, #tpu.memory_space<hbm>>, %arg5: memref<10112x128xf32, #tpu.memory_space<hbm>>, %arg6: memref<10112x128xf32, #tpu.memory_space<hbm>>, %arg7: memref<10112x8xf32, #tpu.memory_space<vmem_shared>>, %arg8: memref<80x128xi32, #tpu.memory_space<vmem>>, %arg9: memref<128x8xf32, #tpu.memory_space<vmem>>, %arg10: memref<!tpu.dma_semaphore, #tpu.memory_space<semaphore_mem>>) attributes {dimension_semantics = [#tpu.dimension_semantics<core_parallel>, #tpu.dimension_semantics<subcore_parallel>], iteration_bounds = array<i64: 2, 16>, scalar_prefetch = 0 : i64, scratch_operands = 4 : i64, tpu.core_type = #tpu.core_type<sc_vector_subcore>, window_params = [{transform_indices = #map}, {transform_indices = #map}, {transform_indices = #map}, {transform_indices = #map}, {transform_indices = #map}]} {
    %mul3A = arith.constant 632 : i32
    %mul3A_0 = arith.muli %arg1, %mul3A : i32
    "tpu.region"() ({
      %run_scoped3A = tpu.sem_alloc : memref<!tpu.dma_semaphore, #tpu.memory_space<semaphore_mem>>
      %dma_start3A = arith.constant 0 : i32
      %dma_start3A_18 = tpu.memref_slice %arg7[%mul3A_0, %dma_start3A] : memref<10112x8xf32, #tpu.memory_space<vmem_shared>> -> memref<632x8xf32, #tpu.memory_space<vmem_shared>>
      tpu.enqueue_dma source(%arg3 : memref<632x8xf32, #tpu.memory_space<hbm>>) target(%dma_start3A_18 : memref<632x8xf32, #tpu.memory_space<vmem_shared>>) target_semaphore(%run_scoped3A : memref<!tpu.dma_semaphore, #tpu.memory_space<semaphore_mem>>)
      %dma_wait3A = arith.constant 0 : i32
      %dma_wait3A_19 = tpu.memref_slice %arg7[%mul3A_0, %dma_wait3A] : memref<10112x8xf32, #tpu.memory_space<vmem_shared>> -> memref<632x8xf32, #tpu.memory_space<vmem_shared>>
      tpu.wait_dma2 semaphore(%run_scoped3A : memref<!tpu.dma_semaphore, #tpu.memory_space<semaphore_mem>>) src(%arg3 : memref<632x8xf32, #tpu.memory_space<hbm>>) dst(%dma_wait3A_19 : memref<632x8xf32, #tpu.memory_space<vmem_shared>>)
      tpu.yield
    }) : () -> ()
    "tpu.region"() ({
      %run_scoped3A = tpu.sem_alloc : memref<!tpu.dma_semaphore, #tpu.memory_space<semaphore_mem>>
      tpu.enqueue_dma source(%arg4 : memref<128x8xf32, #tpu.memory_space<hbm>>) target(%arg9 : memref<128x8xf32, #tpu.memory_space<vmem>>) target_semaphore(%run_scoped3A : memref<!tpu.dma_semaphore, #tpu.memory_space<semaphore_mem>>)
      tpu.wait_dma2 semaphore(%run_scoped3A : memref<!tpu.dma_semaphore, #tpu.memory_space<semaphore_mem>>) src(%arg4 : memref<128x8xf32, #tpu.memory_space<hbm>>) dst(%arg9 : memref<128x8xf32, #tpu.memory_space<vmem>>)
      tpu.yield
    }) : () -> ()
    %mul3A_1 = arith.constant 16 : i32
    %mul3A_2 = arith.muli %arg0, %mul3A_1 : i32
    %add3A = arith.addi %mul3A_2, %arg1 : i32
    %mul3A_3 = arith.constant 80 : i32
    %mul3A_4 = arith.muli %add3A, %mul3A_3 : i32
    "tpu.region"() ({
      %run_scoped3A = tpu.sem_alloc : memref<!tpu.dma_semaphore, #tpu.memory_space<semaphore_mem>>
      %dma_start3A = arith.constant 0 : i32
      %dma_start3A_18 = tpu.memref_slice %arg2[%mul3A_4, %dma_start3A] : memref<2560x128xi32, #tpu.memory_space<hbm>> -> memref<80x128xi32, #tpu.memory_space<hbm>>
      %dma_start3A_19 = arith.constant 0 : i32
      %dma_start3A_20 = tpu.memref_slice %arg2[%mul3A_4, %dma_start3A_19] : memref<2560x128xi32, #tpu.memory_space<hbm>> -> memref<80x128xi32, #tpu.memory_space<hbm>>
      tpu.enqueue_dma source(%dma_start3A_20 : memref<80x128xi32, #tpu.memory_space<hbm>>) target(%arg8 : memref<80x128xi32, #tpu.memory_space<vmem>>) target_semaphore(%run_scoped3A : memref<!tpu.dma_semaphore, #tpu.memory_space<semaphore_mem>>)
      %dma_wait3A = arith.constant 0 : i32
      %dma_wait3A_21 = tpu.memref_slice %arg2[%mul3A_4, %dma_wait3A] : memref<2560x128xi32, #tpu.memory_space<hbm>> -> memref<80x128xi32, #tpu.memory_space<hbm>>
      %dma_wait3A_22 = arith.constant 0 : i32
      %dma_wait3A_23 = tpu.memref_slice %arg2[%mul3A_4, %dma_wait3A_22] : memref<2560x128xi32, #tpu.memory_space<hbm>> -> memref<80x128xi32, #tpu.memory_space<hbm>>
      tpu.wait_dma2 semaphore(%run_scoped3A : memref<!tpu.dma_semaphore, #tpu.memory_space<semaphore_mem>>) src(%dma_wait3A_23 : memref<80x128xi32, #tpu.memory_space<hbm>>) dst(%arg8 : memref<80x128xi32, #tpu.memory_space<vmem>>)
      tpu.yield
    }) : () -> ()
    %barrier3A = arith.constant 0 : index
    tpu.barrier barrier_id(%barrier3A)
    %scan3A = arith.constant 0 : i32
    %scan3A_5 = arith.constant 0 : i32
    %scan3A_6 = arith.constant 10 : i32
    %scan3A_7 = arith.addi %scan3A_5, %scan3A_6 : i32
    %scan3A_8 = arith.constant 1 : i32
    scf.for %scan3A_18 = %scan3A_5 to %scan3A_7 step %scan3A_8  : i32 {
      %mul3A_19 = arith.constant 8 : i32
      %mul3A_20 = arith.muli %scan3A_18, %mul3A_19 : i32
      %add3A_21 = arith.constant 0 : i32
      %add3A_22 = arith.addi %mul3A_20, %add3A_21 : i32
      %dma_start3A = arith.constant 0 : i32
      %dma_start3A_23 = tpu.memref_slice %arg8[%add3A_22, %dma_start3A] : memref<80x128xi32, #tpu.memory_space<vmem>> -> memref<1x128xi32, #tpu.memory_space<vmem>>
      %dma_start3A_24 = tpu.memref_squeeze %dma_start3A_23 : memref<1x128xi32, #tpu.memory_space<vmem>> -> memref<128xi32, #tpu.memory_space<vmem>>
      %dma_start3A_25 = arith.constant 0 : i32
      %dma_start3A_26 = arith.constant 0 : i32
      %dma_start3A_27 = tpu.memref_slice %arg7[%dma_start3A_25, %dma_start3A_26] : memref<10112x8xf32, #tpu.memory_space<vmem_shared>> -> memref<10112x8xf32, #tpu.memory_space<vmem_shared>>
      tpu.enqueue_indirect_dma source(%arg9 : memref<128x8xf32, #tpu.memory_space<vmem>>) target(%dma_start3A_27 : memref<10112x8xf32, #tpu.memory_space<vmem_shared>>) offsets(%dma_start3A_24 : memref<128xi32, #tpu.memory_space<vmem>>) semaphore(%arg10 : memref<!tpu.dma_semaphore, #tpu.memory_space<semaphore_mem>>) {add = true}
      %mul3A_28 = arith.constant 8 : i32
      %mul3A_29 = arith.muli %scan3A_18, %mul3A_28 : i32
      %add3A_30 = arith.constant 1 : i32
      %add3A_31 = arith.addi %mul3A_29, %add3A_30 : i32
      %dma_start3A_32 = arith.constant 0 : i32
      %dma_start3A_33 = tpu.memref_slice %arg8[%add3A_31, %dma_start3A_32] : memref<80x128xi32, #tpu.memory_space<vmem>> -> memref<1x128xi32, #tpu.memory_space<vmem>>
      %dma_start3A_34 = tpu.memref_squeeze %dma_start3A_33 : memref<1x128xi32, #tpu.memory_space<vmem>> -> memref<128xi32, #tpu.memory_space<vmem>>
      %dma_start3A_35 = arith.constant 0 : i32
      %dma_start3A_36 = arith.constant 0 : i32
      %dma_start3A_37 = tpu.memref_slice %arg7[%dma_start3A_35, %dma_start3A_36] : memref<10112x8xf32, #tpu.memory_space<vmem_shared>> -> memref<10112x8xf32, #tpu.memory_space<vmem_shared>>
      tpu.enqueue_indirect_dma source(%arg9 : memref<128x8xf32, #tpu.memory_space<vmem>>) target(%dma_start3A_37 : memref<10112x8xf32, #tpu.memory_space<vmem_shared>>) offsets(%dma_start3A_34 : memref<128xi32, #tpu.memory_space<vmem>>) semaphore(%arg10 : memref<!tpu.dma_semaphore, #tpu.memory_space<semaphore_mem>>) {add = true}
      %mul3A_38 = arith.constant 8 : i32
      %mul3A_39 = arith.muli %scan3A_18, %mul3A_38 : i32
      %add3A_40 = arith.constant 2 : i32
      %add3A_41 = arith.addi %mul3A_39, %add3A_40 : i32
      %dma_start3A_42 = arith.constant 0 : i32
      %dma_start3A_43 = tpu.memref_slice %arg8[%add3A_41, %dma_start3A_42] : memref<80x128xi32, #tpu.memory_space<vmem>> -> memref<1x128xi32, #tpu.memory_space<vmem>>
      %dma_start3A_44 = tpu.memref_squeeze %dma_start3A_43 : memref<1x128xi32, #tpu.memory_space<vmem>> -> memref<128xi32, #tpu.memory_space<vmem>>
      %dma_start3A_45 = arith.constant 0 : i32
      %dma_start3A_46 = arith.constant 0 : i32
      %dma_start3A_47 = tpu.memref_slice %arg7[%dma_start3A_45, %dma_start3A_46] : memref<10112x8xf32, #tpu.memory_space<vmem_shared>> -> memref<10112x8xf32, #tpu.memory_space<vmem_shared>>
      tpu.enqueue_indirect_dma source(%arg9 : memref<128x8xf32, #tpu.memory_space<vmem>>) target(%dma_start3A_47 : memref<10112x8xf32, #tpu.memory_space<vmem_shared>>) offsets(%dma_start3A_44 : memref<128xi32, #tpu.memory_space<vmem>>) semaphore(%arg10 : memref<!tpu.dma_semaphore, #tpu.memory_space<semaphore_mem>>) {add = true}
      %mul3A_48 = arith.constant 8 : i32
      %mul3A_49 = arith.muli %scan3A_18, %mul3A_48 : i32
      %add3A_50 = arith.constant 3 : i32
      %add3A_51 = arith.addi %mul3A_49, %add3A_50 : i32
      %dma_start3A_52 = arith.constant 0 : i32
      %dma_start3A_53 = tpu.memref_slice %arg8[%add3A_51, %dma_start3A_52] : memref<80x128xi32, #tpu.memory_space<vmem>> -> memref<1x128xi32, #tpu.memory_space<vmem>>
      %dma_start3A_54 = tpu.memref_squeeze %dma_start3A_53 : memref<1x128xi32, #tpu.memory_space<vmem>> -> memref<128xi32, #tpu.memory_space<vmem>>
      %dma_start3A_55 = arith.constant 0 : i32
      %dma_start3A_56 = arith.constant 0 : i32
      %dma_start3A_57 = tpu.memref_slice %arg7[%dma_start3A_55, %dma_start3A_56] : memref<10112x8xf32, #tpu.memory_space<vmem_shared>> -> memref<10112x8xf32, #tpu.memory_space<vmem_shared>>
      tpu.enqueue_indirect_dma source(%arg9 : memref<128x8xf32, #tpu.memory_space<vmem>>) target(%dma_start3A_57 : memref<10112x8xf32, #tpu.memory_space<vmem_shared>>) offsets(%dma_start3A_54 : memref<128xi32, #tpu.memory_space<vmem>>) semaphore(%arg10 : memref<!tpu.dma_semaphore, #tpu.memory_space<semaphore_mem>>) {add = true}
      %mul3A_58 = arith.constant 8 : i32
      %mul3A_59 = arith.muli %scan3A_18, %mul3A_58 : i32
      %add3A_60 = arith.constant 4 : i32
      %add3A_61 = arith.addi %mul3A_59, %add3A_60 : i32
      %dma_start3A_62 = arith.constant 0 : i32
      %dma_start3A_63 = tpu.memref_slice %arg8[%add3A_61, %dma_start3A_62] : memref<80x128xi32, #tpu.memory_space<vmem>> -> memref<1x128xi32, #tpu.memory_space<vmem>>
      %dma_start3A_64 = tpu.memref_squeeze %dma_start3A_63 : memref<1x128xi32, #tpu.memory_space<vmem>> -> memref<128xi32, #tpu.memory_space<vmem>>
      %dma_start3A_65 = arith.constant 0 : i32
      %dma_start3A_66 = arith.constant 0 : i32
      %dma_start3A_67 = tpu.memref_slice %arg7[%dma_start3A_65, %dma_start3A_66] : memref<10112x8xf32, #tpu.memory_space<vmem_shared>> -> memref<10112x8xf32, #tpu.memory_space<vmem_shared>>
      tpu.enqueue_indirect_dma source(%arg9 : memref<128x8xf32, #tpu.memory_space<vmem>>) target(%dma_start3A_67 : memref<10112x8xf32, #tpu.memory_space<vmem_shared>>) offsets(%dma_start3A_64 : memref<128xi32, #tpu.memory_space<vmem>>) semaphore(%arg10 : memref<!tpu.dma_semaphore, #tpu.memory_space<semaphore_mem>>) {add = true}
      %mul3A_68 = arith.constant 8 : i32
      %mul3A_69 = arith.muli %scan3A_18, %mul3A_68 : i32
      %add3A_70 = arith.constant 5 : i32
      %add3A_71 = arith.addi %mul3A_69, %add3A_70 : i32
      %dma_start3A_72 = arith.constant 0 : i32
      %dma_start3A_73 = tpu.memref_slice %arg8[%add3A_71, %dma_start3A_72] : memref<80x128xi32, #tpu.memory_space<vmem>> -> memref<1x128xi32, #tpu.memory_space<vmem>>
      %dma_start3A_74 = tpu.memref_squeeze %dma_start3A_73 : memref<1x128xi32, #tpu.memory_space<vmem>> -> memref<128xi32, #tpu.memory_space<vmem>>
      %dma_start3A_75 = arith.constant 0 : i32
      %dma_start3A_76 = arith.constant 0 : i32
      %dma_start3A_77 = tpu.memref_slice %arg7[%dma_start3A_75, %dma_start3A_76] : memref<10112x8xf32, #tpu.memory_space<vmem_shared>> -> memref<10112x8xf32, #tpu.memory_space<vmem_shared>>
      tpu.enqueue_indirect_dma source(%arg9 : memref<128x8xf32, #tpu.memory_space<vmem>>) target(%dma_start3A_77 : memref<10112x8xf32, #tpu.memory_space<vmem_shared>>) offsets(%dma_start3A_74 : memref<128xi32, #tpu.memory_space<vmem>>) semaphore(%arg10 : memref<!tpu.dma_semaphore, #tpu.memory_space<semaphore_mem>>) {add = true}
      %mul3A_78 = arith.constant 8 : i32
      %mul3A_79 = arith.muli %scan3A_18, %mul3A_78 : i32
      %add3A_80 = arith.constant 6 : i32
      %add3A_81 = arith.addi %mul3A_79, %add3A_80 : i32
      %dma_start3A_82 = arith.constant 0 : i32
      %dma_start3A_83 = tpu.memref_slice %arg8[%add3A_81, %dma_start3A_82] : memref<80x128xi32, #tpu.memory_space<vmem>> -> memref<1x128xi32, #tpu.memory_space<vmem>>
      %dma_start3A_84 = tpu.memref_squeeze %dma_start3A_83 : memref<1x128xi32, #tpu.memory_space<vmem>> -> memref<128xi32, #tpu.memory_space<vmem>>
      %dma_start3A_85 = arith.constant 0 : i32
      %dma_start3A_86 = arith.constant 0 : i32
      %dma_start3A_87 = tpu.memref_slice %arg7[%dma_start3A_85, %dma_start3A_86] : memref<10112x8xf32, #tpu.memory_space<vmem_shared>> -> memref<10112x8xf32, #tpu.memory_space<vmem_shared>>
      tpu.enqueue_indirect_dma source(%arg9 : memref<128x8xf32, #tpu.memory_space<vmem>>) target(%dma_start3A_87 : memref<10112x8xf32, #tpu.memory_space<vmem_shared>>) offsets(%dma_start3A_84 : memref<128xi32, #tpu.memory_space<vmem>>) semaphore(%arg10 : memref<!tpu.dma_semaphore, #tpu.memory_space<semaphore_mem>>) {add = true}
      %mul3A_88 = arith.constant 8 : i32
      %mul3A_89 = arith.muli %scan3A_18, %mul3A_88 : i32
      %add3A_90 = arith.constant 7 : i32
      %add3A_91 = arith.addi %mul3A_89, %add3A_90 : i32
      %dma_start3A_92 = arith.constant 0 : i32
      %dma_start3A_93 = tpu.memref_slice %arg8[%add3A_91, %dma_start3A_92] : memref<80x128xi32, #tpu.memory_space<vmem>> -> memref<1x128xi32, #tpu.memory_space<vmem>>
      %dma_start3A_94 = tpu.memref_squeeze %dma_start3A_93 : memref<1x128xi32, #tpu.memory_space<vmem>> -> memref<128xi32, #tpu.memory_space<vmem>>
      %dma_start3A_95 = arith.constant 0 : i32
      %dma_start3A_96 = arith.constant 0 : i32
      %dma_start3A_97 = tpu.memref_slice %arg7[%dma_start3A_95, %dma_start3A_96] : memref<10112x8xf32, #tpu.memory_space<vmem_shared>> -> memref<10112x8xf32, #tpu.memory_space<vmem_shared>>
      tpu.enqueue_indirect_dma source(%arg9 : memref<128x8xf32, #tpu.memory_space<vmem>>) target(%dma_start3A_97 : memref<10112x8xf32, #tpu.memory_space<vmem_shared>>) offsets(%dma_start3A_94 : memref<128xi32, #tpu.memory_space<vmem>>) semaphore(%arg10 : memref<!tpu.dma_semaphore, #tpu.memory_space<semaphore_mem>>) {add = true}
      %mul3A_98 = arith.constant 8 : i32
      %mul3A_99 = arith.muli %scan3A_18, %mul3A_98 : i32
      %add3A_100 = arith.constant 0 : i32
      %add3A_101 = arith.addi %mul3A_99, %add3A_100 : i32
      %dma_wait3A = arith.constant 0 : i32
      %dma_wait3A_102 = tpu.memref_slice %arg8[%add3A_101, %dma_wait3A] : memref<80x128xi32, #tpu.memory_space<vmem>> -> memref<1x128xi32, #tpu.memory_space<vmem>>
      %dma_wait3A_103 = tpu.memref_squeeze %dma_wait3A_102 : memref<1x128xi32, #tpu.memory_space<vmem>> -> memref<128xi32, #tpu.memory_space<vmem>>
      %dma_wait3A_104 = arith.constant 0 : i32
      %dma_wait3A_105 = arith.constant 0 : i32
      %dma_wait3A_106 = tpu.memref_slice %arg7[%dma_wait3A_104, %dma_wait3A_105] : memref<10112x8xf32, #tpu.memory_space<vmem_shared>> -> memref<10112x8xf32, #tpu.memory_space<vmem_shared>>
      tpu.wait_indirect_dma semaphore(%arg10 : memref<!tpu.dma_semaphore, #tpu.memory_space<semaphore_mem>>) src(%arg9 : memref<128x8xf32, #tpu.memory_space<vmem>>) dst(%dma_wait3A_106 : memref<10112x8xf32, #tpu.memory_space<vmem_shared>>)
      %mul3A_107 = arith.constant 8 : i32
      %mul3A_108 = arith.muli %scan3A_18, %mul3A_107 : i32
      %add3A_109 = arith.constant 1 : i32
      %add3A_110 = arith.addi %mul3A_108, %add3A_109 : i32
      %dma_wait3A_111 = arith.constant 0 : i32
      %dma_wait3A_112 = tpu.memref_slice %arg8[%add3A_110, %dma_wait3A_111] : memref<80x128xi32, #tpu.memory_space<vmem>> -> memref<1x128xi32, #tpu.memory_space<vmem>>
      %dma_wait3A_113 = tpu.memref_squeeze %dma_wait3A_112 : memref<1x128xi32, #tpu.memory_space<vmem>> -> memref<128xi32, #tpu.memory_space<vmem>>
      %dma_wait3A_114 = arith.constant 0 : i32
      %dma_wait3A_115 = arith.constant 0 : i32
      %dma_wait3A_116 = tpu.memref_slice %arg7[%dma_wait3A_114, %dma_wait3A_115] : memref<10112x8xf32, #tpu.memory_space<vmem_shared>> -> memref<10112x8xf32, #tpu.memory_space<vmem_shared>>
      tpu.wait_indirect_dma semaphore(%arg10 : memref<!tpu.dma_semaphore, #tpu.memory_space<semaphore_mem>>) src(%arg9 : memref<128x8xf32, #tpu.memory_space<vmem>>) dst(%dma_wait3A_116 : memref<10112x8xf32, #tpu.memory_space<vmem_shared>>)
      %mul3A_117 = arith.constant 8 : i32
      %mul3A_118 = arith.muli %scan3A_18, %mul3A_117 : i32
      %add3A_119 = arith.constant 2 : i32
      %add3A_120 = arith.addi %mul3A_118, %add3A_119 : i32
      %dma_wait3A_121 = arith.constant 0 : i32
      %dma_wait3A_122 = tpu.memref_slice %arg8[%add3A_120, %dma_wait3A_121] : memref<80x128xi32, #tpu.memory_space<vmem>> -> memref<1x128xi32, #tpu.memory_space<vmem>>
      %dma_wait3A_123 = tpu.memref_squeeze %dma_wait3A_122 : memref<1x128xi32, #tpu.memory_space<vmem>> -> memref<128xi32, #tpu.memory_space<vmem>>
      %dma_wait3A_124 = arith.constant 0 : i32
      %dma_wait3A_125 = arith.constant 0 : i32
      %dma_wait3A_126 = tpu.memref_slice %arg7[%dma_wait3A_124, %dma_wait3A_125] : memref<10112x8xf32, #tpu.memory_space<vmem_shared>> -> memref<10112x8xf32, #tpu.memory_space<vmem_shared>>
      tpu.wait_indirect_dma semaphore(%arg10 : memref<!tpu.dma_semaphore, #tpu.memory_space<semaphore_mem>>) src(%arg9 : memref<128x8xf32, #tpu.memory_space<vmem>>) dst(%dma_wait3A_126 : memref<10112x8xf32, #tpu.memory_space<vmem_shared>>)
      %mul3A_127 = arith.constant 8 : i32
      %mul3A_128 = arith.muli %scan3A_18, %mul3A_127 : i32
      %add3A_129 = arith.constant 3 : i32
      %add3A_130 = arith.addi %mul3A_128, %add3A_129 : i32
      %dma_wait3A_131 = arith.constant 0 : i32
      %dma_wait3A_132 = tpu.memref_slice %arg8[%add3A_130, %dma_wait3A_131] : memref<80x128xi32, #tpu.memory_space<vmem>> -> memref<1x128xi32, #tpu.memory_space<vmem>>
      %dma_wait3A_133 = tpu.memref_squeeze %dma_wait3A_132 : memref<1x128xi32, #tpu.memory_space<vmem>> -> memref<128xi32, #tpu.memory_space<vmem>>
      %dma_wait3A_134 = arith.constant 0 : i32
      %dma_wait3A_135 = arith.constant 0 : i32
      %dma_wait3A_136 = tpu.memref_slice %arg7[%dma_wait3A_134, %dma_wait3A_135] : memref<10112x8xf32, #tpu.memory_space<vmem_shared>> -> memref<10112x8xf32, #tpu.memory_space<vmem_shared>>
      tpu.wait_indirect_dma semaphore(%arg10 : memref<!tpu.dma_semaphore, #tpu.memory_space<semaphore_mem>>) src(%arg9 : memref<128x8xf32, #tpu.memory_space<vmem>>) dst(%dma_wait3A_136 : memref<10112x8xf32, #tpu.memory_space<vmem_shared>>)
      %mul3A_137 = arith.constant 8 : i32
      %mul3A_138 = arith.muli %scan3A_18, %mul3A_137 : i32
      %add3A_139 = arith.constant 4 : i32
      %add3A_140 = arith.addi %mul3A_138, %add3A_139 : i32
      %dma_wait3A_141 = arith.constant 0 : i32
      %dma_wait3A_142 = tpu.memref_slice %arg8[%add3A_140, %dma_wait3A_141] : memref<80x128xi32, #tpu.memory_space<vmem>> -> memref<1x128xi32, #tpu.memory_space<vmem>>
      %dma_wait3A_143 = tpu.memref_squeeze %dma_wait3A_142 : memref<1x128xi32, #tpu.memory_space<vmem>> -> memref<128xi32, #tpu.memory_space<vmem>>
      %dma_wait3A_144 = arith.constant 0 : i32
      %dma_wait3A_145 = arith.constant 0 : i32
      %dma_wait3A_146 = tpu.memref_slice %arg7[%dma_wait3A_144, %dma_wait3A_145] : memref<10112x8xf32, #tpu.memory_space<vmem_shared>> -> memref<10112x8xf32, #tpu.memory_space<vmem_shared>>
      tpu.wait_indirect_dma semaphore(%arg10 : memref<!tpu.dma_semaphore, #tpu.memory_space<semaphore_mem>>) src(%arg9 : memref<128x8xf32, #tpu.memory_space<vmem>>) dst(%dma_wait3A_146 : memref<10112x8xf32, #tpu.memory_space<vmem_shared>>)
      %mul3A_147 = arith.constant 8 : i32
      %mul3A_148 = arith.muli %scan3A_18, %mul3A_147 : i32
      %add3A_149 = arith.constant 5 : i32
      %add3A_150 = arith.addi %mul3A_148, %add3A_149 : i32
      %dma_wait3A_151 = arith.constant 0 : i32
      %dma_wait3A_152 = tpu.memref_slice %arg8[%add3A_150, %dma_wait3A_151] : memref<80x128xi32, #tpu.memory_space<vmem>> -> memref<1x128xi32, #tpu.memory_space<vmem>>
      %dma_wait3A_153 = tpu.memref_squeeze %dma_wait3A_152 : memref<1x128xi32, #tpu.memory_space<vmem>> -> memref<128xi32, #tpu.memory_space<vmem>>
      %dma_wait3A_154 = arith.constant 0 : i32
      %dma_wait3A_155 = arith.constant 0 : i32
      %dma_wait3A_156 = tpu.memref_slice %arg7[%dma_wait3A_154, %dma_wait3A_155] : memref<10112x8xf32, #tpu.memory_space<vmem_shared>> -> memref<10112x8xf32, #tpu.memory_space<vmem_shared>>
      tpu.wait_indirect_dma semaphore(%arg10 : memref<!tpu.dma_semaphore, #tpu.memory_space<semaphore_mem>>) src(%arg9 : memref<128x8xf32, #tpu.memory_space<vmem>>) dst(%dma_wait3A_156 : memref<10112x8xf32, #tpu.memory_space<vmem_shared>>)
      %mul3A_157 = arith.constant 8 : i32
      %mul3A_158 = arith.muli %scan3A_18, %mul3A_157 : i32
      %add3A_159 = arith.constant 6 : i32
      %add3A_160 = arith.addi %mul3A_158, %add3A_159 : i32
      %dma_wait3A_161 = arith.constant 0 : i32
      %dma_wait3A_162 = tpu.memref_slice %arg8[%add3A_160, %dma_wait3A_161] : memref<80x128xi32, #tpu.memory_space<vmem>> -> memref<1x128xi32, #tpu.memory_space<vmem>>
      %dma_wait3A_163 = tpu.memref_squeeze %dma_wait3A_162 : memref<1x128xi32, #tpu.memory_space<vmem>> -> memref<128xi32, #tpu.memory_space<vmem>>
      %dma_wait3A_164 = arith.constant 0 : i32
      %dma_wait3A_165 = arith.constant 0 : i32
      %dma_wait3A_166 = tpu.memref_slice %arg7[%dma_wait3A_164, %dma_wait3A_165] : memref<10112x8xf32, #tpu.memory_space<vmem_shared>> -> memref<10112x8xf32, #tpu.memory_space<vmem_shared>>
      tpu.wait_indirect_dma semaphore(%arg10 : memref<!tpu.dma_semaphore, #tpu.memory_space<semaphore_mem>>) src(%arg9 : memref<128x8xf32, #tpu.memory_space<vmem>>) dst(%dma_wait3A_166 : memref<10112x8xf32, #tpu.memory_space<vmem_shared>>)
      %mul3A_167 = arith.constant 8 : i32
      %mul3A_168 = arith.muli %scan3A_18, %mul3A_167 : i32
      %add3A_169 = arith.constant 7 : i32
      %add3A_170 = arith.addi %mul3A_168, %add3A_169 : i32
      %dma_wait3A_171 = arith.constant 0 : i32
      %dma_wait3A_172 = tpu.memref_slice %arg8[%add3A_170, %dma_wait3A_171] : memref<80x128xi32, #tpu.memory_space<vmem>> -> memref<1x128xi32, #tpu.memory_space<vmem>>
      %dma_wait3A_173 = tpu.memref_squeeze %dma_wait3A_172 : memref<1x128xi32, #tpu.memory_space<vmem>> -> memref<128xi32, #tpu.memory_space<vmem>>
      %dma_wait3A_174 = arith.constant 0 : i32
      %dma_wait3A_175 = arith.constant 0 : i32
      %dma_wait3A_176 = tpu.memref_slice %arg7[%dma_wait3A_174, %dma_wait3A_175] : memref<10112x8xf32, #tpu.memory_space<vmem_shared>> -> memref<10112x8xf32, #tpu.memory_space<vmem_shared>>
      tpu.wait_indirect_dma semaphore(%arg10 : memref<!tpu.dma_semaphore, #tpu.memory_space<semaphore_mem>>) src(%arg9 : memref<128x8xf32, #tpu.memory_space<vmem>>) dst(%dma_wait3A_176 : memref<10112x8xf32, #tpu.memory_space<vmem_shared>>)
    }
    %scan3A_9 = arith.constant 10 : i32
    %barrier3A_10 = arith.constant 0 : index
    tpu.barrier barrier_id(%barrier3A_10)
    %eq3A = arith.constant 0 : i32
    %eq3A_11 = arith.cmpi eq, %arg0, %eq3A : i32
    %convert_element_type3A = arith.extui %eq3A_11 : i1 to i32
    %cond3A = arith.constant 0 : i32
    %cond3A_12 = arith.cmpi ne, %convert_element_type3A, %cond3A : i32
    scf.if %cond3A_12 {
      "tpu.region"() ({
        %run_scoped3A = tpu.sem_alloc : memref<!tpu.dma_semaphore, #tpu.memory_space<semaphore_mem>>
        %dma_start3A = arith.constant 0 : i32
        %dma_start3A_18 = tpu.memref_slice %arg5[%mul3A_0, %dma_start3A] : memref<10112x128xf32, #tpu.memory_space<hbm>> -> memref<632x8xf32, #tpu.memory_space<hbm>>
        %dma_start3A_19 = arith.constant 0 : i32
        %dma_start3A_20 = tpu.memref_slice %arg7[%mul3A_0, %dma_start3A_19] : memref<10112x8xf32, #tpu.memory_space<vmem_shared>> -> memref<632x8xf32, #tpu.memory_space<vmem_shared>>
        tpu.enqueue_dma source(%dma_start3A_20 : memref<632x8xf32, #tpu.memory_space<vmem_shared>>) target(%dma_start3A_18 : memref<632x8xf32, #tpu.memory_space<hbm>>) target_semaphore(%run_scoped3A : memref<!tpu.dma_semaphore, #tpu.memory_space<semaphore_mem>>)
        %dma_wait3A = arith.constant 0 : i32
        %dma_wait3A_21 = tpu.memref_slice %arg5[%mul3A_0, %dma_wait3A] : memref<10112x128xf32, #tpu.memory_space<hbm>> -> memref<632x8xf32, #tpu.memory_space<hbm>>
        %dma_wait3A_22 = arith.constant 0 : i32
        %dma_wait3A_23 = tpu.memref_slice %arg7[%mul3A_0, %dma_wait3A_22] : memref<10112x8xf32, #tpu.memory_space<vmem_shared>> -> memref<632x8xf32, #tpu.memory_space<vmem_shared>>
        tpu.wait_dma2 semaphore(%run_scoped3A : memref<!tpu.dma_semaphore, #tpu.memory_space<semaphore_mem>>) src(%dma_wait3A_23 : memref<632x8xf32, #tpu.memory_space<vmem_shared>>) dst(%dma_wait3A_21 : memref<632x8xf32, #tpu.memory_space<hbm>>)
        tpu.yield
      }) : () -> ()
    } else {
    }
    %eq3A_13 = arith.constant 1 : i32
    %eq3A_14 = arith.cmpi eq, %arg0, %eq3A_13 : i32
    %convert_element_type3A_15 = arith.extui %eq3A_14 : i1 to i32
    %cond3A_16 = arith.constant 0 : i32
    %cond3A_17 = arith.cmpi ne, %convert_element_type3A_15, %cond3A_16 : i32
    scf.if %cond3A_17 {
      "tpu.region"() ({
        %run_scoped3A = tpu.sem_alloc : memref<!tpu.dma_semaphore, #tpu.memory_space<semaphore_mem>>
        %dma_start3A = arith.constant 0 : i32
        %dma_start3A_18 = tpu.memref_slice %arg6[%mul3A_0, %dma_start3A] : memref<10112x128xf32, #tpu.memory_space<hbm>> -> memref<632x8xf32, #tpu.memory_space<hbm>>
        %dma_start3A_19 = arith.constant 0 : i32
        %dma_start3A_20 = tpu.memref_slice %arg7[%mul3A_0, %dma_start3A_19] : memref<10112x8xf32, #tpu.memory_space<vmem_shared>> -> memref<632x8xf32, #tpu.memory_space<vmem_shared>>
        tpu.enqueue_dma source(%dma_start3A_20 : memref<632x8xf32, #tpu.memory_space<vmem_shared>>) target(%dma_start3A_18 : memref<632x8xf32, #tpu.memory_space<hbm>>) target_semaphore(%run_scoped3A : memref<!tpu.dma_semaphore, #tpu.memory_space<semaphore_mem>>)
        %dma_wait3A = arith.constant 0 : i32
        %dma_wait3A_21 = tpu.memref_slice %arg6[%mul3A_0, %dma_wait3A] : memref<10112x128xf32, #tpu.memory_space<hbm>> -> memref<632x8xf32, #tpu.memory_space<hbm>>
        %dma_wait3A_22 = arith.constant 0 : i32
        %dma_wait3A_23 = tpu.memref_slice %arg7[%mul3A_0, %dma_wait3A_22] : memref<10112x8xf32, #tpu.memory_space<vmem_shared>> -> memref<632x8xf32, #tpu.memory_space<vmem_shared>>
        tpu.wait_dma2 semaphore(%run_scoped3A : memref<!tpu.dma_semaphore, #tpu.memory_space<semaphore_mem>>) src(%dma_wait3A_23 : memref<632x8xf32, #tpu.memory_space<vmem_shared>>) dst(%dma_wait3A_21 : memref<632x8xf32, #tpu.memory_space<hbm>>)
        tpu.yield
      }) : () -> ()
    } else {
    }
    return
  }
}

#map = affine_map<(d0, d1) -> (0, 0)>
module attributes {stable_mosaic.version = 14 : i64} {
  func.func @_sc_scatter_body(%arg0: i32, %arg1: i32, %arg2: memref<10112x96xf32, #tpu.memory_space<hbm>>, %arg3: memref<10112x96xf32, #tpu.memory_space<hbm>>, %arg4: memref<2560x128xi32, #tpu.memory_space<hbm>>, %arg5: memref<2560x128xi32, #tpu.memory_space<hbm>>, %arg6: memref<10112x128xf32, #tpu.memory_space<hbm>>, %arg7: memref<10112x128xf32, #tpu.memory_space<hbm>>, %arg8: memref<10112x96xf32, #tpu.memory_space<vmem_shared>>, %arg9: memref<40x128xi32, #tpu.memory_space<vmem>>, %arg10: memref<40x128xi32, #tpu.memory_space<vmem>>, %arg11: memref<128x96xf32, #tpu.memory_space<vmem>>, %arg12: memref<128x96xf32, #tpu.memory_space<vmem>>, %arg13: memref<128x96xf32, #tpu.memory_space<vmem>>, %arg14: memref<128x96xf32, #tpu.memory_space<vmem>>, %arg15: memref<!tpu.dma_semaphore, #tpu.memory_space<semaphore_mem>>, %arg16: memref<!tpu.dma_semaphore, #tpu.memory_space<semaphore_mem>>, %arg17: memref<!tpu.dma_semaphore, #tpu.memory_space<semaphore_mem>>, %arg18: memref<!tpu.dma_semaphore, #tpu.memory_space<semaphore_mem>>, %arg19: memref<!tpu.dma_semaphore, #tpu.memory_space<semaphore_mem>>, %arg20: memref<!tpu.dma_semaphore, #tpu.memory_space<semaphore_mem>>, %arg21: memref<!tpu.dma_semaphore, #tpu.memory_space<semaphore_mem>>, %arg22: memref<!tpu.dma_semaphore, #tpu.memory_space<semaphore_mem>>) attributes {dimension_semantics = [#tpu.dimension_semantics<core_parallel>, #tpu.dimension_semantics<subcore_parallel>], iteration_bounds = array<i64: 2, 16>, scalar_prefetch = 0 : i64, scratch_operands = 15 : i64, tpu.core_type = #tpu.core_type<sc_vector_subcore>, window_params = [{transform_indices = #map}, {transform_indices = #map}, {transform_indices = #map}, {transform_indices = #map}, {transform_indices = #map}, {transform_indices = #map}]} {
    %mul3A = arith.constant 632 : i32
    %mul3A_0 = arith.muli %arg1, %mul3A : i32
    %eq3A = arith.constant 0 : i32
    %eq3A_1 = arith.cmpi eq, %arg0, %eq3A : i32
    %convert_element_type3A = arith.extui %eq3A_1 : i1 to i32
    %cond3A = arith.constant 0 : i32
    %cond3A_2 = arith.cmpi ne, %convert_element_type3A, %cond3A : i32
    scf.if %cond3A_2 {
      "tpu.region"() ({
        %run_scoped3A = tpu.sem_alloc : memref<!tpu.dma_semaphore, #tpu.memory_space<semaphore_mem>>
        %dma_start3A_493 = arith.constant 0 : i32
        %dma_start3A_494 = tpu.memref_slice %arg8[%mul3A_0, %dma_start3A_493] : memref<10112x96xf32, #tpu.memory_space<vmem_shared>> -> memref<632x96xf32, #tpu.memory_space<vmem_shared>>
        %dma_start3A_495 = arith.constant 0 : i32
        %dma_start3A_496 = tpu.memref_slice %arg2[%mul3A_0, %dma_start3A_495] : memref<10112x96xf32, #tpu.memory_space<hbm>> -> memref<632x96xf32, #tpu.memory_space<hbm>>
        tpu.enqueue_dma source(%dma_start3A_496 : memref<632x96xf32, #tpu.memory_space<hbm>>) target(%dma_start3A_494 : memref<632x96xf32, #tpu.memory_space<vmem_shared>>) target_semaphore(%run_scoped3A : memref<!tpu.dma_semaphore, #tpu.memory_space<semaphore_mem>>)
        %dma_wait3A_497 = arith.constant 0 : i32
        %dma_wait3A_498 = tpu.memref_slice %arg8[%mul3A_0, %dma_wait3A_497] : memref<10112x96xf32, #tpu.memory_space<vmem_shared>> -> memref<632x96xf32, #tpu.memory_space<vmem_shared>>
        %dma_wait3A_499 = arith.constant 0 : i32
        %dma_wait3A_500 = tpu.memref_slice %arg2[%mul3A_0, %dma_wait3A_499] : memref<10112x96xf32, #tpu.memory_space<hbm>> -> memref<632x96xf32, #tpu.memory_space<hbm>>
        tpu.wait_dma2 semaphore(%run_scoped3A : memref<!tpu.dma_semaphore, #tpu.memory_space<semaphore_mem>>) src(%dma_wait3A_500 : memref<632x96xf32, #tpu.memory_space<hbm>>) dst(%dma_wait3A_498 : memref<632x96xf32, #tpu.memory_space<vmem_shared>>)
        tpu.yield
      }) : () -> ()
      %barrier3A = arith.constant 0 : index
      tpu.barrier barrier_id(%barrier3A)
      %mul3A_8 = arith.constant 160 : i32
      %mul3A_9 = arith.muli %arg1, %mul3A_8 : i32
      %add3A = arith.constant 0 : i32
      %add3A_10 = arith.addi %mul3A_9, %add3A : i32
      "tpu.region"() ({
        %run_scoped3A = tpu.sem_alloc : memref<!tpu.dma_semaphore, #tpu.memory_space<semaphore_mem>>
        %dma_start3A_493 = arith.constant 0 : i32
        %dma_start3A_494 = tpu.memref_slice %arg4[%add3A_10, %dma_start3A_493] : memref<2560x128xi32, #tpu.memory_space<hbm>> -> memref<40x128xi32, #tpu.memory_space<hbm>>
        %dma_start3A_495 = arith.constant 0 : i32
        %dma_start3A_496 = tpu.memref_slice %arg4[%add3A_10, %dma_start3A_495] : memref<2560x128xi32, #tpu.memory_space<hbm>> -> memref<40x128xi32, #tpu.memory_space<hbm>>
        tpu.enqueue_dma source(%dma_start3A_496 : memref<40x128xi32, #tpu.memory_space<hbm>>) target(%arg9 : memref<40x128xi32, #tpu.memory_space<vmem>>) target_semaphore(%run_scoped3A : memref<!tpu.dma_semaphore, #tpu.memory_space<semaphore_mem>>)
        %dma_wait3A_497 = arith.constant 0 : i32
        %dma_wait3A_498 = tpu.memref_slice %arg4[%add3A_10, %dma_wait3A_497] : memref<2560x128xi32, #tpu.memory_space<hbm>> -> memref<40x128xi32, #tpu.memory_space<hbm>>
        %dma_wait3A_499 = arith.constant 0 : i32
        %dma_wait3A_500 = tpu.memref_slice %arg4[%add3A_10, %dma_wait3A_499] : memref<2560x128xi32, #tpu.memory_space<hbm>> -> memref<40x128xi32, #tpu.memory_space<hbm>>
        tpu.wait_dma2 semaphore(%run_scoped3A : memref<!tpu.dma_semaphore, #tpu.memory_space<semaphore_mem>>) src(%dma_wait3A_500 : memref<40x128xi32, #tpu.memory_space<hbm>>) dst(%arg9 : memref<40x128xi32, #tpu.memory_space<vmem>>)
        tpu.yield
      }) : () -> ()
      "tpu.region"() ({
        %run_scoped3A = tpu.sem_alloc : memref<!tpu.dma_semaphore, #tpu.memory_space<semaphore_mem>>
        %dma_start3A_493 = arith.constant 0 : i32
        %dma_start3A_494 = tpu.memref_slice %arg5[%add3A_10, %dma_start3A_493] : memref<2560x128xi32, #tpu.memory_space<hbm>> -> memref<40x128xi32, #tpu.memory_space<hbm>>
        %dma_start3A_495 = arith.constant 0 : i32
        %dma_start3A_496 = tpu.memref_slice %arg5[%add3A_10, %dma_start3A_495] : memref<2560x128xi32, #tpu.memory_space<hbm>> -> memref<40x128xi32, #tpu.memory_space<hbm>>
        tpu.enqueue_dma source(%dma_start3A_496 : memref<40x128xi32, #tpu.memory_space<hbm>>) target(%arg10 : memref<40x128xi32, #tpu.memory_space<vmem>>) target_semaphore(%run_scoped3A : memref<!tpu.dma_semaphore, #tpu.memory_space<semaphore_mem>>)
        %dma_wait3A_497 = arith.constant 0 : i32
        %dma_wait3A_498 = tpu.memref_slice %arg5[%add3A_10, %dma_wait3A_497] : memref<2560x128xi32, #tpu.memory_space<hbm>> -> memref<40x128xi32, #tpu.memory_space<hbm>>
        %dma_wait3A_499 = arith.constant 0 : i32
        %dma_wait3A_500 = tpu.memref_slice %arg5[%add3A_10, %dma_wait3A_499] : memref<2560x128xi32, #tpu.memory_space<hbm>> -> memref<40x128xi32, #tpu.memory_space<hbm>>
        tpu.wait_dma2 semaphore(%run_scoped3A : memref<!tpu.dma_semaphore, #tpu.memory_space<semaphore_mem>>) src(%dma_wait3A_500 : memref<40x128xi32, #tpu.memory_space<hbm>>) dst(%arg10 : memref<40x128xi32, #tpu.memory_space<vmem>>)
        tpu.yield
      }) : () -> ()
      %dma_start3A = arith.constant 0 : i32
      %dma_start3A_11 = arith.constant 0 : i32
      %dma_start3A_12 = tpu.memref_slice %arg9[%dma_start3A, %dma_start3A_11] : memref<40x128xi32, #tpu.memory_space<vmem>> -> memref<1x128xi32, #tpu.memory_space<vmem>>
      %dma_start3A_13 = tpu.memref_squeeze %dma_start3A_12 : memref<1x128xi32, #tpu.memory_space<vmem>> -> memref<128xi32, #tpu.memory_space<vmem>>
      %dma_start3A_14 = arith.constant 0 : i32
      %dma_start3A_15 = arith.constant 0 : i32
      %dma_start3A_16 = tpu.memref_slice %arg2[%dma_start3A_14, %dma_start3A_15] : memref<10112x96xf32, #tpu.memory_space<hbm>> -> memref<10112x96xf32, #tpu.memory_space<hbm>>
      tpu.enqueue_indirect_dma source(%dma_start3A_16 : memref<10112x96xf32, #tpu.memory_space<hbm>>) target(%arg11 : memref<128x96xf32, #tpu.memory_space<vmem>>) offsets(%dma_start3A_13 : memref<128xi32, #tpu.memory_space<vmem>>) semaphore(%arg15 : memref<!tpu.dma_semaphore, #tpu.memory_space<semaphore_mem>>)
      %dma_start3A_17 = arith.constant 1 : i32
      %dma_start3A_18 = arith.constant 0 : i32
      %dma_start3A_19 = tpu.memref_slice %arg9[%dma_start3A_17, %dma_start3A_18] : memref<40x128xi32, #tpu.memory_space<vmem>> -> memref<1x128xi32, #tpu.memory_space<vmem>>
      %dma_start3A_20 = tpu.memref_squeeze %dma_start3A_19 : memref<1x128xi32, #tpu.memory_space<vmem>> -> memref<128xi32, #tpu.memory_space<vmem>>
      %dma_start3A_21 = arith.constant 0 : i32
      %dma_start3A_22 = arith.constant 0 : i32
      %dma_start3A_23 = tpu.memref_slice %arg2[%dma_start3A_21, %dma_start3A_22] : memref<10112x96xf32, #tpu.memory_space<hbm>> -> memref<10112x96xf32, #tpu.memory_space<hbm>>
      tpu.enqueue_indirect_dma source(%dma_start3A_23 : memref<10112x96xf32, #tpu.memory_space<hbm>>) target(%arg12 : memref<128x96xf32, #tpu.memory_space<vmem>>) offsets(%dma_start3A_20 : memref<128xi32, #tpu.memory_space<vmem>>) semaphore(%arg16 : memref<!tpu.dma_semaphore, #tpu.memory_space<semaphore_mem>>)
      %dma_start3A_24 = arith.constant 2 : i32
      %dma_start3A_25 = arith.constant 0 : i32
      %dma_start3A_26 = tpu.memref_slice %arg9[%dma_start3A_24, %dma_start3A_25] : memref<40x128xi32, #tpu.memory_space<vmem>> -> memref<1x128xi32, #tpu.memory_space<vmem>>
      %dma_start3A_27 = tpu.memref_squeeze %dma_start3A_26 : memref<1x128xi32, #tpu.memory_space<vmem>> -> memref<128xi32, #tpu.memory_space<vmem>>
      %dma_start3A_28 = arith.constant 0 : i32
      %dma_start3A_29 = arith.constant 0 : i32
      %dma_start3A_30 = tpu.memref_slice %arg2[%dma_start3A_28, %dma_start3A_29] : memref<10112x96xf32, #tpu.memory_space<hbm>> -> memref<10112x96xf32, #tpu.memory_space<hbm>>
      tpu.enqueue_indirect_dma source(%dma_start3A_30 : memref<10112x96xf32, #tpu.memory_space<hbm>>) target(%arg13 : memref<128x96xf32, #tpu.memory_space<vmem>>) offsets(%dma_start3A_27 : memref<128xi32, #tpu.memory_space<vmem>>) semaphore(%arg17 : memref<!tpu.dma_semaphore, #tpu.memory_space<semaphore_mem>>)
      %dma_start3A_31 = arith.constant 3 : i32
      %dma_start3A_32 = arith.constant 0 : i32
      %dma_start3A_33 = tpu.memref_slice %arg9[%dma_start3A_31, %dma_start3A_32] : memref<40x128xi32, #tpu.memory_space<vmem>> -> memref<1x128xi32, #tpu.memory_space<vmem>>
      %dma_start3A_34 = tpu.memref_squeeze %dma_start3A_33 : memref<1x128xi32, #tpu.memory_space<vmem>> -> memref<128xi32, #tpu.memory_space<vmem>>
      %dma_start3A_35 = arith.constant 0 : i32
      %dma_start3A_36 = arith.constant 0 : i32
      %dma_start3A_37 = tpu.memref_slice %arg2[%dma_start3A_35, %dma_start3A_36] : memref<10112x96xf32, #tpu.memory_space<hbm>> -> memref<10112x96xf32, #tpu.memory_space<hbm>>
      tpu.enqueue_indirect_dma source(%dma_start3A_37 : memref<10112x96xf32, #tpu.memory_space<hbm>>) target(%arg14 : memref<128x96xf32, #tpu.memory_space<vmem>>) offsets(%dma_start3A_34 : memref<128xi32, #tpu.memory_space<vmem>>) semaphore(%arg18 : memref<!tpu.dma_semaphore, #tpu.memory_space<semaphore_mem>>)
      %scan3A = arith.constant 0 : i32
      %scan3A_38 = arith.constant 0 : i32
      %scan3A_39 = arith.constant 9 : i32
      %scan3A_40 = arith.addi %scan3A_38, %scan3A_39 : i32
      %scan3A_41 = arith.constant 1 : i32
      scf.for %scan3A_493 = %scan3A_38 to %scan3A_40 step %scan3A_41  : i32 {
        %mul3A_494 = arith.constant 4 : i32
        %mul3A_495 = arith.muli %scan3A_493, %mul3A_494 : i32
        %add3A_496 = arith.constant 0 : i32
        %add3A_497 = arith.addi %mul3A_495, %add3A_496 : i32
        %dma_wait3A_498 = arith.constant 0 : i32
        %dma_wait3A_499 = tpu.memref_slice %arg9[%add3A_497, %dma_wait3A_498] : memref<40x128xi32, #tpu.memory_space<vmem>> -> memref<1x128xi32, #tpu.memory_space<vmem>>
        %dma_wait3A_500 = tpu.memref_squeeze %dma_wait3A_499 : memref<1x128xi32, #tpu.memory_space<vmem>> -> memref<128xi32, #tpu.memory_space<vmem>>
        %dma_wait3A_501 = arith.constant 0 : i32
        %dma_wait3A_502 = arith.constant 0 : i32
        %dma_wait3A_503 = tpu.memref_slice %arg2[%dma_wait3A_501, %dma_wait3A_502] : memref<10112x96xf32, #tpu.memory_space<hbm>> -> memref<10112x96xf32, #tpu.memory_space<hbm>>
        tpu.wait_indirect_dma semaphore(%arg15 : memref<!tpu.dma_semaphore, #tpu.memory_space<semaphore_mem>>) src(%dma_wait3A_503 : memref<10112x96xf32, #tpu.memory_space<hbm>>) dst(%arg11 : memref<128x96xf32, #tpu.memory_space<vmem>>)
        %dma_start3A_504 = arith.constant 0 : i32
        %dma_start3A_505 = tpu.memref_slice %arg10[%add3A_497, %dma_start3A_504] : memref<40x128xi32, #tpu.memory_space<vmem>> -> memref<1x128xi32, #tpu.memory_space<vmem>>
        %dma_start3A_506 = tpu.memref_squeeze %dma_start3A_505 : memref<1x128xi32, #tpu.memory_space<vmem>> -> memref<128xi32, #tpu.memory_space<vmem>>
        %dma_start3A_507 = arith.constant 0 : i32
        %dma_start3A_508 = arith.constant 0 : i32
        %dma_start3A_509 = tpu.memref_slice %arg8[%dma_start3A_507, %dma_start3A_508] : memref<10112x96xf32, #tpu.memory_space<vmem_shared>> -> memref<10112x96xf32, #tpu.memory_space<vmem_shared>>
        tpu.enqueue_indirect_dma source(%arg11 : memref<128x96xf32, #tpu.memory_space<vmem>>) target(%dma_start3A_509 : memref<10112x96xf32, #tpu.memory_space<vmem_shared>>) offsets(%dma_start3A_506 : memref<128xi32, #tpu.memory_space<vmem>>) semaphore(%arg19 : memref<!tpu.dma_semaphore, #tpu.memory_space<semaphore_mem>>) {add = true}
        %dma_wait3A_510 = arith.constant 0 : i32
        %dma_wait3A_511 = tpu.memref_slice %arg10[%add3A_497, %dma_wait3A_510] : memref<40x128xi32, #tpu.memory_space<vmem>> -> memref<1x128xi32, #tpu.memory_space<vmem>>
        %dma_wait3A_512 = tpu.memref_squeeze %dma_wait3A_511 : memref<1x128xi32, #tpu.memory_space<vmem>> -> memref<128xi32, #tpu.memory_space<vmem>>
        %dma_wait3A_513 = arith.constant 0 : i32
        %dma_wait3A_514 = arith.constant 0 : i32
        %dma_wait3A_515 = tpu.memref_slice %arg8[%dma_wait3A_513, %dma_wait3A_514] : memref<10112x96xf32, #tpu.memory_space<vmem_shared>> -> memref<10112x96xf32, #tpu.memory_space<vmem_shared>>
        tpu.wait_indirect_dma semaphore(%arg19 : memref<!tpu.dma_semaphore, #tpu.memory_space<semaphore_mem>>) src(%arg11 : memref<128x96xf32, #tpu.memory_space<vmem>>) dst(%dma_wait3A_515 : memref<10112x96xf32, #tpu.memory_space<vmem_shared>>)
        %add3A_516 = arith.constant 4 : i32
        %add3A_517 = arith.addi %add3A_497, %add3A_516 : i32
        %dma_start3A_518 = arith.constant 0 : i32
        %dma_start3A_519 = tpu.memref_slice %arg9[%add3A_517, %dma_start3A_518] : memref<40x128xi32, #tpu.memory_space<vmem>> -> memref<1x128xi32, #tpu.memory_space<vmem>>
        %dma_start3A_520 = tpu.memref_squeeze %dma_start3A_519 : memref<1x128xi32, #tpu.memory_space<vmem>> -> memref<128xi32, #tpu.memory_space<vmem>>
        %dma_start3A_521 = arith.constant 0 : i32
        %dma_start3A_522 = arith.constant 0 : i32
        %dma_start3A_523 = tpu.memref_slice %arg2[%dma_start3A_521, %dma_start3A_522] : memref<10112x96xf32, #tpu.memory_space<hbm>> -> memref<10112x96xf32, #tpu.memory_space<hbm>>
        tpu.enqueue_indirect_dma source(%dma_start3A_523 : memref<10112x96xf32, #tpu.memory_space<hbm>>) target(%arg11 : memref<128x96xf32, #tpu.memory_space<vmem>>) offsets(%dma_start3A_520 : memref<128xi32, #tpu.memory_space<vmem>>) semaphore(%arg15 : memref<!tpu.dma_semaphore, #tpu.memory_space<semaphore_mem>>)
        %mul3A_524 = arith.constant 4 : i32
        %mul3A_525 = arith.muli %scan3A_493, %mul3A_524 : i32
        %add3A_526 = arith.constant 1 : i32
        %add3A_527 = arith.addi %mul3A_525, %add3A_526 : i32
        %dma_wait3A_528 = arith.constant 0 : i32
        %dma_wait3A_529 = tpu.memref_slice %arg9[%add3A_527, %dma_wait3A_528] : memref<40x128xi32, #tpu.memory_space<vmem>> -> memref<1x128xi32, #tpu.memory_space<vmem>>
        %dma_wait3A_530 = tpu.memref_squeeze %dma_wait3A_529 : memref<1x128xi32, #tpu.memory_space<vmem>> -> memref<128xi32, #tpu.memory_space<vmem>>
        %dma_wait3A_531 = arith.constant 0 : i32
        %dma_wait3A_532 = arith.constant 0 : i32
        %dma_wait3A_533 = tpu.memref_slice %arg2[%dma_wait3A_531, %dma_wait3A_532] : memref<10112x96xf32, #tpu.memory_space<hbm>> -> memref<10112x96xf32, #tpu.memory_space<hbm>>
        tpu.wait_indirect_dma semaphore(%arg16 : memref<!tpu.dma_semaphore, #tpu.memory_space<semaphore_mem>>) src(%dma_wait3A_533 : memref<10112x96xf32, #tpu.memory_space<hbm>>) dst(%arg12 : memref<128x96xf32, #tpu.memory_space<vmem>>)
        %dma_start3A_534 = arith.constant 0 : i32
        %dma_start3A_535 = tpu.memref_slice %arg10[%add3A_527, %dma_start3A_534] : memref<40x128xi32, #tpu.memory_space<vmem>> -> memref<1x128xi32, #tpu.memory_space<vmem>>
        %dma_start3A_536 = tpu.memref_squeeze %dma_start3A_535 : memref<1x128xi32, #tpu.memory_space<vmem>> -> memref<128xi32, #tpu.memory_space<vmem>>
        %dma_start3A_537 = arith.constant 0 : i32
        %dma_start3A_538 = arith.constant 0 : i32
        %dma_start3A_539 = tpu.memref_slice %arg8[%dma_start3A_537, %dma_start3A_538] : memref<10112x96xf32, #tpu.memory_space<vmem_shared>> -> memref<10112x96xf32, #tpu.memory_space<vmem_shared>>
        tpu.enqueue_indirect_dma source(%arg12 : memref<128x96xf32, #tpu.memory_space<vmem>>) target(%dma_start3A_539 : memref<10112x96xf32, #tpu.memory_space<vmem_shared>>) offsets(%dma_start3A_536 : memref<128xi32, #tpu.memory_space<vmem>>) semaphore(%arg20 : memref<!tpu.dma_semaphore, #tpu.memory_space<semaphore_mem>>) {add = true}
        %dma_wait3A_540 = arith.constant 0 : i32
        %dma_wait3A_541 = tpu.memref_slice %arg10[%add3A_527, %dma_wait3A_540] : memref<40x128xi32, #tpu.memory_space<vmem>> -> memref<1x128xi32, #tpu.memory_space<vmem>>
        %dma_wait3A_542 = tpu.memref_squeeze %dma_wait3A_541 : memref<1x128xi32, #tpu.memory_space<vmem>> -> memref<128xi32, #tpu.memory_space<vmem>>
        %dma_wait3A_543 = arith.constant 0 : i32
        %dma_wait3A_544 = arith.constant 0 : i32
        %dma_wait3A_545 = tpu.memref_slice %arg8[%dma_wait3A_543, %dma_wait3A_544] : memref<10112x96xf32, #tpu.memory_space<vmem_shared>> -> memref<10112x96xf32, #tpu.memory_space<vmem_shared>>
        tpu.wait_indirect_dma semaphore(%arg20 : memref<!tpu.dma_semaphore, #tpu.memory_space<semaphore_mem>>) src(%arg12 : memref<128x96xf32, #tpu.memory_space<vmem>>) dst(%dma_wait3A_545 : memref<10112x96xf32, #tpu.memory_space<vmem_shared>>)
        %add3A_546 = arith.constant 4 : i32
        %add3A_547 = arith.addi %add3A_527, %add3A_546 : i32
        %dma_start3A_548 = arith.constant 0 : i32
        %dma_start3A_549 = tpu.memref_slice %arg9[%add3A_547, %dma_start3A_548] : memref<40x128xi32, #tpu.memory_space<vmem>> -> memref<1x128xi32, #tpu.memory_space<vmem>>
        %dma_start3A_550 = tpu.memref_squeeze %dma_start3A_549 : memref<1x128xi32, #tpu.memory_space<vmem>> -> memref<128xi32, #tpu.memory_space<vmem>>
        %dma_start3A_551 = arith.constant 0 : i32
        %dma_start3A_552 = arith.constant 0 : i32
        %dma_start3A_553 = tpu.memref_slice %arg2[%dma_start3A_551, %dma_start3A_552] : memref<10112x96xf32, #tpu.memory_space<hbm>> -> memref<10112x96xf32, #tpu.memory_space<hbm>>
        tpu.enqueue_indirect_dma source(%dma_start3A_553 : memref<10112x96xf32, #tpu.memory_space<hbm>>) target(%arg12 : memref<128x96xf32, #tpu.memory_space<vmem>>) offsets(%dma_start3A_550 : memref<128xi32, #tpu.memory_space<vmem>>) semaphore(%arg16 : memref<!tpu.dma_semaphore, #tpu.memory_space<semaphore_mem>>)
        %mul3A_554 = arith.constant 4 : i32
        %mul3A_555 = arith.muli %scan3A_493, %mul3A_554 : i32
        %add3A_556 = arith.constant 2 : i32
        %add3A_557 = arith.addi %mul3A_555, %add3A_556 : i32
        %dma_wait3A_558 = arith.constant 0 : i32
        %dma_wait3A_559 = tpu.memref_slice %arg9[%add3A_557, %dma_wait3A_558] : memref<40x128xi32, #tpu.memory_space<vmem>> -> memref<1x128xi32, #tpu.memory_space<vmem>>
        %dma_wait3A_560 = tpu.memref_squeeze %dma_wait3A_559 : memref<1x128xi32, #tpu.memory_space<vmem>> -> memref<128xi32, #tpu.memory_space<vmem>>
        %dma_wait3A_561 = arith.constant 0 : i32
        %dma_wait3A_562 = arith.constant 0 : i32
        %dma_wait3A_563 = tpu.memref_slice %arg2[%dma_wait3A_561, %dma_wait3A_562] : memref<10112x96xf32, #tpu.memory_space<hbm>> -> memref<10112x96xf32, #tpu.memory_space<hbm>>
        tpu.wait_indirect_dma semaphore(%arg17 : memref<!tpu.dma_semaphore, #tpu.memory_space<semaphore_mem>>) src(%dma_wait3A_563 : memref<10112x96xf32, #tpu.memory_space<hbm>>) dst(%arg13 : memref<128x96xf32, #tpu.memory_space<vmem>>)
        %dma_start3A_564 = arith.constant 0 : i32
        %dma_start3A_565 = tpu.memref_slice %arg10[%add3A_557, %dma_start3A_564] : memref<40x128xi32, #tpu.memory_space<vmem>> -> memref<1x128xi32, #tpu.memory_space<vmem>>
        %dma_start3A_566 = tpu.memref_squeeze %dma_start3A_565 : memref<1x128xi32, #tpu.memory_space<vmem>> -> memref<128xi32, #tpu.memory_space<vmem>>
        %dma_start3A_567 = arith.constant 0 : i32
        %dma_start3A_568 = arith.constant 0 : i32
        %dma_start3A_569 = tpu.memref_slice %arg8[%dma_start3A_567, %dma_start3A_568] : memref<10112x96xf32, #tpu.memory_space<vmem_shared>> -> memref<10112x96xf32, #tpu.memory_space<vmem_shared>>
        tpu.enqueue_indirect_dma source(%arg13 : memref<128x96xf32, #tpu.memory_space<vmem>>) target(%dma_start3A_569 : memref<10112x96xf32, #tpu.memory_space<vmem_shared>>) offsets(%dma_start3A_566 : memref<128xi32, #tpu.memory_space<vmem>>) semaphore(%arg21 : memref<!tpu.dma_semaphore, #tpu.memory_space<semaphore_mem>>) {add = true}
        %dma_wait3A_570 = arith.constant 0 : i32
        %dma_wait3A_571 = tpu.memref_slice %arg10[%add3A_557, %dma_wait3A_570] : memref<40x128xi32, #tpu.memory_space<vmem>> -> memref<1x128xi32, #tpu.memory_space<vmem>>
        %dma_wait3A_572 = tpu.memref_squeeze %dma_wait3A_571 : memref<1x128xi32, #tpu.memory_space<vmem>> -> memref<128xi32, #tpu.memory_space<vmem>>
        %dma_wait3A_573 = arith.constant 0 : i32
        %dma_wait3A_574 = arith.constant 0 : i32
        %dma_wait3A_575 = tpu.memref_slice %arg8[%dma_wait3A_573, %dma_wait3A_574] : memref<10112x96xf32, #tpu.memory_space<vmem_shared>> -> memref<10112x96xf32, #tpu.memory_space<vmem_shared>>
        tpu.wait_indirect_dma semaphore(%arg21 : memref<!tpu.dma_semaphore, #tpu.memory_space<semaphore_mem>>) src(%arg13 : memref<128x96xf32, #tpu.memory_space<vmem>>) dst(%dma_wait3A_575 : memref<10112x96xf32, #tpu.memory_space<vmem_shared>>)
        %add3A_576 = arith.constant 4 : i32
        %add3A_577 = arith.addi %add3A_557, %add3A_576 : i32
        %dma_start3A_578 = arith.constant 0 : i32
        %dma_start3A_579 = tpu.memref_slice %arg9[%add3A_577, %dma_start3A_578] : memref<40x128xi32, #tpu.memory_space<vmem>> -> memref<1x128xi32, #tpu.memory_space<vmem>>
        %dma_start3A_580 = tpu.memref_squeeze %dma_start3A_579 : memref<1x128xi32, #tpu.memory_space<vmem>> -> memref<128xi32, #tpu.memory_space<vmem>>
        %dma_start3A_581 = arith.constant 0 : i32
        %dma_start3A_582 = arith.constant 0 : i32
        %dma_start3A_583 = tpu.memref_slice %arg2[%dma_start3A_581, %dma_start3A_582] : memref<10112x96xf32, #tpu.memory_space<hbm>> -> memref<10112x96xf32, #tpu.memory_space<hbm>>
        tpu.enqueue_indirect_dma source(%dma_start3A_583 : memref<10112x96xf32, #tpu.memory_space<hbm>>) target(%arg13 : memref<128x96xf32, #tpu.memory_space<vmem>>) offsets(%dma_start3A_580 : memref<128xi32, #tpu.memory_space<vmem>>) semaphore(%arg17 : memref<!tpu.dma_semaphore, #tpu.memory_space<semaphore_mem>>)
        %mul3A_584 = arith.constant 4 : i32
        %mul3A_585 = arith.muli %scan3A_493, %mul3A_584 : i32
        %add3A_586 = arith.constant 3 : i32
        %add3A_587 = arith.addi %mul3A_585, %add3A_586 : i32
        %dma_wait3A_588 = arith.constant 0 : i32
        %dma_wait3A_589 = tpu.memref_slice %arg9[%add3A_587, %dma_wait3A_588] : memref<40x128xi32, #tpu.memory_space<vmem>> -> memref<1x128xi32, #tpu.memory_space<vmem>>
        %dma_wait3A_590 = tpu.memref_squeeze %dma_wait3A_589 : memref<1x128xi32, #tpu.memory_space<vmem>> -> memref<128xi32, #tpu.memory_space<vmem>>
        %dma_wait3A_591 = arith.constant 0 : i32
        %dma_wait3A_592 = arith.constant 0 : i32
        %dma_wait3A_593 = tpu.memref_slice %arg2[%dma_wait3A_591, %dma_wait3A_592] : memref<10112x96xf32, #tpu.memory_space<hbm>> -> memref<10112x96xf32, #tpu.memory_space<hbm>>
        tpu.wait_indirect_dma semaphore(%arg18 : memref<!tpu.dma_semaphore, #tpu.memory_space<semaphore_mem>>) src(%dma_wait3A_593 : memref<10112x96xf32, #tpu.memory_space<hbm>>) dst(%arg14 : memref<128x96xf32, #tpu.memory_space<vmem>>)
        %dma_start3A_594 = arith.constant 0 : i32
        %dma_start3A_595 = tpu.memref_slice %arg10[%add3A_587, %dma_start3A_594] : memref<40x128xi32, #tpu.memory_space<vmem>> -> memref<1x128xi32, #tpu.memory_space<vmem>>
        %dma_start3A_596 = tpu.memref_squeeze %dma_start3A_595 : memref<1x128xi32, #tpu.memory_space<vmem>> -> memref<128xi32, #tpu.memory_space<vmem>>
        %dma_start3A_597 = arith.constant 0 : i32
        %dma_start3A_598 = arith.constant 0 : i32
        %dma_start3A_599 = tpu.memref_slice %arg8[%dma_start3A_597, %dma_start3A_598] : memref<10112x96xf32, #tpu.memory_space<vmem_shared>> -> memref<10112x96xf32, #tpu.memory_space<vmem_shared>>
        tpu.enqueue_indirect_dma source(%arg14 : memref<128x96xf32, #tpu.memory_space<vmem>>) target(%dma_start3A_599 : memref<10112x96xf32, #tpu.memory_space<vmem_shared>>) offsets(%dma_start3A_596 : memref<128xi32, #tpu.memory_space<vmem>>) semaphore(%arg22 : memref<!tpu.dma_semaphore, #tpu.memory_space<semaphore_mem>>) {add = true}
        %dma_wait3A_600 = arith.constant 0 : i32
        %dma_wait3A_601 = tpu.memref_slice %arg10[%add3A_587, %dma_wait3A_600] : memref<40x128xi32, #tpu.memory_space<vmem>> -> memref<1x128xi32, #tpu.memory_space<vmem>>
        %dma_wait3A_602 = tpu.memref_squeeze %dma_wait3A_601 : memref<1x128xi32, #tpu.memory_space<vmem>> -> memref<128xi32, #tpu.memory_space<vmem>>
        %dma_wait3A_603 = arith.constant 0 : i32
        %dma_wait3A_604 = arith.constant 0 : i32
        %dma_wait3A_605 = tpu.memref_slice %arg8[%dma_wait3A_603, %dma_wait3A_604] : memref<10112x96xf32, #tpu.memory_space<vmem_shared>> -> memref<10112x96xf32, #tpu.memory_space<vmem_shared>>
        tpu.wait_indirect_dma semaphore(%arg22 : memref<!tpu.dma_semaphore, #tpu.memory_space<semaphore_mem>>) src(%arg14 : memref<128x96xf32, #tpu.memory_space<vmem>>) dst(%dma_wait3A_605 : memref<10112x96xf32, #tpu.memory_space<vmem_shared>>)
        %add3A_606 = arith.constant 4 : i32
        %add3A_607 = arith.addi %add3A_587, %add3A_606 : i32
        %dma_start3A_608 = arith.constant 0 : i32
        %dma_start3A_609 = tpu.memref_slice %arg9[%add3A_607, %dma_start3A_608] : memref<40x128xi32, #tpu.memory_space<vmem>> -> memref<1x128xi32, #tpu.memory_space<vmem>>
        %dma_start3A_610 = tpu.memref_squeeze %dma_start3A_609 : memref<1x128xi32, #tpu.memory_space<vmem>> -> memref<128xi32, #tpu.memory_space<vmem>>
        %dma_start3A_611 = arith.constant 0 : i32
        %dma_start3A_612 = arith.constant 0 : i32
        %dma_start3A_613 = tpu.memref_slice %arg2[%dma_start3A_611, %dma_start3A_612] : memref<10112x96xf32, #tpu.memory_space<hbm>> -> memref<10112x96xf32, #tpu.memory_space<hbm>>
        tpu.enqueue_indirect_dma source(%dma_start3A_613 : memref<10112x96xf32, #tpu.memory_space<hbm>>) target(%arg14 : memref<128x96xf32, #tpu.memory_space<vmem>>) offsets(%dma_start3A_610 : memref<128xi32, #tpu.memory_space<vmem>>) semaphore(%arg18 : memref<!tpu.dma_semaphore, #tpu.memory_space<semaphore_mem>>)
      }
      %scan3A_42 = arith.constant 9 : i32
      %dma_wait3A = arith.constant 36 : i32
      %dma_wait3A_43 = arith.constant 0 : i32
      %dma_wait3A_44 = tpu.memref_slice %arg9[%dma_wait3A, %dma_wait3A_43] : memref<40x128xi32, #tpu.memory_space<vmem>> -> memref<1x128xi32, #tpu.memory_space<vmem>>
      %dma_wait3A_45 = tpu.memref_squeeze %dma_wait3A_44 : memref<1x128xi32, #tpu.memory_space<vmem>> -> memref<128xi32, #tpu.memory_space<vmem>>
      %dma_wait3A_46 = arith.constant 0 : i32
      %dma_wait3A_47 = arith.constant 0 : i32
      %dma_wait3A_48 = tpu.memref_slice %arg2[%dma_wait3A_46, %dma_wait3A_47] : memref<10112x96xf32, #tpu.memory_space<hbm>> -> memref<10112x96xf32, #tpu.memory_space<hbm>>
      tpu.wait_indirect_dma semaphore(%arg15 : memref<!tpu.dma_semaphore, #tpu.memory_space<semaphore_mem>>) src(%dma_wait3A_48 : memref<10112x96xf32, #tpu.memory_space<hbm>>) dst(%arg11 : memref<128x96xf32, #tpu.memory_space<vmem>>)
      %dma_start3A_49 = arith.constant 36 : i32
      %dma_start3A_50 = arith.constant 0 : i32
      %dma_start3A_51 = tpu.memref_slice %arg10[%dma_start3A_49, %dma_start3A_50] : memref<40x128xi32, #tpu.memory_space<vmem>> -> memref<1x128xi32, #tpu.memory_space<vmem>>
      %dma_start3A_52 = tpu.memref_squeeze %dma_start3A_51 : memref<1x128xi32, #tpu.memory_space<vmem>> -> memref<128xi32, #tpu.memory_space<vmem>>
      %dma_start3A_53 = arith.constant 0 : i32
      %dma_start3A_54 = arith.constant 0 : i32
      %dma_start3A_55 = tpu.memref_slice %arg8[%dma_start3A_53, %dma_start3A_54] : memref<10112x96xf32, #tpu.memory_space<vmem_shared>> -> memref<10112x96xf32, #tpu.memory_space<vmem_shared>>
      tpu.enqueue_indirect_dma source(%arg11 : memref<128x96xf32, #tpu.memory_space<vmem>>) target(%dma_start3A_55 : memref<10112x96xf32, #tpu.memory_space<vmem_shared>>) offsets(%dma_start3A_52 : memref<128xi32, #tpu.memory_space<vmem>>) semaphore(%arg19 : memref<!tpu.dma_semaphore, #tpu.memory_space<semaphore_mem>>) {add = true}
      %dma_wait3A_56 = arith.constant 36 : i32
      %dma_wait3A_57 = arith.constant 0 : i32
      %dma_wait3A_58 = tpu.memref_slice %arg10[%dma_wait3A_56, %dma_wait3A_57] : memref<40x128xi32, #tpu.memory_space<vmem>> -> memref<1x128xi32, #tpu.memory_space<vmem>>
      %dma_wait3A_59 = tpu.memref_squeeze %dma_wait3A_58 : memref<1x128xi32, #tpu.memory_space<vmem>> -> memref<128xi32, #tpu.memory_space<vmem>>
      %dma_wait3A_60 = arith.constant 0 : i32
      %dma_wait3A_61 = arith.constant 0 : i32
      %dma_wait3A_62 = tpu.memref_slice %arg8[%dma_wait3A_60, %dma_wait3A_61] : memref<10112x96xf32, #tpu.memory_space<vmem_shared>> -> memref<10112x96xf32, #tpu.memory_space<vmem_shared>>
      tpu.wait_indirect_dma semaphore(%arg19 : memref<!tpu.dma_semaphore, #tpu.memory_space<semaphore_mem>>) src(%arg11 : memref<128x96xf32, #tpu.memory_space<vmem>>) dst(%dma_wait3A_62 : memref<10112x96xf32, #tpu.memory_space<vmem_shared>>)
      %dma_wait3A_63 = arith.constant 37 : i32
      %dma_wait3A_64 = arith.constant 0 : i32
      %dma_wait3A_65 = tpu.memref_slice %arg9[%dma_wait3A_63, %dma_wait3A_64] : memref<40x128xi32, #tpu.memory_space<vmem>> -> memref<1x128xi32, #tpu.memory_space<vmem>>
      %dma_wait3A_66 = tpu.memref_squeeze %dma_wait3A_65 : memref<1x128xi32, #tpu.memory_space<vmem>> -> memref<128xi32, #tpu.memory_space<vmem>>
      %dma_wait3A_67 = arith.constant 0 : i32
      %dma_wait3A_68 = arith.constant 0 : i32
      %dma_wait3A_69 = tpu.memref_slice %arg2[%dma_wait3A_67, %dma_wait3A_68] : memref<10112x96xf32, #tpu.memory_space<hbm>> -> memref<10112x96xf32, #tpu.memory_space<hbm>>
      tpu.wait_indirect_dma semaphore(%arg16 : memref<!tpu.dma_semaphore, #tpu.memory_space<semaphore_mem>>) src(%dma_wait3A_69 : memref<10112x96xf32, #tpu.memory_space<hbm>>) dst(%arg12 : memref<128x96xf32, #tpu.memory_space<vmem>>)
      %dma_start3A_70 = arith.constant 37 : i32
      %dma_start3A_71 = arith.constant 0 : i32
      %dma_start3A_72 = tpu.memref_slice %arg10[%dma_start3A_70, %dma_start3A_71] : memref<40x128xi32, #tpu.memory_space<vmem>> -> memref<1x128xi32, #tpu.memory_space<vmem>>
      %dma_start3A_73 = tpu.memref_squeeze %dma_start3A_72 : memref<1x128xi32, #tpu.memory_space<vmem>> -> memref<128xi32, #tpu.memory_space<vmem>>
      %dma_start3A_74 = arith.constant 0 : i32
      %dma_start3A_75 = arith.constant 0 : i32
      %dma_start3A_76 = tpu.memref_slice %arg8[%dma_start3A_74, %dma_start3A_75] : memref<10112x96xf32, #tpu.memory_space<vmem_shared>> -> memref<10112x96xf32, #tpu.memory_space<vmem_shared>>
      tpu.enqueue_indirect_dma source(%arg12 : memref<128x96xf32, #tpu.memory_space<vmem>>) target(%dma_start3A_76 : memref<10112x96xf32, #tpu.memory_space<vmem_shared>>) offsets(%dma_start3A_73 : memref<128xi32, #tpu.memory_space<vmem>>) semaphore(%arg20 : memref<!tpu.dma_semaphore, #tpu.memory_space<semaphore_mem>>) {add = true}
      %dma_wait3A_77 = arith.constant 37 : i32
      %dma_wait3A_78 = arith.constant 0 : i32
      %dma_wait3A_79 = tpu.memref_slice %arg10[%dma_wait3A_77, %dma_wait3A_78] : memref<40x128xi32, #tpu.memory_space<vmem>> -> memref<1x128xi32, #tpu.memory_space<vmem>>
      %dma_wait3A_80 = tpu.memref_squeeze %dma_wait3A_79 : memref<1x128xi32, #tpu.memory_space<vmem>> -> memref<128xi32, #tpu.memory_space<vmem>>
      %dma_wait3A_81 = arith.constant 0 : i32
      %dma_wait3A_82 = arith.constant 0 : i32
      %dma_wait3A_83 = tpu.memref_slice %arg8[%dma_wait3A_81, %dma_wait3A_82] : memref<10112x96xf32, #tpu.memory_space<vmem_shared>> -> memref<10112x96xf32, #tpu.memory_space<vmem_shared>>
      tpu.wait_indirect_dma semaphore(%arg20 : memref<!tpu.dma_semaphore, #tpu.memory_space<semaphore_mem>>) src(%arg12 : memref<128x96xf32, #tpu.memory_space<vmem>>) dst(%dma_wait3A_83 : memref<10112x96xf32, #tpu.memory_space<vmem_shared>>)
      %dma_wait3A_84 = arith.constant 38 : i32
      %dma_wait3A_85 = arith.constant 0 : i32
      %dma_wait3A_86 = tpu.memref_slice %arg9[%dma_wait3A_84, %dma_wait3A_85] : memref<40x128xi32, #tpu.memory_space<vmem>> -> memref<1x128xi32, #tpu.memory_space<vmem>>
      %dma_wait3A_87 = tpu.memref_squeeze %dma_wait3A_86 : memref<1x128xi32, #tpu.memory_space<vmem>> -> memref<128xi32, #tpu.memory_space<vmem>>
      %dma_wait3A_88 = arith.constant 0 : i32
      %dma_wait3A_89 = arith.constant 0 : i32
      %dma_wait3A_90 = tpu.memref_slice %arg2[%dma_wait3A_88, %dma_wait3A_89] : memref<10112x96xf32, #tpu.memory_space<hbm>> -> memref<10112x96xf32, #tpu.memory_space<hbm>>
      tpu.wait_indirect_dma semaphore(%arg17 : memref<!tpu.dma_semaphore, #tpu.memory_space<semaphore_mem>>) src(%dma_wait3A_90 : memref<10112x96xf32, #tpu.memory_space<hbm>>) dst(%arg13 : memref<128x96xf32, #tpu.memory_space<vmem>>)
      %dma_start3A_91 = arith.constant 38 : i32
      %dma_start3A_92 = arith.constant 0 : i32
      %dma_start3A_93 = tpu.memref_slice %arg10[%dma_start3A_91, %dma_start3A_92] : memref<40x128xi32, #tpu.memory_space<vmem>> -> memref<1x128xi32, #tpu.memory_space<vmem>>
      %dma_start3A_94 = tpu.memref_squeeze %dma_start3A_93 : memref<1x128xi32, #tpu.memory_space<vmem>> -> memref<128xi32, #tpu.memory_space<vmem>>
      %dma_start3A_95 = arith.constant 0 : i32
      %dma_start3A_96 = arith.constant 0 : i32
      %dma_start3A_97 = tpu.memref_slice %arg8[%dma_start3A_95, %dma_start3A_96] : memref<10112x96xf32, #tpu.memory_space<vmem_shared>> -> memref<10112x96xf32, #tpu.memory_space<vmem_shared>>
      tpu.enqueue_indirect_dma source(%arg13 : memref<128x96xf32, #tpu.memory_space<vmem>>) target(%dma_start3A_97 : memref<10112x96xf32, #tpu.memory_space<vmem_shared>>) offsets(%dma_start3A_94 : memref<128xi32, #tpu.memory_space<vmem>>) semaphore(%arg21 : memref<!tpu.dma_semaphore, #tpu.memory_space<semaphore_mem>>) {add = true}
      %dma_wait3A_98 = arith.constant 38 : i32
      %dma_wait3A_99 = arith.constant 0 : i32
      %dma_wait3A_100 = tpu.memref_slice %arg10[%dma_wait3A_98, %dma_wait3A_99] : memref<40x128xi32, #tpu.memory_space<vmem>> -> memref<1x128xi32, #tpu.memory_space<vmem>>
      %dma_wait3A_101 = tpu.memref_squeeze %dma_wait3A_100 : memref<1x128xi32, #tpu.memory_space<vmem>> -> memref<128xi32, #tpu.memory_space<vmem>>
      %dma_wait3A_102 = arith.constant 0 : i32
      %dma_wait3A_103 = arith.constant 0 : i32
      %dma_wait3A_104 = tpu.memref_slice %arg8[%dma_wait3A_102, %dma_wait3A_103] : memref<10112x96xf32, #tpu.memory_space<vmem_shared>> -> memref<10112x96xf32, #tpu.memory_space<vmem_shared>>
      tpu.wait_indirect_dma semaphore(%arg21 : memref<!tpu.dma_semaphore, #tpu.memory_space<semaphore_mem>>) src(%arg13 : memref<128x96xf32, #tpu.memory_space<vmem>>) dst(%dma_wait3A_104 : memref<10112x96xf32, #tpu.memory_space<vmem_shared>>)
      %dma_wait3A_105 = arith.constant 39 : i32
      %dma_wait3A_106 = arith.constant 0 : i32
      %dma_wait3A_107 = tpu.memref_slice %arg9[%dma_wait3A_105, %dma_wait3A_106] : memref<40x128xi32, #tpu.memory_space<vmem>> -> memref<1x128xi32, #tpu.memory_space<vmem>>
      %dma_wait3A_108 = tpu.memref_squeeze %dma_wait3A_107 : memref<1x128xi32, #tpu.memory_space<vmem>> -> memref<128xi32, #tpu.memory_space<vmem>>
      %dma_wait3A_109 = arith.constant 0 : i32
      %dma_wait3A_110 = arith.constant 0 : i32
      %dma_wait3A_111 = tpu.memref_slice %arg2[%dma_wait3A_109, %dma_wait3A_110] : memref<10112x96xf32, #tpu.memory_space<hbm>> -> memref<10112x96xf32, #tpu.memory_space<hbm>>
      tpu.wait_indirect_dma semaphore(%arg18 : memref<!tpu.dma_semaphore, #tpu.memory_space<semaphore_mem>>) src(%dma_wait3A_111 : memref<10112x96xf32, #tpu.memory_space<hbm>>) dst(%arg14 : memref<128x96xf32, #tpu.memory_space<vmem>>)
      %dma_start3A_112 = arith.constant 39 : i32
      %dma_start3A_113 = arith.constant 0 : i32
      %dma_start3A_114 = tpu.memref_slice %arg10[%dma_start3A_112, %dma_start3A_113] : memref<40x128xi32, #tpu.memory_space<vmem>> -> memref<1x128xi32, #tpu.memory_space<vmem>>
      %dma_start3A_115 = tpu.memref_squeeze %dma_start3A_114 : memref<1x128xi32, #tpu.memory_space<vmem>> -> memref<128xi32, #tpu.memory_space<vmem>>
      %dma_start3A_116 = arith.constant 0 : i32
      %dma_start3A_117 = arith.constant 0 : i32
      %dma_start3A_118 = tpu.memref_slice %arg8[%dma_start3A_116, %dma_start3A_117] : memref<10112x96xf32, #tpu.memory_space<vmem_shared>> -> memref<10112x96xf32, #tpu.memory_space<vmem_shared>>
      tpu.enqueue_indirect_dma source(%arg14 : memref<128x96xf32, #tpu.memory_space<vmem>>) target(%dma_start3A_118 : memref<10112x96xf32, #tpu.memory_space<vmem_shared>>) offsets(%dma_start3A_115 : memref<128xi32, #tpu.memory_space<vmem>>) semaphore(%arg22 : memref<!tpu.dma_semaphore, #tpu.memory_space<semaphore_mem>>) {add = true}
      %dma_wait3A_119 = arith.constant 39 : i32
      %dma_wait3A_120 = arith.constant 0 : i32
      %dma_wait3A_121 = tpu.memref_slice %arg10[%dma_wait3A_119, %dma_wait3A_120] : memref<40x128xi32, #tpu.memory_space<vmem>> -> memref<1x128xi32, #tpu.memory_space<vmem>>
      %dma_wait3A_122 = tpu.memref_squeeze %dma_wait3A_121 : memref<1x128xi32, #tpu.memory_space<vmem>> -> memref<128xi32, #tpu.memory_space<vmem>>
      %dma_wait3A_123 = arith.constant 0 : i32
      %dma_wait3A_124 = arith.constant 0 : i32
      %dma_wait3A_125 = tpu.memref_slice %arg8[%dma_wait3A_123, %dma_wait3A_124] : memref<10112x96xf32, #tpu.memory_space<vmem_shared>> -> memref<10112x96xf32, #tpu.memory_space<vmem_shared>>
      tpu.wait_indirect_dma semaphore(%arg22 : memref<!tpu.dma_semaphore, #tpu.memory_space<semaphore_mem>>) src(%arg14 : memref<128x96xf32, #tpu.memory_space<vmem>>) dst(%dma_wait3A_125 : memref<10112x96xf32, #tpu.memory_space<vmem_shared>>)
      %mul3A_126 = arith.constant 160 : i32
      %mul3A_127 = arith.muli %arg1, %mul3A_126 : i32
      %add3A_128 = arith.constant 40 : i32
      %add3A_129 = arith.addi %mul3A_127, %add3A_128 : i32
      "tpu.region"() ({
        %run_scoped3A = tpu.sem_alloc : memref<!tpu.dma_semaphore, #tpu.memory_space<semaphore_mem>>
        %dma_start3A_493 = arith.constant 0 : i32
        %dma_start3A_494 = tpu.memref_slice %arg4[%add3A_129, %dma_start3A_493] : memref<2560x128xi32, #tpu.memory_space<hbm>> -> memref<40x128xi32, #tpu.memory_space<hbm>>
        %dma_start3A_495 = arith.constant 0 : i32
        %dma_start3A_496 = tpu.memref_slice %arg4[%add3A_129, %dma_start3A_495] : memref<2560x128xi32, #tpu.memory_space<hbm>> -> memref<40x128xi32, #tpu.memory_space<hbm>>
        tpu.enqueue_dma source(%dma_start3A_496 : memref<40x128xi32, #tpu.memory_space<hbm>>) target(%arg9 : memref<40x128xi32, #tpu.memory_space<vmem>>) target_semaphore(%run_scoped3A : memref<!tpu.dma_semaphore, #tpu.memory_space<semaphore_mem>>)
        %dma_wait3A_497 = arith.constant 0 : i32
        %dma_wait3A_498 = tpu.memref_slice %arg4[%add3A_129, %dma_wait3A_497] : memref<2560x128xi32, #tpu.memory_space<hbm>> -> memref<40x128xi32, #tpu.memory_space<hbm>>
        %dma_wait3A_499 = arith.constant 0 : i32
        %dma_wait3A_500 = tpu.memref_slice %arg4[%add3A_129, %dma_wait3A_499] : memref<2560x128xi32, #tpu.memory_space<hbm>> -> memref<40x128xi32, #tpu.memory_space<hbm>>
        tpu.wait_dma2 semaphore(%run_scoped3A : memref<!tpu.dma_semaphore, #tpu.memory_space<semaphore_mem>>) src(%dma_wait3A_500 : memref<40x128xi32, #tpu.memory_space<hbm>>) dst(%arg9 : memref<40x128xi32, #tpu.memory_space<vmem>>)
        tpu.yield
      }) : () -> ()
      "tpu.region"() ({
        %run_scoped3A = tpu.sem_alloc : memref<!tpu.dma_semaphore, #tpu.memory_space<semaphore_mem>>
        %dma_start3A_493 = arith.constant 0 : i32
        %dma_start3A_494 = tpu.memref_slice %arg5[%add3A_129, %dma_start3A_493] : memref<2560x128xi32, #tpu.memory_space<hbm>> -> memref<40x128xi32, #tpu.memory_space<hbm>>
        %dma_start3A_495 = arith.constant 0 : i32
        %dma_start3A_496 = tpu.memref_slice %arg5[%add3A_129, %dma_start3A_495] : memref<2560x128xi32, #tpu.memory_space<hbm>> -> memref<40x128xi32, #tpu.memory_space<hbm>>
        tpu.enqueue_dma source(%dma_start3A_496 : memref<40x128xi32, #tpu.memory_space<hbm>>) target(%arg10 : memref<40x128xi32, #tpu.memory_space<vmem>>) target_semaphore(%run_scoped3A : memref<!tpu.dma_semaphore, #tpu.memory_space<semaphore_mem>>)
        %dma_wait3A_497 = arith.constant 0 : i32
        %dma_wait3A_498 = tpu.memref_slice %arg5[%add3A_129, %dma_wait3A_497] : memref<2560x128xi32, #tpu.memory_space<hbm>> -> memref<40x128xi32, #tpu.memory_space<hbm>>
        %dma_wait3A_499 = arith.constant 0 : i32
        %dma_wait3A_500 = tpu.memref_slice %arg5[%add3A_129, %dma_wait3A_499] : memref<2560x128xi32, #tpu.memory_space<hbm>> -> memref<40x128xi32, #tpu.memory_space<hbm>>
        tpu.wait_dma2 semaphore(%run_scoped3A : memref<!tpu.dma_semaphore, #tpu.memory_space<semaphore_mem>>) src(%dma_wait3A_500 : memref<40x128xi32, #tpu.memory_space<hbm>>) dst(%arg10 : memref<40x128xi32, #tpu.memory_space<vmem>>)
        tpu.yield
      }) : () -> ()
      %dma_start3A_130 = arith.constant 0 : i32
      %dma_start3A_131 = arith.constant 0 : i32
      %dma_start3A_132 = tpu.memref_slice %arg9[%dma_start3A_130, %dma_start3A_131] : memref<40x128xi32, #tpu.memory_space<vmem>> -> memref<1x128xi32, #tpu.memory_space<vmem>>
      %dma_start3A_133 = tpu.memref_squeeze %dma_start3A_132 : memref<1x128xi32, #tpu.memory_space<vmem>> -> memref<128xi32, #tpu.memory_space<vmem>>
      %dma_start3A_134 = arith.constant 0 : i32
      %dma_start3A_135 = arith.constant 0 : i32
      %dma_start3A_136 = tpu.memref_slice %arg2[%dma_start3A_134, %dma_start3A_135] : memref<10112x96xf32, #tpu.memory_space<hbm>> -> memref<10112x96xf32, #tpu.memory_space<hbm>>
      tpu.enqueue_indirect_dma source(%dma_start3A_136 : memref<10112x96xf32, #tpu.memory_space<hbm>>) target(%arg11 : memref<128x96xf32, #tpu.memory_space<vmem>>) offsets(%dma_start3A_133 : memref<128xi32, #tpu.memory_space<vmem>>) semaphore(%arg15 : memref<!tpu.dma_semaphore, #tpu.memory_space<semaphore_mem>>)
      %dma_start3A_137 = arith.constant 1 : i32
      %dma_start3A_138 = arith.constant 0 : i32
      %dma_start3A_139 = tpu.memref_slice %arg9[%dma_start3A_137, %dma_start3A_138] : memref<40x128xi32, #tpu.memory_space<vmem>> -> memref<1x128xi32, #tpu.memory_space<vmem>>
      %dma_start3A_140 = tpu.memref_squeeze %dma_start3A_139 : memref<1x128xi32, #tpu.memory_space<vmem>> -> memref<128xi32, #tpu.memory_space<vmem>>
      %dma_start3A_141 = arith.constant 0 : i32
      %dma_start3A_142 = arith.constant 0 : i32
      %dma_start3A_143 = tpu.memref_slice %arg2[%dma_start3A_141, %dma_start3A_142] : memref<10112x96xf32, #tpu.memory_space<hbm>> -> memref<10112x96xf32, #tpu.memory_space<hbm>>
      tpu.enqueue_indirect_dma source(%dma_start3A_143 : memref<10112x96xf32, #tpu.memory_space<hbm>>) target(%arg12 : memref<128x96xf32, #tpu.memory_space<vmem>>) offsets(%dma_start3A_140 : memref<128xi32, #tpu.memory_space<vmem>>) semaphore(%arg16 : memref<!tpu.dma_semaphore, #tpu.memory_space<semaphore_mem>>)
      %dma_start3A_144 = arith.constant 2 : i32
      %dma_start3A_145 = arith.constant 0 : i32
      %dma_start3A_146 = tpu.memref_slice %arg9[%dma_start3A_144, %dma_start3A_145] : memref<40x128xi32, #tpu.memory_space<vmem>> -> memref<1x128xi32, #tpu.memory_space<vmem>>
      %dma_start3A_147 = tpu.memref_squeeze %dma_start3A_146 : memref<1x128xi32, #tpu.memory_space<vmem>> -> memref<128xi32, #tpu.memory_space<vmem>>
      %dma_start3A_148 = arith.constant 0 : i32
      %dma_start3A_149 = arith.constant 0 : i32
      %dma_start3A_150 = tpu.memref_slice %arg2[%dma_start3A_148, %dma_start3A_149] : memref<10112x96xf32, #tpu.memory_space<hbm>> -> memref<10112x96xf32, #tpu.memory_space<hbm>>
      tpu.enqueue_indirect_dma source(%dma_start3A_150 : memref<10112x96xf32, #tpu.memory_space<hbm>>) target(%arg13 : memref<128x96xf32, #tpu.memory_space<vmem>>) offsets(%dma_start3A_147 : memref<128xi32, #tpu.memory_space<vmem>>) semaphore(%arg17 : memref<!tpu.dma_semaphore, #tpu.memory_space<semaphore_mem>>)
      %dma_start3A_151 = arith.constant 3 : i32
      %dma_start3A_152 = arith.constant 0 : i32
      %dma_start3A_153 = tpu.memref_slice %arg9[%dma_start3A_151, %dma_start3A_152] : memref<40x128xi32, #tpu.memory_space<vmem>> -> memref<1x128xi32, #tpu.memory_space<vmem>>
      %dma_start3A_154 = tpu.memref_squeeze %dma_start3A_153 : memref<1x128xi32, #tpu.memory_space<vmem>> -> memref<128xi32, #tpu.memory_space<vmem>>
      %dma_start3A_155 = arith.constant 0 : i32
      %dma_start3A_156 = arith.constant 0 : i32
      %dma_start3A_157 = tpu.memref_slice %arg2[%dma_start3A_155, %dma_start3A_156] : memref<10112x96xf32, #tpu.memory_space<hbm>> -> memref<10112x96xf32, #tpu.memory_space<hbm>>
      tpu.enqueue_indirect_dma source(%dma_start3A_157 : memref<10112x96xf32, #tpu.memory_space<hbm>>) target(%arg14 : memref<128x96xf32, #tpu.memory_space<vmem>>) offsets(%dma_start3A_154 : memref<128xi32, #tpu.memory_space<vmem>>) semaphore(%arg18 : memref<!tpu.dma_semaphore, #tpu.memory_space<semaphore_mem>>)
      %scan3A_158 = arith.constant 0 : i32
      %scan3A_159 = arith.constant 0 : i32
      %scan3A_160 = arith.constant 9 : i32
      %scan3A_161 = arith.addi %scan3A_159, %scan3A_160 : i32
      %scan3A_162 = arith.constant 1 : i32
      scf.for %scan3A_493 = %scan3A_159 to %scan3A_161 step %scan3A_162  : i32 {
        %mul3A_494 = arith.constant 4 : i32
        %mul3A_495 = arith.muli %scan3A_493, %mul3A_494 : i32
        %add3A_496 = arith.constant 0 : i32
        %add3A_497 = arith.addi %mul3A_495, %add3A_496 : i32
        %dma_wait3A_498 = arith.constant 0 : i32
        %dma_wait3A_499 = tpu.memref_slice %arg9[%add3A_497, %dma_wait3A_498] : memref<40x128xi32, #tpu.memory_space<vmem>> -> memref<1x128xi32, #tpu.memory_space<vmem>>
        %dma_wait3A_500 = tpu.memref_squeeze %dma_wait3A_499 : memref<1x128xi32, #tpu.memory_space<vmem>> -> memref<128xi32, #tpu.memory_space<vmem>>
        %dma_wait3A_501 = arith.constant 0 : i32
        %dma_wait3A_502 = arith.constant 0 : i32
        %dma_wait3A_503 = tpu.memref_slice %arg2[%dma_wait3A_501, %dma_wait3A_502] : memref<10112x96xf32, #tpu.memory_space<hbm>> -> memref<10112x96xf32, #tpu.memory_space<hbm>>
        tpu.wait_indirect_dma semaphore(%arg15 : memref<!tpu.dma_semaphore, #tpu.memory_space<semaphore_mem>>) src(%dma_wait3A_503 : memref<10112x96xf32, #tpu.memory_space<hbm>>) dst(%arg11 : memref<128x96xf32, #tpu.memory_space<vmem>>)
        %dma_start3A_504 = arith.constant 0 : i32
        %dma_start3A_505 = tpu.memref_slice %arg10[%add3A_497, %dma_start3A_504] : memref<40x128xi32, #tpu.memory_space<vmem>> -> memref<1x128xi32, #tpu.memory_space<vmem>>
        %dma_start3A_506 = tpu.memref_squeeze %dma_start3A_505 : memref<1x128xi32, #tpu.memory_space<vmem>> -> memref<128xi32, #tpu.memory_space<vmem>>
        %dma_start3A_507 = arith.constant 0 : i32
        %dma_start3A_508 = arith.constant 0 : i32
        %dma_start3A_509 = tpu.memref_slice %arg8[%dma_start3A_507, %dma_start3A_508] : memref<10112x96xf32, #tpu.memory_space<vmem_shared>> -> memref<10112x96xf32, #tpu.memory_space<vmem_shared>>
        tpu.enqueue_indirect_dma source(%arg11 : memref<128x96xf32, #tpu.memory_space<vmem>>) target(%dma_start3A_509 : memref<10112x96xf32, #tpu.memory_space<vmem_shared>>) offsets(%dma_start3A_506 : memref<128xi32, #tpu.memory_space<vmem>>) semaphore(%arg19 : memref<!tpu.dma_semaphore, #tpu.memory_space<semaphore_mem>>) {add = true}
        %dma_wait3A_510 = arith.constant 0 : i32
        %dma_wait3A_511 = tpu.memref_slice %arg10[%add3A_497, %dma_wait3A_510] : memref<40x128xi32, #tpu.memory_space<vmem>> -> memref<1x128xi32, #tpu.memory_space<vmem>>
        %dma_wait3A_512 = tpu.memref_squeeze %dma_wait3A_511 : memref<1x128xi32, #tpu.memory_space<vmem>> -> memref<128xi32, #tpu.memory_space<vmem>>
        %dma_wait3A_513 = arith.constant 0 : i32
        %dma_wait3A_514 = arith.constant 0 : i32
        %dma_wait3A_515 = tpu.memref_slice %arg8[%dma_wait3A_513, %dma_wait3A_514] : memref<10112x96xf32, #tpu.memory_space<vmem_shared>> -> memref<10112x96xf32, #tpu.memory_space<vmem_shared>>
        tpu.wait_indirect_dma semaphore(%arg19 : memref<!tpu.dma_semaphore, #tpu.memory_space<semaphore_mem>>) src(%arg11 : memref<128x96xf32, #tpu.memory_space<vmem>>) dst(%dma_wait3A_515 : memref<10112x96xf32, #tpu.memory_space<vmem_shared>>)
        %add3A_516 = arith.constant 4 : i32
        %add3A_517 = arith.addi %add3A_497, %add3A_516 : i32
        %dma_start3A_518 = arith.constant 0 : i32
        %dma_start3A_519 = tpu.memref_slice %arg9[%add3A_517, %dma_start3A_518] : memref<40x128xi32, #tpu.memory_space<vmem>> -> memref<1x128xi32, #tpu.memory_space<vmem>>
        %dma_start3A_520 = tpu.memref_squeeze %dma_start3A_519 : memref<1x128xi32, #tpu.memory_space<vmem>> -> memref<128xi32, #tpu.memory_space<vmem>>
        %dma_start3A_521 = arith.constant 0 : i32
        %dma_start3A_522 = arith.constant 0 : i32
        %dma_start3A_523 = tpu.memref_slice %arg2[%dma_start3A_521, %dma_start3A_522] : memref<10112x96xf32, #tpu.memory_space<hbm>> -> memref<10112x96xf32, #tpu.memory_space<hbm>>
        tpu.enqueue_indirect_dma source(%dma_start3A_523 : memref<10112x96xf32, #tpu.memory_space<hbm>>) target(%arg11 : memref<128x96xf32, #tpu.memory_space<vmem>>) offsets(%dma_start3A_520 : memref<128xi32, #tpu.memory_space<vmem>>) semaphore(%arg15 : memref<!tpu.dma_semaphore, #tpu.memory_space<semaphore_mem>>)
        %mul3A_524 = arith.constant 4 : i32
        %mul3A_525 = arith.muli %scan3A_493, %mul3A_524 : i32
        %add3A_526 = arith.constant 1 : i32
        %add3A_527 = arith.addi %mul3A_525, %add3A_526 : i32
        %dma_wait3A_528 = arith.constant 0 : i32
        %dma_wait3A_529 = tpu.memref_slice %arg9[%add3A_527, %dma_wait3A_528] : memref<40x128xi32, #tpu.memory_space<vmem>> -> memref<1x128xi32, #tpu.memory_space<vmem>>
        %dma_wait3A_530 = tpu.memref_squeeze %dma_wait3A_529 : memref<1x128xi32, #tpu.memory_space<vmem>> -> memref<128xi32, #tpu.memory_space<vmem>>
        %dma_wait3A_531 = arith.constant 0 : i32
        %dma_wait3A_532 = arith.constant 0 : i32
        %dma_wait3A_533 = tpu.memref_slice %arg2[%dma_wait3A_531, %dma_wait3A_532] : memref<10112x96xf32, #tpu.memory_space<hbm>> -> memref<10112x96xf32, #tpu.memory_space<hbm>>
        tpu.wait_indirect_dma semaphore(%arg16 : memref<!tpu.dma_semaphore, #tpu.memory_space<semaphore_mem>>) src(%dma_wait3A_533 : memref<10112x96xf32, #tpu.memory_space<hbm>>) dst(%arg12 : memref<128x96xf32, #tpu.memory_space<vmem>>)
        %dma_start3A_534 = arith.constant 0 : i32
        %dma_start3A_535 = tpu.memref_slice %arg10[%add3A_527, %dma_start3A_534] : memref<40x128xi32, #tpu.memory_space<vmem>> -> memref<1x128xi32, #tpu.memory_space<vmem>>
        %dma_start3A_536 = tpu.memref_squeeze %dma_start3A_535 : memref<1x128xi32, #tpu.memory_space<vmem>> -> memref<128xi32, #tpu.memory_space<vmem>>
        %dma_start3A_537 = arith.constant 0 : i32
        %dma_start3A_538 = arith.constant 0 : i32
        %dma_start3A_539 = tpu.memref_slice %arg8[%dma_start3A_537, %dma_start3A_538] : memref<10112x96xf32, #tpu.memory_space<vmem_shared>> -> memref<10112x96xf32, #tpu.memory_space<vmem_shared>>
        tpu.enqueue_indirect_dma source(%arg12 : memref<128x96xf32, #tpu.memory_space<vmem>>) target(%dma_start3A_539 : memref<10112x96xf32, #tpu.memory_space<vmem_shared>>) offsets(%dma_start3A_536 : memref<128xi32, #tpu.memory_space<vmem>>) semaphore(%arg20 : memref<!tpu.dma_semaphore, #tpu.memory_space<semaphore_mem>>) {add = true}
        %dma_wait3A_540 = arith.constant 0 : i32
        %dma_wait3A_541 = tpu.memref_slice %arg10[%add3A_527, %dma_wait3A_540] : memref<40x128xi32, #tpu.memory_space<vmem>> -> memref<1x128xi32, #tpu.memory_space<vmem>>
        %dma_wait3A_542 = tpu.memref_squeeze %dma_wait3A_541 : memref<1x128xi32, #tpu.memory_space<vmem>> -> memref<128xi32, #tpu.memory_space<vmem>>
        %dma_wait3A_543 = arith.constant 0 : i32
        %dma_wait3A_544 = arith.constant 0 : i32
        %dma_wait3A_545 = tpu.memref_slice %arg8[%dma_wait3A_543, %dma_wait3A_544] : memref<10112x96xf32, #tpu.memory_space<vmem_shared>> -> memref<10112x96xf32, #tpu.memory_space<vmem_shared>>
        tpu.wait_indirect_dma semaphore(%arg20 : memref<!tpu.dma_semaphore, #tpu.memory_space<semaphore_mem>>) src(%arg12 : memref<128x96xf32, #tpu.memory_space<vmem>>) dst(%dma_wait3A_545 : memref<10112x96xf32, #tpu.memory_space<vmem_shared>>)
        %add3A_546 = arith.constant 4 : i32
        %add3A_547 = arith.addi %add3A_527, %add3A_546 : i32
        %dma_start3A_548 = arith.constant 0 : i32
        %dma_start3A_549 = tpu.memref_slice %arg9[%add3A_547, %dma_start3A_548] : memref<40x128xi32, #tpu.memory_space<vmem>> -> memref<1x128xi32, #tpu.memory_space<vmem>>
        %dma_start3A_550 = tpu.memref_squeeze %dma_start3A_549 : memref<1x128xi32, #tpu.memory_space<vmem>> -> memref<128xi32, #tpu.memory_space<vmem>>
        %dma_start3A_551 = arith.constant 0 : i32
        %dma_start3A_552 = arith.constant 0 : i32
        %dma_start3A_553 = tpu.memref_slice %arg2[%dma_start3A_551, %dma_start3A_552] : memref<10112x96xf32, #tpu.memory_space<hbm>> -> memref<10112x96xf32, #tpu.memory_space<hbm>>
        tpu.enqueue_indirect_dma source(%dma_start3A_553 : memref<10112x96xf32, #tpu.memory_space<hbm>>) target(%arg12 : memref<128x96xf32, #tpu.memory_space<vmem>>) offsets(%dma_start3A_550 : memref<128xi32, #tpu.memory_space<vmem>>) semaphore(%arg16 : memref<!tpu.dma_semaphore, #tpu.memory_space<semaphore_mem>>)
        %mul3A_554 = arith.constant 4 : i32
        %mul3A_555 = arith.muli %scan3A_493, %mul3A_554 : i32
        %add3A_556 = arith.constant 2 : i32
        %add3A_557 = arith.addi %mul3A_555, %add3A_556 : i32
        %dma_wait3A_558 = arith.constant 0 : i32
        %dma_wait3A_559 = tpu.memref_slice %arg9[%add3A_557, %dma_wait3A_558] : memref<40x128xi32, #tpu.memory_space<vmem>> -> memref<1x128xi32, #tpu.memory_space<vmem>>
        %dma_wait3A_560 = tpu.memref_squeeze %dma_wait3A_559 : memref<1x128xi32, #tpu.memory_space<vmem>> -> memref<128xi32, #tpu.memory_space<vmem>>
        %dma_wait3A_561 = arith.constant 0 : i32
        %dma_wait3A_562 = arith.constant 0 : i32
        %dma_wait3A_563 = tpu.memref_slice %arg2[%dma_wait3A_561, %dma_wait3A_562] : memref<10112x96xf32, #tpu.memory_space<hbm>> -> memref<10112x96xf32, #tpu.memory_space<hbm>>
        tpu.wait_indirect_dma semaphore(%arg17 : memref<!tpu.dma_semaphore, #tpu.memory_space<semaphore_mem>>) src(%dma_wait3A_563 : memref<10112x96xf32, #tpu.memory_space<hbm>>) dst(%arg13 : memref<128x96xf32, #tpu.memory_space<vmem>>)
        %dma_start3A_564 = arith.constant 0 : i32
        %dma_start3A_565 = tpu.memref_slice %arg10[%add3A_557, %dma_start3A_564] : memref<40x128xi32, #tpu.memory_space<vmem>> -> memref<1x128xi32, #tpu.memory_space<vmem>>
        %dma_start3A_566 = tpu.memref_squeeze %dma_start3A_565 : memref<1x128xi32, #tpu.memory_space<vmem>> -> memref<128xi32, #tpu.memory_space<vmem>>
        %dma_start3A_567 = arith.constant 0 : i32
        %dma_start3A_568 = arith.constant 0 : i32
        %dma_start3A_569 = tpu.memref_slice %arg8[%dma_start3A_567, %dma_start3A_568] : memref<10112x96xf32, #tpu.memory_space<vmem_shared>> -> memref<10112x96xf32, #tpu.memory_space<vmem_shared>>
        tpu.enqueue_indirect_dma source(%arg13 : memref<128x96xf32, #tpu.memory_space<vmem>>) target(%dma_start3A_569 : memref<10112x96xf32, #tpu.memory_space<vmem_shared>>) offsets(%dma_start3A_566 : memref<128xi32, #tpu.memory_space<vmem>>) semaphore(%arg21 : memref<!tpu.dma_semaphore, #tpu.memory_space<semaphore_mem>>) {add = true}
        %dma_wait3A_570 = arith.constant 0 : i32
        %dma_wait3A_571 = tpu.memref_slice %arg10[%add3A_557, %dma_wait3A_570] : memref<40x128xi32, #tpu.memory_space<vmem>> -> memref<1x128xi32, #tpu.memory_space<vmem>>
        %dma_wait3A_572 = tpu.memref_squeeze %dma_wait3A_571 : memref<1x128xi32, #tpu.memory_space<vmem>> -> memref<128xi32, #tpu.memory_space<vmem>>
        %dma_wait3A_573 = arith.constant 0 : i32
        %dma_wait3A_574 = arith.constant 0 : i32
        %dma_wait3A_575 = tpu.memref_slice %arg8[%dma_wait3A_573, %dma_wait3A_574] : memref<10112x96xf32, #tpu.memory_space<vmem_shared>> -> memref<10112x96xf32, #tpu.memory_space<vmem_shared>>
        tpu.wait_indirect_dma semaphore(%arg21 : memref<!tpu.dma_semaphore, #tpu.memory_space<semaphore_mem>>) src(%arg13 : memref<128x96xf32, #tpu.memory_space<vmem>>) dst(%dma_wait3A_575 : memref<10112x96xf32, #tpu.memory_space<vmem_shared>>)
        %add3A_576 = arith.constant 4 : i32
        %add3A_577 = arith.addi %add3A_557, %add3A_576 : i32
        %dma_start3A_578 = arith.constant 0 : i32
        %dma_start3A_579 = tpu.memref_slice %arg9[%add3A_577, %dma_start3A_578] : memref<40x128xi32, #tpu.memory_space<vmem>> -> memref<1x128xi32, #tpu.memory_space<vmem>>
        %dma_start3A_580 = tpu.memref_squeeze %dma_start3A_579 : memref<1x128xi32, #tpu.memory_space<vmem>> -> memref<128xi32, #tpu.memory_space<vmem>>
        %dma_start3A_581 = arith.constant 0 : i32
        %dma_start3A_582 = arith.constant 0 : i32
        %dma_start3A_583 = tpu.memref_slice %arg2[%dma_start3A_581, %dma_start3A_582] : memref<10112x96xf32, #tpu.memory_space<hbm>> -> memref<10112x96xf32, #tpu.memory_space<hbm>>
        tpu.enqueue_indirect_dma source(%dma_start3A_583 : memref<10112x96xf32, #tpu.memory_space<hbm>>) target(%arg13 : memref<128x96xf32, #tpu.memory_space<vmem>>) offsets(%dma_start3A_580 : memref<128xi32, #tpu.memory_space<vmem>>) semaphore(%arg17 : memref<!tpu.dma_semaphore, #tpu.memory_space<semaphore_mem>>)
        %mul3A_584 = arith.constant 4 : i32
        %mul3A_585 = arith.muli %scan3A_493, %mul3A_584 : i32
        %add3A_586 = arith.constant 3 : i32
        %add3A_587 = arith.addi %mul3A_585, %add3A_586 : i32
        %dma_wait3A_588 = arith.constant 0 : i32
        %dma_wait3A_589 = tpu.memref_slice %arg9[%add3A_587, %dma_wait3A_588] : memref<40x128xi32, #tpu.memory_space<vmem>> -> memref<1x128xi32, #tpu.memory_space<vmem>>
        %dma_wait3A_590 = tpu.memref_squeeze %dma_wait3A_589 : memref<1x128xi32, #tpu.memory_space<vmem>> -> memref<128xi32, #tpu.memory_space<vmem>>
        %dma_wait3A_591 = arith.constant 0 : i32
        %dma_wait3A_592 = arith.constant 0 : i32
        %dma_wait3A_593 = tpu.memref_slice %arg2[%dma_wait3A_591, %dma_wait3A_592] : memref<10112x96xf32, #tpu.memory_space<hbm>> -> memref<10112x96xf32, #tpu.memory_space<hbm>>
        tpu.wait_indirect_dma semaphore(%arg18 : memref<!tpu.dma_semaphore, #tpu.memory_space<semaphore_mem>>) src(%dma_wait3A_593 : memref<10112x96xf32, #tpu.memory_space<hbm>>) dst(%arg14 : memref<128x96xf32, #tpu.memory_space<vmem>>)
        %dma_start3A_594 = arith.constant 0 : i32
        %dma_start3A_595 = tpu.memref_slice %arg10[%add3A_587, %dma_start3A_594] : memref<40x128xi32, #tpu.memory_space<vmem>> -> memref<1x128xi32, #tpu.memory_space<vmem>>
        %dma_start3A_596 = tpu.memref_squeeze %dma_start3A_595 : memref<1x128xi32, #tpu.memory_space<vmem>> -> memref<128xi32, #tpu.memory_space<vmem>>
        %dma_start3A_597 = arith.constant 0 : i32
        %dma_start3A_598 = arith.constant 0 : i32
        %dma_start3A_599 = tpu.memref_slice %arg8[%dma_start3A_597, %dma_start3A_598] : memref<10112x96xf32, #tpu.memory_space<vmem_shared>> -> memref<10112x96xf32, #tpu.memory_space<vmem_shared>>
        tpu.enqueue_indirect_dma source(%arg14 : memref<128x96xf32, #tpu.memory_space<vmem>>) target(%dma_start3A_599 : memref<10112x96xf32, #tpu.memory_space<vmem_shared>>) offsets(%dma_start3A_596 : memref<128xi32, #tpu.memory_space<vmem>>) semaphore(%arg22 : memref<!tpu.dma_semaphore, #tpu.memory_space<semaphore_mem>>) {add = true}
        %dma_wait3A_600 = arith.constant 0 : i32
        %dma_wait3A_601 = tpu.memref_slice %arg10[%add3A_587, %dma_wait3A_600] : memref<40x128xi32, #tpu.memory_space<vmem>> -> memref<1x128xi32, #tpu.memory_space<vmem>>
        %dma_wait3A_602 = tpu.memref_squeeze %dma_wait3A_601 : memref<1x128xi32, #tpu.memory_space<vmem>> -> memref<128xi32, #tpu.memory_space<vmem>>
        %dma_wait3A_603 = arith.constant 0 : i32
        %dma_wait3A_604 = arith.constant 0 : i32
        %dma_wait3A_605 = tpu.memref_slice %arg8[%dma_wait3A_603, %dma_wait3A_604] : memref<10112x96xf32, #tpu.memory_space<vmem_shared>> -> memref<10112x96xf32, #tpu.memory_space<vmem_shared>>
        tpu.wait_indirect_dma semaphore(%arg22 : memref<!tpu.dma_semaphore, #tpu.memory_space<semaphore_mem>>) src(%arg14 : memref<128x96xf32, #tpu.memory_space<vmem>>) dst(%dma_wait3A_605 : memref<10112x96xf32, #tpu.memory_space<vmem_shared>>)
        %add3A_606 = arith.constant 4 : i32
        %add3A_607 = arith.addi %add3A_587, %add3A_606 : i32
        %dma_start3A_608 = arith.constant 0 : i32
        %dma_start3A_609 = tpu.memref_slice %arg9[%add3A_607, %dma_start3A_608] : memref<40x128xi32, #tpu.memory_space<vmem>> -> memref<1x128xi32, #tpu.memory_space<vmem>>
        %dma_start3A_610 = tpu.memref_squeeze %dma_start3A_609 : memref<1x128xi32, #tpu.memory_space<vmem>> -> memref<128xi32, #tpu.memory_space<vmem>>
        %dma_start3A_611 = arith.constant 0 : i32
        %dma_start3A_612 = arith.constant 0 : i32
        %dma_start3A_613 = tpu.memref_slice %arg2[%dma_start3A_611, %dma_start3A_612] : memref<10112x96xf32, #tpu.memory_space<hbm>> -> memref<10112x96xf32, #tpu.memory_space<hbm>>
        tpu.enqueue_indirect_dma source(%dma_start3A_613 : memref<10112x96xf32, #tpu.memory_space<hbm>>) target(%arg14 : memref<128x96xf32, #tpu.memory_space<vmem>>) offsets(%dma_start3A_610 : memref<128xi32, #tpu.memory_space<vmem>>) semaphore(%arg18 : memref<!tpu.dma_semaphore, #tpu.memory_space<semaphore_mem>>)
      }
      %scan3A_163 = arith.constant 9 : i32
      %dma_wait3A_164 = arith.constant 36 : i32
      %dma_wait3A_165 = arith.constant 0 : i32
      %dma_wait3A_166 = tpu.memref_slice %arg9[%dma_wait3A_164, %dma_wait3A_165] : memref<40x128xi32, #tpu.memory_space<vmem>> -> memref<1x128xi32, #tpu.memory_space<vmem>>
      %dma_wait3A_167 = tpu.memref_squeeze %dma_wait3A_166 : memref<1x128xi32, #tpu.memory_space<vmem>> -> memref<128xi32, #tpu.memory_space<vmem>>
      %dma_wait3A_168 = arith.constant 0 : i32
      %dma_wait3A_169 = arith.constant 0 : i32
      %dma_wait3A_170 = tpu.memref_slice %arg2[%dma_wait3A_168, %dma_wait3A_169] : memref<10112x96xf32, #tpu.memory_space<hbm>> -> memref<10112x96xf32, #tpu.memory_space<hbm>>
      tpu.wait_indirect_dma semaphore(%arg15 : memref<!tpu.dma_semaphore, #tpu.memory_space<semaphore_mem>>) src(%dma_wait3A_170 : memref<10112x96xf32, #tpu.memory_space<hbm>>) dst(%arg11 : memref<128x96xf32, #tpu.memory_space<vmem>>)
      %dma_start3A_171 = arith.constant 36 : i32
      %dma_start3A_172 = arith.constant 0 : i32
      %dma_start3A_173 = tpu.memref_slice %arg10[%dma_start3A_171, %dma_start3A_172] : memref<40x128xi32, #tpu.memory_space<vmem>> -> memref<1x128xi32, #tpu.memory_space<vmem>>
      %dma_start3A_174 = tpu.memref_squeeze %dma_start3A_173 : memref<1x128xi32, #tpu.memory_space<vmem>> -> memref<128xi32, #tpu.memory_space<vmem>>
      %dma_start3A_175 = arith.constant 0 : i32
      %dma_start3A_176 = arith.constant 0 : i32
      %dma_start3A_177 = tpu.memref_slice %arg8[%dma_start3A_175, %dma_start3A_176] : memref<10112x96xf32, #tpu.memory_space<vmem_shared>> -> memref<10112x96xf32, #tpu.memory_space<vmem_shared>>
      tpu.enqueue_indirect_dma source(%arg11 : memref<128x96xf32, #tpu.memory_space<vmem>>) target(%dma_start3A_177 : memref<10112x96xf32, #tpu.memory_space<vmem_shared>>) offsets(%dma_start3A_174 : memref<128xi32, #tpu.memory_space<vmem>>) semaphore(%arg19 : memref<!tpu.dma_semaphore, #tpu.memory_space<semaphore_mem>>) {add = true}
      %dma_wait3A_178 = arith.constant 36 : i32
      %dma_wait3A_179 = arith.constant 0 : i32
      %dma_wait3A_180 = tpu.memref_slice %arg10[%dma_wait3A_178, %dma_wait3A_179] : memref<40x128xi32, #tpu.memory_space<vmem>> -> memref<1x128xi32, #tpu.memory_space<vmem>>
      %dma_wait3A_181 = tpu.memref_squeeze %dma_wait3A_180 : memref<1x128xi32, #tpu.memory_space<vmem>> -> memref<128xi32, #tpu.memory_space<vmem>>
      %dma_wait3A_182 = arith.constant 0 : i32
      %dma_wait3A_183 = arith.constant 0 : i32
      %dma_wait3A_184 = tpu.memref_slice %arg8[%dma_wait3A_182, %dma_wait3A_183] : memref<10112x96xf32, #tpu.memory_space<vmem_shared>> -> memref<10112x96xf32, #tpu.memory_space<vmem_shared>>
      tpu.wait_indirect_dma semaphore(%arg19 : memref<!tpu.dma_semaphore, #tpu.memory_space<semaphore_mem>>) src(%arg11 : memref<128x96xf32, #tpu.memory_space<vmem>>) dst(%dma_wait3A_184 : memref<10112x96xf32, #tpu.memory_space<vmem_shared>>)
      %dma_wait3A_185 = arith.constant 37 : i32
      %dma_wait3A_186 = arith.constant 0 : i32
      %dma_wait3A_187 = tpu.memref_slice %arg9[%dma_wait3A_185, %dma_wait3A_186] : memref<40x128xi32, #tpu.memory_space<vmem>> -> memref<1x128xi32, #tpu.memory_space<vmem>>
      %dma_wait3A_188 = tpu.memref_squeeze %dma_wait3A_187 : memref<1x128xi32, #tpu.memory_space<vmem>> -> memref<128xi32, #tpu.memory_space<vmem>>
      %dma_wait3A_189 = arith.constant 0 : i32
      %dma_wait3A_190 = arith.constant 0 : i32
      %dma_wait3A_191 = tpu.memref_slice %arg2[%dma_wait3A_189, %dma_wait3A_190] : memref<10112x96xf32, #tpu.memory_space<hbm>> -> memref<10112x96xf32, #tpu.memory_space<hbm>>
      tpu.wait_indirect_dma semaphore(%arg16 : memref<!tpu.dma_semaphore, #tpu.memory_space<semaphore_mem>>) src(%dma_wait3A_191 : memref<10112x96xf32, #tpu.memory_space<hbm>>) dst(%arg12 : memref<128x96xf32, #tpu.memory_space<vmem>>)
      %dma_start3A_192 = arith.constant 37 : i32
      %dma_start3A_193 = arith.constant 0 : i32
      %dma_start3A_194 = tpu.memref_slice %arg10[%dma_start3A_192, %dma_start3A_193] : memref<40x128xi32, #tpu.memory_space<vmem>> -> memref<1x128xi32, #tpu.memory_space<vmem>>
      %dma_start3A_195 = tpu.memref_squeeze %dma_start3A_194 : memref<1x128xi32, #tpu.memory_space<vmem>> -> memref<128xi32, #tpu.memory_space<vmem>>
      %dma_start3A_196 = arith.constant 0 : i32
      %dma_start3A_197 = arith.constant 0 : i32
      %dma_start3A_198 = tpu.memref_slice %arg8[%dma_start3A_196, %dma_start3A_197] : memref<10112x96xf32, #tpu.memory_space<vmem_shared>> -> memref<10112x96xf32, #tpu.memory_space<vmem_shared>>
      tpu.enqueue_indirect_dma source(%arg12 : memref<128x96xf32, #tpu.memory_space<vmem>>) target(%dma_start3A_198 : memref<10112x96xf32, #tpu.memory_space<vmem_shared>>) offsets(%dma_start3A_195 : memref<128xi32, #tpu.memory_space<vmem>>) semaphore(%arg20 : memref<!tpu.dma_semaphore, #tpu.memory_space<semaphore_mem>>) {add = true}
      %dma_wait3A_199 = arith.constant 37 : i32
      %dma_wait3A_200 = arith.constant 0 : i32
      %dma_wait3A_201 = tpu.memref_slice %arg10[%dma_wait3A_199, %dma_wait3A_200] : memref<40x128xi32, #tpu.memory_space<vmem>> -> memref<1x128xi32, #tpu.memory_space<vmem>>
      %dma_wait3A_202 = tpu.memref_squeeze %dma_wait3A_201 : memref<1x128xi32, #tpu.memory_space<vmem>> -> memref<128xi32, #tpu.memory_space<vmem>>
      %dma_wait3A_203 = arith.constant 0 : i32
      %dma_wait3A_204 = arith.constant 0 : i32
      %dma_wait3A_205 = tpu.memref_slice %arg8[%dma_wait3A_203, %dma_wait3A_204] : memref<10112x96xf32, #tpu.memory_space<vmem_shared>> -> memref<10112x96xf32, #tpu.memory_space<vmem_shared>>
      tpu.wait_indirect_dma semaphore(%arg20 : memref<!tpu.dma_semaphore, #tpu.memory_space<semaphore_mem>>) src(%arg12 : memref<128x96xf32, #tpu.memory_space<vmem>>) dst(%dma_wait3A_205 : memref<10112x96xf32, #tpu.memory_space<vmem_shared>>)
      %dma_wait3A_206 = arith.constant 38 : i32
      %dma_wait3A_207 = arith.constant 0 : i32
      %dma_wait3A_208 = tpu.memref_slice %arg9[%dma_wait3A_206, %dma_wait3A_207] : memref<40x128xi32, #tpu.memory_space<vmem>> -> memref<1x128xi32, #tpu.memory_space<vmem>>
      %dma_wait3A_209 = tpu.memref_squeeze %dma_wait3A_208 : memref<1x128xi32, #tpu.memory_space<vmem>> -> memref<128xi32, #tpu.memory_space<vmem>>
      %dma_wait3A_210 = arith.constant 0 : i32
      %dma_wait3A_211 = arith.constant 0 : i32
      %dma_wait3A_212 = tpu.memref_slice %arg2[%dma_wait3A_210, %dma_wait3A_211] : memref<10112x96xf32, #tpu.memory_space<hbm>> -> memref<10112x96xf32, #tpu.memory_space<hbm>>
      tpu.wait_indirect_dma semaphore(%arg17 : memref<!tpu.dma_semaphore, #tpu.memory_space<semaphore_mem>>) src(%dma_wait3A_212 : memref<10112x96xf32, #tpu.memory_space<hbm>>) dst(%arg13 : memref<128x96xf32, #tpu.memory_space<vmem>>)
      %dma_start3A_213 = arith.constant 38 : i32
      %dma_start3A_214 = arith.constant 0 : i32
      %dma_start3A_215 = tpu.memref_slice %arg10[%dma_start3A_213, %dma_start3A_214] : memref<40x128xi32, #tpu.memory_space<vmem>> -> memref<1x128xi32, #tpu.memory_space<vmem>>
      %dma_start3A_216 = tpu.memref_squeeze %dma_start3A_215 : memref<1x128xi32, #tpu.memory_space<vmem>> -> memref<128xi32, #tpu.memory_space<vmem>>
      %dma_start3A_217 = arith.constant 0 : i32
      %dma_start3A_218 = arith.constant 0 : i32
      %dma_start3A_219 = tpu.memref_slice %arg8[%dma_start3A_217, %dma_start3A_218] : memref<10112x96xf32, #tpu.memory_space<vmem_shared>> -> memref<10112x96xf32, #tpu.memory_space<vmem_shared>>
      tpu.enqueue_indirect_dma source(%arg13 : memref<128x96xf32, #tpu.memory_space<vmem>>) target(%dma_start3A_219 : memref<10112x96xf32, #tpu.memory_space<vmem_shared>>) offsets(%dma_start3A_216 : memref<128xi32, #tpu.memory_space<vmem>>) semaphore(%arg21 : memref<!tpu.dma_semaphore, #tpu.memory_space<semaphore_mem>>) {add = true}
      %dma_wait3A_220 = arith.constant 38 : i32
      %dma_wait3A_221 = arith.constant 0 : i32
      %dma_wait3A_222 = tpu.memref_slice %arg10[%dma_wait3A_220, %dma_wait3A_221] : memref<40x128xi32, #tpu.memory_space<vmem>> -> memref<1x128xi32, #tpu.memory_space<vmem>>
      %dma_wait3A_223 = tpu.memref_squeeze %dma_wait3A_222 : memref<1x128xi32, #tpu.memory_space<vmem>> -> memref<128xi32, #tpu.memory_space<vmem>>
      %dma_wait3A_224 = arith.constant 0 : i32
      %dma_wait3A_225 = arith.constant 0 : i32
      %dma_wait3A_226 = tpu.memref_slice %arg8[%dma_wait3A_224, %dma_wait3A_225] : memref<10112x96xf32, #tpu.memory_space<vmem_shared>> -> memref<10112x96xf32, #tpu.memory_space<vmem_shared>>
      tpu.wait_indirect_dma semaphore(%arg21 : memref<!tpu.dma_semaphore, #tpu.memory_space<semaphore_mem>>) src(%arg13 : memref<128x96xf32, #tpu.memory_space<vmem>>) dst(%dma_wait3A_226 : memref<10112x96xf32, #tpu.memory_space<vmem_shared>>)
      %dma_wait3A_227 = arith.constant 39 : i32
      %dma_wait3A_228 = arith.constant 0 : i32
      %dma_wait3A_229 = tpu.memref_slice %arg9[%dma_wait3A_227, %dma_wait3A_228] : memref<40x128xi32, #tpu.memory_space<vmem>> -> memref<1x128xi32, #tpu.memory_space<vmem>>
      %dma_wait3A_230 = tpu.memref_squeeze %dma_wait3A_229 : memref<1x128xi32, #tpu.memory_space<vmem>> -> memref<128xi32, #tpu.memory_space<vmem>>
      %dma_wait3A_231 = arith.constant 0 : i32
      %dma_wait3A_232 = arith.constant 0 : i32
      %dma_wait3A_233 = tpu.memref_slice %arg2[%dma_wait3A_231, %dma_wait3A_232] : memref<10112x96xf32, #tpu.memory_space<hbm>> -> memref<10112x96xf32, #tpu.memory_space<hbm>>
      tpu.wait_indirect_dma semaphore(%arg18 : memref<!tpu.dma_semaphore, #tpu.memory_space<semaphore_mem>>) src(%dma_wait3A_233 : memref<10112x96xf32, #tpu.memory_space<hbm>>) dst(%arg14 : memref<128x96xf32, #tpu.memory_space<vmem>>)
      %dma_start3A_234 = arith.constant 39 : i32
      %dma_start3A_235 = arith.constant 0 : i32
      %dma_start3A_236 = tpu.memref_slice %arg10[%dma_start3A_234, %dma_start3A_235] : memref<40x128xi32, #tpu.memory_space<vmem>> -> memref<1x128xi32, #tpu.memory_space<vmem>>
      %dma_start3A_237 = tpu.memref_squeeze %dma_start3A_236 : memref<1x128xi32, #tpu.memory_space<vmem>> -> memref<128xi32, #tpu.memory_space<vmem>>
      %dma_start3A_238 = arith.constant 0 : i32
      %dma_start3A_239 = arith.constant 0 : i32
      %dma_start3A_240 = tpu.memref_slice %arg8[%dma_start3A_238, %dma_start3A_239] : memref<10112x96xf32, #tpu.memory_space<vmem_shared>> -> memref<10112x96xf32, #tpu.memory_space<vmem_shared>>
      tpu.enqueue_indirect_dma source(%arg14 : memref<128x96xf32, #tpu.memory_space<vmem>>) target(%dma_start3A_240 : memref<10112x96xf32, #tpu.memory_space<vmem_shared>>) offsets(%dma_start3A_237 : memref<128xi32, #tpu.memory_space<vmem>>) semaphore(%arg22 : memref<!tpu.dma_semaphore, #tpu.memory_space<semaphore_mem>>) {add = true}
      %dma_wait3A_241 = arith.constant 39 : i32
      %dma_wait3A_242 = arith.constant 0 : i32
      %dma_wait3A_243 = tpu.memref_slice %arg10[%dma_wait3A_241, %dma_wait3A_242] : memref<40x128xi32, #tpu.memory_space<vmem>> -> memref<1x128xi32, #tpu.memory_space<vmem>>
      %dma_wait3A_244 = tpu.memref_squeeze %dma_wait3A_243 : memref<1x128xi32, #tpu.memory_space<vmem>> -> memref<128xi32, #tpu.memory_space<vmem>>
      %dma_wait3A_245 = arith.constant 0 : i32
      %dma_wait3A_246 = arith.constant 0 : i32
      %dma_wait3A_247 = tpu.memref_slice %arg8[%dma_wait3A_245, %dma_wait3A_246] : memref<10112x96xf32, #tpu.memory_space<vmem_shared>> -> memref<10112x96xf32, #tpu.memory_space<vmem_shared>>
      tpu.wait_indirect_dma semaphore(%arg22 : memref<!tpu.dma_semaphore, #tpu.memory_space<semaphore_mem>>) src(%arg14 : memref<128x96xf32, #tpu.memory_space<vmem>>) dst(%dma_wait3A_247 : memref<10112x96xf32, #tpu.memory_space<vmem_shared>>)
      %mul3A_248 = arith.constant 160 : i32
      %mul3A_249 = arith.muli %arg1, %mul3A_248 : i32
      %add3A_250 = arith.constant 80 : i32
      %add3A_251 = arith.addi %mul3A_249, %add3A_250 : i32
      "tpu.region"() ({
        %run_scoped3A = tpu.sem_alloc : memref<!tpu.dma_semaphore, #tpu.memory_space<semaphore_mem>>
        %dma_start3A_493 = arith.constant 0 : i32
        %dma_start3A_494 = tpu.memref_slice %arg4[%add3A_251, %dma_start3A_493] : memref<2560x128xi32, #tpu.memory_space<hbm>> -> memref<40x128xi32, #tpu.memory_space<hbm>>
        %dma_start3A_495 = arith.constant 0 : i32
        %dma_start3A_496 = tpu.memref_slice %arg4[%add3A_251, %dma_start3A_495] : memref<2560x128xi32, #tpu.memory_space<hbm>> -> memref<40x128xi32, #tpu.memory_space<hbm>>
        tpu.enqueue_dma source(%dma_start3A_496 : memref<40x128xi32, #tpu.memory_space<hbm>>) target(%arg9 : memref<40x128xi32, #tpu.memory_space<vmem>>) target_semaphore(%run_scoped3A : memref<!tpu.dma_semaphore, #tpu.memory_space<semaphore_mem>>)
        %dma_wait3A_497 = arith.constant 0 : i32
        %dma_wait3A_498 = tpu.memref_slice %arg4[%add3A_251, %dma_wait3A_497] : memref<2560x128xi32, #tpu.memory_space<hbm>> -> memref<40x128xi32, #tpu.memory_space<hbm>>
        %dma_wait3A_499 = arith.constant 0 : i32
        %dma_wait3A_500 = tpu.memref_slice %arg4[%add3A_251, %dma_wait3A_499] : memref<2560x128xi32, #tpu.memory_space<hbm>> -> memref<40x128xi32, #tpu.memory_space<hbm>>
        tpu.wait_dma2 semaphore(%run_scoped3A : memref<!tpu.dma_semaphore, #tpu.memory_space<semaphore_mem>>) src(%dma_wait3A_500 : memref<40x128xi32, #tpu.memory_space<hbm>>) dst(%arg9 : memref<40x128xi32, #tpu.memory_space<vmem>>)
        tpu.yield
      }) : () -> ()
      "tpu.region"() ({
        %run_scoped3A = tpu.sem_alloc : memref<!tpu.dma_semaphore, #tpu.memory_space<semaphore_mem>>
        %dma_start3A_493 = arith.constant 0 : i32
        %dma_start3A_494 = tpu.memref_slice %arg5[%add3A_251, %dma_start3A_493] : memref<2560x128xi32, #tpu.memory_space<hbm>> -> memref<40x128xi32, #tpu.memory_space<hbm>>
        %dma_start3A_495 = arith.constant 0 : i32
        %dma_start3A_496 = tpu.memref_slice %arg5[%add3A_251, %dma_start3A_495] : memref<2560x128xi32, #tpu.memory_space<hbm>> -> memref<40x128xi32, #tpu.memory_space<hbm>>
        tpu.enqueue_dma source(%dma_start3A_496 : memref<40x128xi32, #tpu.memory_space<hbm>>) target(%arg10 : memref<40x128xi32, #tpu.memory_space<vmem>>) target_semaphore(%run_scoped3A : memref<!tpu.dma_semaphore, #tpu.memory_space<semaphore_mem>>)
        %dma_wait3A_497 = arith.constant 0 : i32
        %dma_wait3A_498 = tpu.memref_slice %arg5[%add3A_251, %dma_wait3A_497] : memref<2560x128xi32, #tpu.memory_space<hbm>> -> memref<40x128xi32, #tpu.memory_space<hbm>>
        %dma_wait3A_499 = arith.constant 0 : i32
        %dma_wait3A_500 = tpu.memref_slice %arg5[%add3A_251, %dma_wait3A_499] : memref<2560x128xi32, #tpu.memory_space<hbm>> -> memref<40x128xi32, #tpu.memory_space<hbm>>
        tpu.wait_dma2 semaphore(%run_scoped3A : memref<!tpu.dma_semaphore, #tpu.memory_space<semaphore_mem>>) src(%dma_wait3A_500 : memref<40x128xi32, #tpu.memory_space<hbm>>) dst(%arg10 : memref<40x128xi32, #tpu.memory_space<vmem>>)
        tpu.yield
      }) : () -> ()
      %dma_start3A_252 = arith.constant 0 : i32
      %dma_start3A_253 = arith.constant 0 : i32
      %dma_start3A_254 = tpu.memref_slice %arg9[%dma_start3A_252, %dma_start3A_253] : memref<40x128xi32, #tpu.memory_space<vmem>> -> memref<1x128xi32, #tpu.memory_space<vmem>>
      %dma_start3A_255 = tpu.memref_squeeze %dma_start3A_254 : memref<1x128xi32, #tpu.memory_space<vmem>> -> memref<128xi32, #tpu.memory_space<vmem>>
      %dma_start3A_256 = arith.constant 0 : i32
      %dma_start3A_257 = arith.constant 0 : i32
      %dma_start3A_258 = tpu.memref_slice %arg2[%dma_start3A_256, %dma_start3A_257] : memref<10112x96xf32, #tpu.memory_space<hbm>> -> memref<10112x96xf32, #tpu.memory_space<hbm>>
      tpu.enqueue_indirect_dma source(%dma_start3A_258 : memref<10112x96xf32, #tpu.memory_space<hbm>>) target(%arg11 : memref<128x96xf32, #tpu.memory_space<vmem>>) offsets(%dma_start3A_255 : memref<128xi32, #tpu.memory_space<vmem>>) semaphore(%arg15 : memref<!tpu.dma_semaphore, #tpu.memory_space<semaphore_mem>>)
      %dma_start3A_259 = arith.constant 1 : i32
      %dma_start3A_260 = arith.constant 0 : i32
      %dma_start3A_261 = tpu.memref_slice %arg9[%dma_start3A_259, %dma_start3A_260] : memref<40x128xi32, #tpu.memory_space<vmem>> -> memref<1x128xi32, #tpu.memory_space<vmem>>
      %dma_start3A_262 = tpu.memref_squeeze %dma_start3A_261 : memref<1x128xi32, #tpu.memory_space<vmem>> -> memref<128xi32, #tpu.memory_space<vmem>>
      %dma_start3A_263 = arith.constant 0 : i32
      %dma_start3A_264 = arith.constant 0 : i32
      %dma_start3A_265 = tpu.memref_slice %arg2[%dma_start3A_263, %dma_start3A_264] : memref<10112x96xf32, #tpu.memory_space<hbm>> -> memref<10112x96xf32, #tpu.memory_space<hbm>>
      tpu.enqueue_indirect_dma source(%dma_start3A_265 : memref<10112x96xf32, #tpu.memory_space<hbm>>) target(%arg12 : memref<128x96xf32, #tpu.memory_space<vmem>>) offsets(%dma_start3A_262 : memref<128xi32, #tpu.memory_space<vmem>>) semaphore(%arg16 : memref<!tpu.dma_semaphore, #tpu.memory_space<semaphore_mem>>)
      %dma_start3A_266 = arith.constant 2 : i32
      %dma_start3A_267 = arith.constant 0 : i32
      %dma_start3A_268 = tpu.memref_slice %arg9[%dma_start3A_266, %dma_start3A_267] : memref<40x128xi32, #tpu.memory_space<vmem>> -> memref<1x128xi32, #tpu.memory_space<vmem>>
      %dma_start3A_269 = tpu.memref_squeeze %dma_start3A_268 : memref<1x128xi32, #tpu.memory_space<vmem>> -> memref<128xi32, #tpu.memory_space<vmem>>
      %dma_start3A_270 = arith.constant 0 : i32
      %dma_start3A_271 = arith.constant 0 : i32
      %dma_start3A_272 = tpu.memref_slice %arg2[%dma_start3A_270, %dma_start3A_271] : memref<10112x96xf32, #tpu.memory_space<hbm>> -> memref<10112x96xf32, #tpu.memory_space<hbm>>
      tpu.enqueue_indirect_dma source(%dma_start3A_272 : memref<10112x96xf32, #tpu.memory_space<hbm>>) target(%arg13 : memref<128x96xf32, #tpu.memory_space<vmem>>) offsets(%dma_start3A_269 : memref<128xi32, #tpu.memory_space<vmem>>) semaphore(%arg17 : memref<!tpu.dma_semaphore, #tpu.memory_space<semaphore_mem>>)
      %dma_start3A_273 = arith.constant 3 : i32
      %dma_start3A_274 = arith.constant 0 : i32
      %dma_start3A_275 = tpu.memref_slice %arg9[%dma_start3A_273, %dma_start3A_274] : memref<40x128xi32, #tpu.memory_space<vmem>> -> memref<1x128xi32, #tpu.memory_space<vmem>>
      %dma_start3A_276 = tpu.memref_squeeze %dma_start3A_275 : memref<1x128xi32, #tpu.memory_space<vmem>> -> memref<128xi32, #tpu.memory_space<vmem>>
      %dma_start3A_277 = arith.constant 0 : i32
      %dma_start3A_278 = arith.constant 0 : i32
      %dma_start3A_279 = tpu.memref_slice %arg2[%dma_start3A_277, %dma_start3A_278] : memref<10112x96xf32, #tpu.memory_space<hbm>> -> memref<10112x96xf32, #tpu.memory_space<hbm>>
      tpu.enqueue_indirect_dma source(%dma_start3A_279 : memref<10112x96xf32, #tpu.memory_space<hbm>>) target(%arg14 : memref<128x96xf32, #tpu.memory_space<vmem>>) offsets(%dma_start3A_276 : memref<128xi32, #tpu.memory_space<vmem>>) semaphore(%arg18 : memref<!tpu.dma_semaphore, #tpu.memory_space<semaphore_mem>>)
      %scan3A_280 = arith.constant 0 : i32
      %scan3A_281 = arith.constant 0 : i32
      %scan3A_282 = arith.constant 9 : i32
      %scan3A_283 = arith.addi %scan3A_281, %scan3A_282 : i32
      %scan3A_284 = arith.constant 1 : i32
      scf.for %scan3A_493 = %scan3A_281 to %scan3A_283 step %scan3A_284  : i32 {
        %mul3A_494 = arith.constant 4 : i32
        %mul3A_495 = arith.muli %scan3A_493, %mul3A_494 : i32
        %add3A_496 = arith.constant 0 : i32
        %add3A_497 = arith.addi %mul3A_495, %add3A_496 : i32
        %dma_wait3A_498 = arith.constant 0 : i32
        %dma_wait3A_499 = tpu.memref_slice %arg9[%add3A_497, %dma_wait3A_498] : memref<40x128xi32, #tpu.memory_space<vmem>> -> memref<1x128xi32, #tpu.memory_space<vmem>>
        %dma_wait3A_500 = tpu.memref_squeeze %dma_wait3A_499 : memref<1x128xi32, #tpu.memory_space<vmem>> -> memref<128xi32, #tpu.memory_space<vmem>>
        %dma_wait3A_501 = arith.constant 0 : i32
        %dma_wait3A_502 = arith.constant 0 : i32
        %dma_wait3A_503 = tpu.memref_slice %arg2[%dma_wait3A_501, %dma_wait3A_502] : memref<10112x96xf32, #tpu.memory_space<hbm>> -> memref<10112x96xf32, #tpu.memory_space<hbm>>
        tpu.wait_indirect_dma semaphore(%arg15 : memref<!tpu.dma_semaphore, #tpu.memory_space<semaphore_mem>>) src(%dma_wait3A_503 : memref<10112x96xf32, #tpu.memory_space<hbm>>) dst(%arg11 : memref<128x96xf32, #tpu.memory_space<vmem>>)
        %dma_start3A_504 = arith.constant 0 : i32
        %dma_start3A_505 = tpu.memref_slice %arg10[%add3A_497, %dma_start3A_504] : memref<40x128xi32, #tpu.memory_space<vmem>> -> memref<1x128xi32, #tpu.memory_space<vmem>>
        %dma_start3A_506 = tpu.memref_squeeze %dma_start3A_505 : memref<1x128xi32, #tpu.memory_space<vmem>> -> memref<128xi32, #tpu.memory_space<vmem>>
        %dma_start3A_507 = arith.constant 0 : i32
        %dma_start3A_508 = arith.constant 0 : i32
        %dma_start3A_509 = tpu.memref_slice %arg8[%dma_start3A_507, %dma_start3A_508] : memref<10112x96xf32, #tpu.memory_space<vmem_shared>> -> memref<10112x96xf32, #tpu.memory_space<vmem_shared>>
        tpu.enqueue_indirect_dma source(%arg11 : memref<128x96xf32, #tpu.memory_space<vmem>>) target(%dma_start3A_509 : memref<10112x96xf32, #tpu.memory_space<vmem_shared>>) offsets(%dma_start3A_506 : memref<128xi32, #tpu.memory_space<vmem>>) semaphore(%arg19 : memref<!tpu.dma_semaphore, #tpu.memory_space<semaphore_mem>>) {add = true}
        %dma_wait3A_510 = arith.constant 0 : i32
        %dma_wait3A_511 = tpu.memref_slice %arg10[%add3A_497, %dma_wait3A_510] : memref<40x128xi32, #tpu.memory_space<vmem>> -> memref<1x128xi32, #tpu.memory_space<vmem>>
        %dma_wait3A_512 = tpu.memref_squeeze %dma_wait3A_511 : memref<1x128xi32, #tpu.memory_space<vmem>> -> memref<128xi32, #tpu.memory_space<vmem>>
        %dma_wait3A_513 = arith.constant 0 : i32
        %dma_wait3A_514 = arith.constant 0 : i32
        %dma_wait3A_515 = tpu.memref_slice %arg8[%dma_wait3A_513, %dma_wait3A_514] : memref<10112x96xf32, #tpu.memory_space<vmem_shared>> -> memref<10112x96xf32, #tpu.memory_space<vmem_shared>>
        tpu.wait_indirect_dma semaphore(%arg19 : memref<!tpu.dma_semaphore, #tpu.memory_space<semaphore_mem>>) src(%arg11 : memref<128x96xf32, #tpu.memory_space<vmem>>) dst(%dma_wait3A_515 : memref<10112x96xf32, #tpu.memory_space<vmem_shared>>)
        %add3A_516 = arith.constant 4 : i32
        %add3A_517 = arith.addi %add3A_497, %add3A_516 : i32
        %dma_start3A_518 = arith.constant 0 : i32
        %dma_start3A_519 = tpu.memref_slice %arg9[%add3A_517, %dma_start3A_518] : memref<40x128xi32, #tpu.memory_space<vmem>> -> memref<1x128xi32, #tpu.memory_space<vmem>>
        %dma_start3A_520 = tpu.memref_squeeze %dma_start3A_519 : memref<1x128xi32, #tpu.memory_space<vmem>> -> memref<128xi32, #tpu.memory_space<vmem>>
        %dma_start3A_521 = arith.constant 0 : i32
        %dma_start3A_522 = arith.constant 0 : i32
        %dma_start3A_523 = tpu.memref_slice %arg2[%dma_start3A_521, %dma_start3A_522] : memref<10112x96xf32, #tpu.memory_space<hbm>> -> memref<10112x96xf32, #tpu.memory_space<hbm>>
        tpu.enqueue_indirect_dma source(%dma_start3A_523 : memref<10112x96xf32, #tpu.memory_space<hbm>>) target(%arg11 : memref<128x96xf32, #tpu.memory_space<vmem>>) offsets(%dma_start3A_520 : memref<128xi32, #tpu.memory_space<vmem>>) semaphore(%arg15 : memref<!tpu.dma_semaphore, #tpu.memory_space<semaphore_mem>>)
        %mul3A_524 = arith.constant 4 : i32
        %mul3A_525 = arith.muli %scan3A_493, %mul3A_524 : i32
        %add3A_526 = arith.constant 1 : i32
        %add3A_527 = arith.addi %mul3A_525, %add3A_526 : i32
        %dma_wait3A_528 = arith.constant 0 : i32
        %dma_wait3A_529 = tpu.memref_slice %arg9[%add3A_527, %dma_wait3A_528] : memref<40x128xi32, #tpu.memory_space<vmem>> -> memref<1x128xi32, #tpu.memory_space<vmem>>
        %dma_wait3A_530 = tpu.memref_squeeze %dma_wait3A_529 : memref<1x128xi32, #tpu.memory_space<vmem>> -> memref<128xi32, #tpu.memory_space<vmem>>
        %dma_wait3A_531 = arith.constant 0 : i32
        %dma_wait3A_532 = arith.constant 0 : i32
        %dma_wait3A_533 = tpu.memref_slice %arg2[%dma_wait3A_531, %dma_wait3A_532] : memref<10112x96xf32, #tpu.memory_space<hbm>> -> memref<10112x96xf32, #tpu.memory_space<hbm>>
        tpu.wait_indirect_dma semaphore(%arg16 : memref<!tpu.dma_semaphore, #tpu.memory_space<semaphore_mem>>) src(%dma_wait3A_533 : memref<10112x96xf32, #tpu.memory_space<hbm>>) dst(%arg12 : memref<128x96xf32, #tpu.memory_space<vmem>>)
        %dma_start3A_534 = arith.constant 0 : i32
        %dma_start3A_535 = tpu.memref_slice %arg10[%add3A_527, %dma_start3A_534] : memref<40x128xi32, #tpu.memory_space<vmem>> -> memref<1x128xi32, #tpu.memory_space<vmem>>
        %dma_start3A_536 = tpu.memref_squeeze %dma_start3A_535 : memref<1x128xi32, #tpu.memory_space<vmem>> -> memref<128xi32, #tpu.memory_space<vmem>>
        %dma_start3A_537 = arith.constant 0 : i32
        %dma_start3A_538 = arith.constant 0 : i32
        %dma_start3A_539 = tpu.memref_slice %arg8[%dma_start3A_537, %dma_start3A_538] : memref<10112x96xf32, #tpu.memory_space<vmem_shared>> -> memref<10112x96xf32, #tpu.memory_space<vmem_shared>>
        tpu.enqueue_indirect_dma source(%arg12 : memref<128x96xf32, #tpu.memory_space<vmem>>) target(%dma_start3A_539 : memref<10112x96xf32, #tpu.memory_space<vmem_shared>>) offsets(%dma_start3A_536 : memref<128xi32, #tpu.memory_space<vmem>>) semaphore(%arg20 : memref<!tpu.dma_semaphore, #tpu.memory_space<semaphore_mem>>) {add = true}
        %dma_wait3A_540 = arith.constant 0 : i32
        %dma_wait3A_541 = tpu.memref_slice %arg10[%add3A_527, %dma_wait3A_540] : memref<40x128xi32, #tpu.memory_space<vmem>> -> memref<1x128xi32, #tpu.memory_space<vmem>>
        %dma_wait3A_542 = tpu.memref_squeeze %dma_wait3A_541 : memref<1x128xi32, #tpu.memory_space<vmem>> -> memref<128xi32, #tpu.memory_space<vmem>>
        %dma_wait3A_543 = arith.constant 0 : i32
        %dma_wait3A_544 = arith.constant 0 : i32
        %dma_wait3A_545 = tpu.memref_slice %arg8[%dma_wait3A_543, %dma_wait3A_544] : memref<10112x96xf32, #tpu.memory_space<vmem_shared>> -> memref<10112x96xf32, #tpu.memory_space<vmem_shared>>
        tpu.wait_indirect_dma semaphore(%arg20 : memref<!tpu.dma_semaphore, #tpu.memory_space<semaphore_mem>>) src(%arg12 : memref<128x96xf32, #tpu.memory_space<vmem>>) dst(%dma_wait3A_545 : memref<10112x96xf32, #tpu.memory_space<vmem_shared>>)
        %add3A_546 = arith.constant 4 : i32
        %add3A_547 = arith.addi %add3A_527, %add3A_546 : i32
        %dma_start3A_548 = arith.constant 0 : i32
        %dma_start3A_549 = tpu.memref_slice %arg9[%add3A_547, %dma_start3A_548] : memref<40x128xi32, #tpu.memory_space<vmem>> -> memref<1x128xi32, #tpu.memory_space<vmem>>
        %dma_start3A_550 = tpu.memref_squeeze %dma_start3A_549 : memref<1x128xi32, #tpu.memory_space<vmem>> -> memref<128xi32, #tpu.memory_space<vmem>>
        %dma_start3A_551 = arith.constant 0 : i32
        %dma_start3A_552 = arith.constant 0 : i32
        %dma_start3A_553 = tpu.memref_slice %arg2[%dma_start3A_551, %dma_start3A_552] : memref<10112x96xf32, #tpu.memory_space<hbm>> -> memref<10112x96xf32, #tpu.memory_space<hbm>>
        tpu.enqueue_indirect_dma source(%dma_start3A_553 : memref<10112x96xf32, #tpu.memory_space<hbm>>) target(%arg12 : memref<128x96xf32, #tpu.memory_space<vmem>>) offsets(%dma_start3A_550 : memref<128xi32, #tpu.memory_space<vmem>>) semaphore(%arg16 : memref<!tpu.dma_semaphore, #tpu.memory_space<semaphore_mem>>)
        %mul3A_554 = arith.constant 4 : i32
        %mul3A_555 = arith.muli %scan3A_493, %mul3A_554 : i32
        %add3A_556 = arith.constant 2 : i32
        %add3A_557 = arith.addi %mul3A_555, %add3A_556 : i32
        %dma_wait3A_558 = arith.constant 0 : i32
        %dma_wait3A_559 = tpu.memref_slice %arg9[%add3A_557, %dma_wait3A_558] : memref<40x128xi32, #tpu.memory_space<vmem>> -> memref<1x128xi32, #tpu.memory_space<vmem>>
        %dma_wait3A_560 = tpu.memref_squeeze %dma_wait3A_559 : memref<1x128xi32, #tpu.memory_space<vmem>> -> memref<128xi32, #tpu.memory_space<vmem>>
        %dma_wait3A_561 = arith.constant 0 : i32
        %dma_wait3A_562 = arith.constant 0 : i32
        %dma_wait3A_563 = tpu.memref_slice %arg2[%dma_wait3A_561, %dma_wait3A_562] : memref<10112x96xf32, #tpu.memory_space<hbm>> -> memref<10112x96xf32, #tpu.memory_space<hbm>>
        tpu.wait_indirect_dma semaphore(%arg17 : memref<!tpu.dma_semaphore, #tpu.memory_space<semaphore_mem>>) src(%dma_wait3A_563 : memref<10112x96xf32, #tpu.memory_space<hbm>>) dst(%arg13 : memref<128x96xf32, #tpu.memory_space<vmem>>)
        %dma_start3A_564 = arith.constant 0 : i32
        %dma_start3A_565 = tpu.memref_slice %arg10[%add3A_557, %dma_start3A_564] : memref<40x128xi32, #tpu.memory_space<vmem>> -> memref<1x128xi32, #tpu.memory_space<vmem>>
        %dma_start3A_566 = tpu.memref_squeeze %dma_start3A_565 : memref<1x128xi32, #tpu.memory_space<vmem>> -> memref<128xi32, #tpu.memory_space<vmem>>
        %dma_start3A_567 = arith.constant 0 : i32
        %dma_start3A_568 = arith.constant 0 : i32
        %dma_start3A_569 = tpu.memref_slice %arg8[%dma_start3A_567, %dma_start3A_568] : memref<10112x96xf32, #tpu.memory_space<vmem_shared>> -> memref<10112x96xf32, #tpu.memory_space<vmem_shared>>
        tpu.enqueue_indirect_dma source(%arg13 : memref<128x96xf32, #tpu.memory_space<vmem>>) target(%dma_start3A_569 : memref<10112x96xf32, #tpu.memory_space<vmem_shared>>) offsets(%dma_start3A_566 : memref<128xi32, #tpu.memory_space<vmem>>) semaphore(%arg21 : memref<!tpu.dma_semaphore, #tpu.memory_space<semaphore_mem>>) {add = true}
        %dma_wait3A_570 = arith.constant 0 : i32
        %dma_wait3A_571 = tpu.memref_slice %arg10[%add3A_557, %dma_wait3A_570] : memref<40x128xi32, #tpu.memory_space<vmem>> -> memref<1x128xi32, #tpu.memory_space<vmem>>
        %dma_wait3A_572 = tpu.memref_squeeze %dma_wait3A_571 : memref<1x128xi32, #tpu.memory_space<vmem>> -> memref<128xi32, #tpu.memory_space<vmem>>
        %dma_wait3A_573 = arith.constant 0 : i32
        %dma_wait3A_574 = arith.constant 0 : i32
        %dma_wait3A_575 = tpu.memref_slice %arg8[%dma_wait3A_573, %dma_wait3A_574] : memref<10112x96xf32, #tpu.memory_space<vmem_shared>> -> memref<10112x96xf32, #tpu.memory_space<vmem_shared>>
        tpu.wait_indirect_dma semaphore(%arg21 : memref<!tpu.dma_semaphore, #tpu.memory_space<semaphore_mem>>) src(%arg13 : memref<128x96xf32, #tpu.memory_space<vmem>>) dst(%dma_wait3A_575 : memref<10112x96xf32, #tpu.memory_space<vmem_shared>>)
        %add3A_576 = arith.constant 4 : i32
        %add3A_577 = arith.addi %add3A_557, %add3A_576 : i32
        %dma_start3A_578 = arith.constant 0 : i32
        %dma_start3A_579 = tpu.memref_slice %arg9[%add3A_577, %dma_start3A_578] : memref<40x128xi32, #tpu.memory_space<vmem>> -> memref<1x128xi32, #tpu.memory_space<vmem>>
        %dma_start3A_580 = tpu.memref_squeeze %dma_start3A_579 : memref<1x128xi32, #tpu.memory_space<vmem>> -> memref<128xi32, #tpu.memory_space<vmem>>
        %dma_start3A_581 = arith.constant 0 : i32
        %dma_start3A_582 = arith.constant 0 : i32
        %dma_start3A_583 = tpu.memref_slice %arg2[%dma_start3A_581, %dma_start3A_582] : memref<10112x96xf32, #tpu.memory_space<hbm>> -> memref<10112x96xf32, #tpu.memory_space<hbm>>
        tpu.enqueue_indirect_dma source(%dma_start3A_583 : memref<10112x96xf32, #tpu.memory_space<hbm>>) target(%arg13 : memref<128x96xf32, #tpu.memory_space<vmem>>) offsets(%dma_start3A_580 : memref<128xi32, #tpu.memory_space<vmem>>) semaphore(%arg17 : memref<!tpu.dma_semaphore, #tpu.memory_space<semaphore_mem>>)
        %mul3A_584 = arith.constant 4 : i32
        %mul3A_585 = arith.muli %scan3A_493, %mul3A_584 : i32
        %add3A_586 = arith.constant 3 : i32
        %add3A_587 = arith.addi %mul3A_585, %add3A_586 : i32
        %dma_wait3A_588 = arith.constant 0 : i32
        %dma_wait3A_589 = tpu.memref_slice %arg9[%add3A_587, %dma_wait3A_588] : memref<40x128xi32, #tpu.memory_space<vmem>> -> memref<1x128xi32, #tpu.memory_space<vmem>>
        %dma_wait3A_590 = tpu.memref_squeeze %dma_wait3A_589 : memref<1x128xi32, #tpu.memory_space<vmem>> -> memref<128xi32, #tpu.memory_space<vmem>>
        %dma_wait3A_591 = arith.constant 0 : i32
        %dma_wait3A_592 = arith.constant 0 : i32
        %dma_wait3A_593 = tpu.memref_slice %arg2[%dma_wait3A_591, %dma_wait3A_592] : memref<10112x96xf32, #tpu.memory_space<hbm>> -> memref<10112x96xf32, #tpu.memory_space<hbm>>
        tpu.wait_indirect_dma semaphore(%arg18 : memref<!tpu.dma_semaphore, #tpu.memory_space<semaphore_mem>>) src(%dma_wait3A_593 : memref<10112x96xf32, #tpu.memory_space<hbm>>) dst(%arg14 : memref<128x96xf32, #tpu.memory_space<vmem>>)
        %dma_start3A_594 = arith.constant 0 : i32
        %dma_start3A_595 = tpu.memref_slice %arg10[%add3A_587, %dma_start3A_594] : memref<40x128xi32, #tpu.memory_space<vmem>> -> memref<1x128xi32, #tpu.memory_space<vmem>>
        %dma_start3A_596 = tpu.memref_squeeze %dma_start3A_595 : memref<1x128xi32, #tpu.memory_space<vmem>> -> memref<128xi32, #tpu.memory_space<vmem>>
        %dma_start3A_597 = arith.constant 0 : i32
        %dma_start3A_598 = arith.constant 0 : i32
        %dma_start3A_599 = tpu.memref_slice %arg8[%dma_start3A_597, %dma_start3A_598] : memref<10112x96xf32, #tpu.memory_space<vmem_shared>> -> memref<10112x96xf32, #tpu.memory_space<vmem_shared>>
        tpu.enqueue_indirect_dma source(%arg14 : memref<128x96xf32, #tpu.memory_space<vmem>>) target(%dma_start3A_599 : memref<10112x96xf32, #tpu.memory_space<vmem_shared>>) offsets(%dma_start3A_596 : memref<128xi32, #tpu.memory_space<vmem>>) semaphore(%arg22 : memref<!tpu.dma_semaphore, #tpu.memory_space<semaphore_mem>>) {add = true}
        %dma_wait3A_600 = arith.constant 0 : i32
        %dma_wait3A_601 = tpu.memref_slice %arg10[%add3A_587, %dma_wait3A_600] : memref<40x128xi32, #tpu.memory_space<vmem>> -> memref<1x128xi32, #tpu.memory_space<vmem>>
        %dma_wait3A_602 = tpu.memref_squeeze %dma_wait3A_601 : memref<1x128xi32, #tpu.memory_space<vmem>> -> memref<128xi32, #tpu.memory_space<vmem>>
        %dma_wait3A_603 = arith.constant 0 : i32
        %dma_wait3A_604 = arith.constant 0 : i32
        %dma_wait3A_605 = tpu.memref_slice %arg8[%dma_wait3A_603, %dma_wait3A_604] : memref<10112x96xf32, #tpu.memory_space<vmem_shared>> -> memref<10112x96xf32, #tpu.memory_space<vmem_shared>>
        tpu.wait_indirect_dma semaphore(%arg22 : memref<!tpu.dma_semaphore, #tpu.memory_space<semaphore_mem>>) src(%arg14 : memref<128x96xf32, #tpu.memory_space<vmem>>) dst(%dma_wait3A_605 : memref<10112x96xf32, #tpu.memory_space<vmem_shared>>)
        %add3A_606 = arith.constant 4 : i32
        %add3A_607 = arith.addi %add3A_587, %add3A_606 : i32
        %dma_start3A_608 = arith.constant 0 : i32
        %dma_start3A_609 = tpu.memref_slice %arg9[%add3A_607, %dma_start3A_608] : memref<40x128xi32, #tpu.memory_space<vmem>> -> memref<1x128xi32, #tpu.memory_space<vmem>>
        %dma_start3A_610 = tpu.memref_squeeze %dma_start3A_609 : memref<1x128xi32, #tpu.memory_space<vmem>> -> memref<128xi32, #tpu.memory_space<vmem>>
        %dma_start3A_611 = arith.constant 0 : i32
        %dma_start3A_612 = arith.constant 0 : i32
        %dma_start3A_613 = tpu.memref_slice %arg2[%dma_start3A_611, %dma_start3A_612] : memref<10112x96xf32, #tpu.memory_space<hbm>> -> memref<10112x96xf32, #tpu.memory_space<hbm>>
        tpu.enqueue_indirect_dma source(%dma_start3A_613 : memref<10112x96xf32, #tpu.memory_space<hbm>>) target(%arg14 : memref<128x96xf32, #tpu.memory_space<vmem>>) offsets(%dma_start3A_610 : memref<128xi32, #tpu.memory_space<vmem>>) semaphore(%arg18 : memref<!tpu.dma_semaphore, #tpu.memory_space<semaphore_mem>>)
      }
      %scan3A_285 = arith.constant 9 : i32
      %dma_wait3A_286 = arith.constant 36 : i32
      %dma_wait3A_287 = arith.constant 0 : i32
      %dma_wait3A_288 = tpu.memref_slice %arg9[%dma_wait3A_286, %dma_wait3A_287] : memref<40x128xi32, #tpu.memory_space<vmem>> -> memref<1x128xi32, #tpu.memory_space<vmem>>
      %dma_wait3A_289 = tpu.memref_squeeze %dma_wait3A_288 : memref<1x128xi32, #tpu.memory_space<vmem>> -> memref<128xi32, #tpu.memory_space<vmem>>
      %dma_wait3A_290 = arith.constant 0 : i32
      %dma_wait3A_291 = arith.constant 0 : i32
      %dma_wait3A_292 = tpu.memref_slice %arg2[%dma_wait3A_290, %dma_wait3A_291] : memref<10112x96xf32, #tpu.memory_space<hbm>> -> memref<10112x96xf32, #tpu.memory_space<hbm>>
      tpu.wait_indirect_dma semaphore(%arg15 : memref<!tpu.dma_semaphore, #tpu.memory_space<semaphore_mem>>) src(%dma_wait3A_292 : memref<10112x96xf32, #tpu.memory_space<hbm>>) dst(%arg11 : memref<128x96xf32, #tpu.memory_space<vmem>>)
      %dma_start3A_293 = arith.constant 36 : i32
      %dma_start3A_294 = arith.constant 0 : i32
      %dma_start3A_295 = tpu.memref_slice %arg10[%dma_start3A_293, %dma_start3A_294] : memref<40x128xi32, #tpu.memory_space<vmem>> -> memref<1x128xi32, #tpu.memory_space<vmem>>
      %dma_start3A_296 = tpu.memref_squeeze %dma_start3A_295 : memref<1x128xi32, #tpu.memory_space<vmem>> -> memref<128xi32, #tpu.memory_space<vmem>>
      %dma_start3A_297 = arith.constant 0 : i32
      %dma_start3A_298 = arith.constant 0 : i32
      %dma_start3A_299 = tpu.memref_slice %arg8[%dma_start3A_297, %dma_start3A_298] : memref<10112x96xf32, #tpu.memory_space<vmem_shared>> -> memref<10112x96xf32, #tpu.memory_space<vmem_shared>>
      tpu.enqueue_indirect_dma source(%arg11 : memref<128x96xf32, #tpu.memory_space<vmem>>) target(%dma_start3A_299 : memref<10112x96xf32, #tpu.memory_space<vmem_shared>>) offsets(%dma_start3A_296 : memref<128xi32, #tpu.memory_space<vmem>>) semaphore(%arg19 : memref<!tpu.dma_semaphore, #tpu.memory_space<semaphore_mem>>) {add = true}
      %dma_wait3A_300 = arith.constant 36 : i32
      %dma_wait3A_301 = arith.constant 0 : i32
      %dma_wait3A_302 = tpu.memref_slice %arg10[%dma_wait3A_300, %dma_wait3A_301] : memref<40x128xi32, #tpu.memory_space<vmem>> -> memref<1x128xi32, #tpu.memory_space<vmem>>
      %dma_wait3A_303 = tpu.memref_squeeze %dma_wait3A_302 : memref<1x128xi32, #tpu.memory_space<vmem>> -> memref<128xi32, #tpu.memory_space<vmem>>
      %dma_wait3A_304 = arith.constant 0 : i32
      %dma_wait3A_305 = arith.constant 0 : i32
      %dma_wait3A_306 = tpu.memref_slice %arg8[%dma_wait3A_304, %dma_wait3A_305] : memref<10112x96xf32, #tpu.memory_space<vmem_shared>> -> memref<10112x96xf32, #tpu.memory_space<vmem_shared>>
      tpu.wait_indirect_dma semaphore(%arg19 : memref<!tpu.dma_semaphore, #tpu.memory_space<semaphore_mem>>) src(%arg11 : memref<128x96xf32, #tpu.memory_space<vmem>>) dst(%dma_wait3A_306 : memref<10112x96xf32, #tpu.memory_space<vmem_shared>>)
      %dma_wait3A_307 = arith.constant 37 : i32
      %dma_wait3A_308 = arith.constant 0 : i32
      %dma_wait3A_309 = tpu.memref_slice %arg9[%dma_wait3A_307, %dma_wait3A_308] : memref<40x128xi32, #tpu.memory_space<vmem>> -> memref<1x128xi32, #tpu.memory_space<vmem>>
      %dma_wait3A_310 = tpu.memref_squeeze %dma_wait3A_309 : memref<1x128xi32, #tpu.memory_space<vmem>> -> memref<128xi32, #tpu.memory_space<vmem>>
      %dma_wait3A_311 = arith.constant 0 : i32
      %dma_wait3A_312 = arith.constant 0 : i32
      %dma_wait3A_313 = tpu.memref_slice %arg2[%dma_wait3A_311, %dma_wait3A_312] : memref<10112x96xf32, #tpu.memory_space<hbm>> -> memref<10112x96xf32, #tpu.memory_space<hbm>>
      tpu.wait_indirect_dma semaphore(%arg16 : memref<!tpu.dma_semaphore, #tpu.memory_space<semaphore_mem>>) src(%dma_wait3A_313 : memref<10112x96xf32, #tpu.memory_space<hbm>>) dst(%arg12 : memref<128x96xf32, #tpu.memory_space<vmem>>)
      %dma_start3A_314 = arith.constant 37 : i32
      %dma_start3A_315 = arith.constant 0 : i32
      %dma_start3A_316 = tpu.memref_slice %arg10[%dma_start3A_314, %dma_start3A_315] : memref<40x128xi32, #tpu.memory_space<vmem>> -> memref<1x128xi32, #tpu.memory_space<vmem>>
      %dma_start3A_317 = tpu.memref_squeeze %dma_start3A_316 : memref<1x128xi32, #tpu.memory_space<vmem>> -> memref<128xi32, #tpu.memory_space<vmem>>
      %dma_start3A_318 = arith.constant 0 : i32
      %dma_start3A_319 = arith.constant 0 : i32
      %dma_start3A_320 = tpu.memref_slice %arg8[%dma_start3A_318, %dma_start3A_319] : memref<10112x96xf32, #tpu.memory_space<vmem_shared>> -> memref<10112x96xf32, #tpu.memory_space<vmem_shared>>
      tpu.enqueue_indirect_dma source(%arg12 : memref<128x96xf32, #tpu.memory_space<vmem>>) target(%dma_start3A_320 : memref<10112x96xf32, #tpu.memory_space<vmem_shared>>) offsets(%dma_start3A_317 : memref<128xi32, #tpu.memory_space<vmem>>) semaphore(%arg20 : memref<!tpu.dma_semaphore, #tpu.memory_space<semaphore_mem>>) {add = true}
      %dma_wait3A_321 = arith.constant 37 : i32
      %dma_wait3A_322 = arith.constant 0 : i32
      %dma_wait3A_323 = tpu.memref_slice %arg10[%dma_wait3A_321, %dma_wait3A_322] : memref<40x128xi32, #tpu.memory_space<vmem>> -> memref<1x128xi32, #tpu.memory_space<vmem>>
      %dma_wait3A_324 = tpu.memref_squeeze %dma_wait3A_323 : memref<1x128xi32, #tpu.memory_space<vmem>> -> memref<128xi32, #tpu.memory_space<vmem>>
      %dma_wait3A_325 = arith.constant 0 : i32
      %dma_wait3A_326 = arith.constant 0 : i32
      %dma_wait3A_327 = tpu.memref_slice %arg8[%dma_wait3A_325, %dma_wait3A_326] : memref<10112x96xf32, #tpu.memory_space<vmem_shared>> -> memref<10112x96xf32, #tpu.memory_space<vmem_shared>>
      tpu.wait_indirect_dma semaphore(%arg20 : memref<!tpu.dma_semaphore, #tpu.memory_space<semaphore_mem>>) src(%arg12 : memref<128x96xf32, #tpu.memory_space<vmem>>) dst(%dma_wait3A_327 : memref<10112x96xf32, #tpu.memory_space<vmem_shared>>)
      %dma_wait3A_328 = arith.constant 38 : i32
      %dma_wait3A_329 = arith.constant 0 : i32
      %dma_wait3A_330 = tpu.memref_slice %arg9[%dma_wait3A_328, %dma_wait3A_329] : memref<40x128xi32, #tpu.memory_space<vmem>> -> memref<1x128xi32, #tpu.memory_space<vmem>>
      %dma_wait3A_331 = tpu.memref_squeeze %dma_wait3A_330 : memref<1x128xi32, #tpu.memory_space<vmem>> -> memref<128xi32, #tpu.memory_space<vmem>>
      %dma_wait3A_332 = arith.constant 0 : i32
      %dma_wait3A_333 = arith.constant 0 : i32
      %dma_wait3A_334 = tpu.memref_slice %arg2[%dma_wait3A_332, %dma_wait3A_333] : memref<10112x96xf32, #tpu.memory_space<hbm>> -> memref<10112x96xf32, #tpu.memory_space<hbm>>
      tpu.wait_indirect_dma semaphore(%arg17 : memref<!tpu.dma_semaphore, #tpu.memory_space<semaphore_mem>>) src(%dma_wait3A_334 : memref<10112x96xf32, #tpu.memory_space<hbm>>) dst(%arg13 : memref<128x96xf32, #tpu.memory_space<vmem>>)
      %dma_start3A_335 = arith.constant 38 : i32
      %dma_start3A_336 = arith.constant 0 : i32
      %dma_start3A_337 = tpu.memref_slice %arg10[%dma_start3A_335, %dma_start3A_336] : memref<40x128xi32, #tpu.memory_space<vmem>> -> memref<1x128xi32, #tpu.memory_space<vmem>>
      %dma_start3A_338 = tpu.memref_squeeze %dma_start3A_337 : memref<1x128xi32, #tpu.memory_space<vmem>> -> memref<128xi32, #tpu.memory_space<vmem>>
      %dma_start3A_339 = arith.constant 0 : i32
      %dma_start3A_340 = arith.constant 0 : i32
      %dma_start3A_341 = tpu.memref_slice %arg8[%dma_start3A_339, %dma_start3A_340] : memref<10112x96xf32, #tpu.memory_space<vmem_shared>> -> memref<10112x96xf32, #tpu.memory_space<vmem_shared>>
      tpu.enqueue_indirect_dma source(%arg13 : memref<128x96xf32, #tpu.memory_space<vmem>>) target(%dma_start3A_341 : memref<10112x96xf32, #tpu.memory_space<vmem_shared>>) offsets(%dma_start3A_338 : memref<128xi32, #tpu.memory_space<vmem>>) semaphore(%arg21 : memref<!tpu.dma_semaphore, #tpu.memory_space<semaphore_mem>>) {add = true}
      %dma_wait3A_342 = arith.constant 38 : i32
      %dma_wait3A_343 = arith.constant 0 : i32
      %dma_wait3A_344 = tpu.memref_slice %arg10[%dma_wait3A_342, %dma_wait3A_343] : memref<40x128xi32, #tpu.memory_space<vmem>> -> memref<1x128xi32, #tpu.memory_space<vmem>>
      %dma_wait3A_345 = tpu.memref_squeeze %dma_wait3A_344 : memref<1x128xi32, #tpu.memory_space<vmem>> -> memref<128xi32, #tpu.memory_space<vmem>>
      %dma_wait3A_346 = arith.constant 0 : i32
      %dma_wait3A_347 = arith.constant 0 : i32
      %dma_wait3A_348 = tpu.memref_slice %arg8[%dma_wait3A_346, %dma_wait3A_347] : memref<10112x96xf32, #tpu.memory_space<vmem_shared>> -> memref<10112x96xf32, #tpu.memory_space<vmem_shared>>
      tpu.wait_indirect_dma semaphore(%arg21 : memref<!tpu.dma_semaphore, #tpu.memory_space<semaphore_mem>>) src(%arg13 : memref<128x96xf32, #tpu.memory_space<vmem>>) dst(%dma_wait3A_348 : memref<10112x96xf32, #tpu.memory_space<vmem_shared>>)
      %dma_wait3A_349 = arith.constant 39 : i32
      %dma_wait3A_350 = arith.constant 0 : i32
      %dma_wait3A_351 = tpu.memref_slice %arg9[%dma_wait3A_349, %dma_wait3A_350] : memref<40x128xi32, #tpu.memory_space<vmem>> -> memref<1x128xi32, #tpu.memory_space<vmem>>
      %dma_wait3A_352 = tpu.memref_squeeze %dma_wait3A_351 : memref<1x128xi32, #tpu.memory_space<vmem>> -> memref<128xi32, #tpu.memory_space<vmem>>
      %dma_wait3A_353 = arith.constant 0 : i32
      %dma_wait3A_354 = arith.constant 0 : i32
      %dma_wait3A_355 = tpu.memref_slice %arg2[%dma_wait3A_353, %dma_wait3A_354] : memref<10112x96xf32, #tpu.memory_space<hbm>> -> memref<10112x96xf32, #tpu.memory_space<hbm>>
      tpu.wait_indirect_dma semaphore(%arg18 : memref<!tpu.dma_semaphore, #tpu.memory_space<semaphore_mem>>) src(%dma_wait3A_355 : memref<10112x96xf32, #tpu.memory_space<hbm>>) dst(%arg14 : memref<128x96xf32, #tpu.memory_space<vmem>>)
      %dma_start3A_356 = arith.constant 39 : i32
      %dma_start3A_357 = arith.constant 0 : i32
      %dma_start3A_358 = tpu.memref_slice %arg10[%dma_start3A_356, %dma_start3A_357] : memref<40x128xi32, #tpu.memory_space<vmem>> -> memref<1x128xi32, #tpu.memory_space<vmem>>
      %dma_start3A_359 = tpu.memref_squeeze %dma_start3A_358 : memref<1x128xi32, #tpu.memory_space<vmem>> -> memref<128xi32, #tpu.memory_space<vmem>>
      %dma_start3A_360 = arith.constant 0 : i32
      %dma_start3A_361 = arith.constant 0 : i32
      %dma_start3A_362 = tpu.memref_slice %arg8[%dma_start3A_360, %dma_start3A_361] : memref<10112x96xf32, #tpu.memory_space<vmem_shared>> -> memref<10112x96xf32, #tpu.memory_space<vmem_shared>>
      tpu.enqueue_indirect_dma source(%arg14 : memref<128x96xf32, #tpu.memory_space<vmem>>) target(%dma_start3A_362 : memref<10112x96xf32, #tpu.memory_space<vmem_shared>>) offsets(%dma_start3A_359 : memref<128xi32, #tpu.memory_space<vmem>>) semaphore(%arg22 : memref<!tpu.dma_semaphore, #tpu.memory_space<semaphore_mem>>) {add = true}
      %dma_wait3A_363 = arith.constant 39 : i32
      %dma_wait3A_364 = arith.constant 0 : i32
      %dma_wait3A_365 = tpu.memref_slice %arg10[%dma_wait3A_363, %dma_wait3A_364] : memref<40x128xi32, #tpu.memory_space<vmem>> -> memref<1x128xi32, #tpu.memory_space<vmem>>
      %dma_wait3A_366 = tpu.memref_squeeze %dma_wait3A_365 : memref<1x128xi32, #tpu.memory_space<vmem>> -> memref<128xi32, #tpu.memory_space<vmem>>
      %dma_wait3A_367 = arith.constant 0 : i32
      %dma_wait3A_368 = arith.constant 0 : i32
      %dma_wait3A_369 = tpu.memref_slice %arg8[%dma_wait3A_367, %dma_wait3A_368] : memref<10112x96xf32, #tpu.memory_space<vmem_shared>> -> memref<10112x96xf32, #tpu.memory_space<vmem_shared>>
      tpu.wait_indirect_dma semaphore(%arg22 : memref<!tpu.dma_semaphore, #tpu.memory_space<semaphore_mem>>) src(%arg14 : memref<128x96xf32, #tpu.memory_space<vmem>>) dst(%dma_wait3A_369 : memref<10112x96xf32, #tpu.memory_space<vmem_shared>>)
      %mul3A_370 = arith.constant 160 : i32
      %mul3A_371 = arith.muli %arg1, %mul3A_370 : i32
      %add3A_372 = arith.constant 120 : i32
      %add3A_373 = arith.addi %mul3A_371, %add3A_372 : i32
      "tpu.region"() ({
        %run_scoped3A = tpu.sem_alloc : memref<!tpu.dma_semaphore, #tpu.memory_space<semaphore_mem>>
        %dma_start3A_493 = arith.constant 0 : i32
        %dma_start3A_494 = tpu.memref_slice %arg4[%add3A_373, %dma_start3A_493] : memref<2560x128xi32, #tpu.memory_space<hbm>> -> memref<40x128xi32, #tpu.memory_space<hbm>>
        %dma_start3A_495 = arith.constant 0 : i32
        %dma_start3A_496 = tpu.memref_slice %arg4[%add3A_373, %dma_start3A_495] : memref<2560x128xi32, #tpu.memory_space<hbm>> -> memref<40x128xi32, #tpu.memory_space<hbm>>
        tpu.enqueue_dma source(%dma_start3A_496 : memref<40x128xi32, #tpu.memory_space<hbm>>) target(%arg9 : memref<40x128xi32, #tpu.memory_space<vmem>>) target_semaphore(%run_scoped3A : memref<!tpu.dma_semaphore, #tpu.memory_space<semaphore_mem>>)
        %dma_wait3A_497 = arith.constant 0 : i32
        %dma_wait3A_498 = tpu.memref_slice %arg4[%add3A_373, %dma_wait3A_497] : memref<2560x128xi32, #tpu.memory_space<hbm>> -> memref<40x128xi32, #tpu.memory_space<hbm>>
        %dma_wait3A_499 = arith.constant 0 : i32
        %dma_wait3A_500 = tpu.memref_slice %arg4[%add3A_373, %dma_wait3A_499] : memref<2560x128xi32, #tpu.memory_space<hbm>> -> memref<40x128xi32, #tpu.memory_space<hbm>>
        tpu.wait_dma2 semaphore(%run_scoped3A : memref<!tpu.dma_semaphore, #tpu.memory_space<semaphore_mem>>) src(%dma_wait3A_500 : memref<40x128xi32, #tpu.memory_space<hbm>>) dst(%arg9 : memref<40x128xi32, #tpu.memory_space<vmem>>)
        tpu.yield
      }) : () -> ()
      "tpu.region"() ({
        %run_scoped3A = tpu.sem_alloc : memref<!tpu.dma_semaphore, #tpu.memory_space<semaphore_mem>>
        %dma_start3A_493 = arith.constant 0 : i32
        %dma_start3A_494 = tpu.memref_slice %arg5[%add3A_373, %dma_start3A_493] : memref<2560x128xi32, #tpu.memory_space<hbm>> -> memref<40x128xi32, #tpu.memory_space<hbm>>
        %dma_start3A_495 = arith.constant 0 : i32
        %dma_start3A_496 = tpu.memref_slice %arg5[%add3A_373, %dma_start3A_495] : memref<2560x128xi32, #tpu.memory_space<hbm>> -> memref<40x128xi32, #tpu.memory_space<hbm>>
        tpu.enqueue_dma source(%dma_start3A_496 : memref<40x128xi32, #tpu.memory_space<hbm>>) target(%arg10 : memref<40x128xi32, #tpu.memory_space<vmem>>) target_semaphore(%run_scoped3A : memref<!tpu.dma_semaphore, #tpu.memory_space<semaphore_mem>>)
        %dma_wait3A_497 = arith.constant 0 : i32
        %dma_wait3A_498 = tpu.memref_slice %arg5[%add3A_373, %dma_wait3A_497] : memref<2560x128xi32, #tpu.memory_space<hbm>> -> memref<40x128xi32, #tpu.memory_space<hbm>>
        %dma_wait3A_499 = arith.constant 0 : i32
        %dma_wait3A_500 = tpu.memref_slice %arg5[%add3A_373, %dma_wait3A_499] : memref<2560x128xi32, #tpu.memory_space<hbm>> -> memref<40x128xi32, #tpu.memory_space<hbm>>
        tpu.wait_dma2 semaphore(%run_scoped3A : memref<!tpu.dma_semaphore, #tpu.memory_space<semaphore_mem>>) src(%dma_wait3A_500 : memref<40x128xi32, #tpu.memory_space<hbm>>) dst(%arg10 : memref<40x128xi32, #tpu.memory_space<vmem>>)
        tpu.yield
      }) : () -> ()
      %dma_start3A_374 = arith.constant 0 : i32
      %dma_start3A_375 = arith.constant 0 : i32
      %dma_start3A_376 = tpu.memref_slice %arg9[%dma_start3A_374, %dma_start3A_375] : memref<40x128xi32, #tpu.memory_space<vmem>> -> memref<1x128xi32, #tpu.memory_space<vmem>>
      %dma_start3A_377 = tpu.memref_squeeze %dma_start3A_376 : memref<1x128xi32, #tpu.memory_space<vmem>> -> memref<128xi32, #tpu.memory_space<vmem>>
      %dma_start3A_378 = arith.constant 0 : i32
      %dma_start3A_379 = arith.constant 0 : i32
      %dma_start3A_380 = tpu.memref_slice %arg2[%dma_start3A_378, %dma_start3A_379] : memref<10112x96xf32, #tpu.memory_space<hbm>> -> memref<10112x96xf32, #tpu.memory_space<hbm>>
      tpu.enqueue_indirect_dma source(%dma_start3A_380 : memref<10112x96xf32, #tpu.memory_space<hbm>>) target(%arg11 : memref<128x96xf32, #tpu.memory_space<vmem>>) offsets(%dma_start3A_377 : memref<128xi32, #tpu.memory_space<vmem>>) semaphore(%arg15 : memref<!tpu.dma_semaphore, #tpu.memory_space<semaphore_mem>>)
      %dma_start3A_381 = arith.constant 1 : i32
      %dma_start3A_382 = arith.constant 0 : i32
      %dma_start3A_383 = tpu.memref_slice %arg9[%dma_start3A_381, %dma_start3A_382] : memref<40x128xi32, #tpu.memory_space<vmem>> -> memref<1x128xi32, #tpu.memory_space<vmem>>
      %dma_start3A_384 = tpu.memref_squeeze %dma_start3A_383 : memref<1x128xi32, #tpu.memory_space<vmem>> -> memref<128xi32, #tpu.memory_space<vmem>>
      %dma_start3A_385 = arith.constant 0 : i32
      %dma_start3A_386 = arith.constant 0 : i32
      %dma_start3A_387 = tpu.memref_slice %arg2[%dma_start3A_385, %dma_start3A_386] : memref<10112x96xf32, #tpu.memory_space<hbm>> -> memref<10112x96xf32, #tpu.memory_space<hbm>>
      tpu.enqueue_indirect_dma source(%dma_start3A_387 : memref<10112x96xf32, #tpu.memory_space<hbm>>) target(%arg12 : memref<128x96xf32, #tpu.memory_space<vmem>>) offsets(%dma_start3A_384 : memref<128xi32, #tpu.memory_space<vmem>>) semaphore(%arg16 : memref<!tpu.dma_semaphore, #tpu.memory_space<semaphore_mem>>)
      %dma_start3A_388 = arith.constant 2 : i32
      %dma_start3A_389 = arith.constant 0 : i32
      %dma_start3A_390 = tpu.memref_slice %arg9[%dma_start3A_388, %dma_start3A_389] : memref<40x128xi32, #tpu.memory_space<vmem>> -> memref<1x128xi32, #tpu.memory_space<vmem>>
      %dma_start3A_391 = tpu.memref_squeeze %dma_start3A_390 : memref<1x128xi32, #tpu.memory_space<vmem>> -> memref<128xi32, #tpu.memory_space<vmem>>
      %dma_start3A_392 = arith.constant 0 : i32
      %dma_start3A_393 = arith.constant 0 : i32
      %dma_start3A_394 = tpu.memref_slice %arg2[%dma_start3A_392, %dma_start3A_393] : memref<10112x96xf32, #tpu.memory_space<hbm>> -> memref<10112x96xf32, #tpu.memory_space<hbm>>
      tpu.enqueue_indirect_dma source(%dma_start3A_394 : memref<10112x96xf32, #tpu.memory_space<hbm>>) target(%arg13 : memref<128x96xf32, #tpu.memory_space<vmem>>) offsets(%dma_start3A_391 : memref<128xi32, #tpu.memory_space<vmem>>) semaphore(%arg17 : memref<!tpu.dma_semaphore, #tpu.memory_space<semaphore_mem>>)
      %dma_start3A_395 = arith.constant 3 : i32
      %dma_start3A_396 = arith.constant 0 : i32
      %dma_start3A_397 = tpu.memref_slice %arg9[%dma_start3A_395, %dma_start3A_396] : memref<40x128xi32, #tpu.memory_space<vmem>> -> memref<1x128xi32, #tpu.memory_space<vmem>>
      %dma_start3A_398 = tpu.memref_squeeze %dma_start3A_397 : memref<1x128xi32, #tpu.memory_space<vmem>> -> memref<128xi32, #tpu.memory_space<vmem>>
      %dma_start3A_399 = arith.constant 0 : i32
      %dma_start3A_400 = arith.constant 0 : i32
      %dma_start3A_401 = tpu.memref_slice %arg2[%dma_start3A_399, %dma_start3A_400] : memref<10112x96xf32, #tpu.memory_space<hbm>> -> memref<10112x96xf32, #tpu.memory_space<hbm>>
      tpu.enqueue_indirect_dma source(%dma_start3A_401 : memref<10112x96xf32, #tpu.memory_space<hbm>>) target(%arg14 : memref<128x96xf32, #tpu.memory_space<vmem>>) offsets(%dma_start3A_398 : memref<128xi32, #tpu.memory_space<vmem>>) semaphore(%arg18 : memref<!tpu.dma_semaphore, #tpu.memory_space<semaphore_mem>>)
      %scan3A_402 = arith.constant 0 : i32
      %scan3A_403 = arith.constant 0 : i32
      %scan3A_404 = arith.constant 9 : i32
      %scan3A_405 = arith.addi %scan3A_403, %scan3A_404 : i32
      %scan3A_406 = arith.constant 1 : i32
      scf.for %scan3A_493 = %scan3A_403 to %scan3A_405 step %scan3A_406  : i32 {
        %mul3A_494 = arith.constant 4 : i32
        %mul3A_495 = arith.muli %scan3A_493, %mul3A_494 : i32
        %add3A_496 = arith.constant 0 : i32
        %add3A_497 = arith.addi %mul3A_495, %add3A_496 : i32
        %dma_wait3A_498 = arith.constant 0 : i32
        %dma_wait3A_499 = tpu.memref_slice %arg9[%add3A_497, %dma_wait3A_498] : memref<40x128xi32, #tpu.memory_space<vmem>> -> memref<1x128xi32, #tpu.memory_space<vmem>>
        %dma_wait3A_500 = tpu.memref_squeeze %dma_wait3A_499 : memref<1x128xi32, #tpu.memory_space<vmem>> -> memref<128xi32, #tpu.memory_space<vmem>>
        %dma_wait3A_501 = arith.constant 0 : i32
        %dma_wait3A_502 = arith.constant 0 : i32
        %dma_wait3A_503 = tpu.memref_slice %arg2[%dma_wait3A_501, %dma_wait3A_502] : memref<10112x96xf32, #tpu.memory_space<hbm>> -> memref<10112x96xf32, #tpu.memory_space<hbm>>
        tpu.wait_indirect_dma semaphore(%arg15 : memref<!tpu.dma_semaphore, #tpu.memory_space<semaphore_mem>>) src(%dma_wait3A_503 : memref<10112x96xf32, #tpu.memory_space<hbm>>) dst(%arg11 : memref<128x96xf32, #tpu.memory_space<vmem>>)
        %dma_start3A_504 = arith.constant 0 : i32
        %dma_start3A_505 = tpu.memref_slice %arg10[%add3A_497, %dma_start3A_504] : memref<40x128xi32, #tpu.memory_space<vmem>> -> memref<1x128xi32, #tpu.memory_space<vmem>>
        %dma_start3A_506 = tpu.memref_squeeze %dma_start3A_505 : memref<1x128xi32, #tpu.memory_space<vmem>> -> memref<128xi32, #tpu.memory_space<vmem>>
        %dma_start3A_507 = arith.constant 0 : i32
        %dma_start3A_508 = arith.constant 0 : i32
        %dma_start3A_509 = tpu.memref_slice %arg8[%dma_start3A_507, %dma_start3A_508] : memref<10112x96xf32, #tpu.memory_space<vmem_shared>> -> memref<10112x96xf32, #tpu.memory_space<vmem_shared>>
        tpu.enqueue_indirect_dma source(%arg11 : memref<128x96xf32, #tpu.memory_space<vmem>>) target(%dma_start3A_509 : memref<10112x96xf32, #tpu.memory_space<vmem_shared>>) offsets(%dma_start3A_506 : memref<128xi32, #tpu.memory_space<vmem>>) semaphore(%arg19 : memref<!tpu.dma_semaphore, #tpu.memory_space<semaphore_mem>>) {add = true}
        %dma_wait3A_510 = arith.constant 0 : i32
        %dma_wait3A_511 = tpu.memref_slice %arg10[%add3A_497, %dma_wait3A_510] : memref<40x128xi32, #tpu.memory_space<vmem>> -> memref<1x128xi32, #tpu.memory_space<vmem>>
        %dma_wait3A_512 = tpu.memref_squeeze %dma_wait3A_511 : memref<1x128xi32, #tpu.memory_space<vmem>> -> memref<128xi32, #tpu.memory_space<vmem>>
        %dma_wait3A_513 = arith.constant 0 : i32
        %dma_wait3A_514 = arith.constant 0 : i32
        %dma_wait3A_515 = tpu.memref_slice %arg8[%dma_wait3A_513, %dma_wait3A_514] : memref<10112x96xf32, #tpu.memory_space<vmem_shared>> -> memref<10112x96xf32, #tpu.memory_space<vmem_shared>>
        tpu.wait_indirect_dma semaphore(%arg19 : memref<!tpu.dma_semaphore, #tpu.memory_space<semaphore_mem>>) src(%arg11 : memref<128x96xf32, #tpu.memory_space<vmem>>) dst(%dma_wait3A_515 : memref<10112x96xf32, #tpu.memory_space<vmem_shared>>)
        %add3A_516 = arith.constant 4 : i32
        %add3A_517 = arith.addi %add3A_497, %add3A_516 : i32
        %dma_start3A_518 = arith.constant 0 : i32
        %dma_start3A_519 = tpu.memref_slice %arg9[%add3A_517, %dma_start3A_518] : memref<40x128xi32, #tpu.memory_space<vmem>> -> memref<1x128xi32, #tpu.memory_space<vmem>>
        %dma_start3A_520 = tpu.memref_squeeze %dma_start3A_519 : memref<1x128xi32, #tpu.memory_space<vmem>> -> memref<128xi32, #tpu.memory_space<vmem>>
        %dma_start3A_521 = arith.constant 0 : i32
        %dma_start3A_522 = arith.constant 0 : i32
        %dma_start3A_523 = tpu.memref_slice %arg2[%dma_start3A_521, %dma_start3A_522] : memref<10112x96xf32, #tpu.memory_space<hbm>> -> memref<10112x96xf32, #tpu.memory_space<hbm>>
        tpu.enqueue_indirect_dma source(%dma_start3A_523 : memref<10112x96xf32, #tpu.memory_space<hbm>>) target(%arg11 : memref<128x96xf32, #tpu.memory_space<vmem>>) offsets(%dma_start3A_520 : memref<128xi32, #tpu.memory_space<vmem>>) semaphore(%arg15 : memref<!tpu.dma_semaphore, #tpu.memory_space<semaphore_mem>>)
        %mul3A_524 = arith.constant 4 : i32
        %mul3A_525 = arith.muli %scan3A_493, %mul3A_524 : i32
        %add3A_526 = arith.constant 1 : i32
        %add3A_527 = arith.addi %mul3A_525, %add3A_526 : i32
        %dma_wait3A_528 = arith.constant 0 : i32
        %dma_wait3A_529 = tpu.memref_slice %arg9[%add3A_527, %dma_wait3A_528] : memref<40x128xi32, #tpu.memory_space<vmem>> -> memref<1x128xi32, #tpu.memory_space<vmem>>
        %dma_wait3A_530 = tpu.memref_squeeze %dma_wait3A_529 : memref<1x128xi32, #tpu.memory_space<vmem>> -> memref<128xi32, #tpu.memory_space<vmem>>
        %dma_wait3A_531 = arith.constant 0 : i32
        %dma_wait3A_532 = arith.constant 0 : i32
        %dma_wait3A_533 = tpu.memref_slice %arg2[%dma_wait3A_531, %dma_wait3A_532] : memref<10112x96xf32, #tpu.memory_space<hbm>> -> memref<10112x96xf32, #tpu.memory_space<hbm>>
        tpu.wait_indirect_dma semaphore(%arg16 : memref<!tpu.dma_semaphore, #tpu.memory_space<semaphore_mem>>) src(%dma_wait3A_533 : memref<10112x96xf32, #tpu.memory_space<hbm>>) dst(%arg12 : memref<128x96xf32, #tpu.memory_space<vmem>>)
        %dma_start3A_534 = arith.constant 0 : i32
        %dma_start3A_535 = tpu.memref_slice %arg10[%add3A_527, %dma_start3A_534] : memref<40x128xi32, #tpu.memory_space<vmem>> -> memref<1x128xi32, #tpu.memory_space<vmem>>
        %dma_start3A_536 = tpu.memref_squeeze %dma_start3A_535 : memref<1x128xi32, #tpu.memory_space<vmem>> -> memref<128xi32, #tpu.memory_space<vmem>>
        %dma_start3A_537 = arith.constant 0 : i32
        %dma_start3A_538 = arith.constant 0 : i32
        %dma_start3A_539 = tpu.memref_slice %arg8[%dma_start3A_537, %dma_start3A_538] : memref<10112x96xf32, #tpu.memory_space<vmem_shared>> -> memref<10112x96xf32, #tpu.memory_space<vmem_shared>>
        tpu.enqueue_indirect_dma source(%arg12 : memref<128x96xf32, #tpu.memory_space<vmem>>) target(%dma_start3A_539 : memref<10112x96xf32, #tpu.memory_space<vmem_shared>>) offsets(%dma_start3A_536 : memref<128xi32, #tpu.memory_space<vmem>>) semaphore(%arg20 : memref<!tpu.dma_semaphore, #tpu.memory_space<semaphore_mem>>) {add = true}
        %dma_wait3A_540 = arith.constant 0 : i32
        %dma_wait3A_541 = tpu.memref_slice %arg10[%add3A_527, %dma_wait3A_540] : memref<40x128xi32, #tpu.memory_space<vmem>> -> memref<1x128xi32, #tpu.memory_space<vmem>>
        %dma_wait3A_542 = tpu.memref_squeeze %dma_wait3A_541 : memref<1x128xi32, #tpu.memory_space<vmem>> -> memref<128xi32, #tpu.memory_space<vmem>>
        %dma_wait3A_543 = arith.constant 0 : i32
        %dma_wait3A_544 = arith.constant 0 : i32
        %dma_wait3A_545 = tpu.memref_slice %arg8[%dma_wait3A_543, %dma_wait3A_544] : memref<10112x96xf32, #tpu.memory_space<vmem_shared>> -> memref<10112x96xf32, #tpu.memory_space<vmem_shared>>
        tpu.wait_indirect_dma semaphore(%arg20 : memref<!tpu.dma_semaphore, #tpu.memory_space<semaphore_mem>>) src(%arg12 : memref<128x96xf32, #tpu.memory_space<vmem>>) dst(%dma_wait3A_545 : memref<10112x96xf32, #tpu.memory_space<vmem_shared>>)
        %add3A_546 = arith.constant 4 : i32
        %add3A_547 = arith.addi %add3A_527, %add3A_546 : i32
        %dma_start3A_548 = arith.constant 0 : i32
        %dma_start3A_549 = tpu.memref_slice %arg9[%add3A_547, %dma_start3A_548] : memref<40x128xi32, #tpu.memory_space<vmem>> -> memref<1x128xi32, #tpu.memory_space<vmem>>
        %dma_start3A_550 = tpu.memref_squeeze %dma_start3A_549 : memref<1x128xi32, #tpu.memory_space<vmem>> -> memref<128xi32, #tpu.memory_space<vmem>>
        %dma_start3A_551 = arith.constant 0 : i32
        %dma_start3A_552 = arith.constant 0 : i32
        %dma_start3A_553 = tpu.memref_slice %arg2[%dma_start3A_551, %dma_start3A_552] : memref<10112x96xf32, #tpu.memory_space<hbm>> -> memref<10112x96xf32, #tpu.memory_space<hbm>>
        tpu.enqueue_indirect_dma source(%dma_start3A_553 : memref<10112x96xf32, #tpu.memory_space<hbm>>) target(%arg12 : memref<128x96xf32, #tpu.memory_space<vmem>>) offsets(%dma_start3A_550 : memref<128xi32, #tpu.memory_space<vmem>>) semaphore(%arg16 : memref<!tpu.dma_semaphore, #tpu.memory_space<semaphore_mem>>)
        %mul3A_554 = arith.constant 4 : i32
        %mul3A_555 = arith.muli %scan3A_493, %mul3A_554 : i32
        %add3A_556 = arith.constant 2 : i32
        %add3A_557 = arith.addi %mul3A_555, %add3A_556 : i32
        %dma_wait3A_558 = arith.constant 0 : i32
        %dma_wait3A_559 = tpu.memref_slice %arg9[%add3A_557, %dma_wait3A_558] : memref<40x128xi32, #tpu.memory_space<vmem>> -> memref<1x128xi32, #tpu.memory_space<vmem>>
        %dma_wait3A_560 = tpu.memref_squeeze %dma_wait3A_559 : memref<1x128xi32, #tpu.memory_space<vmem>> -> memref<128xi32, #tpu.memory_space<vmem>>
        %dma_wait3A_561 = arith.constant 0 : i32
        %dma_wait3A_562 = arith.constant 0 : i32
        %dma_wait3A_563 = tpu.memref_slice %arg2[%dma_wait3A_561, %dma_wait3A_562] : memref<10112x96xf32, #tpu.memory_space<hbm>> -> memref<10112x96xf32, #tpu.memory_space<hbm>>
        tpu.wait_indirect_dma semaphore(%arg17 : memref<!tpu.dma_semaphore, #tpu.memory_space<semaphore_mem>>) src(%dma_wait3A_563 : memref<10112x96xf32, #tpu.memory_space<hbm>>) dst(%arg13 : memref<128x96xf32, #tpu.memory_space<vmem>>)
        %dma_start3A_564 = arith.constant 0 : i32
        %dma_start3A_565 = tpu.memref_slice %arg10[%add3A_557, %dma_start3A_564] : memref<40x128xi32, #tpu.memory_space<vmem>> -> memref<1x128xi32, #tpu.memory_space<vmem>>
        %dma_start3A_566 = tpu.memref_squeeze %dma_start3A_565 : memref<1x128xi32, #tpu.memory_space<vmem>> -> memref<128xi32, #tpu.memory_space<vmem>>
        %dma_start3A_567 = arith.constant 0 : i32
        %dma_start3A_568 = arith.constant 0 : i32
        %dma_start3A_569 = tpu.memref_slice %arg8[%dma_start3A_567, %dma_start3A_568] : memref<10112x96xf32, #tpu.memory_space<vmem_shared>> -> memref<10112x96xf32, #tpu.memory_space<vmem_shared>>
        tpu.enqueue_indirect_dma source(%arg13 : memref<128x96xf32, #tpu.memory_space<vmem>>) target(%dma_start3A_569 : memref<10112x96xf32, #tpu.memory_space<vmem_shared>>) offsets(%dma_start3A_566 : memref<128xi32, #tpu.memory_space<vmem>>) semaphore(%arg21 : memref<!tpu.dma_semaphore, #tpu.memory_space<semaphore_mem>>) {add = true}
        %dma_wait3A_570 = arith.constant 0 : i32
        %dma_wait3A_571 = tpu.memref_slice %arg10[%add3A_557, %dma_wait3A_570] : memref<40x128xi32, #tpu.memory_space<vmem>> -> memref<1x128xi32, #tpu.memory_space<vmem>>
        %dma_wait3A_572 = tpu.memref_squeeze %dma_wait3A_571 : memref<1x128xi32, #tpu.memory_space<vmem>> -> memref<128xi32, #tpu.memory_space<vmem>>
        %dma_wait3A_573 = arith.constant 0 : i32
        %dma_wait3A_574 = arith.constant 0 : i32
        %dma_wait3A_575 = tpu.memref_slice %arg8[%dma_wait3A_573, %dma_wait3A_574] : memref<10112x96xf32, #tpu.memory_space<vmem_shared>> -> memref<10112x96xf32, #tpu.memory_space<vmem_shared>>
        tpu.wait_indirect_dma semaphore(%arg21 : memref<!tpu.dma_semaphore, #tpu.memory_space<semaphore_mem>>) src(%arg13 : memref<128x96xf32, #tpu.memory_space<vmem>>) dst(%dma_wait3A_575 : memref<10112x96xf32, #tpu.memory_space<vmem_shared>>)
        %add3A_576 = arith.constant 4 : i32
        %add3A_577 = arith.addi %add3A_557, %add3A_576 : i32
        %dma_start3A_578 = arith.constant 0 : i32
        %dma_start3A_579 = tpu.memref_slice %arg9[%add3A_577, %dma_start3A_578] : memref<40x128xi32, #tpu.memory_space<vmem>> -> memref<1x128xi32, #tpu.memory_space<vmem>>
        %dma_start3A_580 = tpu.memref_squeeze %dma_start3A_579 : memref<1x128xi32, #tpu.memory_space<vmem>> -> memref<128xi32, #tpu.memory_space<vmem>>
        %dma_start3A_581 = arith.constant 0 : i32
        %dma_start3A_582 = arith.constant 0 : i32
        %dma_start3A_583 = tpu.memref_slice %arg2[%dma_start3A_581, %dma_start3A_582] : memref<10112x96xf32, #tpu.memory_space<hbm>> -> memref<10112x96xf32, #tpu.memory_space<hbm>>
        tpu.enqueue_indirect_dma source(%dma_start3A_583 : memref<10112x96xf32, #tpu.memory_space<hbm>>) target(%arg13 : memref<128x96xf32, #tpu.memory_space<vmem>>) offsets(%dma_start3A_580 : memref<128xi32, #tpu.memory_space<vmem>>) semaphore(%arg17 : memref<!tpu.dma_semaphore, #tpu.memory_space<semaphore_mem>>)
        %mul3A_584 = arith.constant 4 : i32
        %mul3A_585 = arith.muli %scan3A_493, %mul3A_584 : i32
        %add3A_586 = arith.constant 3 : i32
        %add3A_587 = arith.addi %mul3A_585, %add3A_586 : i32
        %dma_wait3A_588 = arith.constant 0 : i32
        %dma_wait3A_589 = tpu.memref_slice %arg9[%add3A_587, %dma_wait3A_588] : memref<40x128xi32, #tpu.memory_space<vmem>> -> memref<1x128xi32, #tpu.memory_space<vmem>>
        %dma_wait3A_590 = tpu.memref_squeeze %dma_wait3A_589 : memref<1x128xi32, #tpu.memory_space<vmem>> -> memref<128xi32, #tpu.memory_space<vmem>>
        %dma_wait3A_591 = arith.constant 0 : i32
        %dma_wait3A_592 = arith.constant 0 : i32
        %dma_wait3A_593 = tpu.memref_slice %arg2[%dma_wait3A_591, %dma_wait3A_592] : memref<10112x96xf32, #tpu.memory_space<hbm>> -> memref<10112x96xf32, #tpu.memory_space<hbm>>
        tpu.wait_indirect_dma semaphore(%arg18 : memref<!tpu.dma_semaphore, #tpu.memory_space<semaphore_mem>>) src(%dma_wait3A_593 : memref<10112x96xf32, #tpu.memory_space<hbm>>) dst(%arg14 : memref<128x96xf32, #tpu.memory_space<vmem>>)
        %dma_start3A_594 = arith.constant 0 : i32
        %dma_start3A_595 = tpu.memref_slice %arg10[%add3A_587, %dma_start3A_594] : memref<40x128xi32, #tpu.memory_space<vmem>> -> memref<1x128xi32, #tpu.memory_space<vmem>>
        %dma_start3A_596 = tpu.memref_squeeze %dma_start3A_595 : memref<1x128xi32, #tpu.memory_space<vmem>> -> memref<128xi32, #tpu.memory_space<vmem>>
        %dma_start3A_597 = arith.constant 0 : i32
        %dma_start3A_598 = arith.constant 0 : i32
        %dma_start3A_599 = tpu.memref_slice %arg8[%dma_start3A_597, %dma_start3A_598] : memref<10112x96xf32, #tpu.memory_space<vmem_shared>> -> memref<10112x96xf32, #tpu.memory_space<vmem_shared>>
        tpu.enqueue_indirect_dma source(%arg14 : memref<128x96xf32, #tpu.memory_space<vmem>>) target(%dma_start3A_599 : memref<10112x96xf32, #tpu.memory_space<vmem_shared>>) offsets(%dma_start3A_596 : memref<128xi32, #tpu.memory_space<vmem>>) semaphore(%arg22 : memref<!tpu.dma_semaphore, #tpu.memory_space<semaphore_mem>>) {add = true}
        %dma_wait3A_600 = arith.constant 0 : i32
        %dma_wait3A_601 = tpu.memref_slice %arg10[%add3A_587, %dma_wait3A_600] : memref<40x128xi32, #tpu.memory_space<vmem>> -> memref<1x128xi32, #tpu.memory_space<vmem>>
        %dma_wait3A_602 = tpu.memref_squeeze %dma_wait3A_601 : memref<1x128xi32, #tpu.memory_space<vmem>> -> memref<128xi32, #tpu.memory_space<vmem>>
        %dma_wait3A_603 = arith.constant 0 : i32
        %dma_wait3A_604 = arith.constant 0 : i32
        %dma_wait3A_605 = tpu.memref_slice %arg8[%dma_wait3A_603, %dma_wait3A_604] : memref<10112x96xf32, #tpu.memory_space<vmem_shared>> -> memref<10112x96xf32, #tpu.memory_space<vmem_shared>>
        tpu.wait_indirect_dma semaphore(%arg22 : memref<!tpu.dma_semaphore, #tpu.memory_space<semaphore_mem>>) src(%arg14 : memref<128x96xf32, #tpu.memory_space<vmem>>) dst(%dma_wait3A_605 : memref<10112x96xf32, #tpu.memory_space<vmem_shared>>)
        %add3A_606 = arith.constant 4 : i32
        %add3A_607 = arith.addi %add3A_587, %add3A_606 : i32
        %dma_start3A_608 = arith.constant 0 : i32
        %dma_start3A_609 = tpu.memref_slice %arg9[%add3A_607, %dma_start3A_608] : memref<40x128xi32, #tpu.memory_space<vmem>> -> memref<1x128xi32, #tpu.memory_space<vmem>>
        %dma_start3A_610 = tpu.memref_squeeze %dma_start3A_609 : memref<1x128xi32, #tpu.memory_space<vmem>> -> memref<128xi32, #tpu.memory_space<vmem>>
        %dma_start3A_611 = arith.constant 0 : i32
        %dma_start3A_612 = arith.constant 0 : i32
        %dma_start3A_613 = tpu.memref_slice %arg2[%dma_start3A_611, %dma_start3A_612] : memref<10112x96xf32, #tpu.memory_space<hbm>> -> memref<10112x96xf32, #tpu.memory_space<hbm>>
        tpu.enqueue_indirect_dma source(%dma_start3A_613 : memref<10112x96xf32, #tpu.memory_space<hbm>>) target(%arg14 : memref<128x96xf32, #tpu.memory_space<vmem>>) offsets(%dma_start3A_610 : memref<128xi32, #tpu.memory_space<vmem>>) semaphore(%arg18 : memref<!tpu.dma_semaphore, #tpu.memory_space<semaphore_mem>>)
      }
      %scan3A_407 = arith.constant 9 : i32
      %dma_wait3A_408 = arith.constant 36 : i32
      %dma_wait3A_409 = arith.constant 0 : i32
      %dma_wait3A_410 = tpu.memref_slice %arg9[%dma_wait3A_408, %dma_wait3A_409] : memref<40x128xi32, #tpu.memory_space<vmem>> -> memref<1x128xi32, #tpu.memory_space<vmem>>
      %dma_wait3A_411 = tpu.memref_squeeze %dma_wait3A_410 : memref<1x128xi32, #tpu.memory_space<vmem>> -> memref<128xi32, #tpu.memory_space<vmem>>
      %dma_wait3A_412 = arith.constant 0 : i32
      %dma_wait3A_413 = arith.constant 0 : i32
      %dma_wait3A_414 = tpu.memref_slice %arg2[%dma_wait3A_412, %dma_wait3A_413] : memref<10112x96xf32, #tpu.memory_space<hbm>> -> memref<10112x96xf32, #tpu.memory_space<hbm>>
      tpu.wait_indirect_dma semaphore(%arg15 : memref<!tpu.dma_semaphore, #tpu.memory_space<semaphore_mem>>) src(%dma_wait3A_414 : memref<10112x96xf32, #tpu.memory_space<hbm>>) dst(%arg11 : memref<128x96xf32, #tpu.memory_space<vmem>>)
      %dma_start3A_415 = arith.constant 36 : i32
      %dma_start3A_416 = arith.constant 0 : i32
      %dma_start3A_417 = tpu.memref_slice %arg10[%dma_start3A_415, %dma_start3A_416] : memref<40x128xi32, #tpu.memory_space<vmem>> -> memref<1x128xi32, #tpu.memory_space<vmem>>
      %dma_start3A_418 = tpu.memref_squeeze %dma_start3A_417 : memref<1x128xi32, #tpu.memory_space<vmem>> -> memref<128xi32, #tpu.memory_space<vmem>>
      %dma_start3A_419 = arith.constant 0 : i32
      %dma_start3A_420 = arith.constant 0 : i32
      %dma_start3A_421 = tpu.memref_slice %arg8[%dma_start3A_419, %dma_start3A_420] : memref<10112x96xf32, #tpu.memory_space<vmem_shared>> -> memref<10112x96xf32, #tpu.memory_space<vmem_shared>>
      tpu.enqueue_indirect_dma source(%arg11 : memref<128x96xf32, #tpu.memory_space<vmem>>) target(%dma_start3A_421 : memref<10112x96xf32, #tpu.memory_space<vmem_shared>>) offsets(%dma_start3A_418 : memref<128xi32, #tpu.memory_space<vmem>>) semaphore(%arg19 : memref<!tpu.dma_semaphore, #tpu.memory_space<semaphore_mem>>) {add = true}
      %dma_wait3A_422 = arith.constant 36 : i32
      %dma_wait3A_423 = arith.constant 0 : i32
      %dma_wait3A_424 = tpu.memref_slice %arg10[%dma_wait3A_422, %dma_wait3A_423] : memref<40x128xi32, #tpu.memory_space<vmem>> -> memref<1x128xi32, #tpu.memory_space<vmem>>
      %dma_wait3A_425 = tpu.memref_squeeze %dma_wait3A_424 : memref<1x128xi32, #tpu.memory_space<vmem>> -> memref<128xi32, #tpu.memory_space<vmem>>
      %dma_wait3A_426 = arith.constant 0 : i32
      %dma_wait3A_427 = arith.constant 0 : i32
      %dma_wait3A_428 = tpu.memref_slice %arg8[%dma_wait3A_426, %dma_wait3A_427] : memref<10112x96xf32, #tpu.memory_space<vmem_shared>> -> memref<10112x96xf32, #tpu.memory_space<vmem_shared>>
      tpu.wait_indirect_dma semaphore(%arg19 : memref<!tpu.dma_semaphore, #tpu.memory_space<semaphore_mem>>) src(%arg11 : memref<128x96xf32, #tpu.memory_space<vmem>>) dst(%dma_wait3A_428 : memref<10112x96xf32, #tpu.memory_space<vmem_shared>>)
      %dma_wait3A_429 = arith.constant 37 : i32
      %dma_wait3A_430 = arith.constant 0 : i32
      %dma_wait3A_431 = tpu.memref_slice %arg9[%dma_wait3A_429, %dma_wait3A_430] : memref<40x128xi32, #tpu.memory_space<vmem>> -> memref<1x128xi32, #tpu.memory_space<vmem>>
      %dma_wait3A_432 = tpu.memref_squeeze %dma_wait3A_431 : memref<1x128xi32, #tpu.memory_space<vmem>> -> memref<128xi32, #tpu.memory_space<vmem>>
      %dma_wait3A_433 = arith.constant 0 : i32
      %dma_wait3A_434 = arith.constant 0 : i32
      %dma_wait3A_435 = tpu.memref_slice %arg2[%dma_wait3A_433, %dma_wait3A_434] : memref<10112x96xf32, #tpu.memory_space<hbm>> -> memref<10112x96xf32, #tpu.memory_space<hbm>>
      tpu.wait_indirect_dma semaphore(%arg16 : memref<!tpu.dma_semaphore, #tpu.memory_space<semaphore_mem>>) src(%dma_wait3A_435 : memref<10112x96xf32, #tpu.memory_space<hbm>>) dst(%arg12 : memref<128x96xf32, #tpu.memory_space<vmem>>)
      %dma_start3A_436 = arith.constant 37 : i32
      %dma_start3A_437 = arith.constant 0 : i32
      %dma_start3A_438 = tpu.memref_slice %arg10[%dma_start3A_436, %dma_start3A_437] : memref<40x128xi32, #tpu.memory_space<vmem>> -> memref<1x128xi32, #tpu.memory_space<vmem>>
      %dma_start3A_439 = tpu.memref_squeeze %dma_start3A_438 : memref<1x128xi32, #tpu.memory_space<vmem>> -> memref<128xi32, #tpu.memory_space<vmem>>
      %dma_start3A_440 = arith.constant 0 : i32
      %dma_start3A_441 = arith.constant 0 : i32
      %dma_start3A_442 = tpu.memref_slice %arg8[%dma_start3A_440, %dma_start3A_441] : memref<10112x96xf32, #tpu.memory_space<vmem_shared>> -> memref<10112x96xf32, #tpu.memory_space<vmem_shared>>
      tpu.enqueue_indirect_dma source(%arg12 : memref<128x96xf32, #tpu.memory_space<vmem>>) target(%dma_start3A_442 : memref<10112x96xf32, #tpu.memory_space<vmem_shared>>) offsets(%dma_start3A_439 : memref<128xi32, #tpu.memory_space<vmem>>) semaphore(%arg20 : memref<!tpu.dma_semaphore, #tpu.memory_space<semaphore_mem>>) {add = true}
      %dma_wait3A_443 = arith.constant 37 : i32
      %dma_wait3A_444 = arith.constant 0 : i32
      %dma_wait3A_445 = tpu.memref_slice %arg10[%dma_wait3A_443, %dma_wait3A_444] : memref<40x128xi32, #tpu.memory_space<vmem>> -> memref<1x128xi32, #tpu.memory_space<vmem>>
      %dma_wait3A_446 = tpu.memref_squeeze %dma_wait3A_445 : memref<1x128xi32, #tpu.memory_space<vmem>> -> memref<128xi32, #tpu.memory_space<vmem>>
      %dma_wait3A_447 = arith.constant 0 : i32
      %dma_wait3A_448 = arith.constant 0 : i32
      %dma_wait3A_449 = tpu.memref_slice %arg8[%dma_wait3A_447, %dma_wait3A_448] : memref<10112x96xf32, #tpu.memory_space<vmem_shared>> -> memref<10112x96xf32, #tpu.memory_space<vmem_shared>>
      tpu.wait_indirect_dma semaphore(%arg20 : memref<!tpu.dma_semaphore, #tpu.memory_space<semaphore_mem>>) src(%arg12 : memref<128x96xf32, #tpu.memory_space<vmem>>) dst(%dma_wait3A_449 : memref<10112x96xf32, #tpu.memory_space<vmem_shared>>)
      %dma_wait3A_450 = arith.constant 38 : i32
      %dma_wait3A_451 = arith.constant 0 : i32
      %dma_wait3A_452 = tpu.memref_slice %arg9[%dma_wait3A_450, %dma_wait3A_451] : memref<40x128xi32, #tpu.memory_space<vmem>> -> memref<1x128xi32, #tpu.memory_space<vmem>>
      %dma_wait3A_453 = tpu.memref_squeeze %dma_wait3A_452 : memref<1x128xi32, #tpu.memory_space<vmem>> -> memref<128xi32, #tpu.memory_space<vmem>>
      %dma_wait3A_454 = arith.constant 0 : i32
      %dma_wait3A_455 = arith.constant 0 : i32
      %dma_wait3A_456 = tpu.memref_slice %arg2[%dma_wait3A_454, %dma_wait3A_455] : memref<10112x96xf32, #tpu.memory_space<hbm>> -> memref<10112x96xf32, #tpu.memory_space<hbm>>
      tpu.wait_indirect_dma semaphore(%arg17 : memref<!tpu.dma_semaphore, #tpu.memory_space<semaphore_mem>>) src(%dma_wait3A_456 : memref<10112x96xf32, #tpu.memory_space<hbm>>) dst(%arg13 : memref<128x96xf32, #tpu.memory_space<vmem>>)
      %dma_start3A_457 = arith.constant 38 : i32
      %dma_start3A_458 = arith.constant 0 : i32
      %dma_start3A_459 = tpu.memref_slice %arg10[%dma_start3A_457, %dma_start3A_458] : memref<40x128xi32, #tpu.memory_space<vmem>> -> memref<1x128xi32, #tpu.memory_space<vmem>>
      %dma_start3A_460 = tpu.memref_squeeze %dma_start3A_459 : memref<1x128xi32, #tpu.memory_space<vmem>> -> memref<128xi32, #tpu.memory_space<vmem>>
      %dma_start3A_461 = arith.constant 0 : i32
      %dma_start3A_462 = arith.constant 0 : i32
      %dma_start3A_463 = tpu.memref_slice %arg8[%dma_start3A_461, %dma_start3A_462] : memref<10112x96xf32, #tpu.memory_space<vmem_shared>> -> memref<10112x96xf32, #tpu.memory_space<vmem_shared>>
      tpu.enqueue_indirect_dma source(%arg13 : memref<128x96xf32, #tpu.memory_space<vmem>>) target(%dma_start3A_463 : memref<10112x96xf32, #tpu.memory_space<vmem_shared>>) offsets(%dma_start3A_460 : memref<128xi32, #tpu.memory_space<vmem>>) semaphore(%arg21 : memref<!tpu.dma_semaphore, #tpu.memory_space<semaphore_mem>>) {add = true}
      %dma_wait3A_464 = arith.constant 38 : i32
      %dma_wait3A_465 = arith.constant 0 : i32
      %dma_wait3A_466 = tpu.memref_slice %arg10[%dma_wait3A_464, %dma_wait3A_465] : memref<40x128xi32, #tpu.memory_space<vmem>> -> memref<1x128xi32, #tpu.memory_space<vmem>>
      %dma_wait3A_467 = tpu.memref_squeeze %dma_wait3A_466 : memref<1x128xi32, #tpu.memory_space<vmem>> -> memref<128xi32, #tpu.memory_space<vmem>>
      %dma_wait3A_468 = arith.constant 0 : i32
      %dma_wait3A_469 = arith.constant 0 : i32
      %dma_wait3A_470 = tpu.memref_slice %arg8[%dma_wait3A_468, %dma_wait3A_469] : memref<10112x96xf32, #tpu.memory_space<vmem_shared>> -> memref<10112x96xf32, #tpu.memory_space<vmem_shared>>
      tpu.wait_indirect_dma semaphore(%arg21 : memref<!tpu.dma_semaphore, #tpu.memory_space<semaphore_mem>>) src(%arg13 : memref<128x96xf32, #tpu.memory_space<vmem>>) dst(%dma_wait3A_470 : memref<10112x96xf32, #tpu.memory_space<vmem_shared>>)
      %dma_wait3A_471 = arith.constant 39 : i32
      %dma_wait3A_472 = arith.constant 0 : i32
      %dma_wait3A_473 = tpu.memref_slice %arg9[%dma_wait3A_471, %dma_wait3A_472] : memref<40x128xi32, #tpu.memory_space<vmem>> -> memref<1x128xi32, #tpu.memory_space<vmem>>
      %dma_wait3A_474 = tpu.memref_squeeze %dma_wait3A_473 : memref<1x128xi32, #tpu.memory_space<vmem>> -> memref<128xi32, #tpu.memory_space<vmem>>
      %dma_wait3A_475 = arith.constant 0 : i32
      %dma_wait3A_476 = arith.constant 0 : i32
      %dma_wait3A_477 = tpu.memref_slice %arg2[%dma_wait3A_475, %dma_wait3A_476] : memref<10112x96xf32, #tpu.memory_space<hbm>> -> memref<10112x96xf32, #tpu.memory_space<hbm>>
      tpu.wait_indirect_dma semaphore(%arg18 : memref<!tpu.dma_semaphore, #tpu.memory_space<semaphore_mem>>) src(%dma_wait3A_477 : memref<10112x96xf32, #tpu.memory_space<hbm>>) dst(%arg14 : memref<128x96xf32, #tpu.memory_space<vmem>>)
      %dma_start3A_478 = arith.constant 39 : i32
      %dma_start3A_479 = arith.constant 0 : i32
      %dma_start3A_480 = tpu.memref_slice %arg10[%dma_start3A_478, %dma_start3A_479] : memref<40x128xi32, #tpu.memory_space<vmem>> -> memref<1x128xi32, #tpu.memory_space<vmem>>
      %dma_start3A_481 = tpu.memref_squeeze %dma_start3A_480 : memref<1x128xi32, #tpu.memory_space<vmem>> -> memref<128xi32, #tpu.memory_space<vmem>>
      %dma_start3A_482 = arith.constant 0 : i32
      %dma_start3A_483 = arith.constant 0 : i32
      %dma_start3A_484 = tpu.memref_slice %arg8[%dma_start3A_482, %dma_start3A_483] : memref<10112x96xf32, #tpu.memory_space<vmem_shared>> -> memref<10112x96xf32, #tpu.memory_space<vmem_shared>>
      tpu.enqueue_indirect_dma source(%arg14 : memref<128x96xf32, #tpu.memory_space<vmem>>) target(%dma_start3A_484 : memref<10112x96xf32, #tpu.memory_space<vmem_shared>>) offsets(%dma_start3A_481 : memref<128xi32, #tpu.memory_space<vmem>>) semaphore(%arg22 : memref<!tpu.dma_semaphore, #tpu.memory_space<semaphore_mem>>) {add = true}
      %dma_wait3A_485 = arith.constant 39 : i32
      %dma_wait3A_486 = arith.constant 0 : i32
      %dma_wait3A_487 = tpu.memref_slice %arg10[%dma_wait3A_485, %dma_wait3A_486] : memref<40x128xi32, #tpu.memory_space<vmem>> -> memref<1x128xi32, #tpu.memory_space<vmem>>
      %dma_wait3A_488 = tpu.memref_squeeze %dma_wait3A_487 : memref<1x128xi32, #tpu.memory_space<vmem>> -> memref<128xi32, #tpu.memory_space<vmem>>
      %dma_wait3A_489 = arith.constant 0 : i32
      %dma_wait3A_490 = arith.constant 0 : i32
      %dma_wait3A_491 = tpu.memref_slice %arg8[%dma_wait3A_489, %dma_wait3A_490] : memref<10112x96xf32, #tpu.memory_space<vmem_shared>> -> memref<10112x96xf32, #tpu.memory_space<vmem_shared>>
      tpu.wait_indirect_dma semaphore(%arg22 : memref<!tpu.dma_semaphore, #tpu.memory_space<semaphore_mem>>) src(%arg14 : memref<128x96xf32, #tpu.memory_space<vmem>>) dst(%dma_wait3A_491 : memref<10112x96xf32, #tpu.memory_space<vmem_shared>>)
      %barrier3A_492 = arith.constant 0 : index
      tpu.barrier barrier_id(%barrier3A_492)
      "tpu.region"() ({
        %run_scoped3A = tpu.sem_alloc : memref<!tpu.dma_semaphore, #tpu.memory_space<semaphore_mem>>
        %dma_start3A_493 = arith.constant 0 : i32
        %dma_start3A_494 = tpu.memref_slice %arg6[%mul3A_0, %dma_start3A_493] : memref<10112x128xf32, #tpu.memory_space<hbm>> -> memref<632x96xf32, #tpu.memory_space<hbm>>
        %dma_start3A_495 = arith.constant 0 : i32
        %dma_start3A_496 = tpu.memref_slice %arg8[%mul3A_0, %dma_start3A_495] : memref<10112x96xf32, #tpu.memory_space<vmem_shared>> -> memref<632x96xf32, #tpu.memory_space<vmem_shared>>
        tpu.enqueue_dma source(%dma_start3A_496 : memref<632x96xf32, #tpu.memory_space<vmem_shared>>) target(%dma_start3A_494 : memref<632x96xf32, #tpu.memory_space<hbm>>) target_semaphore(%run_scoped3A : memref<!tpu.dma_semaphore, #tpu.memory_space<semaphore_mem>>)
        %dma_wait3A_497 = arith.constant 0 : i32
        %dma_wait3A_498 = tpu.memref_slice %arg6[%mul3A_0, %dma_wait3A_497] : memref<10112x128xf32, #tpu.memory_space<hbm>> -> memref<632x96xf32, #tpu.memory_space<hbm>>
        %dma_wait3A_499 = arith.constant 0 : i32
        %dma_wait3A_500 = tpu.memref_slice %arg8[%mul3A_0, %dma_wait3A_499] : memref<10112x96xf32, #tpu.memory_space<vmem_shared>> -> memref<632x96xf32, #tpu.memory_space<vmem_shared>>
        tpu.wait_dma2 semaphore(%run_scoped3A : memref<!tpu.dma_semaphore, #tpu.memory_space<semaphore_mem>>) src(%dma_wait3A_500 : memref<632x96xf32, #tpu.memory_space<vmem_shared>>) dst(%dma_wait3A_498 : memref<632x96xf32, #tpu.memory_space<hbm>>)
        tpu.yield
      }) : () -> ()
    } else {
    }
    %eq3A_3 = arith.constant 1 : i32
    %eq3A_4 = arith.cmpi eq, %arg0, %eq3A_3 : i32
    %convert_element_type3A_5 = arith.extui %eq3A_4 : i1 to i32
    %cond3A_6 = arith.constant 0 : i32
    %cond3A_7 = arith.cmpi ne, %convert_element_type3A_5, %cond3A_6 : i32
    scf.if %cond3A_7 {
      "tpu.region"() ({
        %run_scoped3A = tpu.sem_alloc : memref<!tpu.dma_semaphore, #tpu.memory_space<semaphore_mem>>
        %dma_start3A_493 = arith.constant 0 : i32
        %dma_start3A_494 = tpu.memref_slice %arg8[%mul3A_0, %dma_start3A_493] : memref<10112x96xf32, #tpu.memory_space<vmem_shared>> -> memref<632x96xf32, #tpu.memory_space<vmem_shared>>
        %dma_start3A_495 = arith.constant 0 : i32
        %dma_start3A_496 = tpu.memref_slice %arg3[%mul3A_0, %dma_start3A_495] : memref<10112x96xf32, #tpu.memory_space<hbm>> -> memref<632x96xf32, #tpu.memory_space<hbm>>
        tpu.enqueue_dma source(%dma_start3A_496 : memref<632x96xf32, #tpu.memory_space<hbm>>) target(%dma_start3A_494 : memref<632x96xf32, #tpu.memory_space<vmem_shared>>) target_semaphore(%run_scoped3A : memref<!tpu.dma_semaphore, #tpu.memory_space<semaphore_mem>>)
        %dma_wait3A_497 = arith.constant 0 : i32
        %dma_wait3A_498 = tpu.memref_slice %arg8[%mul3A_0, %dma_wait3A_497] : memref<10112x96xf32, #tpu.memory_space<vmem_shared>> -> memref<632x96xf32, #tpu.memory_space<vmem_shared>>
        %dma_wait3A_499 = arith.constant 0 : i32
        %dma_wait3A_500 = tpu.memref_slice %arg3[%mul3A_0, %dma_wait3A_499] : memref<10112x96xf32, #tpu.memory_space<hbm>> -> memref<632x96xf32, #tpu.memory_space<hbm>>
        tpu.wait_dma2 semaphore(%run_scoped3A : memref<!tpu.dma_semaphore, #tpu.memory_space<semaphore_mem>>) src(%dma_wait3A_500 : memref<632x96xf32, #tpu.memory_space<hbm>>) dst(%dma_wait3A_498 : memref<632x96xf32, #tpu.memory_space<vmem_shared>>)
        tpu.yield
      }) : () -> ()
      %barrier3A = arith.constant 0 : index
      tpu.barrier barrier_id(%barrier3A)
      %mul3A_8 = arith.constant 160 : i32
      %mul3A_9 = arith.muli %arg1, %mul3A_8 : i32
      %add3A = arith.constant 0 : i32
      %add3A_10 = arith.addi %mul3A_9, %add3A : i32
      "tpu.region"() ({
        %run_scoped3A = tpu.sem_alloc : memref<!tpu.dma_semaphore, #tpu.memory_space<semaphore_mem>>
        %dma_start3A_493 = arith.constant 0 : i32
        %dma_start3A_494 = tpu.memref_slice %arg4[%add3A_10, %dma_start3A_493] : memref<2560x128xi32, #tpu.memory_space<hbm>> -> memref<40x128xi32, #tpu.memory_space<hbm>>
        %dma_start3A_495 = arith.constant 0 : i32
        %dma_start3A_496 = tpu.memref_slice %arg4[%add3A_10, %dma_start3A_495] : memref<2560x128xi32, #tpu.memory_space<hbm>> -> memref<40x128xi32, #tpu.memory_space<hbm>>
        tpu.enqueue_dma source(%dma_start3A_496 : memref<40x128xi32, #tpu.memory_space<hbm>>) target(%arg9 : memref<40x128xi32, #tpu.memory_space<vmem>>) target_semaphore(%run_scoped3A : memref<!tpu.dma_semaphore, #tpu.memory_space<semaphore_mem>>)
        %dma_wait3A_497 = arith.constant 0 : i32
        %dma_wait3A_498 = tpu.memref_slice %arg4[%add3A_10, %dma_wait3A_497] : memref<2560x128xi32, #tpu.memory_space<hbm>> -> memref<40x128xi32, #tpu.memory_space<hbm>>
        %dma_wait3A_499 = arith.constant 0 : i32
        %dma_wait3A_500 = tpu.memref_slice %arg4[%add3A_10, %dma_wait3A_499] : memref<2560x128xi32, #tpu.memory_space<hbm>> -> memref<40x128xi32, #tpu.memory_space<hbm>>
        tpu.wait_dma2 semaphore(%run_scoped3A : memref<!tpu.dma_semaphore, #tpu.memory_space<semaphore_mem>>) src(%dma_wait3A_500 : memref<40x128xi32, #tpu.memory_space<hbm>>) dst(%arg9 : memref<40x128xi32, #tpu.memory_space<vmem>>)
        tpu.yield
      }) : () -> ()
      "tpu.region"() ({
        %run_scoped3A = tpu.sem_alloc : memref<!tpu.dma_semaphore, #tpu.memory_space<semaphore_mem>>
        %dma_start3A_493 = arith.constant 0 : i32
        %dma_start3A_494 = tpu.memref_slice %arg5[%add3A_10, %dma_start3A_493] : memref<2560x128xi32, #tpu.memory_space<hbm>> -> memref<40x128xi32, #tpu.memory_space<hbm>>
        %dma_start3A_495 = arith.constant 0 : i32
        %dma_start3A_496 = tpu.memref_slice %arg5[%add3A_10, %dma_start3A_495] : memref<2560x128xi32, #tpu.memory_space<hbm>> -> memref<40x128xi32, #tpu.memory_space<hbm>>
        tpu.enqueue_dma source(%dma_start3A_496 : memref<40x128xi32, #tpu.memory_space<hbm>>) target(%arg10 : memref<40x128xi32, #tpu.memory_space<vmem>>) target_semaphore(%run_scoped3A : memref<!tpu.dma_semaphore, #tpu.memory_space<semaphore_mem>>)
        %dma_wait3A_497 = arith.constant 0 : i32
        %dma_wait3A_498 = tpu.memref_slice %arg5[%add3A_10, %dma_wait3A_497] : memref<2560x128xi32, #tpu.memory_space<hbm>> -> memref<40x128xi32, #tpu.memory_space<hbm>>
        %dma_wait3A_499 = arith.constant 0 : i32
        %dma_wait3A_500 = tpu.memref_slice %arg5[%add3A_10, %dma_wait3A_499] : memref<2560x128xi32, #tpu.memory_space<hbm>> -> memref<40x128xi32, #tpu.memory_space<hbm>>
        tpu.wait_dma2 semaphore(%run_scoped3A : memref<!tpu.dma_semaphore, #tpu.memory_space<semaphore_mem>>) src(%dma_wait3A_500 : memref<40x128xi32, #tpu.memory_space<hbm>>) dst(%arg10 : memref<40x128xi32, #tpu.memory_space<vmem>>)
        tpu.yield
      }) : () -> ()
      %dma_start3A = arith.constant 0 : i32
      %dma_start3A_11 = arith.constant 0 : i32
      %dma_start3A_12 = tpu.memref_slice %arg9[%dma_start3A, %dma_start3A_11] : memref<40x128xi32, #tpu.memory_space<vmem>> -> memref<1x128xi32, #tpu.memory_space<vmem>>
      %dma_start3A_13 = tpu.memref_squeeze %dma_start3A_12 : memref<1x128xi32, #tpu.memory_space<vmem>> -> memref<128xi32, #tpu.memory_space<vmem>>
      %dma_start3A_14 = arith.constant 0 : i32
      %dma_start3A_15 = arith.constant 0 : i32
      %dma_start3A_16 = tpu.memref_slice %arg3[%dma_start3A_14, %dma_start3A_15] : memref<10112x96xf32, #tpu.memory_space<hbm>> -> memref<10112x96xf32, #tpu.memory_space<hbm>>
      tpu.enqueue_indirect_dma source(%dma_start3A_16 : memref<10112x96xf32, #tpu.memory_space<hbm>>) target(%arg11 : memref<128x96xf32, #tpu.memory_space<vmem>>) offsets(%dma_start3A_13 : memref<128xi32, #tpu.memory_space<vmem>>) semaphore(%arg15 : memref<!tpu.dma_semaphore, #tpu.memory_space<semaphore_mem>>)
      %dma_start3A_17 = arith.constant 1 : i32
      %dma_start3A_18 = arith.constant 0 : i32
      %dma_start3A_19 = tpu.memref_slice %arg9[%dma_start3A_17, %dma_start3A_18] : memref<40x128xi32, #tpu.memory_space<vmem>> -> memref<1x128xi32, #tpu.memory_space<vmem>>
      %dma_start3A_20 = tpu.memref_squeeze %dma_start3A_19 : memref<1x128xi32, #tpu.memory_space<vmem>> -> memref<128xi32, #tpu.memory_space<vmem>>
      %dma_start3A_21 = arith.constant 0 : i32
      %dma_start3A_22 = arith.constant 0 : i32
      %dma_start3A_23 = tpu.memref_slice %arg3[%dma_start3A_21, %dma_start3A_22] : memref<10112x96xf32, #tpu.memory_space<hbm>> -> memref<10112x96xf32, #tpu.memory_space<hbm>>
      tpu.enqueue_indirect_dma source(%dma_start3A_23 : memref<10112x96xf32, #tpu.memory_space<hbm>>) target(%arg12 : memref<128x96xf32, #tpu.memory_space<vmem>>) offsets(%dma_start3A_20 : memref<128xi32, #tpu.memory_space<vmem>>) semaphore(%arg16 : memref<!tpu.dma_semaphore, #tpu.memory_space<semaphore_mem>>)
      %dma_start3A_24 = arith.constant 2 : i32
      %dma_start3A_25 = arith.constant 0 : i32
      %dma_start3A_26 = tpu.memref_slice %arg9[%dma_start3A_24, %dma_start3A_25] : memref<40x128xi32, #tpu.memory_space<vmem>> -> memref<1x128xi32, #tpu.memory_space<vmem>>
      %dma_start3A_27 = tpu.memref_squeeze %dma_start3A_26 : memref<1x128xi32, #tpu.memory_space<vmem>> -> memref<128xi32, #tpu.memory_space<vmem>>
      %dma_start3A_28 = arith.constant 0 : i32
      %dma_start3A_29 = arith.constant 0 : i32
      %dma_start3A_30 = tpu.memref_slice %arg3[%dma_start3A_28, %dma_start3A_29] : memref<10112x96xf32, #tpu.memory_space<hbm>> -> memref<10112x96xf32, #tpu.memory_space<hbm>>
      tpu.enqueue_indirect_dma source(%dma_start3A_30 : memref<10112x96xf32, #tpu.memory_space<hbm>>) target(%arg13 : memref<128x96xf32, #tpu.memory_space<vmem>>) offsets(%dma_start3A_27 : memref<128xi32, #tpu.memory_space<vmem>>) semaphore(%arg17 : memref<!tpu.dma_semaphore, #tpu.memory_space<semaphore_mem>>)
      %dma_start3A_31 = arith.constant 3 : i32
      %dma_start3A_32 = arith.constant 0 : i32
      %dma_start3A_33 = tpu.memref_slice %arg9[%dma_start3A_31, %dma_start3A_32] : memref<40x128xi32, #tpu.memory_space<vmem>> -> memref<1x128xi32, #tpu.memory_space<vmem>>
      %dma_start3A_34 = tpu.memref_squeeze %dma_start3A_33 : memref<1x128xi32, #tpu.memory_space<vmem>> -> memref<128xi32, #tpu.memory_space<vmem>>
      %dma_start3A_35 = arith.constant 0 : i32
      %dma_start3A_36 = arith.constant 0 : i32
      %dma_start3A_37 = tpu.memref_slice %arg3[%dma_start3A_35, %dma_start3A_36] : memref<10112x96xf32, #tpu.memory_space<hbm>> -> memref<10112x96xf32, #tpu.memory_space<hbm>>
      tpu.enqueue_indirect_dma source(%dma_start3A_37 : memref<10112x96xf32, #tpu.memory_space<hbm>>) target(%arg14 : memref<128x96xf32, #tpu.memory_space<vmem>>) offsets(%dma_start3A_34 : memref<128xi32, #tpu.memory_space<vmem>>) semaphore(%arg18 : memref<!tpu.dma_semaphore, #tpu.memory_space<semaphore_mem>>)
      %scan3A = arith.constant 0 : i32
      %scan3A_38 = arith.constant 0 : i32
      %scan3A_39 = arith.constant 9 : i32
      %scan3A_40 = arith.addi %scan3A_38, %scan3A_39 : i32
      %scan3A_41 = arith.constant 1 : i32
      scf.for %scan3A_493 = %scan3A_38 to %scan3A_40 step %scan3A_41  : i32 {
        %mul3A_494 = arith.constant 4 : i32
        %mul3A_495 = arith.muli %scan3A_493, %mul3A_494 : i32
        %add3A_496 = arith.constant 0 : i32
        %add3A_497 = arith.addi %mul3A_495, %add3A_496 : i32
        %dma_wait3A_498 = arith.constant 0 : i32
        %dma_wait3A_499 = tpu.memref_slice %arg9[%add3A_497, %dma_wait3A_498] : memref<40x128xi32, #tpu.memory_space<vmem>> -> memref<1x128xi32, #tpu.memory_space<vmem>>
        %dma_wait3A_500 = tpu.memref_squeeze %dma_wait3A_499 : memref<1x128xi32, #tpu.memory_space<vmem>> -> memref<128xi32, #tpu.memory_space<vmem>>
        %dma_wait3A_501 = arith.constant 0 : i32
        %dma_wait3A_502 = arith.constant 0 : i32
        %dma_wait3A_503 = tpu.memref_slice %arg3[%dma_wait3A_501, %dma_wait3A_502] : memref<10112x96xf32, #tpu.memory_space<hbm>> -> memref<10112x96xf32, #tpu.memory_space<hbm>>
        tpu.wait_indirect_dma semaphore(%arg15 : memref<!tpu.dma_semaphore, #tpu.memory_space<semaphore_mem>>) src(%dma_wait3A_503 : memref<10112x96xf32, #tpu.memory_space<hbm>>) dst(%arg11 : memref<128x96xf32, #tpu.memory_space<vmem>>)
        %dma_start3A_504 = arith.constant 0 : i32
        %dma_start3A_505 = tpu.memref_slice %arg10[%add3A_497, %dma_start3A_504] : memref<40x128xi32, #tpu.memory_space<vmem>> -> memref<1x128xi32, #tpu.memory_space<vmem>>
        %dma_start3A_506 = tpu.memref_squeeze %dma_start3A_505 : memref<1x128xi32, #tpu.memory_space<vmem>> -> memref<128xi32, #tpu.memory_space<vmem>>
        %dma_start3A_507 = arith.constant 0 : i32
        %dma_start3A_508 = arith.constant 0 : i32
        %dma_start3A_509 = tpu.memref_slice %arg8[%dma_start3A_507, %dma_start3A_508] : memref<10112x96xf32, #tpu.memory_space<vmem_shared>> -> memref<10112x96xf32, #tpu.memory_space<vmem_shared>>
        tpu.enqueue_indirect_dma source(%arg11 : memref<128x96xf32, #tpu.memory_space<vmem>>) target(%dma_start3A_509 : memref<10112x96xf32, #tpu.memory_space<vmem_shared>>) offsets(%dma_start3A_506 : memref<128xi32, #tpu.memory_space<vmem>>) semaphore(%arg19 : memref<!tpu.dma_semaphore, #tpu.memory_space<semaphore_mem>>) {add = true}
        %dma_wait3A_510 = arith.constant 0 : i32
        %dma_wait3A_511 = tpu.memref_slice %arg10[%add3A_497, %dma_wait3A_510] : memref<40x128xi32, #tpu.memory_space<vmem>> -> memref<1x128xi32, #tpu.memory_space<vmem>>
        %dma_wait3A_512 = tpu.memref_squeeze %dma_wait3A_511 : memref<1x128xi32, #tpu.memory_space<vmem>> -> memref<128xi32, #tpu.memory_space<vmem>>
        %dma_wait3A_513 = arith.constant 0 : i32
        %dma_wait3A_514 = arith.constant 0 : i32
        %dma_wait3A_515 = tpu.memref_slice %arg8[%dma_wait3A_513, %dma_wait3A_514] : memref<10112x96xf32, #tpu.memory_space<vmem_shared>> -> memref<10112x96xf32, #tpu.memory_space<vmem_shared>>
        tpu.wait_indirect_dma semaphore(%arg19 : memref<!tpu.dma_semaphore, #tpu.memory_space<semaphore_mem>>) src(%arg11 : memref<128x96xf32, #tpu.memory_space<vmem>>) dst(%dma_wait3A_515 : memref<10112x96xf32, #tpu.memory_space<vmem_shared>>)
        %add3A_516 = arith.constant 4 : i32
        %add3A_517 = arith.addi %add3A_497, %add3A_516 : i32
        %dma_start3A_518 = arith.constant 0 : i32
        %dma_start3A_519 = tpu.memref_slice %arg9[%add3A_517, %dma_start3A_518] : memref<40x128xi32, #tpu.memory_space<vmem>> -> memref<1x128xi32, #tpu.memory_space<vmem>>
        %dma_start3A_520 = tpu.memref_squeeze %dma_start3A_519 : memref<1x128xi32, #tpu.memory_space<vmem>> -> memref<128xi32, #tpu.memory_space<vmem>>
        %dma_start3A_521 = arith.constant 0 : i32
        %dma_start3A_522 = arith.constant 0 : i32
        %dma_start3A_523 = tpu.memref_slice %arg3[%dma_start3A_521, %dma_start3A_522] : memref<10112x96xf32, #tpu.memory_space<hbm>> -> memref<10112x96xf32, #tpu.memory_space<hbm>>
        tpu.enqueue_indirect_dma source(%dma_start3A_523 : memref<10112x96xf32, #tpu.memory_space<hbm>>) target(%arg11 : memref<128x96xf32, #tpu.memory_space<vmem>>) offsets(%dma_start3A_520 : memref<128xi32, #tpu.memory_space<vmem>>) semaphore(%arg15 : memref<!tpu.dma_semaphore, #tpu.memory_space<semaphore_mem>>)
        %mul3A_524 = arith.constant 4 : i32
        %mul3A_525 = arith.muli %scan3A_493, %mul3A_524 : i32
        %add3A_526 = arith.constant 1 : i32
        %add3A_527 = arith.addi %mul3A_525, %add3A_526 : i32
        %dma_wait3A_528 = arith.constant 0 : i32
        %dma_wait3A_529 = tpu.memref_slice %arg9[%add3A_527, %dma_wait3A_528] : memref<40x128xi32, #tpu.memory_space<vmem>> -> memref<1x128xi32, #tpu.memory_space<vmem>>
        %dma_wait3A_530 = tpu.memref_squeeze %dma_wait3A_529 : memref<1x128xi32, #tpu.memory_space<vmem>> -> memref<128xi32, #tpu.memory_space<vmem>>
        %dma_wait3A_531 = arith.constant 0 : i32
        %dma_wait3A_532 = arith.constant 0 : i32
        %dma_wait3A_533 = tpu.memref_slice %arg3[%dma_wait3A_531, %dma_wait3A_532] : memref<10112x96xf32, #tpu.memory_space<hbm>> -> memref<10112x96xf32, #tpu.memory_space<hbm>>
        tpu.wait_indirect_dma semaphore(%arg16 : memref<!tpu.dma_semaphore, #tpu.memory_space<semaphore_mem>>) src(%dma_wait3A_533 : memref<10112x96xf32, #tpu.memory_space<hbm>>) dst(%arg12 : memref<128x96xf32, #tpu.memory_space<vmem>>)
        %dma_start3A_534 = arith.constant 0 : i32
        %dma_start3A_535 = tpu.memref_slice %arg10[%add3A_527, %dma_start3A_534] : memref<40x128xi32, #tpu.memory_space<vmem>> -> memref<1x128xi32, #tpu.memory_space<vmem>>
        %dma_start3A_536 = tpu.memref_squeeze %dma_start3A_535 : memref<1x128xi32, #tpu.memory_space<vmem>> -> memref<128xi32, #tpu.memory_space<vmem>>
        %dma_start3A_537 = arith.constant 0 : i32
        %dma_start3A_538 = arith.constant 0 : i32
        %dma_start3A_539 = tpu.memref_slice %arg8[%dma_start3A_537, %dma_start3A_538] : memref<10112x96xf32, #tpu.memory_space<vmem_shared>> -> memref<10112x96xf32, #tpu.memory_space<vmem_shared>>
        tpu.enqueue_indirect_dma source(%arg12 : memref<128x96xf32, #tpu.memory_space<vmem>>) target(%dma_start3A_539 : memref<10112x96xf32, #tpu.memory_space<vmem_shared>>) offsets(%dma_start3A_536 : memref<128xi32, #tpu.memory_space<vmem>>) semaphore(%arg20 : memref<!tpu.dma_semaphore, #tpu.memory_space<semaphore_mem>>) {add = true}
        %dma_wait3A_540 = arith.constant 0 : i32
        %dma_wait3A_541 = tpu.memref_slice %arg10[%add3A_527, %dma_wait3A_540] : memref<40x128xi32, #tpu.memory_space<vmem>> -> memref<1x128xi32, #tpu.memory_space<vmem>>
        %dma_wait3A_542 = tpu.memref_squeeze %dma_wait3A_541 : memref<1x128xi32, #tpu.memory_space<vmem>> -> memref<128xi32, #tpu.memory_space<vmem>>
        %dma_wait3A_543 = arith.constant 0 : i32
        %dma_wait3A_544 = arith.constant 0 : i32
        %dma_wait3A_545 = tpu.memref_slice %arg8[%dma_wait3A_543, %dma_wait3A_544] : memref<10112x96xf32, #tpu.memory_space<vmem_shared>> -> memref<10112x96xf32, #tpu.memory_space<vmem_shared>>
        tpu.wait_indirect_dma semaphore(%arg20 : memref<!tpu.dma_semaphore, #tpu.memory_space<semaphore_mem>>) src(%arg12 : memref<128x96xf32, #tpu.memory_space<vmem>>) dst(%dma_wait3A_545 : memref<10112x96xf32, #tpu.memory_space<vmem_shared>>)
        %add3A_546 = arith.constant 4 : i32
        %add3A_547 = arith.addi %add3A_527, %add3A_546 : i32
        %dma_start3A_548 = arith.constant 0 : i32
        %dma_start3A_549 = tpu.memref_slice %arg9[%add3A_547, %dma_start3A_548] : memref<40x128xi32, #tpu.memory_space<vmem>> -> memref<1x128xi32, #tpu.memory_space<vmem>>
        %dma_start3A_550 = tpu.memref_squeeze %dma_start3A_549 : memref<1x128xi32, #tpu.memory_space<vmem>> -> memref<128xi32, #tpu.memory_space<vmem>>
        %dma_start3A_551 = arith.constant 0 : i32
        %dma_start3A_552 = arith.constant 0 : i32
        %dma_start3A_553 = tpu.memref_slice %arg3[%dma_start3A_551, %dma_start3A_552] : memref<10112x96xf32, #tpu.memory_space<hbm>> -> memref<10112x96xf32, #tpu.memory_space<hbm>>
        tpu.enqueue_indirect_dma source(%dma_start3A_553 : memref<10112x96xf32, #tpu.memory_space<hbm>>) target(%arg12 : memref<128x96xf32, #tpu.memory_space<vmem>>) offsets(%dma_start3A_550 : memref<128xi32, #tpu.memory_space<vmem>>) semaphore(%arg16 : memref<!tpu.dma_semaphore, #tpu.memory_space<semaphore_mem>>)
        %mul3A_554 = arith.constant 4 : i32
        %mul3A_555 = arith.muli %scan3A_493, %mul3A_554 : i32
        %add3A_556 = arith.constant 2 : i32
        %add3A_557 = arith.addi %mul3A_555, %add3A_556 : i32
        %dma_wait3A_558 = arith.constant 0 : i32
        %dma_wait3A_559 = tpu.memref_slice %arg9[%add3A_557, %dma_wait3A_558] : memref<40x128xi32, #tpu.memory_space<vmem>> -> memref<1x128xi32, #tpu.memory_space<vmem>>
        %dma_wait3A_560 = tpu.memref_squeeze %dma_wait3A_559 : memref<1x128xi32, #tpu.memory_space<vmem>> -> memref<128xi32, #tpu.memory_space<vmem>>
        %dma_wait3A_561 = arith.constant 0 : i32
        %dma_wait3A_562 = arith.constant 0 : i32
        %dma_wait3A_563 = tpu.memref_slice %arg3[%dma_wait3A_561, %dma_wait3A_562] : memref<10112x96xf32, #tpu.memory_space<hbm>> -> memref<10112x96xf32, #tpu.memory_space<hbm>>
        tpu.wait_indirect_dma semaphore(%arg17 : memref<!tpu.dma_semaphore, #tpu.memory_space<semaphore_mem>>) src(%dma_wait3A_563 : memref<10112x96xf32, #tpu.memory_space<hbm>>) dst(%arg13 : memref<128x96xf32, #tpu.memory_space<vmem>>)
        %dma_start3A_564 = arith.constant 0 : i32
        %dma_start3A_565 = tpu.memref_slice %arg10[%add3A_557, %dma_start3A_564] : memref<40x128xi32, #tpu.memory_space<vmem>> -> memref<1x128xi32, #tpu.memory_space<vmem>>
        %dma_start3A_566 = tpu.memref_squeeze %dma_start3A_565 : memref<1x128xi32, #tpu.memory_space<vmem>> -> memref<128xi32, #tpu.memory_space<vmem>>
        %dma_start3A_567 = arith.constant 0 : i32
        %dma_start3A_568 = arith.constant 0 : i32
        %dma_start3A_569 = tpu.memref_slice %arg8[%dma_start3A_567, %dma_start3A_568] : memref<10112x96xf32, #tpu.memory_space<vmem_shared>> -> memref<10112x96xf32, #tpu.memory_space<vmem_shared>>
        tpu.enqueue_indirect_dma source(%arg13 : memref<128x96xf32, #tpu.memory_space<vmem>>) target(%dma_start3A_569 : memref<10112x96xf32, #tpu.memory_space<vmem_shared>>) offsets(%dma_start3A_566 : memref<128xi32, #tpu.memory_space<vmem>>) semaphore(%arg21 : memref<!tpu.dma_semaphore, #tpu.memory_space<semaphore_mem>>) {add = true}
        %dma_wait3A_570 = arith.constant 0 : i32
        %dma_wait3A_571 = tpu.memref_slice %arg10[%add3A_557, %dma_wait3A_570] : memref<40x128xi32, #tpu.memory_space<vmem>> -> memref<1x128xi32, #tpu.memory_space<vmem>>
        %dma_wait3A_572 = tpu.memref_squeeze %dma_wait3A_571 : memref<1x128xi32, #tpu.memory_space<vmem>> -> memref<128xi32, #tpu.memory_space<vmem>>
        %dma_wait3A_573 = arith.constant 0 : i32
        %dma_wait3A_574 = arith.constant 0 : i32
        %dma_wait3A_575 = tpu.memref_slice %arg8[%dma_wait3A_573, %dma_wait3A_574] : memref<10112x96xf32, #tpu.memory_space<vmem_shared>> -> memref<10112x96xf32, #tpu.memory_space<vmem_shared>>
        tpu.wait_indirect_dma semaphore(%arg21 : memref<!tpu.dma_semaphore, #tpu.memory_space<semaphore_mem>>) src(%arg13 : memref<128x96xf32, #tpu.memory_space<vmem>>) dst(%dma_wait3A_575 : memref<10112x96xf32, #tpu.memory_space<vmem_shared>>)
        %add3A_576 = arith.constant 4 : i32
        %add3A_577 = arith.addi %add3A_557, %add3A_576 : i32
        %dma_start3A_578 = arith.constant 0 : i32
        %dma_start3A_579 = tpu.memref_slice %arg9[%add3A_577, %dma_start3A_578] : memref<40x128xi32, #tpu.memory_space<vmem>> -> memref<1x128xi32, #tpu.memory_space<vmem>>
        %dma_start3A_580 = tpu.memref_squeeze %dma_start3A_579 : memref<1x128xi32, #tpu.memory_space<vmem>> -> memref<128xi32, #tpu.memory_space<vmem>>
        %dma_start3A_581 = arith.constant 0 : i32
        %dma_start3A_582 = arith.constant 0 : i32
        %dma_start3A_583 = tpu.memref_slice %arg3[%dma_start3A_581, %dma_start3A_582] : memref<10112x96xf32, #tpu.memory_space<hbm>> -> memref<10112x96xf32, #tpu.memory_space<hbm>>
        tpu.enqueue_indirect_dma source(%dma_start3A_583 : memref<10112x96xf32, #tpu.memory_space<hbm>>) target(%arg13 : memref<128x96xf32, #tpu.memory_space<vmem>>) offsets(%dma_start3A_580 : memref<128xi32, #tpu.memory_space<vmem>>) semaphore(%arg17 : memref<!tpu.dma_semaphore, #tpu.memory_space<semaphore_mem>>)
        %mul3A_584 = arith.constant 4 : i32
        %mul3A_585 = arith.muli %scan3A_493, %mul3A_584 : i32
        %add3A_586 = arith.constant 3 : i32
        %add3A_587 = arith.addi %mul3A_585, %add3A_586 : i32
        %dma_wait3A_588 = arith.constant 0 : i32
        %dma_wait3A_589 = tpu.memref_slice %arg9[%add3A_587, %dma_wait3A_588] : memref<40x128xi32, #tpu.memory_space<vmem>> -> memref<1x128xi32, #tpu.memory_space<vmem>>
        %dma_wait3A_590 = tpu.memref_squeeze %dma_wait3A_589 : memref<1x128xi32, #tpu.memory_space<vmem>> -> memref<128xi32, #tpu.memory_space<vmem>>
        %dma_wait3A_591 = arith.constant 0 : i32
        %dma_wait3A_592 = arith.constant 0 : i32
        %dma_wait3A_593 = tpu.memref_slice %arg3[%dma_wait3A_591, %dma_wait3A_592] : memref<10112x96xf32, #tpu.memory_space<hbm>> -> memref<10112x96xf32, #tpu.memory_space<hbm>>
        tpu.wait_indirect_dma semaphore(%arg18 : memref<!tpu.dma_semaphore, #tpu.memory_space<semaphore_mem>>) src(%dma_wait3A_593 : memref<10112x96xf32, #tpu.memory_space<hbm>>) dst(%arg14 : memref<128x96xf32, #tpu.memory_space<vmem>>)
        %dma_start3A_594 = arith.constant 0 : i32
        %dma_start3A_595 = tpu.memref_slice %arg10[%add3A_587, %dma_start3A_594] : memref<40x128xi32, #tpu.memory_space<vmem>> -> memref<1x128xi32, #tpu.memory_space<vmem>>
        %dma_start3A_596 = tpu.memref_squeeze %dma_start3A_595 : memref<1x128xi32, #tpu.memory_space<vmem>> -> memref<128xi32, #tpu.memory_space<vmem>>
        %dma_start3A_597 = arith.constant 0 : i32
        %dma_start3A_598 = arith.constant 0 : i32
        %dma_start3A_599 = tpu.memref_slice %arg8[%dma_start3A_597, %dma_start3A_598] : memref<10112x96xf32, #tpu.memory_space<vmem_shared>> -> memref<10112x96xf32, #tpu.memory_space<vmem_shared>>
        tpu.enqueue_indirect_dma source(%arg14 : memref<128x96xf32, #tpu.memory_space<vmem>>) target(%dma_start3A_599 : memref<10112x96xf32, #tpu.memory_space<vmem_shared>>) offsets(%dma_start3A_596 : memref<128xi32, #tpu.memory_space<vmem>>) semaphore(%arg22 : memref<!tpu.dma_semaphore, #tpu.memory_space<semaphore_mem>>) {add = true}
        %dma_wait3A_600 = arith.constant 0 : i32
        %dma_wait3A_601 = tpu.memref_slice %arg10[%add3A_587, %dma_wait3A_600] : memref<40x128xi32, #tpu.memory_space<vmem>> -> memref<1x128xi32, #tpu.memory_space<vmem>>
        %dma_wait3A_602 = tpu.memref_squeeze %dma_wait3A_601 : memref<1x128xi32, #tpu.memory_space<vmem>> -> memref<128xi32, #tpu.memory_space<vmem>>
        %dma_wait3A_603 = arith.constant 0 : i32
        %dma_wait3A_604 = arith.constant 0 : i32
        %dma_wait3A_605 = tpu.memref_slice %arg8[%dma_wait3A_603, %dma_wait3A_604] : memref<10112x96xf32, #tpu.memory_space<vmem_shared>> -> memref<10112x96xf32, #tpu.memory_space<vmem_shared>>
        tpu.wait_indirect_dma semaphore(%arg22 : memref<!tpu.dma_semaphore, #tpu.memory_space<semaphore_mem>>) src(%arg14 : memref<128x96xf32, #tpu.memory_space<vmem>>) dst(%dma_wait3A_605 : memref<10112x96xf32, #tpu.memory_space<vmem_shared>>)
        %add3A_606 = arith.constant 4 : i32
        %add3A_607 = arith.addi %add3A_587, %add3A_606 : i32
        %dma_start3A_608 = arith.constant 0 : i32
        %dma_start3A_609 = tpu.memref_slice %arg9[%add3A_607, %dma_start3A_608] : memref<40x128xi32, #tpu.memory_space<vmem>> -> memref<1x128xi32, #tpu.memory_space<vmem>>
        %dma_start3A_610 = tpu.memref_squeeze %dma_start3A_609 : memref<1x128xi32, #tpu.memory_space<vmem>> -> memref<128xi32, #tpu.memory_space<vmem>>
        %dma_start3A_611 = arith.constant 0 : i32
        %dma_start3A_612 = arith.constant 0 : i32
        %dma_start3A_613 = tpu.memref_slice %arg3[%dma_start3A_611, %dma_start3A_612] : memref<10112x96xf32, #tpu.memory_space<hbm>> -> memref<10112x96xf32, #tpu.memory_space<hbm>>
        tpu.enqueue_indirect_dma source(%dma_start3A_613 : memref<10112x96xf32, #tpu.memory_space<hbm>>) target(%arg14 : memref<128x96xf32, #tpu.memory_space<vmem>>) offsets(%dma_start3A_610 : memref<128xi32, #tpu.memory_space<vmem>>) semaphore(%arg18 : memref<!tpu.dma_semaphore, #tpu.memory_space<semaphore_mem>>)
      }
      %scan3A_42 = arith.constant 9 : i32
      %dma_wait3A = arith.constant 36 : i32
      %dma_wait3A_43 = arith.constant 0 : i32
      %dma_wait3A_44 = tpu.memref_slice %arg9[%dma_wait3A, %dma_wait3A_43] : memref<40x128xi32, #tpu.memory_space<vmem>> -> memref<1x128xi32, #tpu.memory_space<vmem>>
      %dma_wait3A_45 = tpu.memref_squeeze %dma_wait3A_44 : memref<1x128xi32, #tpu.memory_space<vmem>> -> memref<128xi32, #tpu.memory_space<vmem>>
      %dma_wait3A_46 = arith.constant 0 : i32
      %dma_wait3A_47 = arith.constant 0 : i32
      %dma_wait3A_48 = tpu.memref_slice %arg3[%dma_wait3A_46, %dma_wait3A_47] : memref<10112x96xf32, #tpu.memory_space<hbm>> -> memref<10112x96xf32, #tpu.memory_space<hbm>>
      tpu.wait_indirect_dma semaphore(%arg15 : memref<!tpu.dma_semaphore, #tpu.memory_space<semaphore_mem>>) src(%dma_wait3A_48 : memref<10112x96xf32, #tpu.memory_space<hbm>>) dst(%arg11 : memref<128x96xf32, #tpu.memory_space<vmem>>)
      %dma_start3A_49 = arith.constant 36 : i32
      %dma_start3A_50 = arith.constant 0 : i32
      %dma_start3A_51 = tpu.memref_slice %arg10[%dma_start3A_49, %dma_start3A_50] : memref<40x128xi32, #tpu.memory_space<vmem>> -> memref<1x128xi32, #tpu.memory_space<vmem>>
      %dma_start3A_52 = tpu.memref_squeeze %dma_start3A_51 : memref<1x128xi32, #tpu.memory_space<vmem>> -> memref<128xi32, #tpu.memory_space<vmem>>
      %dma_start3A_53 = arith.constant 0 : i32
      %dma_start3A_54 = arith.constant 0 : i32
      %dma_start3A_55 = tpu.memref_slice %arg8[%dma_start3A_53, %dma_start3A_54] : memref<10112x96xf32, #tpu.memory_space<vmem_shared>> -> memref<10112x96xf32, #tpu.memory_space<vmem_shared>>
      tpu.enqueue_indirect_dma source(%arg11 : memref<128x96xf32, #tpu.memory_space<vmem>>) target(%dma_start3A_55 : memref<10112x96xf32, #tpu.memory_space<vmem_shared>>) offsets(%dma_start3A_52 : memref<128xi32, #tpu.memory_space<vmem>>) semaphore(%arg19 : memref<!tpu.dma_semaphore, #tpu.memory_space<semaphore_mem>>) {add = true}
      %dma_wait3A_56 = arith.constant 36 : i32
      %dma_wait3A_57 = arith.constant 0 : i32
      %dma_wait3A_58 = tpu.memref_slice %arg10[%dma_wait3A_56, %dma_wait3A_57] : memref<40x128xi32, #tpu.memory_space<vmem>> -> memref<1x128xi32, #tpu.memory_space<vmem>>
      %dma_wait3A_59 = tpu.memref_squeeze %dma_wait3A_58 : memref<1x128xi32, #tpu.memory_space<vmem>> -> memref<128xi32, #tpu.memory_space<vmem>>
      %dma_wait3A_60 = arith.constant 0 : i32
      %dma_wait3A_61 = arith.constant 0 : i32
      %dma_wait3A_62 = tpu.memref_slice %arg8[%dma_wait3A_60, %dma_wait3A_61] : memref<10112x96xf32, #tpu.memory_space<vmem_shared>> -> memref<10112x96xf32, #tpu.memory_space<vmem_shared>>
      tpu.wait_indirect_dma semaphore(%arg19 : memref<!tpu.dma_semaphore, #tpu.memory_space<semaphore_mem>>) src(%arg11 : memref<128x96xf32, #tpu.memory_space<vmem>>) dst(%dma_wait3A_62 : memref<10112x96xf32, #tpu.memory_space<vmem_shared>>)
      %dma_wait3A_63 = arith.constant 37 : i32
      %dma_wait3A_64 = arith.constant 0 : i32
      %dma_wait3A_65 = tpu.memref_slice %arg9[%dma_wait3A_63, %dma_wait3A_64] : memref<40x128xi32, #tpu.memory_space<vmem>> -> memref<1x128xi32, #tpu.memory_space<vmem>>
      %dma_wait3A_66 = tpu.memref_squeeze %dma_wait3A_65 : memref<1x128xi32, #tpu.memory_space<vmem>> -> memref<128xi32, #tpu.memory_space<vmem>>
      %dma_wait3A_67 = arith.constant 0 : i32
      %dma_wait3A_68 = arith.constant 0 : i32
      %dma_wait3A_69 = tpu.memref_slice %arg3[%dma_wait3A_67, %dma_wait3A_68] : memref<10112x96xf32, #tpu.memory_space<hbm>> -> memref<10112x96xf32, #tpu.memory_space<hbm>>
      tpu.wait_indirect_dma semaphore(%arg16 : memref<!tpu.dma_semaphore, #tpu.memory_space<semaphore_mem>>) src(%dma_wait3A_69 : memref<10112x96xf32, #tpu.memory_space<hbm>>) dst(%arg12 : memref<128x96xf32, #tpu.memory_space<vmem>>)
      %dma_start3A_70 = arith.constant 37 : i32
      %dma_start3A_71 = arith.constant 0 : i32
      %dma_start3A_72 = tpu.memref_slice %arg10[%dma_start3A_70, %dma_start3A_71] : memref<40x128xi32, #tpu.memory_space<vmem>> -> memref<1x128xi32, #tpu.memory_space<vmem>>
      %dma_start3A_73 = tpu.memref_squeeze %dma_start3A_72 : memref<1x128xi32, #tpu.memory_space<vmem>> -> memref<128xi32, #tpu.memory_space<vmem>>
      %dma_start3A_74 = arith.constant 0 : i32
      %dma_start3A_75 = arith.constant 0 : i32
      %dma_start3A_76 = tpu.memref_slice %arg8[%dma_start3A_74, %dma_start3A_75] : memref<10112x96xf32, #tpu.memory_space<vmem_shared>> -> memref<10112x96xf32, #tpu.memory_space<vmem_shared>>
      tpu.enqueue_indirect_dma source(%arg12 : memref<128x96xf32, #tpu.memory_space<vmem>>) target(%dma_start3A_76 : memref<10112x96xf32, #tpu.memory_space<vmem_shared>>) offsets(%dma_start3A_73 : memref<128xi32, #tpu.memory_space<vmem>>) semaphore(%arg20 : memref<!tpu.dma_semaphore, #tpu.memory_space<semaphore_mem>>) {add = true}
      %dma_wait3A_77 = arith.constant 37 : i32
      %dma_wait3A_78 = arith.constant 0 : i32
      %dma_wait3A_79 = tpu.memref_slice %arg10[%dma_wait3A_77, %dma_wait3A_78] : memref<40x128xi32, #tpu.memory_space<vmem>> -> memref<1x128xi32, #tpu.memory_space<vmem>>
      %dma_wait3A_80 = tpu.memref_squeeze %dma_wait3A_79 : memref<1x128xi32, #tpu.memory_space<vmem>> -> memref<128xi32, #tpu.memory_space<vmem>>
      %dma_wait3A_81 = arith.constant 0 : i32
      %dma_wait3A_82 = arith.constant 0 : i32
      %dma_wait3A_83 = tpu.memref_slice %arg8[%dma_wait3A_81, %dma_wait3A_82] : memref<10112x96xf32, #tpu.memory_space<vmem_shared>> -> memref<10112x96xf32, #tpu.memory_space<vmem_shared>>
      tpu.wait_indirect_dma semaphore(%arg20 : memref<!tpu.dma_semaphore, #tpu.memory_space<semaphore_mem>>) src(%arg12 : memref<128x96xf32, #tpu.memory_space<vmem>>) dst(%dma_wait3A_83 : memref<10112x96xf32, #tpu.memory_space<vmem_shared>>)
      %dma_wait3A_84 = arith.constant 38 : i32
      %dma_wait3A_85 = arith.constant 0 : i32
      %dma_wait3A_86 = tpu.memref_slice %arg9[%dma_wait3A_84, %dma_wait3A_85] : memref<40x128xi32, #tpu.memory_space<vmem>> -> memref<1x128xi32, #tpu.memory_space<vmem>>
      %dma_wait3A_87 = tpu.memref_squeeze %dma_wait3A_86 : memref<1x128xi32, #tpu.memory_space<vmem>> -> memref<128xi32, #tpu.memory_space<vmem>>
      %dma_wait3A_88 = arith.constant 0 : i32
      %dma_wait3A_89 = arith.constant 0 : i32
      %dma_wait3A_90 = tpu.memref_slice %arg3[%dma_wait3A_88, %dma_wait3A_89] : memref<10112x96xf32, #tpu.memory_space<hbm>> -> memref<10112x96xf32, #tpu.memory_space<hbm>>
      tpu.wait_indirect_dma semaphore(%arg17 : memref<!tpu.dma_semaphore, #tpu.memory_space<semaphore_mem>>) src(%dma_wait3A_90 : memref<10112x96xf32, #tpu.memory_space<hbm>>) dst(%arg13 : memref<128x96xf32, #tpu.memory_space<vmem>>)
      %dma_start3A_91 = arith.constant 38 : i32
      %dma_start3A_92 = arith.constant 0 : i32
      %dma_start3A_93 = tpu.memref_slice %arg10[%dma_start3A_91, %dma_start3A_92] : memref<40x128xi32, #tpu.memory_space<vmem>> -> memref<1x128xi32, #tpu.memory_space<vmem>>
      %dma_start3A_94 = tpu.memref_squeeze %dma_start3A_93 : memref<1x128xi32, #tpu.memory_space<vmem>> -> memref<128xi32, #tpu.memory_space<vmem>>
      %dma_start3A_95 = arith.constant 0 : i32
      %dma_start3A_96 = arith.constant 0 : i32
      %dma_start3A_97 = tpu.memref_slice %arg8[%dma_start3A_95, %dma_start3A_96] : memref<10112x96xf32, #tpu.memory_space<vmem_shared>> -> memref<10112x96xf32, #tpu.memory_space<vmem_shared>>
      tpu.enqueue_indirect_dma source(%arg13 : memref<128x96xf32, #tpu.memory_space<vmem>>) target(%dma_start3A_97 : memref<10112x96xf32, #tpu.memory_space<vmem_shared>>) offsets(%dma_start3A_94 : memref<128xi32, #tpu.memory_space<vmem>>) semaphore(%arg21 : memref<!tpu.dma_semaphore, #tpu.memory_space<semaphore_mem>>) {add = true}
      %dma_wait3A_98 = arith.constant 38 : i32
      %dma_wait3A_99 = arith.constant 0 : i32
      %dma_wait3A_100 = tpu.memref_slice %arg10[%dma_wait3A_98, %dma_wait3A_99] : memref<40x128xi32, #tpu.memory_space<vmem>> -> memref<1x128xi32, #tpu.memory_space<vmem>>
      %dma_wait3A_101 = tpu.memref_squeeze %dma_wait3A_100 : memref<1x128xi32, #tpu.memory_space<vmem>> -> memref<128xi32, #tpu.memory_space<vmem>>
      %dma_wait3A_102 = arith.constant 0 : i32
      %dma_wait3A_103 = arith.constant 0 : i32
      %dma_wait3A_104 = tpu.memref_slice %arg8[%dma_wait3A_102, %dma_wait3A_103] : memref<10112x96xf32, #tpu.memory_space<vmem_shared>> -> memref<10112x96xf32, #tpu.memory_space<vmem_shared>>
      tpu.wait_indirect_dma semaphore(%arg21 : memref<!tpu.dma_semaphore, #tpu.memory_space<semaphore_mem>>) src(%arg13 : memref<128x96xf32, #tpu.memory_space<vmem>>) dst(%dma_wait3A_104 : memref<10112x96xf32, #tpu.memory_space<vmem_shared>>)
      %dma_wait3A_105 = arith.constant 39 : i32
      %dma_wait3A_106 = arith.constant 0 : i32
      %dma_wait3A_107 = tpu.memref_slice %arg9[%dma_wait3A_105, %dma_wait3A_106] : memref<40x128xi32, #tpu.memory_space<vmem>> -> memref<1x128xi32, #tpu.memory_space<vmem>>
      %dma_wait3A_108 = tpu.memref_squeeze %dma_wait3A_107 : memref<1x128xi32, #tpu.memory_space<vmem>> -> memref<128xi32, #tpu.memory_space<vmem>>
      %dma_wait3A_109 = arith.constant 0 : i32
      %dma_wait3A_110 = arith.constant 0 : i32
      %dma_wait3A_111 = tpu.memref_slice %arg3[%dma_wait3A_109, %dma_wait3A_110] : memref<10112x96xf32, #tpu.memory_space<hbm>> -> memref<10112x96xf32, #tpu.memory_space<hbm>>
      tpu.wait_indirect_dma semaphore(%arg18 : memref<!tpu.dma_semaphore, #tpu.memory_space<semaphore_mem>>) src(%dma_wait3A_111 : memref<10112x96xf32, #tpu.memory_space<hbm>>) dst(%arg14 : memref<128x96xf32, #tpu.memory_space<vmem>>)
      %dma_start3A_112 = arith.constant 39 : i32
      %dma_start3A_113 = arith.constant 0 : i32
      %dma_start3A_114 = tpu.memref_slice %arg10[%dma_start3A_112, %dma_start3A_113] : memref<40x128xi32, #tpu.memory_space<vmem>> -> memref<1x128xi32, #tpu.memory_space<vmem>>
      %dma_start3A_115 = tpu.memref_squeeze %dma_start3A_114 : memref<1x128xi32, #tpu.memory_space<vmem>> -> memref<128xi32, #tpu.memory_space<vmem>>
      %dma_start3A_116 = arith.constant 0 : i32
      %dma_start3A_117 = arith.constant 0 : i32
      %dma_start3A_118 = tpu.memref_slice %arg8[%dma_start3A_116, %dma_start3A_117] : memref<10112x96xf32, #tpu.memory_space<vmem_shared>> -> memref<10112x96xf32, #tpu.memory_space<vmem_shared>>
      tpu.enqueue_indirect_dma source(%arg14 : memref<128x96xf32, #tpu.memory_space<vmem>>) target(%dma_start3A_118 : memref<10112x96xf32, #tpu.memory_space<vmem_shared>>) offsets(%dma_start3A_115 : memref<128xi32, #tpu.memory_space<vmem>>) semaphore(%arg22 : memref<!tpu.dma_semaphore, #tpu.memory_space<semaphore_mem>>) {add = true}
      %dma_wait3A_119 = arith.constant 39 : i32
      %dma_wait3A_120 = arith.constant 0 : i32
      %dma_wait3A_121 = tpu.memref_slice %arg10[%dma_wait3A_119, %dma_wait3A_120] : memref<40x128xi32, #tpu.memory_space<vmem>> -> memref<1x128xi32, #tpu.memory_space<vmem>>
      %dma_wait3A_122 = tpu.memref_squeeze %dma_wait3A_121 : memref<1x128xi32, #tpu.memory_space<vmem>> -> memref<128xi32, #tpu.memory_space<vmem>>
      %dma_wait3A_123 = arith.constant 0 : i32
      %dma_wait3A_124 = arith.constant 0 : i32
      %dma_wait3A_125 = tpu.memref_slice %arg8[%dma_wait3A_123, %dma_wait3A_124] : memref<10112x96xf32, #tpu.memory_space<vmem_shared>> -> memref<10112x96xf32, #tpu.memory_space<vmem_shared>>
      tpu.wait_indirect_dma semaphore(%arg22 : memref<!tpu.dma_semaphore, #tpu.memory_space<semaphore_mem>>) src(%arg14 : memref<128x96xf32, #tpu.memory_space<vmem>>) dst(%dma_wait3A_125 : memref<10112x96xf32, #tpu.memory_space<vmem_shared>>)
      %mul3A_126 = arith.constant 160 : i32
      %mul3A_127 = arith.muli %arg1, %mul3A_126 : i32
      %add3A_128 = arith.constant 40 : i32
      %add3A_129 = arith.addi %mul3A_127, %add3A_128 : i32
      "tpu.region"() ({
        %run_scoped3A = tpu.sem_alloc : memref<!tpu.dma_semaphore, #tpu.memory_space<semaphore_mem>>
        %dma_start3A_493 = arith.constant 0 : i32
        %dma_start3A_494 = tpu.memref_slice %arg4[%add3A_129, %dma_start3A_493] : memref<2560x128xi32, #tpu.memory_space<hbm>> -> memref<40x128xi32, #tpu.memory_space<hbm>>
        %dma_start3A_495 = arith.constant 0 : i32
        %dma_start3A_496 = tpu.memref_slice %arg4[%add3A_129, %dma_start3A_495] : memref<2560x128xi32, #tpu.memory_space<hbm>> -> memref<40x128xi32, #tpu.memory_space<hbm>>
        tpu.enqueue_dma source(%dma_start3A_496 : memref<40x128xi32, #tpu.memory_space<hbm>>) target(%arg9 : memref<40x128xi32, #tpu.memory_space<vmem>>) target_semaphore(%run_scoped3A : memref<!tpu.dma_semaphore, #tpu.memory_space<semaphore_mem>>)
        %dma_wait3A_497 = arith.constant 0 : i32
        %dma_wait3A_498 = tpu.memref_slice %arg4[%add3A_129, %dma_wait3A_497] : memref<2560x128xi32, #tpu.memory_space<hbm>> -> memref<40x128xi32, #tpu.memory_space<hbm>>
        %dma_wait3A_499 = arith.constant 0 : i32
        %dma_wait3A_500 = tpu.memref_slice %arg4[%add3A_129, %dma_wait3A_499] : memref<2560x128xi32, #tpu.memory_space<hbm>> -> memref<40x128xi32, #tpu.memory_space<hbm>>
        tpu.wait_dma2 semaphore(%run_scoped3A : memref<!tpu.dma_semaphore, #tpu.memory_space<semaphore_mem>>) src(%dma_wait3A_500 : memref<40x128xi32, #tpu.memory_space<hbm>>) dst(%arg9 : memref<40x128xi32, #tpu.memory_space<vmem>>)
        tpu.yield
      }) : () -> ()
      "tpu.region"() ({
        %run_scoped3A = tpu.sem_alloc : memref<!tpu.dma_semaphore, #tpu.memory_space<semaphore_mem>>
        %dma_start3A_493 = arith.constant 0 : i32
        %dma_start3A_494 = tpu.memref_slice %arg5[%add3A_129, %dma_start3A_493] : memref<2560x128xi32, #tpu.memory_space<hbm>> -> memref<40x128xi32, #tpu.memory_space<hbm>>
        %dma_start3A_495 = arith.constant 0 : i32
        %dma_start3A_496 = tpu.memref_slice %arg5[%add3A_129, %dma_start3A_495] : memref<2560x128xi32, #tpu.memory_space<hbm>> -> memref<40x128xi32, #tpu.memory_space<hbm>>
        tpu.enqueue_dma source(%dma_start3A_496 : memref<40x128xi32, #tpu.memory_space<hbm>>) target(%arg10 : memref<40x128xi32, #tpu.memory_space<vmem>>) target_semaphore(%run_scoped3A : memref<!tpu.dma_semaphore, #tpu.memory_space<semaphore_mem>>)
        %dma_wait3A_497 = arith.constant 0 : i32
        %dma_wait3A_498 = tpu.memref_slice %arg5[%add3A_129, %dma_wait3A_497] : memref<2560x128xi32, #tpu.memory_space<hbm>> -> memref<40x128xi32, #tpu.memory_space<hbm>>
        %dma_wait3A_499 = arith.constant 0 : i32
        %dma_wait3A_500 = tpu.memref_slice %arg5[%add3A_129, %dma_wait3A_499] : memref<2560x128xi32, #tpu.memory_space<hbm>> -> memref<40x128xi32, #tpu.memory_space<hbm>>
        tpu.wait_dma2 semaphore(%run_scoped3A : memref<!tpu.dma_semaphore, #tpu.memory_space<semaphore_mem>>) src(%dma_wait3A_500 : memref<40x128xi32, #tpu.memory_space<hbm>>) dst(%arg10 : memref<40x128xi32, #tpu.memory_space<vmem>>)
        tpu.yield
      }) : () -> ()
      %dma_start3A_130 = arith.constant 0 : i32
      %dma_start3A_131 = arith.constant 0 : i32
      %dma_start3A_132 = tpu.memref_slice %arg9[%dma_start3A_130, %dma_start3A_131] : memref<40x128xi32, #tpu.memory_space<vmem>> -> memref<1x128xi32, #tpu.memory_space<vmem>>
      %dma_start3A_133 = tpu.memref_squeeze %dma_start3A_132 : memref<1x128xi32, #tpu.memory_space<vmem>> -> memref<128xi32, #tpu.memory_space<vmem>>
      %dma_start3A_134 = arith.constant 0 : i32
      %dma_start3A_135 = arith.constant 0 : i32
      %dma_start3A_136 = tpu.memref_slice %arg3[%dma_start3A_134, %dma_start3A_135] : memref<10112x96xf32, #tpu.memory_space<hbm>> -> memref<10112x96xf32, #tpu.memory_space<hbm>>
      tpu.enqueue_indirect_dma source(%dma_start3A_136 : memref<10112x96xf32, #tpu.memory_space<hbm>>) target(%arg11 : memref<128x96xf32, #tpu.memory_space<vmem>>) offsets(%dma_start3A_133 : memref<128xi32, #tpu.memory_space<vmem>>) semaphore(%arg15 : memref<!tpu.dma_semaphore, #tpu.memory_space<semaphore_mem>>)
      %dma_start3A_137 = arith.constant 1 : i32
      %dma_start3A_138 = arith.constant 0 : i32
      %dma_start3A_139 = tpu.memref_slice %arg9[%dma_start3A_137, %dma_start3A_138] : memref<40x128xi32, #tpu.memory_space<vmem>> -> memref<1x128xi32, #tpu.memory_space<vmem>>
      %dma_start3A_140 = tpu.memref_squeeze %dma_start3A_139 : memref<1x128xi32, #tpu.memory_space<vmem>> -> memref<128xi32, #tpu.memory_space<vmem>>
      %dma_start3A_141 = arith.constant 0 : i32
      %dma_start3A_142 = arith.constant 0 : i32
      %dma_start3A_143 = tpu.memref_slice %arg3[%dma_start3A_141, %dma_start3A_142] : memref<10112x96xf32, #tpu.memory_space<hbm>> -> memref<10112x96xf32, #tpu.memory_space<hbm>>
      tpu.enqueue_indirect_dma source(%dma_start3A_143 : memref<10112x96xf32, #tpu.memory_space<hbm>>) target(%arg12 : memref<128x96xf32, #tpu.memory_space<vmem>>) offsets(%dma_start3A_140 : memref<128xi32, #tpu.memory_space<vmem>>) semaphore(%arg16 : memref<!tpu.dma_semaphore, #tpu.memory_space<semaphore_mem>>)
      %dma_start3A_144 = arith.constant 2 : i32
      %dma_start3A_145 = arith.constant 0 : i32
      %dma_start3A_146 = tpu.memref_slice %arg9[%dma_start3A_144, %dma_start3A_145] : memref<40x128xi32, #tpu.memory_space<vmem>> -> memref<1x128xi32, #tpu.memory_space<vmem>>
      %dma_start3A_147 = tpu.memref_squeeze %dma_start3A_146 : memref<1x128xi32, #tpu.memory_space<vmem>> -> memref<128xi32, #tpu.memory_space<vmem>>
      %dma_start3A_148 = arith.constant 0 : i32
      %dma_start3A_149 = arith.constant 0 : i32
      %dma_start3A_150 = tpu.memref_slice %arg3[%dma_start3A_148, %dma_start3A_149] : memref<10112x96xf32, #tpu.memory_space<hbm>> -> memref<10112x96xf32, #tpu.memory_space<hbm>>
      tpu.enqueue_indirect_dma source(%dma_start3A_150 : memref<10112x96xf32, #tpu.memory_space<hbm>>) target(%arg13 : memref<128x96xf32, #tpu.memory_space<vmem>>) offsets(%dma_start3A_147 : memref<128xi32, #tpu.memory_space<vmem>>) semaphore(%arg17 : memref<!tpu.dma_semaphore, #tpu.memory_space<semaphore_mem>>)
      %dma_start3A_151 = arith.constant 3 : i32
      %dma_start3A_152 = arith.constant 0 : i32
      %dma_start3A_153 = tpu.memref_slice %arg9[%dma_start3A_151, %dma_start3A_152] : memref<40x128xi32, #tpu.memory_space<vmem>> -> memref<1x128xi32, #tpu.memory_space<vmem>>
      %dma_start3A_154 = tpu.memref_squeeze %dma_start3A_153 : memref<1x128xi32, #tpu.memory_space<vmem>> -> memref<128xi32, #tpu.memory_space<vmem>>
      %dma_start3A_155 = arith.constant 0 : i32
      %dma_start3A_156 = arith.constant 0 : i32
      %dma_start3A_157 = tpu.memref_slice %arg3[%dma_start3A_155, %dma_start3A_156] : memref<10112x96xf32, #tpu.memory_space<hbm>> -> memref<10112x96xf32, #tpu.memory_space<hbm>>
      tpu.enqueue_indirect_dma source(%dma_start3A_157 : memref<10112x96xf32, #tpu.memory_space<hbm>>) target(%arg14 : memref<128x96xf32, #tpu.memory_space<vmem>>) offsets(%dma_start3A_154 : memref<128xi32, #tpu.memory_space<vmem>>) semaphore(%arg18 : memref<!tpu.dma_semaphore, #tpu.memory_space<semaphore_mem>>)
      %scan3A_158 = arith.constant 0 : i32
      %scan3A_159 = arith.constant 0 : i32
      %scan3A_160 = arith.constant 9 : i32
      %scan3A_161 = arith.addi %scan3A_159, %scan3A_160 : i32
      %scan3A_162 = arith.constant 1 : i32
      scf.for %scan3A_493 = %scan3A_159 to %scan3A_161 step %scan3A_162  : i32 {
        %mul3A_494 = arith.constant 4 : i32
        %mul3A_495 = arith.muli %scan3A_493, %mul3A_494 : i32
        %add3A_496 = arith.constant 0 : i32
        %add3A_497 = arith.addi %mul3A_495, %add3A_496 : i32
        %dma_wait3A_498 = arith.constant 0 : i32
        %dma_wait3A_499 = tpu.memref_slice %arg9[%add3A_497, %dma_wait3A_498] : memref<40x128xi32, #tpu.memory_space<vmem>> -> memref<1x128xi32, #tpu.memory_space<vmem>>
        %dma_wait3A_500 = tpu.memref_squeeze %dma_wait3A_499 : memref<1x128xi32, #tpu.memory_space<vmem>> -> memref<128xi32, #tpu.memory_space<vmem>>
        %dma_wait3A_501 = arith.constant 0 : i32
        %dma_wait3A_502 = arith.constant 0 : i32
        %dma_wait3A_503 = tpu.memref_slice %arg3[%dma_wait3A_501, %dma_wait3A_502] : memref<10112x96xf32, #tpu.memory_space<hbm>> -> memref<10112x96xf32, #tpu.memory_space<hbm>>
        tpu.wait_indirect_dma semaphore(%arg15 : memref<!tpu.dma_semaphore, #tpu.memory_space<semaphore_mem>>) src(%dma_wait3A_503 : memref<10112x96xf32, #tpu.memory_space<hbm>>) dst(%arg11 : memref<128x96xf32, #tpu.memory_space<vmem>>)
        %dma_start3A_504 = arith.constant 0 : i32
        %dma_start3A_505 = tpu.memref_slice %arg10[%add3A_497, %dma_start3A_504] : memref<40x128xi32, #tpu.memory_space<vmem>> -> memref<1x128xi32, #tpu.memory_space<vmem>>
        %dma_start3A_506 = tpu.memref_squeeze %dma_start3A_505 : memref<1x128xi32, #tpu.memory_space<vmem>> -> memref<128xi32, #tpu.memory_space<vmem>>
        %dma_start3A_507 = arith.constant 0 : i32
        %dma_start3A_508 = arith.constant 0 : i32
        %dma_start3A_509 = tpu.memref_slice %arg8[%dma_start3A_507, %dma_start3A_508] : memref<10112x96xf32, #tpu.memory_space<vmem_shared>> -> memref<10112x96xf32, #tpu.memory_space<vmem_shared>>
        tpu.enqueue_indirect_dma source(%arg11 : memref<128x96xf32, #tpu.memory_space<vmem>>) target(%dma_start3A_509 : memref<10112x96xf32, #tpu.memory_space<vmem_shared>>) offsets(%dma_start3A_506 : memref<128xi32, #tpu.memory_space<vmem>>) semaphore(%arg19 : memref<!tpu.dma_semaphore, #tpu.memory_space<semaphore_mem>>) {add = true}
        %dma_wait3A_510 = arith.constant 0 : i32
        %dma_wait3A_511 = tpu.memref_slice %arg10[%add3A_497, %dma_wait3A_510] : memref<40x128xi32, #tpu.memory_space<vmem>> -> memref<1x128xi32, #tpu.memory_space<vmem>>
        %dma_wait3A_512 = tpu.memref_squeeze %dma_wait3A_511 : memref<1x128xi32, #tpu.memory_space<vmem>> -> memref<128xi32, #tpu.memory_space<vmem>>
        %dma_wait3A_513 = arith.constant 0 : i32
        %dma_wait3A_514 = arith.constant 0 : i32
        %dma_wait3A_515 = tpu.memref_slice %arg8[%dma_wait3A_513, %dma_wait3A_514] : memref<10112x96xf32, #tpu.memory_space<vmem_shared>> -> memref<10112x96xf32, #tpu.memory_space<vmem_shared>>
        tpu.wait_indirect_dma semaphore(%arg19 : memref<!tpu.dma_semaphore, #tpu.memory_space<semaphore_mem>>) src(%arg11 : memref<128x96xf32, #tpu.memory_space<vmem>>) dst(%dma_wait3A_515 : memref<10112x96xf32, #tpu.memory_space<vmem_shared>>)
        %add3A_516 = arith.constant 4 : i32
        %add3A_517 = arith.addi %add3A_497, %add3A_516 : i32
        %dma_start3A_518 = arith.constant 0 : i32
        %dma_start3A_519 = tpu.memref_slice %arg9[%add3A_517, %dma_start3A_518] : memref<40x128xi32, #tpu.memory_space<vmem>> -> memref<1x128xi32, #tpu.memory_space<vmem>>
        %dma_start3A_520 = tpu.memref_squeeze %dma_start3A_519 : memref<1x128xi32, #tpu.memory_space<vmem>> -> memref<128xi32, #tpu.memory_space<vmem>>
        %dma_start3A_521 = arith.constant 0 : i32
        %dma_start3A_522 = arith.constant 0 : i32
        %dma_start3A_523 = tpu.memref_slice %arg3[%dma_start3A_521, %dma_start3A_522] : memref<10112x96xf32, #tpu.memory_space<hbm>> -> memref<10112x96xf32, #tpu.memory_space<hbm>>
        tpu.enqueue_indirect_dma source(%dma_start3A_523 : memref<10112x96xf32, #tpu.memory_space<hbm>>) target(%arg11 : memref<128x96xf32, #tpu.memory_space<vmem>>) offsets(%dma_start3A_520 : memref<128xi32, #tpu.memory_space<vmem>>) semaphore(%arg15 : memref<!tpu.dma_semaphore, #tpu.memory_space<semaphore_mem>>)
        %mul3A_524 = arith.constant 4 : i32
        %mul3A_525 = arith.muli %scan3A_493, %mul3A_524 : i32
        %add3A_526 = arith.constant 1 : i32
        %add3A_527 = arith.addi %mul3A_525, %add3A_526 : i32
        %dma_wait3A_528 = arith.constant 0 : i32
        %dma_wait3A_529 = tpu.memref_slice %arg9[%add3A_527, %dma_wait3A_528] : memref<40x128xi32, #tpu.memory_space<vmem>> -> memref<1x128xi32, #tpu.memory_space<vmem>>
        %dma_wait3A_530 = tpu.memref_squeeze %dma_wait3A_529 : memref<1x128xi32, #tpu.memory_space<vmem>> -> memref<128xi32, #tpu.memory_space<vmem>>
        %dma_wait3A_531 = arith.constant 0 : i32
        %dma_wait3A_532 = arith.constant 0 : i32
        %dma_wait3A_533 = tpu.memref_slice %arg3[%dma_wait3A_531, %dma_wait3A_532] : memref<10112x96xf32, #tpu.memory_space<hbm>> -> memref<10112x96xf32, #tpu.memory_space<hbm>>
        tpu.wait_indirect_dma semaphore(%arg16 : memref<!tpu.dma_semaphore, #tpu.memory_space<semaphore_mem>>) src(%dma_wait3A_533 : memref<10112x96xf32, #tpu.memory_space<hbm>>) dst(%arg12 : memref<128x96xf32, #tpu.memory_space<vmem>>)
        %dma_start3A_534 = arith.constant 0 : i32
        %dma_start3A_535 = tpu.memref_slice %arg10[%add3A_527, %dma_start3A_534] : memref<40x128xi32, #tpu.memory_space<vmem>> -> memref<1x128xi32, #tpu.memory_space<vmem>>
        %dma_start3A_536 = tpu.memref_squeeze %dma_start3A_535 : memref<1x128xi32, #tpu.memory_space<vmem>> -> memref<128xi32, #tpu.memory_space<vmem>>
        %dma_start3A_537 = arith.constant 0 : i32
        %dma_start3A_538 = arith.constant 0 : i32
        %dma_start3A_539 = tpu.memref_slice %arg8[%dma_start3A_537, %dma_start3A_538] : memref<10112x96xf32, #tpu.memory_space<vmem_shared>> -> memref<10112x96xf32, #tpu.memory_space<vmem_shared>>
        tpu.enqueue_indirect_dma source(%arg12 : memref<128x96xf32, #tpu.memory_space<vmem>>) target(%dma_start3A_539 : memref<10112x96xf32, #tpu.memory_space<vmem_shared>>) offsets(%dma_start3A_536 : memref<128xi32, #tpu.memory_space<vmem>>) semaphore(%arg20 : memref<!tpu.dma_semaphore, #tpu.memory_space<semaphore_mem>>) {add = true}
        %dma_wait3A_540 = arith.constant 0 : i32
        %dma_wait3A_541 = tpu.memref_slice %arg10[%add3A_527, %dma_wait3A_540] : memref<40x128xi32, #tpu.memory_space<vmem>> -> memref<1x128xi32, #tpu.memory_space<vmem>>
        %dma_wait3A_542 = tpu.memref_squeeze %dma_wait3A_541 : memref<1x128xi32, #tpu.memory_space<vmem>> -> memref<128xi32, #tpu.memory_space<vmem>>
        %dma_wait3A_543 = arith.constant 0 : i32
        %dma_wait3A_544 = arith.constant 0 : i32
        %dma_wait3A_545 = tpu.memref_slice %arg8[%dma_wait3A_543, %dma_wait3A_544] : memref<10112x96xf32, #tpu.memory_space<vmem_shared>> -> memref<10112x96xf32, #tpu.memory_space<vmem_shared>>
        tpu.wait_indirect_dma semaphore(%arg20 : memref<!tpu.dma_semaphore, #tpu.memory_space<semaphore_mem>>) src(%arg12 : memref<128x96xf32, #tpu.memory_space<vmem>>) dst(%dma_wait3A_545 : memref<10112x96xf32, #tpu.memory_space<vmem_shared>>)
        %add3A_546 = arith.constant 4 : i32
        %add3A_547 = arith.addi %add3A_527, %add3A_546 : i32
        %dma_start3A_548 = arith.constant 0 : i32
        %dma_start3A_549 = tpu.memref_slice %arg9[%add3A_547, %dma_start3A_548] : memref<40x128xi32, #tpu.memory_space<vmem>> -> memref<1x128xi32, #tpu.memory_space<vmem>>
        %dma_start3A_550 = tpu.memref_squeeze %dma_start3A_549 : memref<1x128xi32, #tpu.memory_space<vmem>> -> memref<128xi32, #tpu.memory_space<vmem>>
        %dma_start3A_551 = arith.constant 0 : i32
        %dma_start3A_552 = arith.constant 0 : i32
        %dma_start3A_553 = tpu.memref_slice %arg3[%dma_start3A_551, %dma_start3A_552] : memref<10112x96xf32, #tpu.memory_space<hbm>> -> memref<10112x96xf32, #tpu.memory_space<hbm>>
        tpu.enqueue_indirect_dma source(%dma_start3A_553 : memref<10112x96xf32, #tpu.memory_space<hbm>>) target(%arg12 : memref<128x96xf32, #tpu.memory_space<vmem>>) offsets(%dma_start3A_550 : memref<128xi32, #tpu.memory_space<vmem>>) semaphore(%arg16 : memref<!tpu.dma_semaphore, #tpu.memory_space<semaphore_mem>>)
        %mul3A_554 = arith.constant 4 : i32
        %mul3A_555 = arith.muli %scan3A_493, %mul3A_554 : i32
        %add3A_556 = arith.constant 2 : i32
        %add3A_557 = arith.addi %mul3A_555, %add3A_556 : i32
        %dma_wait3A_558 = arith.constant 0 : i32
        %dma_wait3A_559 = tpu.memref_slice %arg9[%add3A_557, %dma_wait3A_558] : memref<40x128xi32, #tpu.memory_space<vmem>> -> memref<1x128xi32, #tpu.memory_space<vmem>>
        %dma_wait3A_560 = tpu.memref_squeeze %dma_wait3A_559 : memref<1x128xi32, #tpu.memory_space<vmem>> -> memref<128xi32, #tpu.memory_space<vmem>>
        %dma_wait3A_561 = arith.constant 0 : i32
        %dma_wait3A_562 = arith.constant 0 : i32
        %dma_wait3A_563 = tpu.memref_slice %arg3[%dma_wait3A_561, %dma_wait3A_562] : memref<10112x96xf32, #tpu.memory_space<hbm>> -> memref<10112x96xf32, #tpu.memory_space<hbm>>
        tpu.wait_indirect_dma semaphore(%arg17 : memref<!tpu.dma_semaphore, #tpu.memory_space<semaphore_mem>>) src(%dma_wait3A_563 : memref<10112x96xf32, #tpu.memory_space<hbm>>) dst(%arg13 : memref<128x96xf32, #tpu.memory_space<vmem>>)
        %dma_start3A_564 = arith.constant 0 : i32
        %dma_start3A_565 = tpu.memref_slice %arg10[%add3A_557, %dma_start3A_564] : memref<40x128xi32, #tpu.memory_space<vmem>> -> memref<1x128xi32, #tpu.memory_space<vmem>>
        %dma_start3A_566 = tpu.memref_squeeze %dma_start3A_565 : memref<1x128xi32, #tpu.memory_space<vmem>> -> memref<128xi32, #tpu.memory_space<vmem>>
        %dma_start3A_567 = arith.constant 0 : i32
        %dma_start3A_568 = arith.constant 0 : i32
        %dma_start3A_569 = tpu.memref_slice %arg8[%dma_start3A_567, %dma_start3A_568] : memref<10112x96xf32, #tpu.memory_space<vmem_shared>> -> memref<10112x96xf32, #tpu.memory_space<vmem_shared>>
        tpu.enqueue_indirect_dma source(%arg13 : memref<128x96xf32, #tpu.memory_space<vmem>>) target(%dma_start3A_569 : memref<10112x96xf32, #tpu.memory_space<vmem_shared>>) offsets(%dma_start3A_566 : memref<128xi32, #tpu.memory_space<vmem>>) semaphore(%arg21 : memref<!tpu.dma_semaphore, #tpu.memory_space<semaphore_mem>>) {add = true}
        %dma_wait3A_570 = arith.constant 0 : i32
        %dma_wait3A_571 = tpu.memref_slice %arg10[%add3A_557, %dma_wait3A_570] : memref<40x128xi32, #tpu.memory_space<vmem>> -> memref<1x128xi32, #tpu.memory_space<vmem>>
        %dma_wait3A_572 = tpu.memref_squeeze %dma_wait3A_571 : memref<1x128xi32, #tpu.memory_space<vmem>> -> memref<128xi32, #tpu.memory_space<vmem>>
        %dma_wait3A_573 = arith.constant 0 : i32
        %dma_wait3A_574 = arith.constant 0 : i32
        %dma_wait3A_575 = tpu.memref_slice %arg8[%dma_wait3A_573, %dma_wait3A_574] : memref<10112x96xf32, #tpu.memory_space<vmem_shared>> -> memref<10112x96xf32, #tpu.memory_space<vmem_shared>>
        tpu.wait_indirect_dma semaphore(%arg21 : memref<!tpu.dma_semaphore, #tpu.memory_space<semaphore_mem>>) src(%arg13 : memref<128x96xf32, #tpu.memory_space<vmem>>) dst(%dma_wait3A_575 : memref<10112x96xf32, #tpu.memory_space<vmem_shared>>)
        %add3A_576 = arith.constant 4 : i32
        %add3A_577 = arith.addi %add3A_557, %add3A_576 : i32
        %dma_start3A_578 = arith.constant 0 : i32
        %dma_start3A_579 = tpu.memref_slice %arg9[%add3A_577, %dma_start3A_578] : memref<40x128xi32, #tpu.memory_space<vmem>> -> memref<1x128xi32, #tpu.memory_space<vmem>>
        %dma_start3A_580 = tpu.memref_squeeze %dma_start3A_579 : memref<1x128xi32, #tpu.memory_space<vmem>> -> memref<128xi32, #tpu.memory_space<vmem>>
        %dma_start3A_581 = arith.constant 0 : i32
        %dma_start3A_582 = arith.constant 0 : i32
        %dma_start3A_583 = tpu.memref_slice %arg3[%dma_start3A_581, %dma_start3A_582] : memref<10112x96xf32, #tpu.memory_space<hbm>> -> memref<10112x96xf32, #tpu.memory_space<hbm>>
        tpu.enqueue_indirect_dma source(%dma_start3A_583 : memref<10112x96xf32, #tpu.memory_space<hbm>>) target(%arg13 : memref<128x96xf32, #tpu.memory_space<vmem>>) offsets(%dma_start3A_580 : memref<128xi32, #tpu.memory_space<vmem>>) semaphore(%arg17 : memref<!tpu.dma_semaphore, #tpu.memory_space<semaphore_mem>>)
        %mul3A_584 = arith.constant 4 : i32
        %mul3A_585 = arith.muli %scan3A_493, %mul3A_584 : i32
        %add3A_586 = arith.constant 3 : i32
        %add3A_587 = arith.addi %mul3A_585, %add3A_586 : i32
        %dma_wait3A_588 = arith.constant 0 : i32
        %dma_wait3A_589 = tpu.memref_slice %arg9[%add3A_587, %dma_wait3A_588] : memref<40x128xi32, #tpu.memory_space<vmem>> -> memref<1x128xi32, #tpu.memory_space<vmem>>
        %dma_wait3A_590 = tpu.memref_squeeze %dma_wait3A_589 : memref<1x128xi32, #tpu.memory_space<vmem>> -> memref<128xi32, #tpu.memory_space<vmem>>
        %dma_wait3A_591 = arith.constant 0 : i32
        %dma_wait3A_592 = arith.constant 0 : i32
        %dma_wait3A_593 = tpu.memref_slice %arg3[%dma_wait3A_591, %dma_wait3A_592] : memref<10112x96xf32, #tpu.memory_space<hbm>> -> memref<10112x96xf32, #tpu.memory_space<hbm>>
        tpu.wait_indirect_dma semaphore(%arg18 : memref<!tpu.dma_semaphore, #tpu.memory_space<semaphore_mem>>) src(%dma_wait3A_593 : memref<10112x96xf32, #tpu.memory_space<hbm>>) dst(%arg14 : memref<128x96xf32, #tpu.memory_space<vmem>>)
        %dma_start3A_594 = arith.constant 0 : i32
        %dma_start3A_595 = tpu.memref_slice %arg10[%add3A_587, %dma_start3A_594] : memref<40x128xi32, #tpu.memory_space<vmem>> -> memref<1x128xi32, #tpu.memory_space<vmem>>
        %dma_start3A_596 = tpu.memref_squeeze %dma_start3A_595 : memref<1x128xi32, #tpu.memory_space<vmem>> -> memref<128xi32, #tpu.memory_space<vmem>>
        %dma_start3A_597 = arith.constant 0 : i32
        %dma_start3A_598 = arith.constant 0 : i32
        %dma_start3A_599 = tpu.memref_slice %arg8[%dma_start3A_597, %dma_start3A_598] : memref<10112x96xf32, #tpu.memory_space<vmem_shared>> -> memref<10112x96xf32, #tpu.memory_space<vmem_shared>>
        tpu.enqueue_indirect_dma source(%arg14 : memref<128x96xf32, #tpu.memory_space<vmem>>) target(%dma_start3A_599 : memref<10112x96xf32, #tpu.memory_space<vmem_shared>>) offsets(%dma_start3A_596 : memref<128xi32, #tpu.memory_space<vmem>>) semaphore(%arg22 : memref<!tpu.dma_semaphore, #tpu.memory_space<semaphore_mem>>) {add = true}
        %dma_wait3A_600 = arith.constant 0 : i32
        %dma_wait3A_601 = tpu.memref_slice %arg10[%add3A_587, %dma_wait3A_600] : memref<40x128xi32, #tpu.memory_space<vmem>> -> memref<1x128xi32, #tpu.memory_space<vmem>>
        %dma_wait3A_602 = tpu.memref_squeeze %dma_wait3A_601 : memref<1x128xi32, #tpu.memory_space<vmem>> -> memref<128xi32, #tpu.memory_space<vmem>>
        %dma_wait3A_603 = arith.constant 0 : i32
        %dma_wait3A_604 = arith.constant 0 : i32
        %dma_wait3A_605 = tpu.memref_slice %arg8[%dma_wait3A_603, %dma_wait3A_604] : memref<10112x96xf32, #tpu.memory_space<vmem_shared>> -> memref<10112x96xf32, #tpu.memory_space<vmem_shared>>
        tpu.wait_indirect_dma semaphore(%arg22 : memref<!tpu.dma_semaphore, #tpu.memory_space<semaphore_mem>>) src(%arg14 : memref<128x96xf32, #tpu.memory_space<vmem>>) dst(%dma_wait3A_605 : memref<10112x96xf32, #tpu.memory_space<vmem_shared>>)
        %add3A_606 = arith.constant 4 : i32
        %add3A_607 = arith.addi %add3A_587, %add3A_606 : i32
        %dma_start3A_608 = arith.constant 0 : i32
        %dma_start3A_609 = tpu.memref_slice %arg9[%add3A_607, %dma_start3A_608] : memref<40x128xi32, #tpu.memory_space<vmem>> -> memref<1x128xi32, #tpu.memory_space<vmem>>
        %dma_start3A_610 = tpu.memref_squeeze %dma_start3A_609 : memref<1x128xi32, #tpu.memory_space<vmem>> -> memref<128xi32, #tpu.memory_space<vmem>>
        %dma_start3A_611 = arith.constant 0 : i32
        %dma_start3A_612 = arith.constant 0 : i32
        %dma_start3A_613 = tpu.memref_slice %arg3[%dma_start3A_611, %dma_start3A_612] : memref<10112x96xf32, #tpu.memory_space<hbm>> -> memref<10112x96xf32, #tpu.memory_space<hbm>>
        tpu.enqueue_indirect_dma source(%dma_start3A_613 : memref<10112x96xf32, #tpu.memory_space<hbm>>) target(%arg14 : memref<128x96xf32, #tpu.memory_space<vmem>>) offsets(%dma_start3A_610 : memref<128xi32, #tpu.memory_space<vmem>>) semaphore(%arg18 : memref<!tpu.dma_semaphore, #tpu.memory_space<semaphore_mem>>)
      }
      %scan3A_163 = arith.constant 9 : i32
      %dma_wait3A_164 = arith.constant 36 : i32
      %dma_wait3A_165 = arith.constant 0 : i32
      %dma_wait3A_166 = tpu.memref_slice %arg9[%dma_wait3A_164, %dma_wait3A_165] : memref<40x128xi32, #tpu.memory_space<vmem>> -> memref<1x128xi32, #tpu.memory_space<vmem>>
      %dma_wait3A_167 = tpu.memref_squeeze %dma_wait3A_166 : memref<1x128xi32, #tpu.memory_space<vmem>> -> memref<128xi32, #tpu.memory_space<vmem>>
      %dma_wait3A_168 = arith.constant 0 : i32
      %dma_wait3A_169 = arith.constant 0 : i32
      %dma_wait3A_170 = tpu.memref_slice %arg3[%dma_wait3A_168, %dma_wait3A_169] : memref<10112x96xf32, #tpu.memory_space<hbm>> -> memref<10112x96xf32, #tpu.memory_space<hbm>>
      tpu.wait_indirect_dma semaphore(%arg15 : memref<!tpu.dma_semaphore, #tpu.memory_space<semaphore_mem>>) src(%dma_wait3A_170 : memref<10112x96xf32, #tpu.memory_space<hbm>>) dst(%arg11 : memref<128x96xf32, #tpu.memory_space<vmem>>)
      %dma_start3A_171 = arith.constant 36 : i32
      %dma_start3A_172 = arith.constant 0 : i32
      %dma_start3A_173 = tpu.memref_slice %arg10[%dma_start3A_171, %dma_start3A_172] : memref<40x128xi32, #tpu.memory_space<vmem>> -> memref<1x128xi32, #tpu.memory_space<vmem>>
      %dma_start3A_174 = tpu.memref_squeeze %dma_start3A_173 : memref<1x128xi32, #tpu.memory_space<vmem>> -> memref<128xi32, #tpu.memory_space<vmem>>
      %dma_start3A_175 = arith.constant 0 : i32
      %dma_start3A_176 = arith.constant 0 : i32
      %dma_start3A_177 = tpu.memref_slice %arg8[%dma_start3A_175, %dma_start3A_176] : memref<10112x96xf32, #tpu.memory_space<vmem_shared>> -> memref<10112x96xf32, #tpu.memory_space<vmem_shared>>
      tpu.enqueue_indirect_dma source(%arg11 : memref<128x96xf32, #tpu.memory_space<vmem>>) target(%dma_start3A_177 : memref<10112x96xf32, #tpu.memory_space<vmem_shared>>) offsets(%dma_start3A_174 : memref<128xi32, #tpu.memory_space<vmem>>) semaphore(%arg19 : memref<!tpu.dma_semaphore, #tpu.memory_space<semaphore_mem>>) {add = true}
      %dma_wait3A_178 = arith.constant 36 : i32
      %dma_wait3A_179 = arith.constant 0 : i32
      %dma_wait3A_180 = tpu.memref_slice %arg10[%dma_wait3A_178, %dma_wait3A_179] : memref<40x128xi32, #tpu.memory_space<vmem>> -> memref<1x128xi32, #tpu.memory_space<vmem>>
      %dma_wait3A_181 = tpu.memref_squeeze %dma_wait3A_180 : memref<1x128xi32, #tpu.memory_space<vmem>> -> memref<128xi32, #tpu.memory_space<vmem>>
      %dma_wait3A_182 = arith.constant 0 : i32
      %dma_wait3A_183 = arith.constant 0 : i32
      %dma_wait3A_184 = tpu.memref_slice %arg8[%dma_wait3A_182, %dma_wait3A_183] : memref<10112x96xf32, #tpu.memory_space<vmem_shared>> -> memref<10112x96xf32, #tpu.memory_space<vmem_shared>>
      tpu.wait_indirect_dma semaphore(%arg19 : memref<!tpu.dma_semaphore, #tpu.memory_space<semaphore_mem>>) src(%arg11 : memref<128x96xf32, #tpu.memory_space<vmem>>) dst(%dma_wait3A_184 : memref<10112x96xf32, #tpu.memory_space<vmem_shared>>)
      %dma_wait3A_185 = arith.constant 37 : i32
      %dma_wait3A_186 = arith.constant 0 : i32
      %dma_wait3A_187 = tpu.memref_slice %arg9[%dma_wait3A_185, %dma_wait3A_186] : memref<40x128xi32, #tpu.memory_space<vmem>> -> memref<1x128xi32, #tpu.memory_space<vmem>>
      %dma_wait3A_188 = tpu.memref_squeeze %dma_wait3A_187 : memref<1x128xi32, #tpu.memory_space<vmem>> -> memref<128xi32, #tpu.memory_space<vmem>>
      %dma_wait3A_189 = arith.constant 0 : i32
      %dma_wait3A_190 = arith.constant 0 : i32
      %dma_wait3A_191 = tpu.memref_slice %arg3[%dma_wait3A_189, %dma_wait3A_190] : memref<10112x96xf32, #tpu.memory_space<hbm>> -> memref<10112x96xf32, #tpu.memory_space<hbm>>
      tpu.wait_indirect_dma semaphore(%arg16 : memref<!tpu.dma_semaphore, #tpu.memory_space<semaphore_mem>>) src(%dma_wait3A_191 : memref<10112x96xf32, #tpu.memory_space<hbm>>) dst(%arg12 : memref<128x96xf32, #tpu.memory_space<vmem>>)
      %dma_start3A_192 = arith.constant 37 : i32
      %dma_start3A_193 = arith.constant 0 : i32
      %dma_start3A_194 = tpu.memref_slice %arg10[%dma_start3A_192, %dma_start3A_193] : memref<40x128xi32, #tpu.memory_space<vmem>> -> memref<1x128xi32, #tpu.memory_space<vmem>>
      %dma_start3A_195 = tpu.memref_squeeze %dma_start3A_194 : memref<1x128xi32, #tpu.memory_space<vmem>> -> memref<128xi32, #tpu.memory_space<vmem>>
      %dma_start3A_196 = arith.constant 0 : i32
      %dma_start3A_197 = arith.constant 0 : i32
      %dma_start3A_198 = tpu.memref_slice %arg8[%dma_start3A_196, %dma_start3A_197] : memref<10112x96xf32, #tpu.memory_space<vmem_shared>> -> memref<10112x96xf32, #tpu.memory_space<vmem_shared>>
      tpu.enqueue_indirect_dma source(%arg12 : memref<128x96xf32, #tpu.memory_space<vmem>>) target(%dma_start3A_198 : memref<10112x96xf32, #tpu.memory_space<vmem_shared>>) offsets(%dma_start3A_195 : memref<128xi32, #tpu.memory_space<vmem>>) semaphore(%arg20 : memref<!tpu.dma_semaphore, #tpu.memory_space<semaphore_mem>>) {add = true}
      %dma_wait3A_199 = arith.constant 37 : i32
      %dma_wait3A_200 = arith.constant 0 : i32
      %dma_wait3A_201 = tpu.memref_slice %arg10[%dma_wait3A_199, %dma_wait3A_200] : memref<40x128xi32, #tpu.memory_space<vmem>> -> memref<1x128xi32, #tpu.memory_space<vmem>>
      %dma_wait3A_202 = tpu.memref_squeeze %dma_wait3A_201 : memref<1x128xi32, #tpu.memory_space<vmem>> -> memref<128xi32, #tpu.memory_space<vmem>>
      %dma_wait3A_203 = arith.constant 0 : i32
      %dma_wait3A_204 = arith.constant 0 : i32
      %dma_wait3A_205 = tpu.memref_slice %arg8[%dma_wait3A_203, %dma_wait3A_204] : memref<10112x96xf32, #tpu.memory_space<vmem_shared>> -> memref<10112x96xf32, #tpu.memory_space<vmem_shared>>
      tpu.wait_indirect_dma semaphore(%arg20 : memref<!tpu.dma_semaphore, #tpu.memory_space<semaphore_mem>>) src(%arg12 : memref<128x96xf32, #tpu.memory_space<vmem>>) dst(%dma_wait3A_205 : memref<10112x96xf32, #tpu.memory_space<vmem_shared>>)
      %dma_wait3A_206 = arith.constant 38 : i32
      %dma_wait3A_207 = arith.constant 0 : i32
      %dma_wait3A_208 = tpu.memref_slice %arg9[%dma_wait3A_206, %dma_wait3A_207] : memref<40x128xi32, #tpu.memory_space<vmem>> -> memref<1x128xi32, #tpu.memory_space<vmem>>
      %dma_wait3A_209 = tpu.memref_squeeze %dma_wait3A_208 : memref<1x128xi32, #tpu.memory_space<vmem>> -> memref<128xi32, #tpu.memory_space<vmem>>
      %dma_wait3A_210 = arith.constant 0 : i32
      %dma_wait3A_211 = arith.constant 0 : i32
      %dma_wait3A_212 = tpu.memref_slice %arg3[%dma_wait3A_210, %dma_wait3A_211] : memref<10112x96xf32, #tpu.memory_space<hbm>> -> memref<10112x96xf32, #tpu.memory_space<hbm>>
      tpu.wait_indirect_dma semaphore(%arg17 : memref<!tpu.dma_semaphore, #tpu.memory_space<semaphore_mem>>) src(%dma_wait3A_212 : memref<10112x96xf32, #tpu.memory_space<hbm>>) dst(%arg13 : memref<128x96xf32, #tpu.memory_space<vmem>>)
      %dma_start3A_213 = arith.constant 38 : i32
      %dma_start3A_214 = arith.constant 0 : i32
      %dma_start3A_215 = tpu.memref_slice %arg10[%dma_start3A_213, %dma_start3A_214] : memref<40x128xi32, #tpu.memory_space<vmem>> -> memref<1x128xi32, #tpu.memory_space<vmem>>
      %dma_start3A_216 = tpu.memref_squeeze %dma_start3A_215 : memref<1x128xi32, #tpu.memory_space<vmem>> -> memref<128xi32, #tpu.memory_space<vmem>>
      %dma_start3A_217 = arith.constant 0 : i32
      %dma_start3A_218 = arith.constant 0 : i32
      %dma_start3A_219 = tpu.memref_slice %arg8[%dma_start3A_217, %dma_start3A_218] : memref<10112x96xf32, #tpu.memory_space<vmem_shared>> -> memref<10112x96xf32, #tpu.memory_space<vmem_shared>>
      tpu.enqueue_indirect_dma source(%arg13 : memref<128x96xf32, #tpu.memory_space<vmem>>) target(%dma_start3A_219 : memref<10112x96xf32, #tpu.memory_space<vmem_shared>>) offsets(%dma_start3A_216 : memref<128xi32, #tpu.memory_space<vmem>>) semaphore(%arg21 : memref<!tpu.dma_semaphore, #tpu.memory_space<semaphore_mem>>) {add = true}
      %dma_wait3A_220 = arith.constant 38 : i32
      %dma_wait3A_221 = arith.constant 0 : i32
      %dma_wait3A_222 = tpu.memref_slice %arg10[%dma_wait3A_220, %dma_wait3A_221] : memref<40x128xi32, #tpu.memory_space<vmem>> -> memref<1x128xi32, #tpu.memory_space<vmem>>
      %dma_wait3A_223 = tpu.memref_squeeze %dma_wait3A_222 : memref<1x128xi32, #tpu.memory_space<vmem>> -> memref<128xi32, #tpu.memory_space<vmem>>
      %dma_wait3A_224 = arith.constant 0 : i32
      %dma_wait3A_225 = arith.constant 0 : i32
      %dma_wait3A_226 = tpu.memref_slice %arg8[%dma_wait3A_224, %dma_wait3A_225] : memref<10112x96xf32, #tpu.memory_space<vmem_shared>> -> memref<10112x96xf32, #tpu.memory_space<vmem_shared>>
      tpu.wait_indirect_dma semaphore(%arg21 : memref<!tpu.dma_semaphore, #tpu.memory_space<semaphore_mem>>) src(%arg13 : memref<128x96xf32, #tpu.memory_space<vmem>>) dst(%dma_wait3A_226 : memref<10112x96xf32, #tpu.memory_space<vmem_shared>>)
      %dma_wait3A_227 = arith.constant 39 : i32
      %dma_wait3A_228 = arith.constant 0 : i32
      %dma_wait3A_229 = tpu.memref_slice %arg9[%dma_wait3A_227, %dma_wait3A_228] : memref<40x128xi32, #tpu.memory_space<vmem>> -> memref<1x128xi32, #tpu.memory_space<vmem>>
      %dma_wait3A_230 = tpu.memref_squeeze %dma_wait3A_229 : memref<1x128xi32, #tpu.memory_space<vmem>> -> memref<128xi32, #tpu.memory_space<vmem>>
      %dma_wait3A_231 = arith.constant 0 : i32
      %dma_wait3A_232 = arith.constant 0 : i32
      %dma_wait3A_233 = tpu.memref_slice %arg3[%dma_wait3A_231, %dma_wait3A_232] : memref<10112x96xf32, #tpu.memory_space<hbm>> -> memref<10112x96xf32, #tpu.memory_space<hbm>>
      tpu.wait_indirect_dma semaphore(%arg18 : memref<!tpu.dma_semaphore, #tpu.memory_space<semaphore_mem>>) src(%dma_wait3A_233 : memref<10112x96xf32, #tpu.memory_space<hbm>>) dst(%arg14 : memref<128x96xf32, #tpu.memory_space<vmem>>)
      %dma_start3A_234 = arith.constant 39 : i32
      %dma_start3A_235 = arith.constant 0 : i32
      %dma_start3A_236 = tpu.memref_slice %arg10[%dma_start3A_234, %dma_start3A_235] : memref<40x128xi32, #tpu.memory_space<vmem>> -> memref<1x128xi32, #tpu.memory_space<vmem>>
      %dma_start3A_237 = tpu.memref_squeeze %dma_start3A_236 : memref<1x128xi32, #tpu.memory_space<vmem>> -> memref<128xi32, #tpu.memory_space<vmem>>
      %dma_start3A_238 = arith.constant 0 : i32
      %dma_start3A_239 = arith.constant 0 : i32
      %dma_start3A_240 = tpu.memref_slice %arg8[%dma_start3A_238, %dma_start3A_239] : memref<10112x96xf32, #tpu.memory_space<vmem_shared>> -> memref<10112x96xf32, #tpu.memory_space<vmem_shared>>
      tpu.enqueue_indirect_dma source(%arg14 : memref<128x96xf32, #tpu.memory_space<vmem>>) target(%dma_start3A_240 : memref<10112x96xf32, #tpu.memory_space<vmem_shared>>) offsets(%dma_start3A_237 : memref<128xi32, #tpu.memory_space<vmem>>) semaphore(%arg22 : memref<!tpu.dma_semaphore, #tpu.memory_space<semaphore_mem>>) {add = true}
      %dma_wait3A_241 = arith.constant 39 : i32
      %dma_wait3A_242 = arith.constant 0 : i32
      %dma_wait3A_243 = tpu.memref_slice %arg10[%dma_wait3A_241, %dma_wait3A_242] : memref<40x128xi32, #tpu.memory_space<vmem>> -> memref<1x128xi32, #tpu.memory_space<vmem>>
      %dma_wait3A_244 = tpu.memref_squeeze %dma_wait3A_243 : memref<1x128xi32, #tpu.memory_space<vmem>> -> memref<128xi32, #tpu.memory_space<vmem>>
      %dma_wait3A_245 = arith.constant 0 : i32
      %dma_wait3A_246 = arith.constant 0 : i32
      %dma_wait3A_247 = tpu.memref_slice %arg8[%dma_wait3A_245, %dma_wait3A_246] : memref<10112x96xf32, #tpu.memory_space<vmem_shared>> -> memref<10112x96xf32, #tpu.memory_space<vmem_shared>>
      tpu.wait_indirect_dma semaphore(%arg22 : memref<!tpu.dma_semaphore, #tpu.memory_space<semaphore_mem>>) src(%arg14 : memref<128x96xf32, #tpu.memory_space<vmem>>) dst(%dma_wait3A_247 : memref<10112x96xf32, #tpu.memory_space<vmem_shared>>)
      %mul3A_248 = arith.constant 160 : i32
      %mul3A_249 = arith.muli %arg1, %mul3A_248 : i32
      %add3A_250 = arith.constant 80 : i32
      %add3A_251 = arith.addi %mul3A_249, %add3A_250 : i32
      "tpu.region"() ({
        %run_scoped3A = tpu.sem_alloc : memref<!tpu.dma_semaphore, #tpu.memory_space<semaphore_mem>>
        %dma_start3A_493 = arith.constant 0 : i32
        %dma_start3A_494 = tpu.memref_slice %arg4[%add3A_251, %dma_start3A_493] : memref<2560x128xi32, #tpu.memory_space<hbm>> -> memref<40x128xi32, #tpu.memory_space<hbm>>
        %dma_start3A_495 = arith.constant 0 : i32
        %dma_start3A_496 = tpu.memref_slice %arg4[%add3A_251, %dma_start3A_495] : memref<2560x128xi32, #tpu.memory_space<hbm>> -> memref<40x128xi32, #tpu.memory_space<hbm>>
        tpu.enqueue_dma source(%dma_start3A_496 : memref<40x128xi32, #tpu.memory_space<hbm>>) target(%arg9 : memref<40x128xi32, #tpu.memory_space<vmem>>) target_semaphore(%run_scoped3A : memref<!tpu.dma_semaphore, #tpu.memory_space<semaphore_mem>>)
        %dma_wait3A_497 = arith.constant 0 : i32
        %dma_wait3A_498 = tpu.memref_slice %arg4[%add3A_251, %dma_wait3A_497] : memref<2560x128xi32, #tpu.memory_space<hbm>> -> memref<40x128xi32, #tpu.memory_space<hbm>>
        %dma_wait3A_499 = arith.constant 0 : i32
        %dma_wait3A_500 = tpu.memref_slice %arg4[%add3A_251, %dma_wait3A_499] : memref<2560x128xi32, #tpu.memory_space<hbm>> -> memref<40x128xi32, #tpu.memory_space<hbm>>
        tpu.wait_dma2 semaphore(%run_scoped3A : memref<!tpu.dma_semaphore, #tpu.memory_space<semaphore_mem>>) src(%dma_wait3A_500 : memref<40x128xi32, #tpu.memory_space<hbm>>) dst(%arg9 : memref<40x128xi32, #tpu.memory_space<vmem>>)
        tpu.yield
      }) : () -> ()
      "tpu.region"() ({
        %run_scoped3A = tpu.sem_alloc : memref<!tpu.dma_semaphore, #tpu.memory_space<semaphore_mem>>
        %dma_start3A_493 = arith.constant 0 : i32
        %dma_start3A_494 = tpu.memref_slice %arg5[%add3A_251, %dma_start3A_493] : memref<2560x128xi32, #tpu.memory_space<hbm>> -> memref<40x128xi32, #tpu.memory_space<hbm>>
        %dma_start3A_495 = arith.constant 0 : i32
        %dma_start3A_496 = tpu.memref_slice %arg5[%add3A_251, %dma_start3A_495] : memref<2560x128xi32, #tpu.memory_space<hbm>> -> memref<40x128xi32, #tpu.memory_space<hbm>>
        tpu.enqueue_dma source(%dma_start3A_496 : memref<40x128xi32, #tpu.memory_space<hbm>>) target(%arg10 : memref<40x128xi32, #tpu.memory_space<vmem>>) target_semaphore(%run_scoped3A : memref<!tpu.dma_semaphore, #tpu.memory_space<semaphore_mem>>)
        %dma_wait3A_497 = arith.constant 0 : i32
        %dma_wait3A_498 = tpu.memref_slice %arg5[%add3A_251, %dma_wait3A_497] : memref<2560x128xi32, #tpu.memory_space<hbm>> -> memref<40x128xi32, #tpu.memory_space<hbm>>
        %dma_wait3A_499 = arith.constant 0 : i32
        %dma_wait3A_500 = tpu.memref_slice %arg5[%add3A_251, %dma_wait3A_499] : memref<2560x128xi32, #tpu.memory_space<hbm>> -> memref<40x128xi32, #tpu.memory_space<hbm>>
        tpu.wait_dma2 semaphore(%run_scoped3A : memref<!tpu.dma_semaphore, #tpu.memory_space<semaphore_mem>>) src(%dma_wait3A_500 : memref<40x128xi32, #tpu.memory_space<hbm>>) dst(%arg10 : memref<40x128xi32, #tpu.memory_space<vmem>>)
        tpu.yield
      }) : () -> ()
      %dma_start3A_252 = arith.constant 0 : i32
      %dma_start3A_253 = arith.constant 0 : i32
      %dma_start3A_254 = tpu.memref_slice %arg9[%dma_start3A_252, %dma_start3A_253] : memref<40x128xi32, #tpu.memory_space<vmem>> -> memref<1x128xi32, #tpu.memory_space<vmem>>
      %dma_start3A_255 = tpu.memref_squeeze %dma_start3A_254 : memref<1x128xi32, #tpu.memory_space<vmem>> -> memref<128xi32, #tpu.memory_space<vmem>>
      %dma_start3A_256 = arith.constant 0 : i32
      %dma_start3A_257 = arith.constant 0 : i32
      %dma_start3A_258 = tpu.memref_slice %arg3[%dma_start3A_256, %dma_start3A_257] : memref<10112x96xf32, #tpu.memory_space<hbm>> -> memref<10112x96xf32, #tpu.memory_space<hbm>>
      tpu.enqueue_indirect_dma source(%dma_start3A_258 : memref<10112x96xf32, #tpu.memory_space<hbm>>) target(%arg11 : memref<128x96xf32, #tpu.memory_space<vmem>>) offsets(%dma_start3A_255 : memref<128xi32, #tpu.memory_space<vmem>>) semaphore(%arg15 : memref<!tpu.dma_semaphore, #tpu.memory_space<semaphore_mem>>)
      %dma_start3A_259 = arith.constant 1 : i32
      %dma_start3A_260 = arith.constant 0 : i32
      %dma_start3A_261 = tpu.memref_slice %arg9[%dma_start3A_259, %dma_start3A_260] : memref<40x128xi32, #tpu.memory_space<vmem>> -> memref<1x128xi32, #tpu.memory_space<vmem>>
      %dma_start3A_262 = tpu.memref_squeeze %dma_start3A_261 : memref<1x128xi32, #tpu.memory_space<vmem>> -> memref<128xi32, #tpu.memory_space<vmem>>
      %dma_start3A_263 = arith.constant 0 : i32
      %dma_start3A_264 = arith.constant 0 : i32
      %dma_start3A_265 = tpu.memref_slice %arg3[%dma_start3A_263, %dma_start3A_264] : memref<10112x96xf32, #tpu.memory_space<hbm>> -> memref<10112x96xf32, #tpu.memory_space<hbm>>
      tpu.enqueue_indirect_dma source(%dma_start3A_265 : memref<10112x96xf32, #tpu.memory_space<hbm>>) target(%arg12 : memref<128x96xf32, #tpu.memory_space<vmem>>) offsets(%dma_start3A_262 : memref<128xi32, #tpu.memory_space<vmem>>) semaphore(%arg16 : memref<!tpu.dma_semaphore, #tpu.memory_space<semaphore_mem>>)
      %dma_start3A_266 = arith.constant 2 : i32
      %dma_start3A_267 = arith.constant 0 : i32
      %dma_start3A_268 = tpu.memref_slice %arg9[%dma_start3A_266, %dma_start3A_267] : memref<40x128xi32, #tpu.memory_space<vmem>> -> memref<1x128xi32, #tpu.memory_space<vmem>>
      %dma_start3A_269 = tpu.memref_squeeze %dma_start3A_268 : memref<1x128xi32, #tpu.memory_space<vmem>> -> memref<128xi32, #tpu.memory_space<vmem>>
      %dma_start3A_270 = arith.constant 0 : i32
      %dma_start3A_271 = arith.constant 0 : i32
      %dma_start3A_272 = tpu.memref_slice %arg3[%dma_start3A_270, %dma_start3A_271] : memref<10112x96xf32, #tpu.memory_space<hbm>> -> memref<10112x96xf32, #tpu.memory_space<hbm>>
      tpu.enqueue_indirect_dma source(%dma_start3A_272 : memref<10112x96xf32, #tpu.memory_space<hbm>>) target(%arg13 : memref<128x96xf32, #tpu.memory_space<vmem>>) offsets(%dma_start3A_269 : memref<128xi32, #tpu.memory_space<vmem>>) semaphore(%arg17 : memref<!tpu.dma_semaphore, #tpu.memory_space<semaphore_mem>>)
      %dma_start3A_273 = arith.constant 3 : i32
      %dma_start3A_274 = arith.constant 0 : i32
      %dma_start3A_275 = tpu.memref_slice %arg9[%dma_start3A_273, %dma_start3A_274] : memref<40x128xi32, #tpu.memory_space<vmem>> -> memref<1x128xi32, #tpu.memory_space<vmem>>
      %dma_start3A_276 = tpu.memref_squeeze %dma_start3A_275 : memref<1x128xi32, #tpu.memory_space<vmem>> -> memref<128xi32, #tpu.memory_space<vmem>>
      %dma_start3A_277 = arith.constant 0 : i32
      %dma_start3A_278 = arith.constant 0 : i32
      %dma_start3A_279 = tpu.memref_slice %arg3[%dma_start3A_277, %dma_start3A_278] : memref<10112x96xf32, #tpu.memory_space<hbm>> -> memref<10112x96xf32, #tpu.memory_space<hbm>>
      tpu.enqueue_indirect_dma source(%dma_start3A_279 : memref<10112x96xf32, #tpu.memory_space<hbm>>) target(%arg14 : memref<128x96xf32, #tpu.memory_space<vmem>>) offsets(%dma_start3A_276 : memref<128xi32, #tpu.memory_space<vmem>>) semaphore(%arg18 : memref<!tpu.dma_semaphore, #tpu.memory_space<semaphore_mem>>)
      %scan3A_280 = arith.constant 0 : i32
      %scan3A_281 = arith.constant 0 : i32
      %scan3A_282 = arith.constant 9 : i32
      %scan3A_283 = arith.addi %scan3A_281, %scan3A_282 : i32
      %scan3A_284 = arith.constant 1 : i32
      scf.for %scan3A_493 = %scan3A_281 to %scan3A_283 step %scan3A_284  : i32 {
        %mul3A_494 = arith.constant 4 : i32
        %mul3A_495 = arith.muli %scan3A_493, %mul3A_494 : i32
        %add3A_496 = arith.constant 0 : i32
        %add3A_497 = arith.addi %mul3A_495, %add3A_496 : i32
        %dma_wait3A_498 = arith.constant 0 : i32
        %dma_wait3A_499 = tpu.memref_slice %arg9[%add3A_497, %dma_wait3A_498] : memref<40x128xi32, #tpu.memory_space<vmem>> -> memref<1x128xi32, #tpu.memory_space<vmem>>
        %dma_wait3A_500 = tpu.memref_squeeze %dma_wait3A_499 : memref<1x128xi32, #tpu.memory_space<vmem>> -> memref<128xi32, #tpu.memory_space<vmem>>
        %dma_wait3A_501 = arith.constant 0 : i32
        %dma_wait3A_502 = arith.constant 0 : i32
        %dma_wait3A_503 = tpu.memref_slice %arg3[%dma_wait3A_501, %dma_wait3A_502] : memref<10112x96xf32, #tpu.memory_space<hbm>> -> memref<10112x96xf32, #tpu.memory_space<hbm>>
        tpu.wait_indirect_dma semaphore(%arg15 : memref<!tpu.dma_semaphore, #tpu.memory_space<semaphore_mem>>) src(%dma_wait3A_503 : memref<10112x96xf32, #tpu.memory_space<hbm>>) dst(%arg11 : memref<128x96xf32, #tpu.memory_space<vmem>>)
        %dma_start3A_504 = arith.constant 0 : i32
        %dma_start3A_505 = tpu.memref_slice %arg10[%add3A_497, %dma_start3A_504] : memref<40x128xi32, #tpu.memory_space<vmem>> -> memref<1x128xi32, #tpu.memory_space<vmem>>
        %dma_start3A_506 = tpu.memref_squeeze %dma_start3A_505 : memref<1x128xi32, #tpu.memory_space<vmem>> -> memref<128xi32, #tpu.memory_space<vmem>>
        %dma_start3A_507 = arith.constant 0 : i32
        %dma_start3A_508 = arith.constant 0 : i32
        %dma_start3A_509 = tpu.memref_slice %arg8[%dma_start3A_507, %dma_start3A_508] : memref<10112x96xf32, #tpu.memory_space<vmem_shared>> -> memref<10112x96xf32, #tpu.memory_space<vmem_shared>>
        tpu.enqueue_indirect_dma source(%arg11 : memref<128x96xf32, #tpu.memory_space<vmem>>) target(%dma_start3A_509 : memref<10112x96xf32, #tpu.memory_space<vmem_shared>>) offsets(%dma_start3A_506 : memref<128xi32, #tpu.memory_space<vmem>>) semaphore(%arg19 : memref<!tpu.dma_semaphore, #tpu.memory_space<semaphore_mem>>) {add = true}
        %dma_wait3A_510 = arith.constant 0 : i32
        %dma_wait3A_511 = tpu.memref_slice %arg10[%add3A_497, %dma_wait3A_510] : memref<40x128xi32, #tpu.memory_space<vmem>> -> memref<1x128xi32, #tpu.memory_space<vmem>>
        %dma_wait3A_512 = tpu.memref_squeeze %dma_wait3A_511 : memref<1x128xi32, #tpu.memory_space<vmem>> -> memref<128xi32, #tpu.memory_space<vmem>>
        %dma_wait3A_513 = arith.constant 0 : i32
        %dma_wait3A_514 = arith.constant 0 : i32
        %dma_wait3A_515 = tpu.memref_slice %arg8[%dma_wait3A_513, %dma_wait3A_514] : memref<10112x96xf32, #tpu.memory_space<vmem_shared>> -> memref<10112x96xf32, #tpu.memory_space<vmem_shared>>
        tpu.wait_indirect_dma semaphore(%arg19 : memref<!tpu.dma_semaphore, #tpu.memory_space<semaphore_mem>>) src(%arg11 : memref<128x96xf32, #tpu.memory_space<vmem>>) dst(%dma_wait3A_515 : memref<10112x96xf32, #tpu.memory_space<vmem_shared>>)
        %add3A_516 = arith.constant 4 : i32
        %add3A_517 = arith.addi %add3A_497, %add3A_516 : i32
        %dma_start3A_518 = arith.constant 0 : i32
        %dma_start3A_519 = tpu.memref_slice %arg9[%add3A_517, %dma_start3A_518] : memref<40x128xi32, #tpu.memory_space<vmem>> -> memref<1x128xi32, #tpu.memory_space<vmem>>
        %dma_start3A_520 = tpu.memref_squeeze %dma_start3A_519 : memref<1x128xi32, #tpu.memory_space<vmem>> -> memref<128xi32, #tpu.memory_space<vmem>>
        %dma_start3A_521 = arith.constant 0 : i32
        %dma_start3A_522 = arith.constant 0 : i32
        %dma_start3A_523 = tpu.memref_slice %arg3[%dma_start3A_521, %dma_start3A_522] : memref<10112x96xf32, #tpu.memory_space<hbm>> -> memref<10112x96xf32, #tpu.memory_space<hbm>>
        tpu.enqueue_indirect_dma source(%dma_start3A_523 : memref<10112x96xf32, #tpu.memory_space<hbm>>) target(%arg11 : memref<128x96xf32, #tpu.memory_space<vmem>>) offsets(%dma_start3A_520 : memref<128xi32, #tpu.memory_space<vmem>>) semaphore(%arg15 : memref<!tpu.dma_semaphore, #tpu.memory_space<semaphore_mem>>)
        %mul3A_524 = arith.constant 4 : i32
        %mul3A_525 = arith.muli %scan3A_493, %mul3A_524 : i32
        %add3A_526 = arith.constant 1 : i32
        %add3A_527 = arith.addi %mul3A_525, %add3A_526 : i32
        %dma_wait3A_528 = arith.constant 0 : i32
        %dma_wait3A_529 = tpu.memref_slice %arg9[%add3A_527, %dma_wait3A_528] : memref<40x128xi32, #tpu.memory_space<vmem>> -> memref<1x128xi32, #tpu.memory_space<vmem>>
        %dma_wait3A_530 = tpu.memref_squeeze %dma_wait3A_529 : memref<1x128xi32, #tpu.memory_space<vmem>> -> memref<128xi32, #tpu.memory_space<vmem>>
        %dma_wait3A_531 = arith.constant 0 : i32
        %dma_wait3A_532 = arith.constant 0 : i32
        %dma_wait3A_533 = tpu.memref_slice %arg3[%dma_wait3A_531, %dma_wait3A_532] : memref<10112x96xf32, #tpu.memory_space<hbm>> -> memref<10112x96xf32, #tpu.memory_space<hbm>>
        tpu.wait_indirect_dma semaphore(%arg16 : memref<!tpu.dma_semaphore, #tpu.memory_space<semaphore_mem>>) src(%dma_wait3A_533 : memref<10112x96xf32, #tpu.memory_space<hbm>>) dst(%arg12 : memref<128x96xf32, #tpu.memory_space<vmem>>)
        %dma_start3A_534 = arith.constant 0 : i32
        %dma_start3A_535 = tpu.memref_slice %arg10[%add3A_527, %dma_start3A_534] : memref<40x128xi32, #tpu.memory_space<vmem>> -> memref<1x128xi32, #tpu.memory_space<vmem>>
        %dma_start3A_536 = tpu.memref_squeeze %dma_start3A_535 : memref<1x128xi32, #tpu.memory_space<vmem>> -> memref<128xi32, #tpu.memory_space<vmem>>
        %dma_start3A_537 = arith.constant 0 : i32
        %dma_start3A_538 = arith.constant 0 : i32
        %dma_start3A_539 = tpu.memref_slice %arg8[%dma_start3A_537, %dma_start3A_538] : memref<10112x96xf32, #tpu.memory_space<vmem_shared>> -> memref<10112x96xf32, #tpu.memory_space<vmem_shared>>
        tpu.enqueue_indirect_dma source(%arg12 : memref<128x96xf32, #tpu.memory_space<vmem>>) target(%dma_start3A_539 : memref<10112x96xf32, #tpu.memory_space<vmem_shared>>) offsets(%dma_start3A_536 : memref<128xi32, #tpu.memory_space<vmem>>) semaphore(%arg20 : memref<!tpu.dma_semaphore, #tpu.memory_space<semaphore_mem>>) {add = true}
        %dma_wait3A_540 = arith.constant 0 : i32
        %dma_wait3A_541 = tpu.memref_slice %arg10[%add3A_527, %dma_wait3A_540] : memref<40x128xi32, #tpu.memory_space<vmem>> -> memref<1x128xi32, #tpu.memory_space<vmem>>
        %dma_wait3A_542 = tpu.memref_squeeze %dma_wait3A_541 : memref<1x128xi32, #tpu.memory_space<vmem>> -> memref<128xi32, #tpu.memory_space<vmem>>
        %dma_wait3A_543 = arith.constant 0 : i32
        %dma_wait3A_544 = arith.constant 0 : i32
        %dma_wait3A_545 = tpu.memref_slice %arg8[%dma_wait3A_543, %dma_wait3A_544] : memref<10112x96xf32, #tpu.memory_space<vmem_shared>> -> memref<10112x96xf32, #tpu.memory_space<vmem_shared>>
        tpu.wait_indirect_dma semaphore(%arg20 : memref<!tpu.dma_semaphore, #tpu.memory_space<semaphore_mem>>) src(%arg12 : memref<128x96xf32, #tpu.memory_space<vmem>>) dst(%dma_wait3A_545 : memref<10112x96xf32, #tpu.memory_space<vmem_shared>>)
        %add3A_546 = arith.constant 4 : i32
        %add3A_547 = arith.addi %add3A_527, %add3A_546 : i32
        %dma_start3A_548 = arith.constant 0 : i32
        %dma_start3A_549 = tpu.memref_slice %arg9[%add3A_547, %dma_start3A_548] : memref<40x128xi32, #tpu.memory_space<vmem>> -> memref<1x128xi32, #tpu.memory_space<vmem>>
        %dma_start3A_550 = tpu.memref_squeeze %dma_start3A_549 : memref<1x128xi32, #tpu.memory_space<vmem>> -> memref<128xi32, #tpu.memory_space<vmem>>
        %dma_start3A_551 = arith.constant 0 : i32
        %dma_start3A_552 = arith.constant 0 : i32
        %dma_start3A_553 = tpu.memref_slice %arg3[%dma_start3A_551, %dma_start3A_552] : memref<10112x96xf32, #tpu.memory_space<hbm>> -> memref<10112x96xf32, #tpu.memory_space<hbm>>
        tpu.enqueue_indirect_dma source(%dma_start3A_553 : memref<10112x96xf32, #tpu.memory_space<hbm>>) target(%arg12 : memref<128x96xf32, #tpu.memory_space<vmem>>) offsets(%dma_start3A_550 : memref<128xi32, #tpu.memory_space<vmem>>) semaphore(%arg16 : memref<!tpu.dma_semaphore, #tpu.memory_space<semaphore_mem>>)
        %mul3A_554 = arith.constant 4 : i32
        %mul3A_555 = arith.muli %scan3A_493, %mul3A_554 : i32
        %add3A_556 = arith.constant 2 : i32
        %add3A_557 = arith.addi %mul3A_555, %add3A_556 : i32
        %dma_wait3A_558 = arith.constant 0 : i32
        %dma_wait3A_559 = tpu.memref_slice %arg9[%add3A_557, %dma_wait3A_558] : memref<40x128xi32, #tpu.memory_space<vmem>> -> memref<1x128xi32, #tpu.memory_space<vmem>>
        %dma_wait3A_560 = tpu.memref_squeeze %dma_wait3A_559 : memref<1x128xi32, #tpu.memory_space<vmem>> -> memref<128xi32, #tpu.memory_space<vmem>>
        %dma_wait3A_561 = arith.constant 0 : i32
        %dma_wait3A_562 = arith.constant 0 : i32
        %dma_wait3A_563 = tpu.memref_slice %arg3[%dma_wait3A_561, %dma_wait3A_562] : memref<10112x96xf32, #tpu.memory_space<hbm>> -> memref<10112x96xf32, #tpu.memory_space<hbm>>
        tpu.wait_indirect_dma semaphore(%arg17 : memref<!tpu.dma_semaphore, #tpu.memory_space<semaphore_mem>>) src(%dma_wait3A_563 : memref<10112x96xf32, #tpu.memory_space<hbm>>) dst(%arg13 : memref<128x96xf32, #tpu.memory_space<vmem>>)
        %dma_start3A_564 = arith.constant 0 : i32
        %dma_start3A_565 = tpu.memref_slice %arg10[%add3A_557, %dma_start3A_564] : memref<40x128xi32, #tpu.memory_space<vmem>> -> memref<1x128xi32, #tpu.memory_space<vmem>>
        %dma_start3A_566 = tpu.memref_squeeze %dma_start3A_565 : memref<1x128xi32, #tpu.memory_space<vmem>> -> memref<128xi32, #tpu.memory_space<vmem>>
        %dma_start3A_567 = arith.constant 0 : i32
        %dma_start3A_568 = arith.constant 0 : i32
        %dma_start3A_569 = tpu.memref_slice %arg8[%dma_start3A_567, %dma_start3A_568] : memref<10112x96xf32, #tpu.memory_space<vmem_shared>> -> memref<10112x96xf32, #tpu.memory_space<vmem_shared>>
        tpu.enqueue_indirect_dma source(%arg13 : memref<128x96xf32, #tpu.memory_space<vmem>>) target(%dma_start3A_569 : memref<10112x96xf32, #tpu.memory_space<vmem_shared>>) offsets(%dma_start3A_566 : memref<128xi32, #tpu.memory_space<vmem>>) semaphore(%arg21 : memref<!tpu.dma_semaphore, #tpu.memory_space<semaphore_mem>>) {add = true}
        %dma_wait3A_570 = arith.constant 0 : i32
        %dma_wait3A_571 = tpu.memref_slice %arg10[%add3A_557, %dma_wait3A_570] : memref<40x128xi32, #tpu.memory_space<vmem>> -> memref<1x128xi32, #tpu.memory_space<vmem>>
        %dma_wait3A_572 = tpu.memref_squeeze %dma_wait3A_571 : memref<1x128xi32, #tpu.memory_space<vmem>> -> memref<128xi32, #tpu.memory_space<vmem>>
        %dma_wait3A_573 = arith.constant 0 : i32
        %dma_wait3A_574 = arith.constant 0 : i32
        %dma_wait3A_575 = tpu.memref_slice %arg8[%dma_wait3A_573, %dma_wait3A_574] : memref<10112x96xf32, #tpu.memory_space<vmem_shared>> -> memref<10112x96xf32, #tpu.memory_space<vmem_shared>>
        tpu.wait_indirect_dma semaphore(%arg21 : memref<!tpu.dma_semaphore, #tpu.memory_space<semaphore_mem>>) src(%arg13 : memref<128x96xf32, #tpu.memory_space<vmem>>) dst(%dma_wait3A_575 : memref<10112x96xf32, #tpu.memory_space<vmem_shared>>)
        %add3A_576 = arith.constant 4 : i32
        %add3A_577 = arith.addi %add3A_557, %add3A_576 : i32
        %dma_start3A_578 = arith.constant 0 : i32
        %dma_start3A_579 = tpu.memref_slice %arg9[%add3A_577, %dma_start3A_578] : memref<40x128xi32, #tpu.memory_space<vmem>> -> memref<1x128xi32, #tpu.memory_space<vmem>>
        %dma_start3A_580 = tpu.memref_squeeze %dma_start3A_579 : memref<1x128xi32, #tpu.memory_space<vmem>> -> memref<128xi32, #tpu.memory_space<vmem>>
        %dma_start3A_581 = arith.constant 0 : i32
        %dma_start3A_582 = arith.constant 0 : i32
        %dma_start3A_583 = tpu.memref_slice %arg3[%dma_start3A_581, %dma_start3A_582] : memref<10112x96xf32, #tpu.memory_space<hbm>> -> memref<10112x96xf32, #tpu.memory_space<hbm>>
        tpu.enqueue_indirect_dma source(%dma_start3A_583 : memref<10112x96xf32, #tpu.memory_space<hbm>>) target(%arg13 : memref<128x96xf32, #tpu.memory_space<vmem>>) offsets(%dma_start3A_580 : memref<128xi32, #tpu.memory_space<vmem>>) semaphore(%arg17 : memref<!tpu.dma_semaphore, #tpu.memory_space<semaphore_mem>>)
        %mul3A_584 = arith.constant 4 : i32
        %mul3A_585 = arith.muli %scan3A_493, %mul3A_584 : i32
        %add3A_586 = arith.constant 3 : i32
        %add3A_587 = arith.addi %mul3A_585, %add3A_586 : i32
        %dma_wait3A_588 = arith.constant 0 : i32
        %dma_wait3A_589 = tpu.memref_slice %arg9[%add3A_587, %dma_wait3A_588] : memref<40x128xi32, #tpu.memory_space<vmem>> -> memref<1x128xi32, #tpu.memory_space<vmem>>
        %dma_wait3A_590 = tpu.memref_squeeze %dma_wait3A_589 : memref<1x128xi32, #tpu.memory_space<vmem>> -> memref<128xi32, #tpu.memory_space<vmem>>
        %dma_wait3A_591 = arith.constant 0 : i32
        %dma_wait3A_592 = arith.constant 0 : i32
        %dma_wait3A_593 = tpu.memref_slice %arg3[%dma_wait3A_591, %dma_wait3A_592] : memref<10112x96xf32, #tpu.memory_space<hbm>> -> memref<10112x96xf32, #tpu.memory_space<hbm>>
        tpu.wait_indirect_dma semaphore(%arg18 : memref<!tpu.dma_semaphore, #tpu.memory_space<semaphore_mem>>) src(%dma_wait3A_593 : memref<10112x96xf32, #tpu.memory_space<hbm>>) dst(%arg14 : memref<128x96xf32, #tpu.memory_space<vmem>>)
        %dma_start3A_594 = arith.constant 0 : i32
        %dma_start3A_595 = tpu.memref_slice %arg10[%add3A_587, %dma_start3A_594] : memref<40x128xi32, #tpu.memory_space<vmem>> -> memref<1x128xi32, #tpu.memory_space<vmem>>
        %dma_start3A_596 = tpu.memref_squeeze %dma_start3A_595 : memref<1x128xi32, #tpu.memory_space<vmem>> -> memref<128xi32, #tpu.memory_space<vmem>>
        %dma_start3A_597 = arith.constant 0 : i32
        %dma_start3A_598 = arith.constant 0 : i32
        %dma_start3A_599 = tpu.memref_slice %arg8[%dma_start3A_597, %dma_start3A_598] : memref<10112x96xf32, #tpu.memory_space<vmem_shared>> -> memref<10112x96xf32, #tpu.memory_space<vmem_shared>>
        tpu.enqueue_indirect_dma source(%arg14 : memref<128x96xf32, #tpu.memory_space<vmem>>) target(%dma_start3A_599 : memref<10112x96xf32, #tpu.memory_space<vmem_shared>>) offsets(%dma_start3A_596 : memref<128xi32, #tpu.memory_space<vmem>>) semaphore(%arg22 : memref<!tpu.dma_semaphore, #tpu.memory_space<semaphore_mem>>) {add = true}
        %dma_wait3A_600 = arith.constant 0 : i32
        %dma_wait3A_601 = tpu.memref_slice %arg10[%add3A_587, %dma_wait3A_600] : memref<40x128xi32, #tpu.memory_space<vmem>> -> memref<1x128xi32, #tpu.memory_space<vmem>>
        %dma_wait3A_602 = tpu.memref_squeeze %dma_wait3A_601 : memref<1x128xi32, #tpu.memory_space<vmem>> -> memref<128xi32, #tpu.memory_space<vmem>>
        %dma_wait3A_603 = arith.constant 0 : i32
        %dma_wait3A_604 = arith.constant 0 : i32
        %dma_wait3A_605 = tpu.memref_slice %arg8[%dma_wait3A_603, %dma_wait3A_604] : memref<10112x96xf32, #tpu.memory_space<vmem_shared>> -> memref<10112x96xf32, #tpu.memory_space<vmem_shared>>
        tpu.wait_indirect_dma semaphore(%arg22 : memref<!tpu.dma_semaphore, #tpu.memory_space<semaphore_mem>>) src(%arg14 : memref<128x96xf32, #tpu.memory_space<vmem>>) dst(%dma_wait3A_605 : memref<10112x96xf32, #tpu.memory_space<vmem_shared>>)
        %add3A_606 = arith.constant 4 : i32
        %add3A_607 = arith.addi %add3A_587, %add3A_606 : i32
        %dma_start3A_608 = arith.constant 0 : i32
        %dma_start3A_609 = tpu.memref_slice %arg9[%add3A_607, %dma_start3A_608] : memref<40x128xi32, #tpu.memory_space<vmem>> -> memref<1x128xi32, #tpu.memory_space<vmem>>
        %dma_start3A_610 = tpu.memref_squeeze %dma_start3A_609 : memref<1x128xi32, #tpu.memory_space<vmem>> -> memref<128xi32, #tpu.memory_space<vmem>>
        %dma_start3A_611 = arith.constant 0 : i32
        %dma_start3A_612 = arith.constant 0 : i32
        %dma_start3A_613 = tpu.memref_slice %arg3[%dma_start3A_611, %dma_start3A_612] : memref<10112x96xf32, #tpu.memory_space<hbm>> -> memref<10112x96xf32, #tpu.memory_space<hbm>>
        tpu.enqueue_indirect_dma source(%dma_start3A_613 : memref<10112x96xf32, #tpu.memory_space<hbm>>) target(%arg14 : memref<128x96xf32, #tpu.memory_space<vmem>>) offsets(%dma_start3A_610 : memref<128xi32, #tpu.memory_space<vmem>>) semaphore(%arg18 : memref<!tpu.dma_semaphore, #tpu.memory_space<semaphore_mem>>)
      }
      %scan3A_285 = arith.constant 9 : i32
      %dma_wait3A_286 = arith.constant 36 : i32
      %dma_wait3A_287 = arith.constant 0 : i32
      %dma_wait3A_288 = tpu.memref_slice %arg9[%dma_wait3A_286, %dma_wait3A_287] : memref<40x128xi32, #tpu.memory_space<vmem>> -> memref<1x128xi32, #tpu.memory_space<vmem>>
      %dma_wait3A_289 = tpu.memref_squeeze %dma_wait3A_288 : memref<1x128xi32, #tpu.memory_space<vmem>> -> memref<128xi32, #tpu.memory_space<vmem>>
      %dma_wait3A_290 = arith.constant 0 : i32
      %dma_wait3A_291 = arith.constant 0 : i32
      %dma_wait3A_292 = tpu.memref_slice %arg3[%dma_wait3A_290, %dma_wait3A_291] : memref<10112x96xf32, #tpu.memory_space<hbm>> -> memref<10112x96xf32, #tpu.memory_space<hbm>>
      tpu.wait_indirect_dma semaphore(%arg15 : memref<!tpu.dma_semaphore, #tpu.memory_space<semaphore_mem>>) src(%dma_wait3A_292 : memref<10112x96xf32, #tpu.memory_space<hbm>>) dst(%arg11 : memref<128x96xf32, #tpu.memory_space<vmem>>)
      %dma_start3A_293 = arith.constant 36 : i32
      %dma_start3A_294 = arith.constant 0 : i32
      %dma_start3A_295 = tpu.memref_slice %arg10[%dma_start3A_293, %dma_start3A_294] : memref<40x128xi32, #tpu.memory_space<vmem>> -> memref<1x128xi32, #tpu.memory_space<vmem>>
      %dma_start3A_296 = tpu.memref_squeeze %dma_start3A_295 : memref<1x128xi32, #tpu.memory_space<vmem>> -> memref<128xi32, #tpu.memory_space<vmem>>
      %dma_start3A_297 = arith.constant 0 : i32
      %dma_start3A_298 = arith.constant 0 : i32
      %dma_start3A_299 = tpu.memref_slice %arg8[%dma_start3A_297, %dma_start3A_298] : memref<10112x96xf32, #tpu.memory_space<vmem_shared>> -> memref<10112x96xf32, #tpu.memory_space<vmem_shared>>
      tpu.enqueue_indirect_dma source(%arg11 : memref<128x96xf32, #tpu.memory_space<vmem>>) target(%dma_start3A_299 : memref<10112x96xf32, #tpu.memory_space<vmem_shared>>) offsets(%dma_start3A_296 : memref<128xi32, #tpu.memory_space<vmem>>) semaphore(%arg19 : memref<!tpu.dma_semaphore, #tpu.memory_space<semaphore_mem>>) {add = true}
      %dma_wait3A_300 = arith.constant 36 : i32
      %dma_wait3A_301 = arith.constant 0 : i32
      %dma_wait3A_302 = tpu.memref_slice %arg10[%dma_wait3A_300, %dma_wait3A_301] : memref<40x128xi32, #tpu.memory_space<vmem>> -> memref<1x128xi32, #tpu.memory_space<vmem>>
      %dma_wait3A_303 = tpu.memref_squeeze %dma_wait3A_302 : memref<1x128xi32, #tpu.memory_space<vmem>> -> memref<128xi32, #tpu.memory_space<vmem>>
      %dma_wait3A_304 = arith.constant 0 : i32
      %dma_wait3A_305 = arith.constant 0 : i32
      %dma_wait3A_306 = tpu.memref_slice %arg8[%dma_wait3A_304, %dma_wait3A_305] : memref<10112x96xf32, #tpu.memory_space<vmem_shared>> -> memref<10112x96xf32, #tpu.memory_space<vmem_shared>>
      tpu.wait_indirect_dma semaphore(%arg19 : memref<!tpu.dma_semaphore, #tpu.memory_space<semaphore_mem>>) src(%arg11 : memref<128x96xf32, #tpu.memory_space<vmem>>) dst(%dma_wait3A_306 : memref<10112x96xf32, #tpu.memory_space<vmem_shared>>)
      %dma_wait3A_307 = arith.constant 37 : i32
      %dma_wait3A_308 = arith.constant 0 : i32
      %dma_wait3A_309 = tpu.memref_slice %arg9[%dma_wait3A_307, %dma_wait3A_308] : memref<40x128xi32, #tpu.memory_space<vmem>> -> memref<1x128xi32, #tpu.memory_space<vmem>>
      %dma_wait3A_310 = tpu.memref_squeeze %dma_wait3A_309 : memref<1x128xi32, #tpu.memory_space<vmem>> -> memref<128xi32, #tpu.memory_space<vmem>>
      %dma_wait3A_311 = arith.constant 0 : i32
      %dma_wait3A_312 = arith.constant 0 : i32
      %dma_wait3A_313 = tpu.memref_slice %arg3[%dma_wait3A_311, %dma_wait3A_312] : memref<10112x96xf32, #tpu.memory_space<hbm>> -> memref<10112x96xf32, #tpu.memory_space<hbm>>
      tpu.wait_indirect_dma semaphore(%arg16 : memref<!tpu.dma_semaphore, #tpu.memory_space<semaphore_mem>>) src(%dma_wait3A_313 : memref<10112x96xf32, #tpu.memory_space<hbm>>) dst(%arg12 : memref<128x96xf32, #tpu.memory_space<vmem>>)
      %dma_start3A_314 = arith.constant 37 : i32
      %dma_start3A_315 = arith.constant 0 : i32
      %dma_start3A_316 = tpu.memref_slice %arg10[%dma_start3A_314, %dma_start3A_315] : memref<40x128xi32, #tpu.memory_space<vmem>> -> memref<1x128xi32, #tpu.memory_space<vmem>>
      %dma_start3A_317 = tpu.memref_squeeze %dma_start3A_316 : memref<1x128xi32, #tpu.memory_space<vmem>> -> memref<128xi32, #tpu.memory_space<vmem>>
      %dma_start3A_318 = arith.constant 0 : i32
      %dma_start3A_319 = arith.constant 0 : i32
      %dma_start3A_320 = tpu.memref_slice %arg8[%dma_start3A_318, %dma_start3A_319] : memref<10112x96xf32, #tpu.memory_space<vmem_shared>> -> memref<10112x96xf32, #tpu.memory_space<vmem_shared>>
      tpu.enqueue_indirect_dma source(%arg12 : memref<128x96xf32, #tpu.memory_space<vmem>>) target(%dma_start3A_320 : memref<10112x96xf32, #tpu.memory_space<vmem_shared>>) offsets(%dma_start3A_317 : memref<128xi32, #tpu.memory_space<vmem>>) semaphore(%arg20 : memref<!tpu.dma_semaphore, #tpu.memory_space<semaphore_mem>>) {add = true}
      %dma_wait3A_321 = arith.constant 37 : i32
      %dma_wait3A_322 = arith.constant 0 : i32
      %dma_wait3A_323 = tpu.memref_slice %arg10[%dma_wait3A_321, %dma_wait3A_322] : memref<40x128xi32, #tpu.memory_space<vmem>> -> memref<1x128xi32, #tpu.memory_space<vmem>>
      %dma_wait3A_324 = tpu.memref_squeeze %dma_wait3A_323 : memref<1x128xi32, #tpu.memory_space<vmem>> -> memref<128xi32, #tpu.memory_space<vmem>>
      %dma_wait3A_325 = arith.constant 0 : i32
      %dma_wait3A_326 = arith.constant 0 : i32
      %dma_wait3A_327 = tpu.memref_slice %arg8[%dma_wait3A_325, %dma_wait3A_326] : memref<10112x96xf32, #tpu.memory_space<vmem_shared>> -> memref<10112x96xf32, #tpu.memory_space<vmem_shared>>
      tpu.wait_indirect_dma semaphore(%arg20 : memref<!tpu.dma_semaphore, #tpu.memory_space<semaphore_mem>>) src(%arg12 : memref<128x96xf32, #tpu.memory_space<vmem>>) dst(%dma_wait3A_327 : memref<10112x96xf32, #tpu.memory_space<vmem_shared>>)
      %dma_wait3A_328 = arith.constant 38 : i32
      %dma_wait3A_329 = arith.constant 0 : i32
      %dma_wait3A_330 = tpu.memref_slice %arg9[%dma_wait3A_328, %dma_wait3A_329] : memref<40x128xi32, #tpu.memory_space<vmem>> -> memref<1x128xi32, #tpu.memory_space<vmem>>
      %dma_wait3A_331 = tpu.memref_squeeze %dma_wait3A_330 : memref<1x128xi32, #tpu.memory_space<vmem>> -> memref<128xi32, #tpu.memory_space<vmem>>
      %dma_wait3A_332 = arith.constant 0 : i32
      %dma_wait3A_333 = arith.constant 0 : i32
      %dma_wait3A_334 = tpu.memref_slice %arg3[%dma_wait3A_332, %dma_wait3A_333] : memref<10112x96xf32, #tpu.memory_space<hbm>> -> memref<10112x96xf32, #tpu.memory_space<hbm>>
      tpu.wait_indirect_dma semaphore(%arg17 : memref<!tpu.dma_semaphore, #tpu.memory_space<semaphore_mem>>) src(%dma_wait3A_334 : memref<10112x96xf32, #tpu.memory_space<hbm>>) dst(%arg13 : memref<128x96xf32, #tpu.memory_space<vmem>>)
      %dma_start3A_335 = arith.constant 38 : i32
      %dma_start3A_336 = arith.constant 0 : i32
      %dma_start3A_337 = tpu.memref_slice %arg10[%dma_start3A_335, %dma_start3A_336] : memref<40x128xi32, #tpu.memory_space<vmem>> -> memref<1x128xi32, #tpu.memory_space<vmem>>
      %dma_start3A_338 = tpu.memref_squeeze %dma_start3A_337 : memref<1x128xi32, #tpu.memory_space<vmem>> -> memref<128xi32, #tpu.memory_space<vmem>>
      %dma_start3A_339 = arith.constant 0 : i32
      %dma_start3A_340 = arith.constant 0 : i32
      %dma_start3A_341 = tpu.memref_slice %arg8[%dma_start3A_339, %dma_start3A_340] : memref<10112x96xf32, #tpu.memory_space<vmem_shared>> -> memref<10112x96xf32, #tpu.memory_space<vmem_shared>>
      tpu.enqueue_indirect_dma source(%arg13 : memref<128x96xf32, #tpu.memory_space<vmem>>) target(%dma_start3A_341 : memref<10112x96xf32, #tpu.memory_space<vmem_shared>>) offsets(%dma_start3A_338 : memref<128xi32, #tpu.memory_space<vmem>>) semaphore(%arg21 : memref<!tpu.dma_semaphore, #tpu.memory_space<semaphore_mem>>) {add = true}
      %dma_wait3A_342 = arith.constant 38 : i32
      %dma_wait3A_343 = arith.constant 0 : i32
      %dma_wait3A_344 = tpu.memref_slice %arg10[%dma_wait3A_342, %dma_wait3A_343] : memref<40x128xi32, #tpu.memory_space<vmem>> -> memref<1x128xi32, #tpu.memory_space<vmem>>
      %dma_wait3A_345 = tpu.memref_squeeze %dma_wait3A_344 : memref<1x128xi32, #tpu.memory_space<vmem>> -> memref<128xi32, #tpu.memory_space<vmem>>
      %dma_wait3A_346 = arith.constant 0 : i32
      %dma_wait3A_347 = arith.constant 0 : i32
      %dma_wait3A_348 = tpu.memref_slice %arg8[%dma_wait3A_346, %dma_wait3A_347] : memref<10112x96xf32, #tpu.memory_space<vmem_shared>> -> memref<10112x96xf32, #tpu.memory_space<vmem_shared>>
      tpu.wait_indirect_dma semaphore(%arg21 : memref<!tpu.dma_semaphore, #tpu.memory_space<semaphore_mem>>) src(%arg13 : memref<128x96xf32, #tpu.memory_space<vmem>>) dst(%dma_wait3A_348 : memref<10112x96xf32, #tpu.memory_space<vmem_shared>>)
      %dma_wait3A_349 = arith.constant 39 : i32
      %dma_wait3A_350 = arith.constant 0 : i32
      %dma_wait3A_351 = tpu.memref_slice %arg9[%dma_wait3A_349, %dma_wait3A_350] : memref<40x128xi32, #tpu.memory_space<vmem>> -> memref<1x128xi32, #tpu.memory_space<vmem>>
      %dma_wait3A_352 = tpu.memref_squeeze %dma_wait3A_351 : memref<1x128xi32, #tpu.memory_space<vmem>> -> memref<128xi32, #tpu.memory_space<vmem>>
      %dma_wait3A_353 = arith.constant 0 : i32
      %dma_wait3A_354 = arith.constant 0 : i32
      %dma_wait3A_355 = tpu.memref_slice %arg3[%dma_wait3A_353, %dma_wait3A_354] : memref<10112x96xf32, #tpu.memory_space<hbm>> -> memref<10112x96xf32, #tpu.memory_space<hbm>>
      tpu.wait_indirect_dma semaphore(%arg18 : memref<!tpu.dma_semaphore, #tpu.memory_space<semaphore_mem>>) src(%dma_wait3A_355 : memref<10112x96xf32, #tpu.memory_space<hbm>>) dst(%arg14 : memref<128x96xf32, #tpu.memory_space<vmem>>)
      %dma_start3A_356 = arith.constant 39 : i32
      %dma_start3A_357 = arith.constant 0 : i32
      %dma_start3A_358 = tpu.memref_slice %arg10[%dma_start3A_356, %dma_start3A_357] : memref<40x128xi32, #tpu.memory_space<vmem>> -> memref<1x128xi32, #tpu.memory_space<vmem>>
      %dma_start3A_359 = tpu.memref_squeeze %dma_start3A_358 : memref<1x128xi32, #tpu.memory_space<vmem>> -> memref<128xi32, #tpu.memory_space<vmem>>
      %dma_start3A_360 = arith.constant 0 : i32
      %dma_start3A_361 = arith.constant 0 : i32
      %dma_start3A_362 = tpu.memref_slice %arg8[%dma_start3A_360, %dma_start3A_361] : memref<10112x96xf32, #tpu.memory_space<vmem_shared>> -> memref<10112x96xf32, #tpu.memory_space<vmem_shared>>
      tpu.enqueue_indirect_dma source(%arg14 : memref<128x96xf32, #tpu.memory_space<vmem>>) target(%dma_start3A_362 : memref<10112x96xf32, #tpu.memory_space<vmem_shared>>) offsets(%dma_start3A_359 : memref<128xi32, #tpu.memory_space<vmem>>) semaphore(%arg22 : memref<!tpu.dma_semaphore, #tpu.memory_space<semaphore_mem>>) {add = true}
      %dma_wait3A_363 = arith.constant 39 : i32
      %dma_wait3A_364 = arith.constant 0 : i32
      %dma_wait3A_365 = tpu.memref_slice %arg10[%dma_wait3A_363, %dma_wait3A_364] : memref<40x128xi32, #tpu.memory_space<vmem>> -> memref<1x128xi32, #tpu.memory_space<vmem>>
      %dma_wait3A_366 = tpu.memref_squeeze %dma_wait3A_365 : memref<1x128xi32, #tpu.memory_space<vmem>> -> memref<128xi32, #tpu.memory_space<vmem>>
      %dma_wait3A_367 = arith.constant 0 : i32
      %dma_wait3A_368 = arith.constant 0 : i32
      %dma_wait3A_369 = tpu.memref_slice %arg8[%dma_wait3A_367, %dma_wait3A_368] : memref<10112x96xf32, #tpu.memory_space<vmem_shared>> -> memref<10112x96xf32, #tpu.memory_space<vmem_shared>>
      tpu.wait_indirect_dma semaphore(%arg22 : memref<!tpu.dma_semaphore, #tpu.memory_space<semaphore_mem>>) src(%arg14 : memref<128x96xf32, #tpu.memory_space<vmem>>) dst(%dma_wait3A_369 : memref<10112x96xf32, #tpu.memory_space<vmem_shared>>)
      %mul3A_370 = arith.constant 160 : i32
      %mul3A_371 = arith.muli %arg1, %mul3A_370 : i32
      %add3A_372 = arith.constant 120 : i32
      %add3A_373 = arith.addi %mul3A_371, %add3A_372 : i32
      "tpu.region"() ({
        %run_scoped3A = tpu.sem_alloc : memref<!tpu.dma_semaphore, #tpu.memory_space<semaphore_mem>>
        %dma_start3A_493 = arith.constant 0 : i32
        %dma_start3A_494 = tpu.memref_slice %arg4[%add3A_373, %dma_start3A_493] : memref<2560x128xi32, #tpu.memory_space<hbm>> -> memref<40x128xi32, #tpu.memory_space<hbm>>
        %dma_start3A_495 = arith.constant 0 : i32
        %dma_start3A_496 = tpu.memref_slice %arg4[%add3A_373, %dma_start3A_495] : memref<2560x128xi32, #tpu.memory_space<hbm>> -> memref<40x128xi32, #tpu.memory_space<hbm>>
        tpu.enqueue_dma source(%dma_start3A_496 : memref<40x128xi32, #tpu.memory_space<hbm>>) target(%arg9 : memref<40x128xi32, #tpu.memory_space<vmem>>) target_semaphore(%run_scoped3A : memref<!tpu.dma_semaphore, #tpu.memory_space<semaphore_mem>>)
        %dma_wait3A_497 = arith.constant 0 : i32
        %dma_wait3A_498 = tpu.memref_slice %arg4[%add3A_373, %dma_wait3A_497] : memref<2560x128xi32, #tpu.memory_space<hbm>> -> memref<40x128xi32, #tpu.memory_space<hbm>>
        %dma_wait3A_499 = arith.constant 0 : i32
        %dma_wait3A_500 = tpu.memref_slice %arg4[%add3A_373, %dma_wait3A_499] : memref<2560x128xi32, #tpu.memory_space<hbm>> -> memref<40x128xi32, #tpu.memory_space<hbm>>
        tpu.wait_dma2 semaphore(%run_scoped3A : memref<!tpu.dma_semaphore, #tpu.memory_space<semaphore_mem>>) src(%dma_wait3A_500 : memref<40x128xi32, #tpu.memory_space<hbm>>) dst(%arg9 : memref<40x128xi32, #tpu.memory_space<vmem>>)
        tpu.yield
      }) : () -> ()
      "tpu.region"() ({
        %run_scoped3A = tpu.sem_alloc : memref<!tpu.dma_semaphore, #tpu.memory_space<semaphore_mem>>
        %dma_start3A_493 = arith.constant 0 : i32
        %dma_start3A_494 = tpu.memref_slice %arg5[%add3A_373, %dma_start3A_493] : memref<2560x128xi32, #tpu.memory_space<hbm>> -> memref<40x128xi32, #tpu.memory_space<hbm>>
        %dma_start3A_495 = arith.constant 0 : i32
        %dma_start3A_496 = tpu.memref_slice %arg5[%add3A_373, %dma_start3A_495] : memref<2560x128xi32, #tpu.memory_space<hbm>> -> memref<40x128xi32, #tpu.memory_space<hbm>>
        tpu.enqueue_dma source(%dma_start3A_496 : memref<40x128xi32, #tpu.memory_space<hbm>>) target(%arg10 : memref<40x128xi32, #tpu.memory_space<vmem>>) target_semaphore(%run_scoped3A : memref<!tpu.dma_semaphore, #tpu.memory_space<semaphore_mem>>)
        %dma_wait3A_497 = arith.constant 0 : i32
        %dma_wait3A_498 = tpu.memref_slice %arg5[%add3A_373, %dma_wait3A_497] : memref<2560x128xi32, #tpu.memory_space<hbm>> -> memref<40x128xi32, #tpu.memory_space<hbm>>
        %dma_wait3A_499 = arith.constant 0 : i32
        %dma_wait3A_500 = tpu.memref_slice %arg5[%add3A_373, %dma_wait3A_499] : memref<2560x128xi32, #tpu.memory_space<hbm>> -> memref<40x128xi32, #tpu.memory_space<hbm>>
        tpu.wait_dma2 semaphore(%run_scoped3A : memref<!tpu.dma_semaphore, #tpu.memory_space<semaphore_mem>>) src(%dma_wait3A_500 : memref<40x128xi32, #tpu.memory_space<hbm>>) dst(%arg10 : memref<40x128xi32, #tpu.memory_space<vmem>>)
        tpu.yield
      }) : () -> ()
      %dma_start3A_374 = arith.constant 0 : i32
      %dma_start3A_375 = arith.constant 0 : i32
      %dma_start3A_376 = tpu.memref_slice %arg9[%dma_start3A_374, %dma_start3A_375] : memref<40x128xi32, #tpu.memory_space<vmem>> -> memref<1x128xi32, #tpu.memory_space<vmem>>
      %dma_start3A_377 = tpu.memref_squeeze %dma_start3A_376 : memref<1x128xi32, #tpu.memory_space<vmem>> -> memref<128xi32, #tpu.memory_space<vmem>>
      %dma_start3A_378 = arith.constant 0 : i32
      %dma_start3A_379 = arith.constant 0 : i32
      %dma_start3A_380 = tpu.memref_slice %arg3[%dma_start3A_378, %dma_start3A_379] : memref<10112x96xf32, #tpu.memory_space<hbm>> -> memref<10112x96xf32, #tpu.memory_space<hbm>>
      tpu.enqueue_indirect_dma source(%dma_start3A_380 : memref<10112x96xf32, #tpu.memory_space<hbm>>) target(%arg11 : memref<128x96xf32, #tpu.memory_space<vmem>>) offsets(%dma_start3A_377 : memref<128xi32, #tpu.memory_space<vmem>>) semaphore(%arg15 : memref<!tpu.dma_semaphore, #tpu.memory_space<semaphore_mem>>)
      %dma_start3A_381 = arith.constant 1 : i32
      %dma_start3A_382 = arith.constant 0 : i32
      %dma_start3A_383 = tpu.memref_slice %arg9[%dma_start3A_381, %dma_start3A_382] : memref<40x128xi32, #tpu.memory_space<vmem>> -> memref<1x128xi32, #tpu.memory_space<vmem>>
      %dma_start3A_384 = tpu.memref_squeeze %dma_start3A_383 : memref<1x128xi32, #tpu.memory_space<vmem>> -> memref<128xi32, #tpu.memory_space<vmem>>
      %dma_start3A_385 = arith.constant 0 : i32
      %dma_start3A_386 = arith.constant 0 : i32
      %dma_start3A_387 = tpu.memref_slice %arg3[%dma_start3A_385, %dma_start3A_386] : memref<10112x96xf32, #tpu.memory_space<hbm>> -> memref<10112x96xf32, #tpu.memory_space<hbm>>
      tpu.enqueue_indirect_dma source(%dma_start3A_387 : memref<10112x96xf32, #tpu.memory_space<hbm>>) target(%arg12 : memref<128x96xf32, #tpu.memory_space<vmem>>) offsets(%dma_start3A_384 : memref<128xi32, #tpu.memory_space<vmem>>) semaphore(%arg16 : memref<!tpu.dma_semaphore, #tpu.memory_space<semaphore_mem>>)
      %dma_start3A_388 = arith.constant 2 : i32
      %dma_start3A_389 = arith.constant 0 : i32
      %dma_start3A_390 = tpu.memref_slice %arg9[%dma_start3A_388, %dma_start3A_389] : memref<40x128xi32, #tpu.memory_space<vmem>> -> memref<1x128xi32, #tpu.memory_space<vmem>>
      %dma_start3A_391 = tpu.memref_squeeze %dma_start3A_390 : memref<1x128xi32, #tpu.memory_space<vmem>> -> memref<128xi32, #tpu.memory_space<vmem>>
      %dma_start3A_392 = arith.constant 0 : i32
      %dma_start3A_393 = arith.constant 0 : i32
      %dma_start3A_394 = tpu.memref_slice %arg3[%dma_start3A_392, %dma_start3A_393] : memref<10112x96xf32, #tpu.memory_space<hbm>> -> memref<10112x96xf32, #tpu.memory_space<hbm>>
      tpu.enqueue_indirect_dma source(%dma_start3A_394 : memref<10112x96xf32, #tpu.memory_space<hbm>>) target(%arg13 : memref<128x96xf32, #tpu.memory_space<vmem>>) offsets(%dma_start3A_391 : memref<128xi32, #tpu.memory_space<vmem>>) semaphore(%arg17 : memref<!tpu.dma_semaphore, #tpu.memory_space<semaphore_mem>>)
      %dma_start3A_395 = arith.constant 3 : i32
      %dma_start3A_396 = arith.constant 0 : i32
      %dma_start3A_397 = tpu.memref_slice %arg9[%dma_start3A_395, %dma_start3A_396] : memref<40x128xi32, #tpu.memory_space<vmem>> -> memref<1x128xi32, #tpu.memory_space<vmem>>
      %dma_start3A_398 = tpu.memref_squeeze %dma_start3A_397 : memref<1x128xi32, #tpu.memory_space<vmem>> -> memref<128xi32, #tpu.memory_space<vmem>>
      %dma_start3A_399 = arith.constant 0 : i32
      %dma_start3A_400 = arith.constant 0 : i32
      %dma_start3A_401 = tpu.memref_slice %arg3[%dma_start3A_399, %dma_start3A_400] : memref<10112x96xf32, #tpu.memory_space<hbm>> -> memref<10112x96xf32, #tpu.memory_space<hbm>>
      tpu.enqueue_indirect_dma source(%dma_start3A_401 : memref<10112x96xf32, #tpu.memory_space<hbm>>) target(%arg14 : memref<128x96xf32, #tpu.memory_space<vmem>>) offsets(%dma_start3A_398 : memref<128xi32, #tpu.memory_space<vmem>>) semaphore(%arg18 : memref<!tpu.dma_semaphore, #tpu.memory_space<semaphore_mem>>)
      %scan3A_402 = arith.constant 0 : i32
      %scan3A_403 = arith.constant 0 : i32
      %scan3A_404 = arith.constant 9 : i32
      %scan3A_405 = arith.addi %scan3A_403, %scan3A_404 : i32
      %scan3A_406 = arith.constant 1 : i32
      scf.for %scan3A_493 = %scan3A_403 to %scan3A_405 step %scan3A_406  : i32 {
        %mul3A_494 = arith.constant 4 : i32
        %mul3A_495 = arith.muli %scan3A_493, %mul3A_494 : i32
        %add3A_496 = arith.constant 0 : i32
        %add3A_497 = arith.addi %mul3A_495, %add3A_496 : i32
        %dma_wait3A_498 = arith.constant 0 : i32
        %dma_wait3A_499 = tpu.memref_slice %arg9[%add3A_497, %dma_wait3A_498] : memref<40x128xi32, #tpu.memory_space<vmem>> -> memref<1x128xi32, #tpu.memory_space<vmem>>
        %dma_wait3A_500 = tpu.memref_squeeze %dma_wait3A_499 : memref<1x128xi32, #tpu.memory_space<vmem>> -> memref<128xi32, #tpu.memory_space<vmem>>
        %dma_wait3A_501 = arith.constant 0 : i32
        %dma_wait3A_502 = arith.constant 0 : i32
        %dma_wait3A_503 = tpu.memref_slice %arg3[%dma_wait3A_501, %dma_wait3A_502] : memref<10112x96xf32, #tpu.memory_space<hbm>> -> memref<10112x96xf32, #tpu.memory_space<hbm>>
        tpu.wait_indirect_dma semaphore(%arg15 : memref<!tpu.dma_semaphore, #tpu.memory_space<semaphore_mem>>) src(%dma_wait3A_503 : memref<10112x96xf32, #tpu.memory_space<hbm>>) dst(%arg11 : memref<128x96xf32, #tpu.memory_space<vmem>>)
        %dma_start3A_504 = arith.constant 0 : i32
        %dma_start3A_505 = tpu.memref_slice %arg10[%add3A_497, %dma_start3A_504] : memref<40x128xi32, #tpu.memory_space<vmem>> -> memref<1x128xi32, #tpu.memory_space<vmem>>
        %dma_start3A_506 = tpu.memref_squeeze %dma_start3A_505 : memref<1x128xi32, #tpu.memory_space<vmem>> -> memref<128xi32, #tpu.memory_space<vmem>>
        %dma_start3A_507 = arith.constant 0 : i32
        %dma_start3A_508 = arith.constant 0 : i32
        %dma_start3A_509 = tpu.memref_slice %arg8[%dma_start3A_507, %dma_start3A_508] : memref<10112x96xf32, #tpu.memory_space<vmem_shared>> -> memref<10112x96xf32, #tpu.memory_space<vmem_shared>>
        tpu.enqueue_indirect_dma source(%arg11 : memref<128x96xf32, #tpu.memory_space<vmem>>) target(%dma_start3A_509 : memref<10112x96xf32, #tpu.memory_space<vmem_shared>>) offsets(%dma_start3A_506 : memref<128xi32, #tpu.memory_space<vmem>>) semaphore(%arg19 : memref<!tpu.dma_semaphore, #tpu.memory_space<semaphore_mem>>) {add = true}
        %dma_wait3A_510 = arith.constant 0 : i32
        %dma_wait3A_511 = tpu.memref_slice %arg10[%add3A_497, %dma_wait3A_510] : memref<40x128xi32, #tpu.memory_space<vmem>> -> memref<1x128xi32, #tpu.memory_space<vmem>>
        %dma_wait3A_512 = tpu.memref_squeeze %dma_wait3A_511 : memref<1x128xi32, #tpu.memory_space<vmem>> -> memref<128xi32, #tpu.memory_space<vmem>>
        %dma_wait3A_513 = arith.constant 0 : i32
        %dma_wait3A_514 = arith.constant 0 : i32
        %dma_wait3A_515 = tpu.memref_slice %arg8[%dma_wait3A_513, %dma_wait3A_514] : memref<10112x96xf32, #tpu.memory_space<vmem_shared>> -> memref<10112x96xf32, #tpu.memory_space<vmem_shared>>
        tpu.wait_indirect_dma semaphore(%arg19 : memref<!tpu.dma_semaphore, #tpu.memory_space<semaphore_mem>>) src(%arg11 : memref<128x96xf32, #tpu.memory_space<vmem>>) dst(%dma_wait3A_515 : memref<10112x96xf32, #tpu.memory_space<vmem_shared>>)
        %add3A_516 = arith.constant 4 : i32
        %add3A_517 = arith.addi %add3A_497, %add3A_516 : i32
        %dma_start3A_518 = arith.constant 0 : i32
        %dma_start3A_519 = tpu.memref_slice %arg9[%add3A_517, %dma_start3A_518] : memref<40x128xi32, #tpu.memory_space<vmem>> -> memref<1x128xi32, #tpu.memory_space<vmem>>
        %dma_start3A_520 = tpu.memref_squeeze %dma_start3A_519 : memref<1x128xi32, #tpu.memory_space<vmem>> -> memref<128xi32, #tpu.memory_space<vmem>>
        %dma_start3A_521 = arith.constant 0 : i32
        %dma_start3A_522 = arith.constant 0 : i32
        %dma_start3A_523 = tpu.memref_slice %arg3[%dma_start3A_521, %dma_start3A_522] : memref<10112x96xf32, #tpu.memory_space<hbm>> -> memref<10112x96xf32, #tpu.memory_space<hbm>>
        tpu.enqueue_indirect_dma source(%dma_start3A_523 : memref<10112x96xf32, #tpu.memory_space<hbm>>) target(%arg11 : memref<128x96xf32, #tpu.memory_space<vmem>>) offsets(%dma_start3A_520 : memref<128xi32, #tpu.memory_space<vmem>>) semaphore(%arg15 : memref<!tpu.dma_semaphore, #tpu.memory_space<semaphore_mem>>)
        %mul3A_524 = arith.constant 4 : i32
        %mul3A_525 = arith.muli %scan3A_493, %mul3A_524 : i32
        %add3A_526 = arith.constant 1 : i32
        %add3A_527 = arith.addi %mul3A_525, %add3A_526 : i32
        %dma_wait3A_528 = arith.constant 0 : i32
        %dma_wait3A_529 = tpu.memref_slice %arg9[%add3A_527, %dma_wait3A_528] : memref<40x128xi32, #tpu.memory_space<vmem>> -> memref<1x128xi32, #tpu.memory_space<vmem>>
        %dma_wait3A_530 = tpu.memref_squeeze %dma_wait3A_529 : memref<1x128xi32, #tpu.memory_space<vmem>> -> memref<128xi32, #tpu.memory_space<vmem>>
        %dma_wait3A_531 = arith.constant 0 : i32
        %dma_wait3A_532 = arith.constant 0 : i32
        %dma_wait3A_533 = tpu.memref_slice %arg3[%dma_wait3A_531, %dma_wait3A_532] : memref<10112x96xf32, #tpu.memory_space<hbm>> -> memref<10112x96xf32, #tpu.memory_space<hbm>>
        tpu.wait_indirect_dma semaphore(%arg16 : memref<!tpu.dma_semaphore, #tpu.memory_space<semaphore_mem>>) src(%dma_wait3A_533 : memref<10112x96xf32, #tpu.memory_space<hbm>>) dst(%arg12 : memref<128x96xf32, #tpu.memory_space<vmem>>)
        %dma_start3A_534 = arith.constant 0 : i32
        %dma_start3A_535 = tpu.memref_slice %arg10[%add3A_527, %dma_start3A_534] : memref<40x128xi32, #tpu.memory_space<vmem>> -> memref<1x128xi32, #tpu.memory_space<vmem>>
        %dma_start3A_536 = tpu.memref_squeeze %dma_start3A_535 : memref<1x128xi32, #tpu.memory_space<vmem>> -> memref<128xi32, #tpu.memory_space<vmem>>
        %dma_start3A_537 = arith.constant 0 : i32
        %dma_start3A_538 = arith.constant 0 : i32
        %dma_start3A_539 = tpu.memref_slice %arg8[%dma_start3A_537, %dma_start3A_538] : memref<10112x96xf32, #tpu.memory_space<vmem_shared>> -> memref<10112x96xf32, #tpu.memory_space<vmem_shared>>
        tpu.enqueue_indirect_dma source(%arg12 : memref<128x96xf32, #tpu.memory_space<vmem>>) target(%dma_start3A_539 : memref<10112x96xf32, #tpu.memory_space<vmem_shared>>) offsets(%dma_start3A_536 : memref<128xi32, #tpu.memory_space<vmem>>) semaphore(%arg20 : memref<!tpu.dma_semaphore, #tpu.memory_space<semaphore_mem>>) {add = true}
        %dma_wait3A_540 = arith.constant 0 : i32
        %dma_wait3A_541 = tpu.memref_slice %arg10[%add3A_527, %dma_wait3A_540] : memref<40x128xi32, #tpu.memory_space<vmem>> -> memref<1x128xi32, #tpu.memory_space<vmem>>
        %dma_wait3A_542 = tpu.memref_squeeze %dma_wait3A_541 : memref<1x128xi32, #tpu.memory_space<vmem>> -> memref<128xi32, #tpu.memory_space<vmem>>
        %dma_wait3A_543 = arith.constant 0 : i32
        %dma_wait3A_544 = arith.constant 0 : i32
        %dma_wait3A_545 = tpu.memref_slice %arg8[%dma_wait3A_543, %dma_wait3A_544] : memref<10112x96xf32, #tpu.memory_space<vmem_shared>> -> memref<10112x96xf32, #tpu.memory_space<vmem_shared>>
        tpu.wait_indirect_dma semaphore(%arg20 : memref<!tpu.dma_semaphore, #tpu.memory_space<semaphore_mem>>) src(%arg12 : memref<128x96xf32, #tpu.memory_space<vmem>>) dst(%dma_wait3A_545 : memref<10112x96xf32, #tpu.memory_space<vmem_shared>>)
        %add3A_546 = arith.constant 4 : i32
        %add3A_547 = arith.addi %add3A_527, %add3A_546 : i32
        %dma_start3A_548 = arith.constant 0 : i32
        %dma_start3A_549 = tpu.memref_slice %arg9[%add3A_547, %dma_start3A_548] : memref<40x128xi32, #tpu.memory_space<vmem>> -> memref<1x128xi32, #tpu.memory_space<vmem>>
        %dma_start3A_550 = tpu.memref_squeeze %dma_start3A_549 : memref<1x128xi32, #tpu.memory_space<vmem>> -> memref<128xi32, #tpu.memory_space<vmem>>
        %dma_start3A_551 = arith.constant 0 : i32
        %dma_start3A_552 = arith.constant 0 : i32
        %dma_start3A_553 = tpu.memref_slice %arg3[%dma_start3A_551, %dma_start3A_552] : memref<10112x96xf32, #tpu.memory_space<hbm>> -> memref<10112x96xf32, #tpu.memory_space<hbm>>
        tpu.enqueue_indirect_dma source(%dma_start3A_553 : memref<10112x96xf32, #tpu.memory_space<hbm>>) target(%arg12 : memref<128x96xf32, #tpu.memory_space<vmem>>) offsets(%dma_start3A_550 : memref<128xi32, #tpu.memory_space<vmem>>) semaphore(%arg16 : memref<!tpu.dma_semaphore, #tpu.memory_space<semaphore_mem>>)
        %mul3A_554 = arith.constant 4 : i32
        %mul3A_555 = arith.muli %scan3A_493, %mul3A_554 : i32
        %add3A_556 = arith.constant 2 : i32
        %add3A_557 = arith.addi %mul3A_555, %add3A_556 : i32
        %dma_wait3A_558 = arith.constant 0 : i32
        %dma_wait3A_559 = tpu.memref_slice %arg9[%add3A_557, %dma_wait3A_558] : memref<40x128xi32, #tpu.memory_space<vmem>> -> memref<1x128xi32, #tpu.memory_space<vmem>>
        %dma_wait3A_560 = tpu.memref_squeeze %dma_wait3A_559 : memref<1x128xi32, #tpu.memory_space<vmem>> -> memref<128xi32, #tpu.memory_space<vmem>>
        %dma_wait3A_561 = arith.constant 0 : i32
        %dma_wait3A_562 = arith.constant 0 : i32
        %dma_wait3A_563 = tpu.memref_slice %arg3[%dma_wait3A_561, %dma_wait3A_562] : memref<10112x96xf32, #tpu.memory_space<hbm>> -> memref<10112x96xf32, #tpu.memory_space<hbm>>
        tpu.wait_indirect_dma semaphore(%arg17 : memref<!tpu.dma_semaphore, #tpu.memory_space<semaphore_mem>>) src(%dma_wait3A_563 : memref<10112x96xf32, #tpu.memory_space<hbm>>) dst(%arg13 : memref<128x96xf32, #tpu.memory_space<vmem>>)
        %dma_start3A_564 = arith.constant 0 : i32
        %dma_start3A_565 = tpu.memref_slice %arg10[%add3A_557, %dma_start3A_564] : memref<40x128xi32, #tpu.memory_space<vmem>> -> memref<1x128xi32, #tpu.memory_space<vmem>>
        %dma_start3A_566 = tpu.memref_squeeze %dma_start3A_565 : memref<1x128xi32, #tpu.memory_space<vmem>> -> memref<128xi32, #tpu.memory_space<vmem>>
        %dma_start3A_567 = arith.constant 0 : i32
        %dma_start3A_568 = arith.constant 0 : i32
        %dma_start3A_569 = tpu.memref_slice %arg8[%dma_start3A_567, %dma_start3A_568] : memref<10112x96xf32, #tpu.memory_space<vmem_shared>> -> memref<10112x96xf32, #tpu.memory_space<vmem_shared>>
        tpu.enqueue_indirect_dma source(%arg13 : memref<128x96xf32, #tpu.memory_space<vmem>>) target(%dma_start3A_569 : memref<10112x96xf32, #tpu.memory_space<vmem_shared>>) offsets(%dma_start3A_566 : memref<128xi32, #tpu.memory_space<vmem>>) semaphore(%arg21 : memref<!tpu.dma_semaphore, #tpu.memory_space<semaphore_mem>>) {add = true}
        %dma_wait3A_570 = arith.constant 0 : i32
        %dma_wait3A_571 = tpu.memref_slice %arg10[%add3A_557, %dma_wait3A_570] : memref<40x128xi32, #tpu.memory_space<vmem>> -> memref<1x128xi32, #tpu.memory_space<vmem>>
        %dma_wait3A_572 = tpu.memref_squeeze %dma_wait3A_571 : memref<1x128xi32, #tpu.memory_space<vmem>> -> memref<128xi32, #tpu.memory_space<vmem>>
        %dma_wait3A_573 = arith.constant 0 : i32
        %dma_wait3A_574 = arith.constant 0 : i32
        %dma_wait3A_575 = tpu.memref_slice %arg8[%dma_wait3A_573, %dma_wait3A_574] : memref<10112x96xf32, #tpu.memory_space<vmem_shared>> -> memref<10112x96xf32, #tpu.memory_space<vmem_shared>>
        tpu.wait_indirect_dma semaphore(%arg21 : memref<!tpu.dma_semaphore, #tpu.memory_space<semaphore_mem>>) src(%arg13 : memref<128x96xf32, #tpu.memory_space<vmem>>) dst(%dma_wait3A_575 : memref<10112x96xf32, #tpu.memory_space<vmem_shared>>)
        %add3A_576 = arith.constant 4 : i32
        %add3A_577 = arith.addi %add3A_557, %add3A_576 : i32
        %dma_start3A_578 = arith.constant 0 : i32
        %dma_start3A_579 = tpu.memref_slice %arg9[%add3A_577, %dma_start3A_578] : memref<40x128xi32, #tpu.memory_space<vmem>> -> memref<1x128xi32, #tpu.memory_space<vmem>>
        %dma_start3A_580 = tpu.memref_squeeze %dma_start3A_579 : memref<1x128xi32, #tpu.memory_space<vmem>> -> memref<128xi32, #tpu.memory_space<vmem>>
        %dma_start3A_581 = arith.constant 0 : i32
        %dma_start3A_582 = arith.constant 0 : i32
        %dma_start3A_583 = tpu.memref_slice %arg3[%dma_start3A_581, %dma_start3A_582] : memref<10112x96xf32, #tpu.memory_space<hbm>> -> memref<10112x96xf32, #tpu.memory_space<hbm>>
        tpu.enqueue_indirect_dma source(%dma_start3A_583 : memref<10112x96xf32, #tpu.memory_space<hbm>>) target(%arg13 : memref<128x96xf32, #tpu.memory_space<vmem>>) offsets(%dma_start3A_580 : memref<128xi32, #tpu.memory_space<vmem>>) semaphore(%arg17 : memref<!tpu.dma_semaphore, #tpu.memory_space<semaphore_mem>>)
        %mul3A_584 = arith.constant 4 : i32
        %mul3A_585 = arith.muli %scan3A_493, %mul3A_584 : i32
        %add3A_586 = arith.constant 3 : i32
        %add3A_587 = arith.addi %mul3A_585, %add3A_586 : i32
        %dma_wait3A_588 = arith.constant 0 : i32
        %dma_wait3A_589 = tpu.memref_slice %arg9[%add3A_587, %dma_wait3A_588] : memref<40x128xi32, #tpu.memory_space<vmem>> -> memref<1x128xi32, #tpu.memory_space<vmem>>
        %dma_wait3A_590 = tpu.memref_squeeze %dma_wait3A_589 : memref<1x128xi32, #tpu.memory_space<vmem>> -> memref<128xi32, #tpu.memory_space<vmem>>
        %dma_wait3A_591 = arith.constant 0 : i32
        %dma_wait3A_592 = arith.constant 0 : i32
        %dma_wait3A_593 = tpu.memref_slice %arg3[%dma_wait3A_591, %dma_wait3A_592] : memref<10112x96xf32, #tpu.memory_space<hbm>> -> memref<10112x96xf32, #tpu.memory_space<hbm>>
        tpu.wait_indirect_dma semaphore(%arg18 : memref<!tpu.dma_semaphore, #tpu.memory_space<semaphore_mem>>) src(%dma_wait3A_593 : memref<10112x96xf32, #tpu.memory_space<hbm>>) dst(%arg14 : memref<128x96xf32, #tpu.memory_space<vmem>>)
        %dma_start3A_594 = arith.constant 0 : i32
        %dma_start3A_595 = tpu.memref_slice %arg10[%add3A_587, %dma_start3A_594] : memref<40x128xi32, #tpu.memory_space<vmem>> -> memref<1x128xi32, #tpu.memory_space<vmem>>
        %dma_start3A_596 = tpu.memref_squeeze %dma_start3A_595 : memref<1x128xi32, #tpu.memory_space<vmem>> -> memref<128xi32, #tpu.memory_space<vmem>>
        %dma_start3A_597 = arith.constant 0 : i32
        %dma_start3A_598 = arith.constant 0 : i32
        %dma_start3A_599 = tpu.memref_slice %arg8[%dma_start3A_597, %dma_start3A_598] : memref<10112x96xf32, #tpu.memory_space<vmem_shared>> -> memref<10112x96xf32, #tpu.memory_space<vmem_shared>>
        tpu.enqueue_indirect_dma source(%arg14 : memref<128x96xf32, #tpu.memory_space<vmem>>) target(%dma_start3A_599 : memref<10112x96xf32, #tpu.memory_space<vmem_shared>>) offsets(%dma_start3A_596 : memref<128xi32, #tpu.memory_space<vmem>>) semaphore(%arg22 : memref<!tpu.dma_semaphore, #tpu.memory_space<semaphore_mem>>) {add = true}
        %dma_wait3A_600 = arith.constant 0 : i32
        %dma_wait3A_601 = tpu.memref_slice %arg10[%add3A_587, %dma_wait3A_600] : memref<40x128xi32, #tpu.memory_space<vmem>> -> memref<1x128xi32, #tpu.memory_space<vmem>>
        %dma_wait3A_602 = tpu.memref_squeeze %dma_wait3A_601 : memref<1x128xi32, #tpu.memory_space<vmem>> -> memref<128xi32, #tpu.memory_space<vmem>>
        %dma_wait3A_603 = arith.constant 0 : i32
        %dma_wait3A_604 = arith.constant 0 : i32
        %dma_wait3A_605 = tpu.memref_slice %arg8[%dma_wait3A_603, %dma_wait3A_604] : memref<10112x96xf32, #tpu.memory_space<vmem_shared>> -> memref<10112x96xf32, #tpu.memory_space<vmem_shared>>
        tpu.wait_indirect_dma semaphore(%arg22 : memref<!tpu.dma_semaphore, #tpu.memory_space<semaphore_mem>>) src(%arg14 : memref<128x96xf32, #tpu.memory_space<vmem>>) dst(%dma_wait3A_605 : memref<10112x96xf32, #tpu.memory_space<vmem_shared>>)
        %add3A_606 = arith.constant 4 : i32
        %add3A_607 = arith.addi %add3A_587, %add3A_606 : i32
        %dma_start3A_608 = arith.constant 0 : i32
        %dma_start3A_609 = tpu.memref_slice %arg9[%add3A_607, %dma_start3A_608] : memref<40x128xi32, #tpu.memory_space<vmem>> -> memref<1x128xi32, #tpu.memory_space<vmem>>
        %dma_start3A_610 = tpu.memref_squeeze %dma_start3A_609 : memref<1x128xi32, #tpu.memory_space<vmem>> -> memref<128xi32, #tpu.memory_space<vmem>>
        %dma_start3A_611 = arith.constant 0 : i32
        %dma_start3A_612 = arith.constant 0 : i32
        %dma_start3A_613 = tpu.memref_slice %arg3[%dma_start3A_611, %dma_start3A_612] : memref<10112x96xf32, #tpu.memory_space<hbm>> -> memref<10112x96xf32, #tpu.memory_space<hbm>>
        tpu.enqueue_indirect_dma source(%dma_start3A_613 : memref<10112x96xf32, #tpu.memory_space<hbm>>) target(%arg14 : memref<128x96xf32, #tpu.memory_space<vmem>>) offsets(%dma_start3A_610 : memref<128xi32, #tpu.memory_space<vmem>>) semaphore(%arg18 : memref<!tpu.dma_semaphore, #tpu.memory_space<semaphore_mem>>)
      }
      %scan3A_407 = arith.constant 9 : i32
      %dma_wait3A_408 = arith.constant 36 : i32
      %dma_wait3A_409 = arith.constant 0 : i32
      %dma_wait3A_410 = tpu.memref_slice %arg9[%dma_wait3A_408, %dma_wait3A_409] : memref<40x128xi32, #tpu.memory_space<vmem>> -> memref<1x128xi32, #tpu.memory_space<vmem>>
      %dma_wait3A_411 = tpu.memref_squeeze %dma_wait3A_410 : memref<1x128xi32, #tpu.memory_space<vmem>> -> memref<128xi32, #tpu.memory_space<vmem>>
      %dma_wait3A_412 = arith.constant 0 : i32
      %dma_wait3A_413 = arith.constant 0 : i32
      %dma_wait3A_414 = tpu.memref_slice %arg3[%dma_wait3A_412, %dma_wait3A_413] : memref<10112x96xf32, #tpu.memory_space<hbm>> -> memref<10112x96xf32, #tpu.memory_space<hbm>>
      tpu.wait_indirect_dma semaphore(%arg15 : memref<!tpu.dma_semaphore, #tpu.memory_space<semaphore_mem>>) src(%dma_wait3A_414 : memref<10112x96xf32, #tpu.memory_space<hbm>>) dst(%arg11 : memref<128x96xf32, #tpu.memory_space<vmem>>)
      %dma_start3A_415 = arith.constant 36 : i32
      %dma_start3A_416 = arith.constant 0 : i32
      %dma_start3A_417 = tpu.memref_slice %arg10[%dma_start3A_415, %dma_start3A_416] : memref<40x128xi32, #tpu.memory_space<vmem>> -> memref<1x128xi32, #tpu.memory_space<vmem>>
      %dma_start3A_418 = tpu.memref_squeeze %dma_start3A_417 : memref<1x128xi32, #tpu.memory_space<vmem>> -> memref<128xi32, #tpu.memory_space<vmem>>
      %dma_start3A_419 = arith.constant 0 : i32
      %dma_start3A_420 = arith.constant 0 : i32
      %dma_start3A_421 = tpu.memref_slice %arg8[%dma_start3A_419, %dma_start3A_420] : memref<10112x96xf32, #tpu.memory_space<vmem_shared>> -> memref<10112x96xf32, #tpu.memory_space<vmem_shared>>
      tpu.enqueue_indirect_dma source(%arg11 : memref<128x96xf32, #tpu.memory_space<vmem>>) target(%dma_start3A_421 : memref<10112x96xf32, #tpu.memory_space<vmem_shared>>) offsets(%dma_start3A_418 : memref<128xi32, #tpu.memory_space<vmem>>) semaphore(%arg19 : memref<!tpu.dma_semaphore, #tpu.memory_space<semaphore_mem>>) {add = true}
      %dma_wait3A_422 = arith.constant 36 : i32
      %dma_wait3A_423 = arith.constant 0 : i32
      %dma_wait3A_424 = tpu.memref_slice %arg10[%dma_wait3A_422, %dma_wait3A_423] : memref<40x128xi32, #tpu.memory_space<vmem>> -> memref<1x128xi32, #tpu.memory_space<vmem>>
      %dma_wait3A_425 = tpu.memref_squeeze %dma_wait3A_424 : memref<1x128xi32, #tpu.memory_space<vmem>> -> memref<128xi32, #tpu.memory_space<vmem>>
      %dma_wait3A_426 = arith.constant 0 : i32
      %dma_wait3A_427 = arith.constant 0 : i32
      %dma_wait3A_428 = tpu.memref_slice %arg8[%dma_wait3A_426, %dma_wait3A_427] : memref<10112x96xf32, #tpu.memory_space<vmem_shared>> -> memref<10112x96xf32, #tpu.memory_space<vmem_shared>>
      tpu.wait_indirect_dma semaphore(%arg19 : memref<!tpu.dma_semaphore, #tpu.memory_space<semaphore_mem>>) src(%arg11 : memref<128x96xf32, #tpu.memory_space<vmem>>) dst(%dma_wait3A_428 : memref<10112x96xf32, #tpu.memory_space<vmem_shared>>)
      %dma_wait3A_429 = arith.constant 37 : i32
      %dma_wait3A_430 = arith.constant 0 : i32
      %dma_wait3A_431 = tpu.memref_slice %arg9[%dma_wait3A_429, %dma_wait3A_430] : memref<40x128xi32, #tpu.memory_space<vmem>> -> memref<1x128xi32, #tpu.memory_space<vmem>>
      %dma_wait3A_432 = tpu.memref_squeeze %dma_wait3A_431 : memref<1x128xi32, #tpu.memory_space<vmem>> -> memref<128xi32, #tpu.memory_space<vmem>>
      %dma_wait3A_433 = arith.constant 0 : i32
      %dma_wait3A_434 = arith.constant 0 : i32
      %dma_wait3A_435 = tpu.memref_slice %arg3[%dma_wait3A_433, %dma_wait3A_434] : memref<10112x96xf32, #tpu.memory_space<hbm>> -> memref<10112x96xf32, #tpu.memory_space<hbm>>
      tpu.wait_indirect_dma semaphore(%arg16 : memref<!tpu.dma_semaphore, #tpu.memory_space<semaphore_mem>>) src(%dma_wait3A_435 : memref<10112x96xf32, #tpu.memory_space<hbm>>) dst(%arg12 : memref<128x96xf32, #tpu.memory_space<vmem>>)
      %dma_start3A_436 = arith.constant 37 : i32
      %dma_start3A_437 = arith.constant 0 : i32
      %dma_start3A_438 = tpu.memref_slice %arg10[%dma_start3A_436, %dma_start3A_437] : memref<40x128xi32, #tpu.memory_space<vmem>> -> memref<1x128xi32, #tpu.memory_space<vmem>>
      %dma_start3A_439 = tpu.memref_squeeze %dma_start3A_438 : memref<1x128xi32, #tpu.memory_space<vmem>> -> memref<128xi32, #tpu.memory_space<vmem>>
      %dma_start3A_440 = arith.constant 0 : i32
      %dma_start3A_441 = arith.constant 0 : i32
      %dma_start3A_442 = tpu.memref_slice %arg8[%dma_start3A_440, %dma_start3A_441] : memref<10112x96xf32, #tpu.memory_space<vmem_shared>> -> memref<10112x96xf32, #tpu.memory_space<vmem_shared>>
      tpu.enqueue_indirect_dma source(%arg12 : memref<128x96xf32, #tpu.memory_space<vmem>>) target(%dma_start3A_442 : memref<10112x96xf32, #tpu.memory_space<vmem_shared>>) offsets(%dma_start3A_439 : memref<128xi32, #tpu.memory_space<vmem>>) semaphore(%arg20 : memref<!tpu.dma_semaphore, #tpu.memory_space<semaphore_mem>>) {add = true}
      %dma_wait3A_443 = arith.constant 37 : i32
      %dma_wait3A_444 = arith.constant 0 : i32
      %dma_wait3A_445 = tpu.memref_slice %arg10[%dma_wait3A_443, %dma_wait3A_444] : memref<40x128xi32, #tpu.memory_space<vmem>> -> memref<1x128xi32, #tpu.memory_space<vmem>>
      %dma_wait3A_446 = tpu.memref_squeeze %dma_wait3A_445 : memref<1x128xi32, #tpu.memory_space<vmem>> -> memref<128xi32, #tpu.memory_space<vmem>>
      %dma_wait3A_447 = arith.constant 0 : i32
      %dma_wait3A_448 = arith.constant 0 : i32
      %dma_wait3A_449 = tpu.memref_slice %arg8[%dma_wait3A_447, %dma_wait3A_448] : memref<10112x96xf32, #tpu.memory_space<vmem_shared>> -> memref<10112x96xf32, #tpu.memory_space<vmem_shared>>
      tpu.wait_indirect_dma semaphore(%arg20 : memref<!tpu.dma_semaphore, #tpu.memory_space<semaphore_mem>>) src(%arg12 : memref<128x96xf32, #tpu.memory_space<vmem>>) dst(%dma_wait3A_449 : memref<10112x96xf32, #tpu.memory_space<vmem_shared>>)
      %dma_wait3A_450 = arith.constant 38 : i32
      %dma_wait3A_451 = arith.constant 0 : i32
      %dma_wait3A_452 = tpu.memref_slice %arg9[%dma_wait3A_450, %dma_wait3A_451] : memref<40x128xi32, #tpu.memory_space<vmem>> -> memref<1x128xi32, #tpu.memory_space<vmem>>
      %dma_wait3A_453 = tpu.memref_squeeze %dma_wait3A_452 : memref<1x128xi32, #tpu.memory_space<vmem>> -> memref<128xi32, #tpu.memory_space<vmem>>
      %dma_wait3A_454 = arith.constant 0 : i32
      %dma_wait3A_455 = arith.constant 0 : i32
      %dma_wait3A_456 = tpu.memref_slice %arg3[%dma_wait3A_454, %dma_wait3A_455] : memref<10112x96xf32, #tpu.memory_space<hbm>> -> memref<10112x96xf32, #tpu.memory_space<hbm>>
      tpu.wait_indirect_dma semaphore(%arg17 : memref<!tpu.dma_semaphore, #tpu.memory_space<semaphore_mem>>) src(%dma_wait3A_456 : memref<10112x96xf32, #tpu.memory_space<hbm>>) dst(%arg13 : memref<128x96xf32, #tpu.memory_space<vmem>>)
      %dma_start3A_457 = arith.constant 38 : i32
      %dma_start3A_458 = arith.constant 0 : i32
      %dma_start3A_459 = tpu.memref_slice %arg10[%dma_start3A_457, %dma_start3A_458] : memref<40x128xi32, #tpu.memory_space<vmem>> -> memref<1x128xi32, #tpu.memory_space<vmem>>
      %dma_start3A_460 = tpu.memref_squeeze %dma_start3A_459 : memref<1x128xi32, #tpu.memory_space<vmem>> -> memref<128xi32, #tpu.memory_space<vmem>>
      %dma_start3A_461 = arith.constant 0 : i32
      %dma_start3A_462 = arith.constant 0 : i32
      %dma_start3A_463 = tpu.memref_slice %arg8[%dma_start3A_461, %dma_start3A_462] : memref<10112x96xf32, #tpu.memory_space<vmem_shared>> -> memref<10112x96xf32, #tpu.memory_space<vmem_shared>>
      tpu.enqueue_indirect_dma source(%arg13 : memref<128x96xf32, #tpu.memory_space<vmem>>) target(%dma_start3A_463 : memref<10112x96xf32, #tpu.memory_space<vmem_shared>>) offsets(%dma_start3A_460 : memref<128xi32, #tpu.memory_space<vmem>>) semaphore(%arg21 : memref<!tpu.dma_semaphore, #tpu.memory_space<semaphore_mem>>) {add = true}
      %dma_wait3A_464 = arith.constant 38 : i32
      %dma_wait3A_465 = arith.constant 0 : i32
      %dma_wait3A_466 = tpu.memref_slice %arg10[%dma_wait3A_464, %dma_wait3A_465] : memref<40x128xi32, #tpu.memory_space<vmem>> -> memref<1x128xi32, #tpu.memory_space<vmem>>
      %dma_wait3A_467 = tpu.memref_squeeze %dma_wait3A_466 : memref<1x128xi32, #tpu.memory_space<vmem>> -> memref<128xi32, #tpu.memory_space<vmem>>
      %dma_wait3A_468 = arith.constant 0 : i32
      %dma_wait3A_469 = arith.constant 0 : i32
      %dma_wait3A_470 = tpu.memref_slice %arg8[%dma_wait3A_468, %dma_wait3A_469] : memref<10112x96xf32, #tpu.memory_space<vmem_shared>> -> memref<10112x96xf32, #tpu.memory_space<vmem_shared>>
      tpu.wait_indirect_dma semaphore(%arg21 : memref<!tpu.dma_semaphore, #tpu.memory_space<semaphore_mem>>) src(%arg13 : memref<128x96xf32, #tpu.memory_space<vmem>>) dst(%dma_wait3A_470 : memref<10112x96xf32, #tpu.memory_space<vmem_shared>>)
      %dma_wait3A_471 = arith.constant 39 : i32
      %dma_wait3A_472 = arith.constant 0 : i32
      %dma_wait3A_473 = tpu.memref_slice %arg9[%dma_wait3A_471, %dma_wait3A_472] : memref<40x128xi32, #tpu.memory_space<vmem>> -> memref<1x128xi32, #tpu.memory_space<vmem>>
      %dma_wait3A_474 = tpu.memref_squeeze %dma_wait3A_473 : memref<1x128xi32, #tpu.memory_space<vmem>> -> memref<128xi32, #tpu.memory_space<vmem>>
      %dma_wait3A_475 = arith.constant 0 : i32
      %dma_wait3A_476 = arith.constant 0 : i32
      %dma_wait3A_477 = tpu.memref_slice %arg3[%dma_wait3A_475, %dma_wait3A_476] : memref<10112x96xf32, #tpu.memory_space<hbm>> -> memref<10112x96xf32, #tpu.memory_space<hbm>>
      tpu.wait_indirect_dma semaphore(%arg18 : memref<!tpu.dma_semaphore, #tpu.memory_space<semaphore_mem>>) src(%dma_wait3A_477 : memref<10112x96xf32, #tpu.memory_space<hbm>>) dst(%arg14 : memref<128x96xf32, #tpu.memory_space<vmem>>)
      %dma_start3A_478 = arith.constant 39 : i32
      %dma_start3A_479 = arith.constant 0 : i32
      %dma_start3A_480 = tpu.memref_slice %arg10[%dma_start3A_478, %dma_start3A_479] : memref<40x128xi32, #tpu.memory_space<vmem>> -> memref<1x128xi32, #tpu.memory_space<vmem>>
      %dma_start3A_481 = tpu.memref_squeeze %dma_start3A_480 : memref<1x128xi32, #tpu.memory_space<vmem>> -> memref<128xi32, #tpu.memory_space<vmem>>
      %dma_start3A_482 = arith.constant 0 : i32
      %dma_start3A_483 = arith.constant 0 : i32
      %dma_start3A_484 = tpu.memref_slice %arg8[%dma_start3A_482, %dma_start3A_483] : memref<10112x96xf32, #tpu.memory_space<vmem_shared>> -> memref<10112x96xf32, #tpu.memory_space<vmem_shared>>
      tpu.enqueue_indirect_dma source(%arg14 : memref<128x96xf32, #tpu.memory_space<vmem>>) target(%dma_start3A_484 : memref<10112x96xf32, #tpu.memory_space<vmem_shared>>) offsets(%dma_start3A_481 : memref<128xi32, #tpu.memory_space<vmem>>) semaphore(%arg22 : memref<!tpu.dma_semaphore, #tpu.memory_space<semaphore_mem>>) {add = true}
      %dma_wait3A_485 = arith.constant 39 : i32
      %dma_wait3A_486 = arith.constant 0 : i32
      %dma_wait3A_487 = tpu.memref_slice %arg10[%dma_wait3A_485, %dma_wait3A_486] : memref<40x128xi32, #tpu.memory_space<vmem>> -> memref<1x128xi32, #tpu.memory_space<vmem>>
      %dma_wait3A_488 = tpu.memref_squeeze %dma_wait3A_487 : memref<1x128xi32, #tpu.memory_space<vmem>> -> memref<128xi32, #tpu.memory_space<vmem>>
      %dma_wait3A_489 = arith.constant 0 : i32
      %dma_wait3A_490 = arith.constant 0 : i32
      %dma_wait3A_491 = tpu.memref_slice %arg8[%dma_wait3A_489, %dma_wait3A_490] : memref<10112x96xf32, #tpu.memory_space<vmem_shared>> -> memref<10112x96xf32, #tpu.memory_space<vmem_shared>>
      tpu.wait_indirect_dma semaphore(%arg22 : memref<!tpu.dma_semaphore, #tpu.memory_space<semaphore_mem>>) src(%arg14 : memref<128x96xf32, #tpu.memory_space<vmem>>) dst(%dma_wait3A_491 : memref<10112x96xf32, #tpu.memory_space<vmem_shared>>)
      %barrier3A_492 = arith.constant 0 : index
      tpu.barrier barrier_id(%barrier3A_492)
      "tpu.region"() ({
        %run_scoped3A = tpu.sem_alloc : memref<!tpu.dma_semaphore, #tpu.memory_space<semaphore_mem>>
        %dma_start3A_493 = arith.constant 0 : i32
        %dma_start3A_494 = tpu.memref_slice %arg7[%mul3A_0, %dma_start3A_493] : memref<10112x128xf32, #tpu.memory_space<hbm>> -> memref<632x96xf32, #tpu.memory_space<hbm>>
        %dma_start3A_495 = arith.constant 0 : i32
        %dma_start3A_496 = tpu.memref_slice %arg8[%mul3A_0, %dma_start3A_495] : memref<10112x96xf32, #tpu.memory_space<vmem_shared>> -> memref<632x96xf32, #tpu.memory_space<vmem_shared>>
        tpu.enqueue_dma source(%dma_start3A_496 : memref<632x96xf32, #tpu.memory_space<vmem_shared>>) target(%dma_start3A_494 : memref<632x96xf32, #tpu.memory_space<hbm>>) target_semaphore(%run_scoped3A : memref<!tpu.dma_semaphore, #tpu.memory_space<semaphore_mem>>)
        %dma_wait3A_497 = arith.constant 0 : i32
        %dma_wait3A_498 = tpu.memref_slice %arg7[%mul3A_0, %dma_wait3A_497] : memref<10112x128xf32, #tpu.memory_space<hbm>> -> memref<632x96xf32, #tpu.memory_space<hbm>>
        %dma_wait3A_499 = arith.constant 0 : i32
        %dma_wait3A_500 = tpu.memref_slice %arg8[%mul3A_0, %dma_wait3A_499] : memref<10112x96xf32, #tpu.memory_space<vmem_shared>> -> memref<632x96xf32, #tpu.memory_space<vmem_shared>>
        tpu.wait_dma2 semaphore(%run_scoped3A : memref<!tpu.dma_semaphore, #tpu.memory_space<semaphore_mem>>) src(%dma_wait3A_500 : memref<632x96xf32, #tpu.memory_space<vmem_shared>>) dst(%dma_wait3A_498 : memref<632x96xf32, #tpu.memory_space<hbm>>)
        tpu.yield
      }) : () -> ()
    } else {
    }
    return
  }
}

module attributes {stable_mosaic.version = 14 : i64} {
  func.func @_tc_y_kernel(%arg0: i32, %arg1: memref<2528x128xf32, #tpu.memory_space<vmem>>, %arg2: memref<128x192xf32, #tpu.memory_space<vmem>>, %arg3: memref<2528x128xf32, #tpu.memory_space<vmem>>, %arg4: memref<2528x128xf32, #tpu.memory_space<vmem>>, %arg5: memref<2528x96xf32, #tpu.memory_space<vmem>>, %arg6: memref<2528x96xf32, #tpu.memory_space<vmem>>) attributes {dimension_semantics = [#tpu.dimension_semantics<arbitrary>], iteration_bounds = array<i64: 4>, scalar_prefetch = 0 : i64, scratch_operands = 0 : i64, tpu.core_type = #tpu.core_type<tc>, window_params = [{transform_indices = @transform_0, window_bounds = array<i64: 2528, 128>}, {pipeline_mode = #tpu.pipeline_mode<synchronous>, transform_indices = @transform_1, window_bounds = array<i64: 128, 192>}, {transform_indices = @transform_2, window_bounds = array<i64: 2528, 128>}, {transform_indices = @transform_3, window_bounds = array<i64: 2528, 128>}, {transform_indices = @transform_4, window_bounds = array<i64: 2528, 96>}, {transform_indices = @transform_5, window_bounds = array<i64: 2528, 96>}]} {
    %get3A = arith.constant 0 : index
    %get3A_0 = arith.constant 0 : index
    %get3A_1 = vector.load %arg3[%get3A, %get3A_0] : memref<2528x128xf32, #tpu.memory_space<vmem>>, vector<2528x1xf32>
    %get3A_2 = arith.constant 0 : index
    %get3A_3 = arith.constant 0 : index
    %get3A_4 = vector.load %arg4[%get3A_2, %get3A_3] : memref<2528x128xf32, #tpu.memory_space<vmem>>, vector<2528x1xf32>
    %add3A = arith.addf %get3A_1, %get3A_4 : vector<2528x1xf32>
    %add3A_5 = arith.constant 1.000000e+00 : f32
    %add3A_6 = vector.broadcast %add3A_5 : f32 to vector<2528x1xf32>
    %add3A_7 = arith.addf %add3A, %add3A_6 : vector<2528x1xf32>
    %rsqrt3A = math.rsqrt %add3A_7 : vector<2528x1xf32>
    %get3A_8 = arith.constant 0 : index
    %get3A_9 = arith.constant 0 : index
    %get3A_10 = vector.load %arg1[%get3A_8, %get3A_9] : memref<2528x128xf32, #tpu.memory_space<vmem>>, vector<2528x128xf32>
    %get3A_11 = arith.constant 0 : index
    %get3A_12 = arith.constant 0 : index
    %get3A_13 = vector.load %arg2[%get3A_11, %get3A_12] : memref<128x192xf32, #tpu.memory_space<vmem>>, vector<128x192xf32>
    %dot_general3A = arith.constant dense<0.000000e+00> : vector<2528x192xf32>
    %dot_general3A_14 = tpu.matmul %get3A_10, %get3A_13, %dot_general3A {dimension_numbers = #tpu.dot_dimension_numbers<[1], [0], [0], [1], [0, 0, 1, 1], [], []>, transpose_lhs_hint = false} : vector<2528x128xf32>, vector<128x192xf32>, vector<2528x192xf32> -> vector<2528x192xf32>
    %mul3A = vector.broadcast %rsqrt3A : vector<2528x1xf32> to vector<2528x192xf32>
    %mul3A_15 = arith.mulf %dot_general3A_14, %mul3A : vector<2528x192xf32>
    %slice3A = vector.extract_strided_slice %mul3A_15 {offsets = [0, 0], sizes = [2528, 96], strides = [1, 1]} : vector<2528x192xf32> to vector<2528x96xf32>
    %swap3A = arith.constant 0 : index
    %swap3A_16 = arith.constant 0 : index
    %swap3A_17 = vector.load %arg5[%swap3A, %swap3A_16] : memref<2528x96xf32, #tpu.memory_space<vmem>>, vector<2528x96xf32>
    tpu.vector_store %arg5[%swap3A, %swap3A_16], %slice3A {strides = array<i32>} : memref<2528x96xf32, #tpu.memory_space<vmem>>, vector<2528x96xf32>,
    %slice3A_18 = vector.extract_strided_slice %mul3A_15 {offsets = [0, 96], sizes = [2528, 96], strides = [1, 1]} : vector<2528x192xf32> to vector<2528x96xf32>
    %swap3A_19 = arith.constant 0 : index
    %swap3A_20 = arith.constant 0 : index
    %swap3A_21 = vector.load %arg6[%swap3A_19, %swap3A_20] : memref<2528x96xf32, #tpu.memory_space<vmem>>, vector<2528x96xf32>
    tpu.vector_store %arg6[%swap3A_19, %swap3A_20], %slice3A_18 {strides = array<i32>} : memref<2528x96xf32, #tpu.memory_space<vmem>>, vector<2528x96xf32>,
    return
  }
  func.func @transform_0(%arg0: i32) -> (i32, i32) {
    %c0_i32 = arith.constant 0 : i32
    %c0_i32_0 = arith.constant 0 : i32
    return %arg0, %c0_i32 : i32, i32
  }
  func.func @transform_1(%arg0: i32) -> (i32, i32) {
    %c0_i32 = arith.constant 0 : i32
    %c0_i32_0 = arith.constant 0 : i32
    %c0_i32_1 = arith.constant 0 : i32
    return %c0_i32, %c0_i32_0 : i32, i32
  }
  func.func @transform_2(%arg0: i32) -> (i32, i32) {
    %c0_i32 = arith.constant 0 : i32
    %c0_i32_0 = arith.constant 0 : i32
    return %arg0, %c0_i32 : i32, i32
  }
  func.func @transform_3(%arg0: i32) -> (i32, i32) {
    %c0_i32 = arith.constant 0 : i32
    %c0_i32_0 = arith.constant 0 : i32
    return %arg0, %c0_i32 : i32, i32
  }
  func.func @transform_4(%arg0: i32) -> (i32, i32) {
    %c0_i32 = arith.constant 0 : i32
    %c0_i32_0 = arith.constant 0 : i32
    return %arg0, %c0_i32 : i32, i32
  }
  func.func @transform_5(%arg0: i32) -> (i32, i32) {
    %c0_i32 = arith.constant 0 : i32
    %c0_i32_0 = arith.constant 0 : i32
    return %arg0, %c0_i32 : i32, i32
  }
}

module attributes {stable_mosaic.version = 14 : i64} {
  func.func @_tc_final_kernel(%arg0: i32, %arg1: memref<2000x128xf32, #tpu.memory_space<vmem>>, %arg2: memref<2000x128xf32, #tpu.memory_space<vmem>>, %arg3: memref<2000x128xf32, #tpu.memory_space<vmem>>, %arg4: memref<2000x128xf32, #tpu.memory_space<vmem>>, %arg5: memref<64x64xf32, #tpu.memory_space<vmem>>, %arg6: memref<1x128xf32, #tpu.memory_space<vmem>>, %arg7: memref<1x64xf32, #tpu.memory_space<vmem>>, %arg8: memref<1x64xf32, #tpu.memory_space<vmem>>, %arg9: memref<64x128xf32, #tpu.memory_space<vmem>>) attributes {dimension_semantics = [#tpu.dimension_semantics<arbitrary>], iteration_bounds = array<i64: 5>, scalar_prefetch = 0 : i64, scratch_operands = 0 : i64, tpu.core_type = #tpu.core_type<tc>, window_params = [{transform_indices = @transform_0, window_bounds = array<i64: 2000, 128>}, {transform_indices = @transform_1, window_bounds = array<i64: 2000, 128>}, {transform_indices = @transform_2, window_bounds = array<i64: 2000, 128>}, {transform_indices = @transform_3, window_bounds = array<i64: 2000, 128>}, {pipeline_mode = #tpu.pipeline_mode<synchronous>, transform_indices = @transform_4, window_bounds = array<i64: 64, 64>}, {pipeline_mode = #tpu.pipeline_mode<synchronous>, transform_indices = @transform_5, window_bounds = array<i64: 1, 128>}, {pipeline_mode = #tpu.pipeline_mode<synchronous>, transform_indices = @transform_6, window_bounds = array<i64: 1, 64>}, {pipeline_mode = #tpu.pipeline_mode<synchronous>, transform_indices = @transform_7, window_bounds = array<i64: 1, 64>}, {pipeline_mode = #tpu.pipeline_mode<synchronous>, transform_indices = @transform_8, window_bounds = array<i64: 64, 128>}]} {
    %get3A = arith.constant 0 : index
    %get3A_0 = arith.constant 0 : index
    %get3A_1 = vector.load %arg3[%get3A, %get3A_0] : memref<2000x128xf32, #tpu.memory_space<vmem>>, vector<2000x1xf32>
    %get3A_2 = arith.constant 0 : index
    %get3A_3 = arith.constant 0 : index
    %get3A_4 = vector.load %arg4[%get3A_2, %get3A_3] : memref<2000x128xf32, #tpu.memory_space<vmem>>, vector<2000x1xf32>
    %add3A = arith.addf %get3A_1, %get3A_4 : vector<2000x1xf32>
    %add3A_5 = arith.constant 1.000000e+00 : f32
    %add3A_6 = vector.broadcast %add3A_5 : f32 to vector<2000x1xf32>
    %add3A_7 = arith.addf %add3A, %add3A_6 : vector<2000x1xf32>
    %rsqrt3A = math.rsqrt %add3A_7 : vector<2000x1xf32>
    %get3A_8 = arith.constant 0 : index
    %get3A_9 = arith.constant 0 : index
    %get3A_10 = vector.load %arg1[%get3A_8, %get3A_9] : memref<2000x128xf32, #tpu.memory_space<vmem>>, vector<2000x96xf32>
    %mul3A = vector.broadcast %rsqrt3A : vector<2000x1xf32> to vector<2000x96xf32>
    %mul3A_11 = arith.mulf %get3A_10, %mul3A : vector<2000x96xf32>
    %get3A_12 = arith.constant 0 : index
    %get3A_13 = arith.constant 0 : index
    %get3A_14 = vector.load %arg2[%get3A_12, %get3A_13] : memref<2000x128xf32, #tpu.memory_space<vmem>>, vector<2000x96xf32>
    %mul3A_15 = vector.broadcast %rsqrt3A : vector<2000x1xf32> to vector<2000x96xf32>
    %mul3A_16 = arith.mulf %get3A_14, %mul3A_15 : vector<2000x96xf32>
    %concatenate3A = tpu.concatenate %mul3A_11, %mul3A_16 in 1 : vector<2000x96xf32>, vector<2000x96xf32> -> vector<2000x192xf32>
    %slice3A = vector.extract_strided_slice %concatenate3A {offsets = [0, 0], sizes = [2000, 128], strides = [1, 1]} : vector<2000x192xf32> to vector<2000x128xf32>
    %get3A_17 = arith.constant 0 : index
    %get3A_18 = arith.constant 0 : index
    %get3A_19 = vector.load %arg6[%get3A_17, %get3A_18] : memref<1x128xf32, #tpu.memory_space<vmem>>, vector<1x128xf32>
    %add3A_20 = vector.broadcast %get3A_19 : vector<1x128xf32> to vector<2000x128xf32>
    %add3A_21 = arith.addf %slice3A, %add3A_20 : vector<2000x128xf32>
    %max3A = arith.constant 0.000000e+00 : f32
    %max3A_22 = vector.broadcast %max3A : f32 to vector<2000x128xf32>
    %max3A_23 = arith.maximumf %add3A_21, %max3A_22 : vector<2000x128xf32>
    %slice3A_24 = vector.extract_strided_slice %concatenate3A {offsets = [0, 128], sizes = [2000, 64], strides = [1, 1]} : vector<2000x192xf32> to vector<2000x64xf32>
    %get3A_25 = arith.constant 0 : index
    %get3A_26 = arith.constant 0 : index
    %get3A_27 = vector.load %arg7[%get3A_25, %get3A_26] : memref<1x64xf32, #tpu.memory_space<vmem>>, vector<1x64xf32>
    %add3A_28 = vector.broadcast %get3A_27 : vector<1x64xf32> to vector<2000x64xf32>
    %add3A_29 = arith.addf %slice3A_24, %add3A_28 : vector<2000x64xf32>
    %max3A_30 = arith.constant 0.000000e+00 : f32
    %max3A_31 = vector.broadcast %max3A_30 : f32 to vector<2000x64xf32>
    %max3A_32 = arith.maximumf %add3A_29, %max3A_31 : vector<2000x64xf32>
    %get3A_33 = arith.constant 0 : index
    %get3A_34 = arith.constant 0 : index
    %get3A_35 = vector.load %arg5[%get3A_33, %get3A_34] : memref<64x64xf32, #tpu.memory_space<vmem>>, vector<64x64xf32>
    %dot_general3A = arith.constant dense<0.000000e+00> : vector<2000x64xf32>
    %dot_general3A_36 = tpu.matmul %max3A_32, %get3A_35, %dot_general3A {dimension_numbers = #tpu.dot_dimension_numbers<[1], [0], [0], [1], [0, 0, 1, 1], [], []>, transpose_lhs_hint = false} : vector<2000x64xf32>, vector<64x64xf32>, vector<2000x64xf32> -> vector<2000x64xf32>
    %get3A_37 = arith.constant 0 : index
    %get3A_38 = arith.constant 0 : index
    %get3A_39 = vector.load %arg8[%get3A_37, %get3A_38] : memref<1x64xf32, #tpu.memory_space<vmem>>, vector<1x64xf32>
    %add3A_40 = vector.broadcast %get3A_39 : vector<1x64xf32> to vector<2000x64xf32>
    %add3A_41 = arith.addf %dot_general3A_36, %add3A_40 : vector<2000x64xf32>
    %reduce_max3A = arith.constant dense<0xFF800000> : vector<2000xf32>
    %reduce_max3A_42 = vector.multi_reduction <maximumf>, %add3A_41, %reduce_max3A [1] : vector<2000x64xf32> to vector<2000xf32>
    %broadcast_in_dim3A = vector.shape_cast %reduce_max3A_42 : vector<2000xf32> to vector<2000x1xf32>
    %sub3A = vector.broadcast %broadcast_in_dim3A : vector<2000x1xf32> to vector<2000x64xf32>
    %sub3A_43 = arith.subf %add3A_41, %sub3A : vector<2000x64xf32>
    %exp3A = math.exp %sub3A_43 : vector<2000x64xf32>
    %reduce_sum3A = arith.constant dense<0.000000e+00> : vector<2000xf32>
    %reduce_sum3A_44 = vector.multi_reduction <add>, %exp3A, %reduce_sum3A [1] : vector<2000x64xf32> to vector<2000xf32>
    %broadcast_in_dim3A_45 = vector.shape_cast %reduce_sum3A_44 : vector<2000xf32> to vector<2000x1xf32>
    %div3A = vector.broadcast %broadcast_in_dim3A_45 : vector<2000x1xf32> to vector<2000x64xf32>
    %div3A_46 = arith.divf %exp3A, %div3A : vector<2000x64xf32>
    %dot_general3A_47 = arith.constant dense<0.000000e+00> : vector<64x128xf32>
    %dot_general3A_48 = tpu.matmul %div3A_46, %max3A_23, %dot_general3A_47 {dimension_numbers = #tpu.dot_dimension_numbers<[0], [0], [1], [1], [0, 1, 1, 1], [], []>, transpose_lhs_hint = false} : vector<2000x64xf32>, vector<2000x128xf32>, vector<64x128xf32> -> vector<64x128xf32>
    %eq3A = arith.constant 0 : i32
    %eq3A_49 = arith.cmpi eq, %arg0, %eq3A : i32
    %convert_element_type3A = arith.extui %eq3A_49 : i1 to i32
    %cond3A = arith.constant 0 : i32
    %cond3A_50 = arith.cmpi ne, %convert_element_type3A, %cond3A : i32
    scf.if %cond3A_50 {
      %broadcast_in_dim3A_57 = arith.constant 0.000000e+00 : f32
      %broadcast_in_dim3A_58 = vector.broadcast %broadcast_in_dim3A_57 : f32 to vector<64x128xf32>
      %swap3A_59 = arith.constant 0 : index
      %swap3A_60 = arith.constant 0 : index
      %swap3A_61 = vector.load %arg9[%swap3A_59, %swap3A_60] : memref<64x128xf32, #tpu.memory_space<vmem>>, vector<64x128xf32>
      tpu.vector_store %arg9[%swap3A_59, %swap3A_60], %broadcast_in_dim3A_58 {strides = array<i32>} : memref<64x128xf32, #tpu.memory_space<vmem>>, vector<64x128xf32>,
    } else {
    }
    %get3A_51 = arith.constant 0 : index
    %get3A_52 = arith.constant 0 : index
    %get3A_53 = vector.load %arg9[%get3A_51, %get3A_52] : memref<64x128xf32, #tpu.memory_space<vmem>>, vector<64x128xf32>
    %add3A_54 = arith.addf %get3A_53, %dot_general3A_48 : vector<64x128xf32>
    %swap3A = arith.constant 0 : index
    %swap3A_55 = arith.constant 0 : index
    %swap3A_56 = vector.load %arg9[%swap3A, %swap3A_55] : memref<64x128xf32, #tpu.memory_space<vmem>>, vector<64x128xf32>
    tpu.vector_store %arg9[%swap3A, %swap3A_55], %add3A_54 {strides = array<i32>} : memref<64x128xf32, #tpu.memory_space<vmem>>, vector<64x128xf32>,
    return
  }
  func.func @transform_0(%arg0: i32) -> (i32, i32) {
    %c0_i32 = arith.constant 0 : i32
    %c0_i32_0 = arith.constant 0 : i32
    return %arg0, %c0_i32 : i32, i32
  }
  func.func @transform_1(%arg0: i32) -> (i32, i32) {
    %c0_i32 = arith.constant 0 : i32
    %c0_i32_0 = arith.constant 0 : i32
    return %arg0, %c0_i32 : i32, i32
  }
  func.func @transform_2(%arg0: i32) -> (i32, i32) {
    %c0_i32 = arith.constant 0 : i32
    %c0_i32_0 = arith.constant 0 : i32
    return %arg0, %c0_i32 : i32, i32
  }
  func.func @transform_3(%arg0: i32) -> (i32, i32) {
    %c0_i32 = arith.constant 0 : i32
    %c0_i32_0 = arith.constant 0 : i32
    return %arg0, %c0_i32 : i32, i32
  }
  func.func @transform_4(%arg0: i32) -> (i32, i32) {
    %c0_i32 = arith.constant 0 : i32
    %c0_i32_0 = arith.constant 0 : i32
    %c0_i32_1 = arith.constant 0 : i32
    return %c0_i32, %c0_i32_0 : i32, i32
  }
  func.func @transform_5(%arg0: i32) -> (i32, i32) {
    %c0_i32 = arith.constant 0 : i32
    %c0_i32_0 = arith.constant 0 : i32
    %c0_i32_1 = arith.constant 0 : i32
    return %c0_i32, %c0_i32_0 : i32, i32
  }
  func.func @transform_6(%arg0: i32) -> (i32, i32) {
    %c0_i32 = arith.constant 0 : i32
    %c0_i32_0 = arith.constant 0 : i32
    %c0_i32_1 = arith.constant 0 : i32
    return %c0_i32, %c0_i32_0 : i32, i32
  }
  func.func @transform_7(%arg0: i32) -> (i32, i32) {
    %c0_i32 = arith.constant 0 : i32
    %c0_i32_0 = arith.constant 0 : i32
    %c0_i32_1 = arith.constant 0 : i32
    return %c0_i32, %c0_i32_0 : i32, i32
  }
  func.func @transform_8(%arg0: i32) -> (i32, i32) {
    %c0_i32 = arith.constant 0 : i32
    %c0_i32_0 = arith.constant 0 : i32
    %c0_i32_1 = arith.constant 0 : i32
    return %c0_i32, %c0_i32_0 : i32, i32
  }
}

</mosaic_0001>

<sc_bundles>
// kernel: kernel.6.cloned.1.call-start
scs
__scs_entry_jumppad:
0x0: {  	(pc) =	sbr.rel $0x88, $3  }
0x1: {  	(tag) =	ssettag $0x0;
	lr =	simm.s32 $0x1  }
0x2: {  	[smem:$0x3F99] =	sst lr;
	_ =	strace $0xD0000000  }
0x3: {  	_ = 	snop  }
0x4: {  	_ = 	snop  }
0x5: {  	_ = 	snop  }
0x6: {  	_ = 	snop  }
0x7: {  	_ = 	snop  }
__scs_overlays_trampoline_lowered:
0x8: {  	[smem:$0x3FA8] =	sst s0  }
0x9: {  	[smem:$0x3FA9] =	sst s1  }
0xa: {  	[smem:$0x3FAA] =	sst s2  }
0xb: {  	[smem:$0x3FAB] =	sst s3  }
0xc: {  	[smem:$0x3FAC] =	sst s4  }
0xd: {  	[smem:$0x3FAD] =	sst s5  }
0xe: {  	[smem:$0x3FAE] =	sst s6  }
0xf: {  	[smem:$0x3FAF] =	sst s7  }
0x10: {  	[smem:$0x3FB0] =	sst s8  }
0x11: {  	[smem:$0x3FB1] =	sst s9;
	s0 =	simm.s32 @!p0 $0x0  }
0x12: {  	s1 =	sld [smem:$0x3F97];
	s0 =	simm.s32 @p0 $0x1  }
0x13: {  	[smem:$0x3FB2] =	sst s0;
	s0 =	simm.s32 @!p1 $0x0  }
0x14: {  	s2 =	sld [smem:$0x3F96];
	s0 =	simm.s32 @p1 $0x1  }
0x15: {  	[smem:$0x3FB3] =	sst s0;
	s0 =	simm.s32 @!p2 $0x0  }
0x16: {  	s3 =	sld [smem:$0x3FDB];
	s0 =	simm.s32 @p2 $0x1  }
0x17: {  	s4 =	simm.s32 $0x1BF5;
	[smem:$0x3FB5] =	sst s0  }
0x18: {  	s0 =	sld [smem:$0x3F98];
	_ =	swait.ge [sflag:s4], $0x0  }
0x19: {  	s7 =	sld [smem:$0x3F99]  }
0x1a: {  	s8 =	sadd.s32 $0xFFFFE003, lr  }
0x1b: {  	s9 =	sadd.s32 $0xFFFFFEF7, lr;
	s5 =	simm.s32 $0xFFFFFFFF;
	p2 =	slt.u32 s8, $0xFFFFF086  }
0x1c: {  	p1 =	slt.u32 s9, $0xF7A;
	s5 =	simm.s32 @!p2 $0x0  }
0x1d: {  	s5 =	simm.s32 @p1 $0x1;
	p0 =	seq.s32 s7, s2  }
0x1e: {  	s7 =	smul.u32 @!p0 $0xF7A, s2;
	p2 =	seq.s32 @!p0 s5, $0x0  }
0x1f: {  	s9 =	smul.u32 $0xF7A, s1;
	s8 =	simm.s32 @!p0 $0x1BF5;
	p2 =	por !p2, p0  }
0x20: {  	[sflag:s8] =	ssyncset.s32 @!p0 $0xFFFFF086;
	s6 =	sadd.s32 @!p0 s3, s7;
	s7 =	simm.s32 @!p0 $0x108  }
0x21: {  	s3 =	sadd.s32 s3, s9;
	s6 =	sadd.s32 @!p0 $0x88, s6;
	s7 =	simm.s32 @p2 $0x1082  }
0x22: {  	[simem:s7], [sflag:s8] =	dma.local @!p0 [hbm:s6], $0xF7A  }
0x23: {  	s9 =	sor.u32 $0xD0000000, s2;
	s6 =	simm.s32 $0x108;
	_ =	swait.ge @!p0 [sflag:s8], $0x0  }
0x24: {  	s3 =	sadd.s32 $0x88, s3;
	s6 =	simm.s32 @!p1 $0x1082;
	[sflag:s4] =	ssyncset.s32 $0xFFFFF086  }
0x25: {  	[simem:s6], [sflag:s4] =	dma.local [hbm:s3], $0xF7A  }
0x26: {  	[smem:$0x3F99] =	sst s1;
	(tag) =	ssettag s2;
	_ =	strace s9  }
0x27: {  	s1 =	sld [smem:$0x3FA9]  }
0x28: {  	s2 =	sld [smem:$0x3FAA]  }
0x29: {  	s4 =	sld [smem:$0x3FAC]  }
0x2a: {  	p0 =	seq.s32 s5, $0x0;
	s5 =	sld [smem:$0x3FAD]  }
0x2b: {  	s6 =	sld [smem:$0x3FAE]  }
0x2c: {  	s7 =	sld [smem:$0x3FAF]  }
0x2d: {  	s3 =	simm.s32 $0x108;
	s8 =	sld [smem:$0x3FB0]  }
0x2e: {  	s3 =	simm.s32 @!p0 $0x1082;
	s9 =	sld [smem:$0x3FB1]  }
0x2f: {  	lr =	sadd.s32 s0, s3;
	s0 =	sld [smem:$0x3FA8]  }
0x30: {  	s3 =	sld [smem:$0x3FAB]  }
0x31: {  	[smem:$0x3FB4] =	sst s10  }
0x32: {  	s10 =	sld [smem:$0x3FB2];
	_ =	sdelay $0x3  }
0x33: {  	p0 =	seq.s32 s10, $0x1;
	s10 =	sld [smem:$0x3FB4];
	_ =	sdelay $0x3  }
0x34: {  	[smem:$0x3FB4] =	sst s10  }
0x35: {  	s10 =	sld [smem:$0x3FB3];
	_ =	sdelay $0x3  }
0x36: {  	p1 =	seq.s32 s10, $0x1;
	s10 =	sld [smem:$0x3FB4];
	_ =	sdelay $0x3  }
0x37: {  	[smem:$0x3FB4] =	sst s10  }
0x38: {  	s10 =	sld [smem:$0x3FB5]  }
0x39: {  	_ = 	snop;
	(pc) =	sbr.ind lr, $3  }
0x3a: {  	_ = 	snop  }
0x3b: {  	_ = 	snop  }
0x3c: {  	p2 =	seq.s32 s10, $0x1;
	s10 =	sld [smem:$0x3FB4]  }
0x3d: {  	_ =	shalt  }
0x3e: {  	_ =	shalt  }
0x3f: {  	_ =	shalt  }
0x40: {  	_ =	shalt  }
0x41: {  	_ =	shalt  }
0x42: {  	_ =	shalt  }
0x43: {  	_ =	shalt  }
0x44: {  	_ =	shalt  }
0x45: {  	_ =	shalt  }
0x46: {  	_ =	shalt  }
0x47: {  	_ =	shalt  }
0x48: {  	_ =	shalt  }
0x49: {  	_ =	shalt  }
0x4a: {  	_ =	shalt  }
0x4b: {  	_ =	shalt  }
0x4c: {  	_ =	shalt  }
0x4d: {  	_ =	shalt  }
0x4e: {  	_ =	shalt  }
0x4f: {  	_ =	shalt  }
0x50: {  	_ =	shalt  }
0x51: {  	_ =	shalt  }
0x52: {  	_ =	shalt  }
0x53: {  	_ =	shalt  }
0x54: {  	_ =	shalt  }
0x55: {  	_ =	shalt  }
0x56: {  	_ =	shalt  }
0x57: {  	_ =	shalt  }
0x58: {  	_ =	shalt  }
0x59: {  	_ =	shalt  }
0x5a: {  	_ =	shalt  }
0x5b: {  	_ =	shalt  }
0x5c: {  	_ =	shalt  }
0x5d: {  	_ =	shalt  }
0x5e: {  	_ =	shalt  }
0x5f: {  	_ =	shalt  }
0x60: {  	_ =	shalt  }
0x61: {  	_ =	shalt  }
0x62: {  	_ =	shalt  }
0x63: {  	_ =	shalt  }
0x64: {  	_ =	shalt  }
0x65: {  	_ =	shalt  }
0x66: {  	_ =	shalt  }
0x67: {  	_ =	shalt  }
0x68: {  	_ =	shalt  }
0x69: {  	_ =	shalt  }
0x6a: {  	_ =	shalt  }
0x6b: {  	_ =	shalt  }
0x6c: {  	_ =	shalt  }
0x6d: {  	_ =	shalt  }
0x6e: {  	_ =	shalt  }
0x6f: {  	_ =	shalt  }
0x70: {  	_ =	shalt  }
0x71: {  	_ =	shalt  }
0x72: {  	_ =	shalt  }
0x73: {  	_ =	shalt  }
0x74: {  	_ =	shalt  }
0x75: {  	_ =	shalt  }
0x76: {  	_ =	shalt  }
0x77: {  	_ =	shalt  }
0x78: {  	_ =	shalt  }
0x79: {  	_ =	shalt  }
0x7a: {  	_ =	shalt  }
0x7b: {  	_ =	shalt  }
0x7c: {  	_ =	shalt  }
0x7d: {  	_ =	shalt  }
0x7e: {  	_ =	shalt  }
0x7f: {  	_ =	shalt  }
0x80: {  	_ =	shalt  }
0x81: {  	_ =	shalt  }
0x82: {  	_ =	shalt  }
0x83: {  	_ =	shalt  }
0x84: {  	_ =	shalt  }
0x85: {  	_ =	shalt  }
0x86: {  	_ =	shalt  }
0x87: {  	_ =	shalt  }
.Lfunc_end0:
.L_simem_size_0:
called_computation_lowered:
.L_overlay_start_0:
0x88: {  	s2 =	sld [smem:$0x3FD9]  }
0x89: {  	s3 =	sld [smem:$0x3FFE];
	_ =	sdelay $0x1  }
0x8a: {  	s1 =	srdreg.scid  }
0x8b: {  	s0 =	sand.u32 $0x1, s1  }
0x8c: {  	s17 =	sshll.u32 s0, $0xA;
	s2 =	sadd.s32 s3, s2  }
0x8d: {  	s2 =	sadd.s32 s2, s17  }
0x8e: {  	[smem:$0x3FC0] =	sst s2  }
0x8f: {  	_ = 	snop  }
0x90: {  	s2 =	sld [smem:$0x3FD0];
	(tm) =	ssettm $0x1  }
0x91: {  	s18 =	sld [smem:$0x3FFB];
	_ =	sdelay $0x3  }
0x92: {  	_ =	strace s18  }
0x93: {  	s3 =	sld [smem:$0x3FFC];
	_ =	sdelay $0x3  }
0x94: {  	_ =	strace s3  }
0x95: {  	s3 =	sld [smem:$0x3FFD];
	_ =	sdelay $0x3  }
0x96: {  	_ =	strace s3  }
0x97: {  	_ =	strace $0x8FFFFFFF  }
0x98: {  	s19 =	sld [smem:$0x3FDB];
	_ =	sdelay $0x1  }
0x99: {  	s4 =	simm.s32 $_scs_section_size  }
0x9a: {  	s5 =	simm.s32 $_size__tile_overlayer_lowered;
	s6 =	simm.s32 $_tile_overlayer_lowered  }
0x9b: {  	s22 =	simm.s32 $0x1BFF;
	s21 =	sshll.u32 s6, $0x1;
	s3 =	sadd.s32 s4, s19  }
0x9c: {  	s7 =	simm.s32 $0x0;
	s20 =	sshll.u32 s5, $0x1;
	s5 =	sadd.s32 s21, s3  }
0x9d: {  	[timem:s7], [sflag:s22] =	dma.local [hbm:s5], s20  }
0x9e: {  	_ =	swait.ge [sflag:s22], s20  }
0x9f: {  	s4 =	ssub.s32 $0x0, s20;
	[sflag:s22] =	ssyncset.done $0x0  }
0xa0: {  	[sflag:s22] =	ssyncadd.s32 s4;
	_ =	sdelay $0x1  }
0xa1: {  	s23 =	simm.s32 $0x1B8B  }
0xa2: {  	_ =	swait.ge [sflag:s23], $0x1  }
0xa3: {  	[sflag:s23] =	ssyncset.done $0x0  }
0xa4: {  	s25 =	simm.s32 $0x1B8E;
	s24 =	sld [smem:$0x3FFE];
	[sflag:s23] =	ssyncadd.s32 $0xFFFFFFFF  }
0xa5: {  	s26 =	simm.s32 $execute0_lowered;
	[smem:$0x3FD2] =	sst s25  }
0xa6: {  	s5 =	sshll.u32 s26, $0x1;
	_ =	strace $0x80000046;
	[dreg:$0x1] =	wrdreg $0xFFFFFFFF  }
0xa7: {  	s28 =	simm.s32 $_size_execute0_lowered;
	s3 =	sadd.s32 s3, s5;
	[dreg:$0x0] =	wrdreg $0x0  }
0xa8: {  	s5 =	sshll.u32 s28, $0x1;
	[dreg:$0x2] =	wrdreg s3  }
0xa9: {  	[dreg:$0x3] =	wrdreg s5  }
0xaa: {  	[dreg:$0x4] =	wrdreg $0xC0  }
0xab: {  	_ =	task [dreg:s7], $0x5FFFF  }
0xac: {  	[dreg:$0x1] =	wrdreg $0xFFFFFFFF  }
0xad: {  	[dreg:$0x0] =	wrdreg $0x60  }
0xae: {  	[dreg:$0x2] =	wrdreg s24  }
0xaf: {  	[dreg:$0x3] =	wrdreg s2  }
0xb0: {  	[dreg:$0x4] =	wrdreg $0x0  }
0xb1: {  	[dreg:$0x5] =	wrdreg $0x9  }
0xb2: {  	_ =	task.clear_ibuf [dreg:s7], $0x6FFFF;
	_ =	strace $0x90000046  }
0xb3: {  	s29 =	simm.s32 $0x9;
	_ =	strace $0x80000048  }
0xb4: {  	_ =	swait.ge [sflag:s29], $0x1  }
0xb5: {  	[sflag:s29] =	ssyncadd.s32 $0xFFFFFFFF  }
0xb6: {  	_ =	strace $0x90000048  }
0xb7: {  	_ =	sfence  }
0xb8: {  	s30 =	sld [smem:$0x0];
	_ =	sdelay $0x2  }
0xb9: {  	s31 =	sshll.u32 s1, $0xD;
	s1 =	sshrl.u32 s1, $0x2  }
0xba: {  	s3 =	sand.u32 $0x4000, s31;
	s1 =	sadd.s32 s1, s30  }
0xbb: {  	s0 =	sor.u32 s3, s0;
	s1 =	sshll.u32 s1, $0x11  }
0xbc: {  	s0 =	sor.u32 s1, s0  }
0xbd: {  	s0 =	sadd.s32 $0x8F2B, s0  }
0xbe: {  	[sflag:s0] =	ssyncadd.remote.s32 $0x1  }
0xbf: {  	_ =	sfence.sel $0xFFFF  }
0xc0: {  	[dreg:$0x0] =	wrdreg $0xFFFFFFFF;
	(pc) =	sbr.abs _section_cstart, $3  }
0xc1: {  	[dreg:$0x1] =	wrdreg $0xFFFFFFFF  }
0xc2: {  	_ =	task.clear_ibuf [dreg:s7], $0x2FFFF;
	_ =	strace $0x9FFFFFFF  }
0xc3: {  	(tm) =	ssettm $0x7FFFFFFF  }
tec
execute0_lowered:
.L_overlay_start_1:
0x0: {  	(tag) =	ssettag $0x1  }
0x1: {  	s9 =	rddreg [dreg:$0x0]  }
0x2: {  	s0 =	srdreg.scid;
	s2 =	rddreg [dreg:$0x1]  }
0x3: {  	s3 =	rddreg [dreg:$0x2];
	s4 =	simm.s32 $0x0;
	s12 =	simm.s32 $0x3EA00  }
0x4: {  	s14 =	simm.s32 $0x80;
	s15 =	simm.s32 $0x1;
	s16 =	simm.s32 $0x10  }
0x5: {  	s17 =	simm.s32 $0x0;
	s6 =	sand.u32 $0x1, s0;
	s0 =	stileid.u32  }
0x6: {  	[smem:$0x7FF] =	sst s4;
	s1 =	sshll.u32 s6, $0x4;
	s7 =	smul.u32 $0x4F00, s0  }
0x7: {  	s8 =	ssub.s32 $0x2, s6;
	s31 =	sshll.u32 s0, $0x6;
	p0 =	seq.s32 s6, $0x1  }
0x8: {  	s13 =	smul.u32 $0x2780, s0;
	s5 =	sor.u32 s0, s1;
	s1 =	rddreg [dreg:$0x3]  }
0x9: {  	_ =	strace $0x80000047;
	s11 =	sshrl.u32 s8, $0x1;
	s6 =	sor.u32 $0x1C02, s31  }
0xa: {  	s12 =	simm.s32 @!p0 $0x17200;
	s5 =	smul.u32 $0x500, s5;
	s7 =	sshrl.u32 s7, $0x2  }
0xb: {  	s8 =	ssub.s32 s8, s11;
	s11 =	simm.s32 $0x2;
	s30 =	sadd.s32 s7, s3  }
0xc: {  	s8 =	smax.u32 s8, $0x1;
	s10 =	sadd.s32 s5, s9;
	s5 =	sadd.s32 $0x17000, s9  }
0xd: {  	s9 =	sadd.s32 s12, s9;
	s12 =	simm.s32 $0x3BC0;
	s7 =	sadd.s32 $0xD000, s10  }
0xe: {  	s9 =	sadd.s32 s9, s13;
	s10 =	sshrl.u32 s30, $0x3;
	s13 =	simm.s32 $0x13C0  }
.LBB2_1:
0xf: {  	[spmem:s10], [sflag:s6] =	dma.local [hbm:s2], $0x278  }
0x10: {  	_ =	swait.ge [sflag:s11], $0x278  }
0x11: {  	[sflag:s11] =	ssyncset.done $0x0  }
0x12: {  	[sflag:s11] =	ssyncadd.s32 $0xFFFFFD88  }
0x13: {  	[tilespmem:s12], [sflag:$0x2] =	stream.linear.gather [hbm4b:s5+s4], $0x400, $0x38;
	[tilespmem:$0x3FC0] =	vst v63  }
0x14: {  	_ =	swait.ge [sflag:s11], $0x400  }
0x15: {  	[sflag:s11] =	ssyncset.done $0x0  }
0x16: {  	[sflag:s11] =	ssyncadd.s32 $0xFFFFFC00  }
0x17: {  	[tilespmem:s13], [sflag:$0x2] =	stream.linear.gather [hbm4b:s7+s4], $0x2800, $0x38;
	[tilespmem:$0x3FC0] =	vst v63  }
0x18: {  	_ =	swait.ge [sflag:s11], $0x2800  }
0x19: {  	[sflag:s11] =	ssyncset.done $0x0  }
0x1a: {  	[sflag:s11] =	ssyncadd.s32 $0xFFFFD800  }
0x1b: {  	s18 =	simm.s32 $0x13C0;
	[bflag:$0x0] =	sbarrier.arrive $0xFFFF  }
0x1c: {  	[spmem:s3] =	stream.indirect.scatter.add.f32 [tilespmem:s12], [sflag:$0x1], $0x8, s18, s14, $0xb8;
	[tilespmem:$0x3FC0] =	vst v63  }
0x1d: {  	s24 =	simm.s32 $0x1440  }
0x1e: {  	[spmem:s3] =	stream.indirect.scatter.add.f32 [tilespmem:s12], [sflag:$0x1], $0x8, s24, s14, $0xb8;
	[tilespmem:$0x3FC0] =	vst v63  }
0x1f: {  	s25 =	simm.s32 $0x14C0  }
0x20: {  	[spmem:s3] =	stream.indirect.scatter.add.f32 [tilespmem:s12], [sflag:$0x1], $0x8, s25, s14, $0xb8;
	[tilespmem:$0x3FC0] =	vst v63  }
0x21: {  	s26 =	simm.s32 $0x1540  }
0x22: {  	[spmem:s3] =	stream.indirect.scatter.add.f32 [tilespmem:s12], [sflag:$0x1], $0x8, s26, s14, $0xb8;
	[tilespmem:$0x3FC0] =	vst v63  }
0x23: {  	s28 =	simm.s32 $0x15C0  }
0x24: {  	[spmem:s3] =	stream.indirect.scatter.add.f32 [tilespmem:s12], [sflag:$0x1], $0x8, s28, s14, $0xb8;
	[tilespmem:$0x3FC0] =	vst v63  }
0x25: {  	s29 =	simm.s32 $0x1640  }
0x26: {  	[spmem:s3] =	stream.indirect.scatter.add.f32 [tilespmem:s12], [sflag:$0x1], $0x8, s29, s14, $0xb8;
	[tilespmem:$0x3FC0] =	vst v63  }
0x27: {  	s30 =	simm.s32 $0x16C0  }
0x28: {  	[spmem:s3] =	stream.indirect.scatter.add.f32 [tilespmem:s12], [sflag:$0x1], $0x8, s30, s14, $0xb8;
	[tilespmem:$0x3FC0] =	vst v63  }
0x29: {  	s31 =	simm.s32 $0x1740  }
0x2a: {  	[spmem:s3] =	stream.indirect.scatter.add.f32 [tilespmem:s12], [sflag:$0x1], $0x8, s31, s14, $0xb8;
	[tilespmem:$0x3FC0] =	vst v63  }
0x2b: {  	_ =	swait.ge [sflag:s15], $0x400  }
0x2c: {  	[sflag:s15] =	ssyncset.done $0x0  }
0x2d: {  	[sflag:s15] =	ssyncadd.s32 $0xFFFFFC00  }
0x2e: {  	_ =	swait.ge [sflag:s15], $0x400  }
0x2f: {  	[sflag:s15] =	ssyncset.done $0x0  }
0x30: {  	[sflag:s15] =	ssyncadd.s32 $0xFFFFFC00  }
0x31: {  	_ =	swait.ge [sflag:s15], $0x400  }
0x32: {  	[sflag:s15] =	ssyncset.done $0x0  }
0x33: {  	[sflag:s15] =	ssyncadd.s32 $0xFFFFFC00  }
0x34: {  	_ =	swait.ge [sflag:s15], $0x400  }
0x35: {  	[sflag:s15] =	ssyncset.done $0x0  }
0x36: {  	[sflag:s15] =	ssyncadd.s32 $0xFFFFFC00  }
0x37: {  	_ =	swait.ge [sflag:s15], $0x400  }
0x38: {  	[sflag:s15] =	ssyncset.done $0x0  }
0x39: {  	[sflag:s15] =	ssyncadd.s32 $0xFFFFFC00  }
0x3a: {  	_ =	swait.ge [sflag:s15], $0x400  }
0x3b: {  	[sflag:s15] =	ssyncset.done $0x0  }
0x3c: {  	[sflag:s15] =	ssyncadd.s32 $0xFFFFFC00  }
0x3d: {  	_ =	swait.ge [sflag:s15], $0x400  }
0x3e: {  	[sflag:s15] =	ssyncset.done $0x0  }
0x3f: {  	[sflag:s15] =	ssyncadd.s32 $0xFFFFFC00  }
0x40: {  	_ =	swait.ge [sflag:s15], $0x400  }
0x41: {  	s21 =	simm.s32 $0x2000;
	s20 =	simm.s32 $0x400;
	[sflag:s15] =	ssyncset.done $0x0  }
.LBB2_2:
0x42: {  	s22 =	sadd.s32 $0x13C0, s20  }
0x43: {  	[sflag:s15] =	ssyncadd.s32 $0xFFFFFC00;
	s19 =	smov.u32 s21;
	s18 =	sadd.s32 $0x1000, s21  }
0x44: {  	[spmem:s3] =	stream.indirect.scatter.add.f32 [tilespmem:s12], [sflag:$0x1], $0x8, s22, s14, $0xb8;
	[tilespmem:$0x3FC0] =	vst v63  }
0x45: {  	p0 =	sne.s32 s21, $0x9000;
	s21 =	sadd.s32 $0x1440, s20  }
0x46: {  	[spmem:s3] =	stream.indirect.scatter.add.f32 [tilespmem:s12], [sflag:$0x1], $0x8, s21, s14, $0xb8;
	[tilespmem:$0x3FC0] =	vst v63  }
0x47: {  	s21 =	sadd.s32 $0x14C0, s20  }
0x48: {  	[spmem:s3] =	stream.indirect.scatter.add.f32 [tilespmem:s12], [sflag:$0x1], $0x8, s21, s14, $0xb8;
	[tilespmem:$0x3FC0] =	vst v63  }
0x49: {  	s21 =	sadd.s32 $0x1540, s20  }
0x4a: {  	[spmem:s3] =	stream.indirect.scatter.add.f32 [tilespmem:s12], [sflag:$0x1], $0x8, s21, s14, $0xb8;
	[tilespmem:$0x3FC0] =	vst v63  }
0x4b: {  	s21 =	sadd.s32 $0x15C0, s20  }
0x4c: {  	[spmem:s3] =	stream.indirect.scatter.add.f32 [tilespmem:s12], [sflag:$0x1], $0x8, s21, s14, $0xb8;
	[tilespmem:$0x3FC0] =	vst v63  }
0x4d: {  	s21 =	sadd.s32 $0x1640, s20  }
0x4e: {  	[spmem:s3] =	stream.indirect.scatter.add.f32 [tilespmem:s12], [sflag:$0x1], $0x8, s21, s14, $0xb8;
	[tilespmem:$0x3FC0] =	vst v63  }
0x4f: {  	s21 =	sadd.s32 $0x16C0, s20  }
0x50: {  	[spmem:s3] =	stream.indirect.scatter.add.f32 [tilespmem:s12], [sflag:$0x1], $0x8, s21, s14, $0xb8;
	[tilespmem:$0x3FC0] =	vst v63  }
0x51: {  	s20 =	sadd.s32 $0x1740, s20  }
0x52: {  	[spmem:s3] =	stream.indirect.scatter.add.f32 [tilespmem:s12], [sflag:$0x1], $0x8, s20, s14, $0xb8;
	[tilespmem:$0x3FC0] =	vst v63  }
0x53: {  	_ =	swait.ge [sflag:s15], $0x400  }
0x54: {  	[sflag:s15] =	ssyncset.done $0x0  }
0x55: {  	[sflag:s15] =	ssyncadd.s32 $0xFFFFFC00  }
0x56: {  	_ =	swait.ge [sflag:s15], $0x400  }
0x57: {  	[sflag:s15] =	ssyncset.done $0x0  }
0x58: {  	[sflag:s15] =	ssyncadd.s32 $0xFFFFFC00  }
0x59: {  	_ =	swait.ge [sflag:s15], $0x400  }
0x5a: {  	[sflag:s15] =	ssyncset.done $0x0  }
0x5b: {  	[sflag:s15] =	ssyncadd.s32 $0xFFFFFC00  }
0x5c: {  	_ =	swait.ge [sflag:s15], $0x400  }
0x5d: {  	[sflag:s15] =	ssyncset.done $0x0  }
0x5e: {  	[sflag:s15] =	ssyncadd.s32 $0xFFFFFC00  }
0x5f: {  	_ =	swait.ge [sflag:s15], $0x400  }
0x60: {  	[sflag:s15] =	ssyncset.done $0x0  }
0x61: {  	[sflag:s15] =	ssyncadd.s32 $0xFFFFFC00  }
0x62: {  	_ =	swait.ge [sflag:s15], $0x400  }
0x63: {  	[sflag:s15] =	ssyncset.done $0x0  }
0x64: {  	[sflag:s15] =	ssyncadd.s32 $0xFFFFFC00  }
.Ltmp0:
0x65: {  	_ =	swait.ge [sflag:s15], $0x400;
	(pc) =	sbr.rel @p0 .LBB2_2-.Ltmp0, $4  }
0x66: {  	[sflag:s15] =	ssyncset.done $0x0  }
0x67: {  	[sflag:s15] =	ssyncadd.s32 $0xFFFFFC00  }
0x68: {  	_ =	swait.ge [sflag:s15], $0x400  }
0x69: {  	s21 =	smov.u32 s18;
	s20 =	sshra.s32 s19, $0x2;
	[sflag:s15] =	ssyncset.done $0x0  }
0x6a: {  	s18 =	sadd.s32 $0x13C0, s20;
	[sflag:s15] =	ssyncadd.s32 $0xFFFFFC00  }
0x6b: {  	[spmem:s3] =	stream.indirect.scatter.add.f32 [tilespmem:s12], [sflag:$0x1], $0x8, s18, s14, $0xb8;
	[tilespmem:$0x3FC0] =	vst v63  }
0x6c: {  	s24 =	sadd.s32 $0x1440, s20  }
0x6d: {  	[spmem:s3] =	stream.indirect.scatter.add.f32 [tilespmem:s12], [sflag:$0x1], $0x8, s24, s14, $0xb8;
	[tilespmem:$0x3FC0] =	vst v63  }
0x6e: {  	s25 =	sadd.s32 $0x14C0, s20  }
0x6f: {  	[spmem:s3] =	stream.indirect.scatter.add.f32 [tilespmem:s12], [sflag:$0x1], $0x8, s25, s14, $0xb8;
	[tilespmem:$0x3FC0] =	vst v63  }
0x70: {  	s26 =	sadd.s32 $0x1540, s20  }
0x71: {  	[spmem:s3] =	stream.indirect.scatter.add.f32 [tilespmem:s12], [sflag:$0x1], $0x8, s26, s14, $0xb8;
	[tilespmem:$0x3FC0] =	vst v63  }
0x72: {  	s28 =	sadd.s32 $0x15C0, s20  }
0x73: {  	[spmem:s3] =	stream.indirect.scatter.add.f32 [tilespmem:s12], [sflag:$0x1], $0x8, s28, s14, $0xb8;
	[tilespmem:$0x3FC0] =	vst v63  }
0x74: {  	s29 =	sadd.s32 $0x1640, s20  }
0x75: {  	[spmem:s3] =	stream.indirect.scatter.add.f32 [tilespmem:s12], [sflag:$0x1], $0x8, s29, s14, $0xb8;
	[tilespmem:$0x3FC0] =	vst v63  }
0x76: {  	s30 =	sadd.s32 $0x16C0, s20  }
0x77: {  	[spmem:s3] =	stream.indirect.scatter.add.f32 [tilespmem:s12], [sflag:$0x1], $0x8, s30, s14, $0xb8;
	[tilespmem:$0x3FC0] =	vst v63  }
0x78: {  	s31 =	sadd.s32 $0x1740, s20  }
0x79: {  	[spmem:s3] =	stream.indirect.scatter.add.f32 [tilespmem:s12], [sflag:$0x1], $0x8, s31, s14, $0xb8;
	[tilespmem:$0x3FC0] =	vst v63  }
0x7a: {  	_ =	swait.ge [sflag:s15], $0x400  }
0x7b: {  	[sflag:s15] =	ssyncset.done $0x0  }
0x7c: {  	[sflag:s15] =	ssyncadd.s32 $0xFFFFFC00  }
0x7d: {  	_ =	swait.ge [sflag:s15], $0x400  }
0x7e: {  	[sflag:s15] =	ssyncset.done $0x0  }
0x7f: {  	[sflag:s15] =	ssyncadd.s32 $0xFFFFFC00  }
0x80: {  	_ =	swait.ge [sflag:s15], $0x400  }
0x81: {  	[sflag:s15] =	ssyncset.done $0x0  }
0x82: {  	[sflag:s15] =	ssyncadd.s32 $0xFFFFFC00  }
0x83: {  	_ =	swait.ge [sflag:s15], $0x400  }
0x84: {  	[sflag:s15] =	ssyncset.done $0x0  }
0x85: {  	[sflag:s15] =	ssyncadd.s32 $0xFFFFFC00  }
0x86: {  	_ =	swait.ge [sflag:s15], $0x400  }
0x87: {  	[sflag:s15] =	ssyncset.done $0x0  }
0x88: {  	[sflag:s15] =	ssyncadd.s32 $0xFFFFFC00  }
0x89: {  	_ =	swait.ge [sflag:s15], $0x400  }
0x8a: {  	[sflag:s15] =	ssyncset.done $0x0  }
0x8b: {  	[sflag:s15] =	ssyncadd.s32 $0xFFFFFC00  }
0x8c: {  	_ =	swait.ge [sflag:s15], $0x400  }
0x8d: {  	[sflag:s15] =	ssyncset.done $0x0  }
0x8e: {  	[sflag:s15] =	ssyncadd.s32 $0xFFFFFC00  }
0x8f: {  	_ =	swait.ge [sflag:s15], $0x400  }
0x90: {  	s17 =	sadd.s32 $0x1, s17;
	[sflag:s15] =	ssyncset.done $0x0  }
0x91: {  	p0 =	sne.s32 s17, s8;
	[sflag:s15] =	ssyncadd.s32 $0xFFFFFC00  }
.Ltmp1:
0x92: {  	[bflag:$0x0] =	sbarrier.arrive $0xFFFF;
	(pc) =	sbr.rel @p0 .LBB2_1-.Ltmp1, $4  }
0x93: {  	[hbm:s9@s16], [sflag:s6] =	dma.strided [spmem:s10@s15], $0x278, s15, $0x1   }
0x94: {  	_ =	swait.ge [sflag:s11], $0x278  }
0x95: {  	[sflag:s11] =	ssyncset.done $0x0  }
0x96: {  	[sflag:s11] =	ssyncadd.s32 $0xFFFFFD88  }
0x97: {  	_ =	sfence.sel $0x180000  }
0x98: {  	[bflag:$0x0] =	sbarrier.arrive $0xFFFF  }
0x99: {  	p0 =	sne.s32 s0, $0x0;
	_ =	strace $0x90000047  }
0x9a: {  	s0 =	sadd.s32 @!p0 $0x100000, s1;
	[bflag:$0x2] =	sbarrier.arrive $0xFFFF  }
0x9b: {  	[sflag:s0] =	ssyncadd.tile.s32 @!p0 $0x1;
	_ =	shalt  }
.Lfunc_end2:
_tile_overlayer_lowered:
.L_overlay_start_2:
0x9c: {  	(tag) =	ssettag $0x2  }
0x9d: {  	s0 =	rddreg [dreg:$0x0];
	s2 =	stileid.u32  }
0x9e: {  	s1 =	rddreg [dreg:$0x1];
	p0 =	sne.s32 s2, $0x0  }
0x9f: {  	s3 =	rddreg [dreg:$0x2];
	[bflag:$0x3] =	sbarrier.arrive $0xFFFF;
	s2 =	simm.s32 @!p0 $0x1C02  }
0xa0: {  	[timem:s3], [sflag:s2] =	dma.local @!p0 [hbm:s0], s1  }
0xa1: {  	s0 =	simm.s32 @!p0 $0x2  }
0xa2: {  	_ =	swait.ge @!p0 [sflag:s0], s1  }
0xa3: {  	s1 =	ssub.s32 @!p0 $0x0, s1;
	[sflag:s0] =	ssyncset.done @!p0 $0x0  }
0xa4: {  	[sflag:s0] =	ssyncadd.s32 @!p0 s1  }
0xa5: {  	[bflag:$0x3] =	sbarrier.arrive $0xFFFF  }
0xa6: {  	_ =	shalt  }

// kernel: kernel.9.cloned.1.call-start
scs
__scs_entry_jumppad:
0x0: {  	(pc) =	sbr.rel $0x88, $3  }
0x1: {  	(tag) =	ssettag $0x0;
	lr =	simm.s32 $0x1  }
0x2: {  	[smem:$0x3F99] =	sst lr;
	_ =	strace $0xD0000000  }
0x3: {  	_ = 	snop  }
0x4: {  	_ = 	snop  }
0x5: {  	_ = 	snop  }
0x6: {  	_ = 	snop  }
0x7: {  	_ = 	snop  }
__scs_overlays_trampoline_lowered:
0x8: {  	[smem:$0x3FA8] =	sst s0  }
0x9: {  	[smem:$0x3FA9] =	sst s1  }
0xa: {  	[smem:$0x3FAA] =	sst s2  }
0xb: {  	[smem:$0x3FAB] =	sst s3  }
0xc: {  	[smem:$0x3FAC] =	sst s4  }
0xd: {  	[smem:$0x3FAD] =	sst s5  }
0xe: {  	[smem:$0x3FAE] =	sst s6  }
0xf: {  	[smem:$0x3FAF] =	sst s7  }
0x10: {  	[smem:$0x3FB0] =	sst s8  }
0x11: {  	[smem:$0x3FB1] =	sst s9;
	s0 =	simm.s32 @!p0 $0x0  }
0x12: {  	s1 =	sld [smem:$0x3F97];
	s0 =	simm.s32 @p0 $0x1  }
0x13: {  	[smem:$0x3FB2] =	sst s0;
	s0 =	simm.s32 @!p1 $0x0  }
0x14: {  	s2 =	sld [smem:$0x3F96];
	s0 =	simm.s32 @p1 $0x1  }
0x15: {  	[smem:$0x3FB3] =	sst s0;
	s0 =	simm.s32 @!p2 $0x0  }
0x16: {  	s3 =	sld [smem:$0x3FDB];
	s0 =	simm.s32 @p2 $0x1  }
0x17: {  	s4 =	simm.s32 $0x1BF5;
	[smem:$0x3FB5] =	sst s0  }
0x18: {  	s0 =	sld [smem:$0x3F98];
	_ =	swait.ge [sflag:s4], $0x0  }
0x19: {  	s7 =	sld [smem:$0x3F99]  }
0x1a: {  	s8 =	sadd.s32 $0xFFFFE003, lr  }
0x1b: {  	s9 =	sadd.s32 $0xFFFFFEF7, lr;
	s5 =	simm.s32 $0xFFFFFFFF;
	p2 =	slt.u32 s8, $0xFFFFF086  }
0x1c: {  	p1 =	slt.u32 s9, $0xF7A;
	s5 =	simm.s32 @!p2 $0x0  }
0x1d: {  	s5 =	simm.s32 @p1 $0x1;
	p0 =	seq.s32 s7, s2  }
0x1e: {  	s7 =	smul.u32 @!p0 $0xF7A, s2;
	p2 =	seq.s32 @!p0 s5, $0x0  }
0x1f: {  	s9 =	smul.u32 $0xF7A, s1;
	s8 =	simm.s32 @!p0 $0x1BF5;
	p2 =	por !p2, p0  }
0x20: {  	[sflag:s8] =	ssyncset.s32 @!p0 $0xFFFFF086;
	s6 =	sadd.s32 @!p0 s3, s7;
	s7 =	simm.s32 @!p0 $0x108  }
0x21: {  	s3 =	sadd.s32 s3, s9;
	s6 =	sadd.s32 @!p0 $0x88, s6;
	s7 =	simm.s32 @p2 $0x1082  }
0x22: {  	[simem:s7], [sflag:s8] =	dma.local @!p0 [hbm:s6], $0xF7A  }
0x23: {  	s9 =	sor.u32 $0xD0000000, s2;
	s6 =	simm.s32 $0x108;
	_ =	swait.ge @!p0 [sflag:s8], $0x0  }
0x24: {  	s3 =	sadd.s32 $0x88, s3;
	s6 =	simm.s32 @!p1 $0x1082;
	[sflag:s4] =	ssyncset.s32 $0xFFFFF086  }
0x25: {  	[simem:s6], [sflag:s4] =	dma.local [hbm:s3], $0xF7A  }
0x26: {  	[smem:$0x3F99] =	sst s1;
	(tag) =	ssettag s2;
	_ =	strace s9  }
0x27: {  	s1 =	sld [smem:$0x3FA9]  }
0x28: {  	s2 =	sld [smem:$0x3FAA]  }
0x29: {  	s4 =	sld [smem:$0x3FAC]  }
0x2a: {  	p0 =	seq.s32 s5, $0x0;
	s5 =	sld [smem:$0x3FAD]  }
0x2b: {  	s6 =	sld [smem:$0x3FAE]  }
0x2c: {  	s7 =	sld [smem:$0x3FAF]  }
0x2d: {  	s3 =	simm.s32 $0x108;
	s8 =	sld [smem:$0x3FB0]  }
0x2e: {  	s3 =	simm.s32 @!p0 $0x1082;
	s9 =	sld [smem:$0x3FB1]  }
0x2f: {  	lr =	sadd.s32 s0, s3;
	s0 =	sld [smem:$0x3FA8]  }
0x30: {  	s3 =	sld [smem:$0x3FAB]  }
0x31: {  	[smem:$0x3FB4] =	sst s10  }
0x32: {  	s10 =	sld [smem:$0x3FB2];
	_ =	sdelay $0x3  }
0x33: {  	p0 =	seq.s32 s10, $0x1;
	s10 =	sld [smem:$0x3FB4];
	_ =	sdelay $0x3  }
0x34: {  	[smem:$0x3FB4] =	sst s10  }
0x35: {  	s10 =	sld [smem:$0x3FB3];
	_ =	sdelay $0x3  }
0x36: {  	p1 =	seq.s32 s10, $0x1;
	s10 =	sld [smem:$0x3FB4];
	_ =	sdelay $0x3  }
0x37: {  	[smem:$0x3FB4] =	sst s10  }
0x38: {  	s10 =	sld [smem:$0x3FB5]  }
0x39: {  	_ = 	snop;
	(pc) =	sbr.ind lr, $3  }
0x3a: {  	_ = 	snop  }
0x3b: {  	_ = 	snop  }
0x3c: {  	p2 =	seq.s32 s10, $0x1;
	s10 =	sld [smem:$0x3FB4]  }
0x3d: {  	_ =	shalt  }
0x3e: {  	_ =	shalt  }
0x3f: {  	_ =	shalt  }
0x40: {  	_ =	shalt  }
0x41: {  	_ =	shalt  }
0x42: {  	_ =	shalt  }
0x43: {  	_ =	shalt  }
0x44: {  	_ =	shalt  }
0x45: {  	_ =	shalt  }
0x46: {  	_ =	shalt  }
0x47: {  	_ =	shalt  }
0x48: {  	_ =	shalt  }
0x49: {  	_ =	shalt  }
0x4a: {  	_ =	shalt  }
0x4b: {  	_ =	shalt  }
0x4c: {  	_ =	shalt  }
0x4d: {  	_ =	shalt  }
0x4e: {  	_ =	shalt  }
0x4f: {  	_ =	shalt  }
0x50: {  	_ =	shalt  }
0x51: {  	_ =	shalt  }
0x52: {  	_ =	shalt  }
0x53: {  	_ =	shalt  }
0x54: {  	_ =	shalt  }
0x55: {  	_ =	shalt  }
0x56: {  	_ =	shalt  }
0x57: {  	_ =	shalt  }
0x58: {  	_ =	shalt  }
0x59: {  	_ =	shalt  }
0x5a: {  	_ =	shalt  }
0x5b: {  	_ =	shalt  }
0x5c: {  	_ =	shalt  }
0x5d: {  	_ =	shalt  }
0x5e: {  	_ =	shalt  }
0x5f: {  	_ =	shalt  }
0x60: {  	_ =	shalt  }
0x61: {  	_ =	shalt  }
0x62: {  	_ =	shalt  }
0x63: {  	_ =	shalt  }
0x64: {  	_ =	shalt  }
0x65: {  	_ =	shalt  }
0x66: {  	_ =	shalt  }
0x67: {  	_ =	shalt  }
0x68: {  	_ =	shalt  }
0x69: {  	_ =	shalt  }
0x6a: {  	_ =	shalt  }
0x6b: {  	_ =	shalt  }
0x6c: {  	_ =	shalt  }
0x6d: {  	_ =	shalt  }
0x6e: {  	_ =	shalt  }
0x6f: {  	_ =	shalt  }
0x70: {  	_ =	shalt  }
0x71: {  	_ =	shalt  }
0x72: {  	_ =	shalt  }
0x73: {  	_ =	shalt  }
0x74: {  	_ =	shalt  }
0x75: {  	_ =	shalt  }
0x76: {  	_ =	shalt  }
0x77: {  	_ =	shalt  }
0x78: {  	_ =	shalt  }
0x79: {  	_ =	shalt  }
0x7a: {  	_ =	shalt  }
0x7b: {  	_ =	shalt  }
0x7c: {  	_ =	shalt  }
0x7d: {  	_ =	shalt  }
0x7e: {  	_ =	shalt  }
0x7f: {  	_ =	shalt  }
0x80: {  	_ =	shalt  }
0x81: {  	_ =	shalt  }
0x82: {  	_ =	shalt  }
0x83: {  	_ =	shalt  }
0x84: {  	_ =	shalt  }
0x85: {  	_ =	shalt  }
0x86: {  	_ =	shalt  }
0x87: {  	_ =	shalt  }
.Lfunc_end0:
.L_simem_size_0:
called_computation.1_lowered:
.L_overlay_start_0:
0x88: {  	s2 =	sld [smem:$0x3FD9]  }
0x89: {  	s3 =	sld [smem:$0x3FFE];
	_ =	sdelay $0x1  }
0x8a: {  	s1 =	srdreg.scid  }
0x8b: {  	s0 =	sand.u32 $0x1, s1  }
0x8c: {  	s16 =	sshll.u32 s0, $0xA;
	s2 =	sadd.s32 s3, s2  }
0x8d: {  	s2 =	sadd.s32 s2, s16  }
0x8e: {  	[smem:$0x3FC0] =	sst s2  }
0x8f: {  	_ = 	snop  }
0x90: {  	(tm) =	ssettm $0x1  }
0x91: {  	s17 =	sld [smem:$0x3FFB];
	_ =	sdelay $0x3  }
0x92: {  	_ =	strace s17  }
0x93: {  	s2 =	sld [smem:$0x3FFC];
	_ =	sdelay $0x3  }
0x94: {  	_ =	strace s2  }
0x95: {  	s2 =	sld [smem:$0x3FFD];
	_ =	sdelay $0x3  }
0x96: {  	_ =	strace s2  }
0x97: {  	_ =	strace $0x8FFFFFFF  }
0x98: {  	s18 =	sld [smem:$0x3FDB];
	_ =	sdelay $0x1  }
0x99: {  	s19 =	simm.s32 $_scs_section_size  }
0x9a: {  	s4 =	simm.s32 $_size__tile_overlayer_lowered;
	s5 =	simm.s32 $_tile_overlayer_lowered  }
0x9b: {  	s22 =	simm.s32 $0x1BFF;
	s21 =	sshll.u32 s5, $0x1;
	s2 =	sadd.s32 s19, s18  }
0x9c: {  	s6 =	simm.s32 $0x0;
	s20 =	sshll.u32 s4, $0x1;
	s4 =	sadd.s32 s21, s2  }
0x9d: {  	[timem:s6], [sflag:s22] =	dma.local [hbm:s4], s20  }
0x9e: {  	_ =	swait.ge [sflag:s22], s20  }
0x9f: {  	s3 =	ssub.s32 $0x0, s20;
	[sflag:s22] =	ssyncset.done $0x0  }
0xa0: {  	[sflag:s22] =	ssyncadd.s32 s3;
	_ =	sdelay $0x1  }
0xa1: {  	s23 =	simm.s32 $0x1B8B  }
0xa2: {  	_ =	swait.ge [sflag:s23], $0x1  }
0xa3: {  	[sflag:s23] =	ssyncset.done $0x0  }
0xa4: {  	s25 =	simm.s32 $0x1B8E;
	s24 =	sld [smem:$0x3FFE];
	[sflag:s23] =	ssyncadd.s32 $0xFFFFFFFF  }
0xa5: {  	s26 =	simm.s32 $execute0_lowered;
	[smem:$0x3FD2] =	sst s25  }
0xa6: {  	s4 =	sshll.u32 s26, $0x1;
	_ =	strace $0x80000049;
	[dreg:$0x1] =	wrdreg $0xFFFFFFFF  }
0xa7: {  	s28 =	simm.s32 $_size_execute0_lowered;
	s2 =	sadd.s32 s2, s4;
	[dreg:$0x0] =	wrdreg $0x0  }
0xa8: {  	s4 =	sshll.u32 s28, $0x1;
	[dreg:$0x2] =	wrdreg s2  }
0xa9: {  	[dreg:$0x3] =	wrdreg s4  }
0xaa: {  	[dreg:$0x4] =	wrdreg $0xC0  }
0xab: {  	_ =	task [dreg:s6], $0x5FFFF  }
0xac: {  	[dreg:$0x1] =	wrdreg $0xFFFFFFFF  }
0xad: {  	[dreg:$0x0] =	wrdreg $0x60  }
0xae: {  	[dreg:$0x2] =	wrdreg s24  }
0xaf: {  	[dreg:$0x3] =	wrdreg $0x0  }
0xb0: {  	[dreg:$0x4] =	wrdreg $0x9  }
0xb1: {  	_ =	task.clear_ibuf [dreg:s6], $0x5FFFF;
	_ =	strace $0x90000049  }
0xb2: {  	s29 =	simm.s32 $0x9;
	_ =	strace $0x8000004B  }
0xb3: {  	_ =	swait.ge [sflag:s29], $0x1  }
0xb4: {  	[sflag:s29] =	ssyncadd.s32 $0xFFFFFFFF  }
0xb5: {  	_ =	strace $0x9000004B  }
0xb6: {  	_ =	sfence  }
0xb7: {  	s30 =	sld [smem:$0x0];
	_ =	sdelay $0x2  }
0xb8: {  	s31 =	sshll.u32 s1, $0xD;
	s1 =	sshrl.u32 s1, $0x2  }
0xb9: {  	s3 =	sand.u32 $0x4000, s31;
	s1 =	sadd.s32 s1, s30  }
0xba: {  	s0 =	sor.u32 s3, s0;
	s1 =	sshll.u32 s1, $0x11  }
0xbb: {  	s0 =	sor.u32 s1, s0  }
0xbc: {  	s0 =	sadd.s32 $0x8F2B, s0  }
0xbd: {  	[sflag:s0] =	ssyncadd.remote.s32 $0x1  }
0xbe: {  	_ =	sfence.sel $0xFFFF  }
0xbf: {  	[dreg:$0x0] =	wrdreg $0xFFFFFFFF;
	(pc) =	sbr.abs _section_cstart, $3  }
0xc0: {  	[dreg:$0x1] =	wrdreg $0xFFFFFFFF  }
0xc1: {  	_ =	task.clear_ibuf [dreg:s6], $0x2FFFF;
	_ =	strace $0x9FFFFFFF  }
0xc2: {  	(tm) =	ssettm $0x7FFFFFFF  }
0xc3: {  	_ =	shalt  }
tec
execute0_lowered:
.L_overlay_start_1:
0x0: {  	(tag) =	ssettag $0x1  }
0x1: {  	s0 =	rddreg [dreg:$0x0]  }
0x2: {  	s1 =	rddreg [dreg:$0x1]  }
0x3: {  	s2 =	simm.s32 $0x0;
	s4 =	srdreg.scid;
	s11 =	stileid.u32  }
0x4: {  	s28 =	simm.s32 $0x14500;
	s29 =	simm.s32 $0xEE00;
	s30 =	simm.s32 $0x17500  }
0x5: {  	s31 =	simm.s32 $0xEE80;
	s12 =	simm.s32 $0x11300;
	s13 =	simm.s32 $0x11380  }
0x6: {  	[smem:$0x7FF] =	sst s2;
	s3 =	sadd.s32 $0x17000, s0;
	s10 =	smul.u32 $0xED00, s11  }
0x7: {  	s5 =	sadd.s32 $0x66200, s0;
	s6 =	sadd.s32 $0x3000, s0;
	s16 =	smul.u32 $0x5000, s11  }
0x8: {  	s4 =	sand.u32 $0x1, s4;
	s7 =	sadd.s32 $0xD000, s0;
	s18 =	smul.u32 $0xA00, s11  }
0x9: {  	s9 =	sadd.s32 $0x83C00, s0;
	s0 =	sadd.s32 $0xAB400, s0;
	s26 =	smul.u32 $0x2780, s11  }
0xa: {  	s11 =	simm.s32 $0x8;
	_ =	strace $0x8000004A;
	[dreg:$0x3] =	wrdreg s9  }
0xb: {  	s8 =	ssub.s32 $0x2, s4;
	[dreg:$0x4] =	wrdreg s0;
	p0 =	seq.s32 s4, $0x1  }
0xc: {  	s14 =	sshrl.u32 s8, $0x1;
	s17 =	sshrl.u32 s10, $0x3;
	s10 =	sadd.s32 s10, s1  }
0xd: {  	s20 =	sadd.s32 s6, s18;
	s9 =	sadd.s32 s7, s18;
	[dreg:$0xf] =	wrdreg s26  }
0xe: {  	s26 =	simm.s32 $0xED80;
	s15 =	ssub.s32 s8, s14;
	[dreg:$0x5] =	wrdreg s10  }
0xf: {  	s19 =	sadd.s32 s3, s17;
	s8 =	sshrl.u32 s16, $0x3;
	[dreg:$0x7] =	wrdreg s20  }
0x10: {  	[dreg:$0x8] =	wrdreg s9;
	s4 =	sadd.s32 s5, s17;
	s10 =	simm.s32 $0x4  }
0x11: {  	s14 =	simm.s32 $0x11400;
	[dreg:$0x6] =	wrdreg s19;
	s21 =	sadd.s32 $0x280, s8  }
0x12: {  	s23 =	sadd.s32 $0x500, s8;
	s8 =	sadd.s32 $0x780, s8;
	[dreg:$0x10] =	wrdreg s4  }
0x13: {  	s0 =	smax.u32 s15, $0x1;
	s19 =	simm.s32 $0x6;
	s4 =	simm.s32 $0x3  }
0x14: {  	s15 =	simm.s32 $0x11480;
	s22 =	sadd.s32 s6, s21;
	[dreg:$0x11] =	wrdreg s0  }
0x15: {  	s9 =	sadd.s32 s7, s21;
	s24 =	sadd.s32 s6, s23;
	[dreg:$0x9] =	wrdreg s22  }
0x16: {  	s6 =	sadd.s32 s6, s8;
	s25 =	sadd.s32 s7, s8;
	[dreg:$0xa] =	wrdreg s9  }
.Ltmp0:
0x17: {  	s21 =	simm.s32 $0x9;
	[dreg:$0xb] =	wrdreg s24;
	(pc) =	sbr.rel .LBB2_1-.Ltmp0, $4  }
0x18: {  	s0 =	simm.s32 $0x1A500;
	s8 =	simm.s32 $0x7;
	[dreg:$0xd] =	wrdreg s6  }
0x19: {  	s9 =	sadd.s32 s7, s23;
	[dreg:$0xe] =	wrdreg s25;
	s22 =	simm.s32 $0xED00  }
0x1a: {  	s24 =	simm.s32 $0x80;
	s25 =	simm.s32 $0x11500;
	s6 =	simm.s32 $0x5  }
0x1b: {  	s7 =	simm.s32 $0x2;
	[dreg:$0xc] =	wrdreg s9;
	s9 =	simm.s32 $0x1  }
.LBB2_19:
0x1c: {  	[tilespmem:s0], [sflag:$0x4] =	stream.indirect.gather [hbm4b:s5+s24], $0x60, s20, s24, $0xb8;
	[tilespmem:$0x1D500] =	vst v63  }
0x1d: {  	s18 =	rddreg [dreg:$0x4]  }
.LBB2_20:
0x1e: {  	_ =	swait.ge [sflag:s9], $0x3000  }
0x1f: {  	[sflag:s9] =	ssyncset.done $0x0  }
0x20: {  	[sflag:s9] =	ssyncadd.s32 $0xFFFFD000  }
0x21: {  	[spmem:s1] =	stream.indirect.scatter.add.f32 [tilespmem:s25], [sflag:$0x5], $0x60, s12, s24, $0xb8;
	[tilespmem:$0x1D500] =	vst v63  }
0x22: {  	_ =	swait.ge [sflag:s6], $0x3000  }
0x23: {  	[sflag:s6] =	ssyncset.done $0x0  }
0x24: {  	[sflag:s6] =	ssyncadd.s32 $0xFFFFD000  }
0x25: {  	_ =	swait.ge [sflag:s7], $0x3000  }
0x26: {  	[sflag:s7] =	ssyncset.done $0x0  }
0x27: {  	[sflag:s7] =	ssyncadd.s32 $0xFFFFD000  }
0x28: {  	[spmem:s1] =	stream.indirect.scatter.add.f32 [tilespmem:s28], [sflag:$0x6], $0x60, s13, s24, $0xb8;
	[tilespmem:$0x1D500] =	vst v63  }
0x29: {  	_ =	swait.ge [sflag:s19], $0x3000  }
0x2a: {  	[sflag:s19] =	ssyncset.done $0x0  }
0x2b: {  	[sflag:s19] =	ssyncadd.s32 $0xFFFFD000  }
0x2c: {  	_ =	swait.ge [sflag:s4], $0x3000  }
0x2d: {  	[sflag:s4] =	ssyncset.done $0x0  }
0x2e: {  	[sflag:s4] =	ssyncadd.s32 $0xFFFFD000  }
0x2f: {  	[spmem:s1] =	stream.indirect.scatter.add.f32 [tilespmem:s30], [sflag:$0x7], $0x60, s14, s24, $0xb8;
	[tilespmem:$0x1D500] =	vst v63  }
0x30: {  	_ =	swait.ge [sflag:s8], $0x3000  }
0x31: {  	[sflag:s8] =	ssyncset.done $0x0  }
0x32: {  	[sflag:s8] =	ssyncadd.s32 $0xFFFFD000  }
0x33: {  	_ =	swait.ge [sflag:s10], $0x3000  }
0x34: {  	[sflag:s10] =	ssyncset.done $0x0  }
0x35: {  	[sflag:s10] =	ssyncadd.s32 $0xFFFFD000  }
0x36: {  	[spmem:s1] =	stream.indirect.scatter.add.f32 [tilespmem:s0], [sflag:$0x8], $0x60, s15, s24, $0xb8;
	[tilespmem:$0x1D500] =	vst v63  }
0x37: {  	_ =	swait.ge [sflag:s11], $0x3000  }
0x38: {  	[sflag:s11] =	ssyncset.done $0x0  }
0x39: {  	s23 =	simm.s32 $0xC;
	s20 =	rddreg [dreg:$0xf];
	[sflag:s11] =	ssyncadd.s32 $0xFFFFD000  }
0x3a: {  	s18 =	sadd.s32 s18, s20;
	s20 =	simm.s32 $0x10;
	[bflag:$0x0] =	sbarrier.arrive $0xFFFF  }
0x3b: {  	[hbm:s18@s20], [sflag:s17] =	dma.strided [spmem:s16@s23], $0x1DA0, s9, $0xc   }
0x3c: {  	_ =	swait.ge [sflag:s21], $0x1DA0  }
0x3d: {  	s2 =	sadd.s32 $0x1, s2;
	s23 =	rddreg [dreg:$0x11]  }
0x3e: {  	p1 =	sne.s32 s2, s23  }
.Ltmp1:
0x3f: {  	_ = 	snop;
	(pc) =	sbr.rel @!p1 .LBB2_21-.Ltmp1, $3  }
0x40: {  	_ =	sdelay $0x1  }
0x41: {  	[sflag:s21] =	ssyncset.done $0x0  }
0x42: {  	[sflag:s21] =	ssyncadd.s32 $0xFFFFE260  }
.LBB2_1:
.Ltmp2:
0x43: {  	(pc) =	sbr.rel @!p0 .LBB2_2-.Ltmp2, $4  }
0x44: {  	_ = 	snop  }
0x45: {  	s16 =	stileid.u32  }
0x46: {  	s23 =	rddreg [dreg:$0x5];
	s18 =	sshll.u32 s16, $0x6  }
0x47: {  	s16 =	sshrl.u32 s23, $0x3;
	s17 =	sor.u32 $0x1C09, s18  }
0x48: {  	s17 =	sor.u32 $0x1C09, s18;
	s20 =	rddreg [dreg:$0x10]  }
0x49: {  	[spmem:s16], [sflag:s17] =	dma.local [hbm:s20], $0x1DA0  }
0x4a: {  	_ =	swait.ge [sflag:s21], $0x1DA0  }
0x4b: {  	[sflag:s21] =	ssyncset.done $0x0  }
0x4c: {  	[sflag:s21] =	ssyncadd.s32 $0xFFFFE260  }
0x4d: {  	[bflag:$0x0] =	sbarrier.arrive $0xFFFF  }
0x4e: {  	s18 =	simm.s32 $0x0;
	s20 =	rddreg [dreg:$0x7]  }
0x4f: {  	[tilespmem:s22], [sflag:$0x9] =	stream.linear.gather [hbm4b:s20+s18], $0x1400, $0x38;
	[tilespmem:$0x1D500] =	vst v63  }
0x50: {  	_ =	swait.ge [sflag:s21], $0x1400  }
0x51: {  	[sflag:s21] =	ssyncset.done $0x0  }
0x52: {  	s23 =	simm.s32 $0x10100;
	s20 =	rddreg [dreg:$0x8];
	[sflag:s21] =	ssyncadd.s32 $0xFFFFEC00  }
0x53: {  	[tilespmem:s23], [sflag:$0x9] =	stream.linear.gather [hbm4b:s20+s18], $0x1400, $0x38;
	[tilespmem:$0x1D500] =	vst v63  }
0x54: {  	_ =	swait.ge [sflag:s21], $0x1400  }
0x55: {  	[sflag:s21] =	ssyncset.done $0x0  }
0x56: {  	[sflag:s21] =	ssyncadd.s32 $0xFFFFEC00  }
0x57: {  	[tilespmem:s25], [sflag:$0x1] =	stream.indirect.gather [hbm4b:s5+s24], $0x60, s22, s24, $0xb8;
	[tilespmem:$0x1D500] =	vst v63  }
0x58: {  	_ = 	snop  }
0x59: {  	[tilespmem:s28], [sflag:$0x2] =	stream.indirect.gather [hbm4b:s5+s24], $0x60, s26, s24, $0xb8;
	[tilespmem:$0x1D500] =	vst v63  }
0x5a: {  	_ = 	snop  }
0x5b: {  	[tilespmem:s30], [sflag:$0x3] =	stream.indirect.gather [hbm4b:s5+s24], $0x60, s29, s24, $0xb8;
	[tilespmem:$0x1D500] =	vst v63  }
0x5c: {  	_ = 	snop  }
0x5d: {  	[tilespmem:s0], [sflag:$0x4] =	stream.indirect.gather [hbm4b:s5+s24], $0x60, s31, s24, $0xb8;
	[tilespmem:$0x1D500] =	vst v63  }
0x5e: {  	_ =	swait.ge [sflag:s9], $0x3000  }
0x5f: {  	[sflag:s9] =	ssyncset.done $0x0  }
0x60: {  	s23 =	simm.s32 $0x10100;
	[sflag:s9] =	ssyncadd.s32 $0xFFFFD000  }
0x61: {  	[spmem:s1] =	stream.indirect.scatter.add.f32 [tilespmem:s25], [sflag:$0x5], $0x60, s23, s24, $0xb8;
	[tilespmem:$0x1D500] =	vst v63  }
0x62: {  	_ =	swait.ge [sflag:s6], $0x3000  }
0x63: {  	[sflag:s6] =	ssyncset.done $0x0  }
0x64: {  	s20 =	simm.s32 $0xEF00;
	[sflag:s6] =	ssyncadd.s32 $0xFFFFD000  }
0x65: {  	[tilespmem:s25], [sflag:$0x1] =	stream.indirect.gather [hbm4b:s5+s24], $0x60, s20, s24, $0xb8;
	[tilespmem:$0x1D500] =	vst v63  }
0x66: {  	_ =	swait.ge [sflag:s7], $0x3000  }
0x67: {  	[sflag:s7] =	ssyncset.done $0x0  }
0x68: {  	s23 =	simm.s32 $0x10180;
	[sflag:s7] =	ssyncadd.s32 $0xFFFFD000  }
0x69: {  	[spmem:s1] =	stream.indirect.scatter.add.f32 [tilespmem:s28], [sflag:$0x6], $0x60, s23, s24, $0xb8;
	[tilespmem:$0x1D500] =	vst v63  }
0x6a: {  	_ =	swait.ge [sflag:s19], $0x3000  }
0x6b: {  	[sflag:s19] =	ssyncset.done $0x0  }
0x6c: {  	s20 =	simm.s32 $0xEF80;
	[sflag:s19] =	ssyncadd.s32 $0xFFFFD000  }
0x6d: {  	[tilespmem:s28], [sflag:$0x2] =	stream.indirect.gather [hbm4b:s5+s24], $0x60, s20, s24, $0xb8;
	[tilespmem:$0x1D500] =	vst v63  }
0x6e: {  	_ =	swait.ge [sflag:s4], $0x3000  }
0x6f: {  	[sflag:s4] =	ssyncset.done $0x0  }
0x70: {  	s23 =	simm.s32 $0x10200;
	[sflag:s4] =	ssyncadd.s32 $0xFFFFD000  }
0x71: {  	[spmem:s1] =	stream.indirect.scatter.add.f32 [tilespmem:s30], [sflag:$0x7], $0x60, s23, s24, $0xb8;
	[tilespmem:$0x1D500] =	vst v63  }
0x72: {  	_ =	swait.ge [sflag:s8], $0x3000  }
0x73: {  	[sflag:s8] =	ssyncset.done $0x0  }
0x74: {  	s20 =	simm.s32 $0xF000;
	[sflag:s8] =	ssyncadd.s32 $0xFFFFD000  }
0x75: {  	[tilespmem:s30], [sflag:$0x3] =	stream.indirect.gather [hbm4b:s5+s24], $0x60, s20, s24, $0xb8;
	[tilespmem:$0x1D500] =	vst v63  }
0x76: {  	_ =	swait.ge [sflag:s10], $0x3000  }
0x77: {  	[sflag:s10] =	ssyncset.done $0x0  }
0x78: {  	s23 =	simm.s32 $0x10280;
	[sflag:s10] =	ssyncadd.s32 $0xFFFFD000  }
0x79: {  	[spmem:s1] =	stream.indirect.scatter.add.f32 [tilespmem:s0], [sflag:$0x8], $0x60, s23, s24, $0xb8;
	[tilespmem:$0x1D500] =	vst v63  }
0x7a: {  	_ =	swait.ge [sflag:s11], $0x3000  }
0x7b: {  	[sflag:s11] =	ssyncset.done $0x0  }
0x7c: {  	s18 =	simm.s32 $0x800;
	s20 =	simm.s32 $0xF080;
	[sflag:s11] =	ssyncadd.s32 $0xFFFFD000  }
.LBB2_12:
0x7d: {  	[tilespmem:s0], [sflag:$0x4] =	stream.indirect.gather [hbm4b:s5+s24], $0x60, s20, s24, $0xb8;
	[tilespmem:$0x1D500] =	vst v63  }
0x7e: {  	s20 =	smov.u32 s18  }
0x7f: {  	p1 =	sne.s32 s18, $0x4000;
	s18 =	sadd.s32 $0x800, s18;
	_ =	swait.ge [sflag:s9], $0x3000  }
0x80: {  	s20 =	sshra.s32 s20, $0x2;
	[sflag:s9] =	ssyncset.done $0x0  }
0x81: {  	s23 =	sadd.s32 $0x10100, s20;
	[sflag:s9] =	ssyncadd.s32 $0xFFFFD000  }
0x82: {  	[spmem:s1] =	stream.indirect.scatter.add.f32 [tilespmem:s25], [sflag:$0x5], $0x60, s23, s24, $0xb8;
	[tilespmem:$0x1D500] =	vst v63  }
0x83: {  	_ =	swait.ge [sflag:s6], $0x3000  }
0x84: {  	[sflag:s6] =	ssyncset.done $0x0  }
0x85: {  	s23 =	sadd.s32 $0xEF00, s20;
	[sflag:s6] =	ssyncadd.s32 $0xFFFFD000  }
0x86: {  	[tilespmem:s25], [sflag:$0x1] =	stream.indirect.gather [hbm4b:s5+s24], $0x60, s23, s24, $0xb8;
	[tilespmem:$0x1D500] =	vst v63  }
0x87: {  	_ =	swait.ge [sflag:s7], $0x3000  }
0x88: {  	[sflag:s7] =	ssyncset.done $0x0  }
0x89: {  	s23 =	sadd.s32 $0x10180, s20;
	[sflag:s7] =	ssyncadd.s32 $0xFFFFD000  }
0x8a: {  	[spmem:s1] =	stream.indirect.scatter.add.f32 [tilespmem:s28], [sflag:$0x6], $0x60, s23, s24, $0xb8;
	[tilespmem:$0x1D500] =	vst v63  }
0x8b: {  	_ =	swait.ge [sflag:s19], $0x3000  }
0x8c: {  	[sflag:s19] =	ssyncset.done $0x0  }
0x8d: {  	s23 =	sadd.s32 $0xEF80, s20;
	[sflag:s19] =	ssyncadd.s32 $0xFFFFD000  }
0x8e: {  	[tilespmem:s28], [sflag:$0x2] =	stream.indirect.gather [hbm4b:s5+s24], $0x60, s23, s24, $0xb8;
	[tilespmem:$0x1D500] =	vst v63  }
0x8f: {  	_ =	swait.ge [sflag:s4], $0x3000  }
0x90: {  	[sflag:s4] =	ssyncset.done $0x0  }
0x91: {  	s23 =	sadd.s32 $0x10200, s20;
	[sflag:s4] =	ssyncadd.s32 $0xFFFFD000  }
0x92: {  	[spmem:s1] =	stream.indirect.scatter.add.f32 [tilespmem:s30], [sflag:$0x7], $0x60, s23, s24, $0xb8;
	[tilespmem:$0x1D500] =	vst v63  }
0x93: {  	_ =	swait.ge [sflag:s8], $0x3000  }
0x94: {  	[sflag:s8] =	ssyncset.done $0x0  }
0x95: {  	s23 =	sadd.s32 $0xF000, s20;
	[sflag:s8] =	ssyncadd.s32 $0xFFFFD000  }
0x96: {  	[tilespmem:s30], [sflag:$0x3] =	stream.indirect.gather [hbm4b:s5+s24], $0x60, s23, s24, $0xb8;
	[tilespmem:$0x1D500] =	vst v63  }
0x97: {  	_ =	swait.ge [sflag:s10], $0x3000  }
0x98: {  	[sflag:s10] =	ssyncset.done $0x0  }
.Ltmp3:
0x99: {  	s23 =	sadd.s32 $0x10280, s20;
	[sflag:s10] =	ssyncadd.s32 $0xFFFFD000;
	(pc) =	sbr.rel @p1 .LBB2_12-.Ltmp3, $4  }
0x9a: {  	[spmem:s1] =	stream.indirect.scatter.add.f32 [tilespmem:s0], [sflag:$0x8], $0x60, s23, s24, $0xb8;
	[tilespmem:$0x1D500] =	vst v63  }
0x9b: {  	_ =	swait.ge [sflag:s11], $0x3000  }
0x9c: {  	[sflag:s11] =	ssyncset.done $0x0  }
0x9d: {  	s20 =	sadd.s32 $0xF080, s20;
	[sflag:s11] =	ssyncadd.s32 $0xFFFFD000  }
0x9e: {  	[tilespmem:s0], [sflag:$0x4] =	stream.indirect.gather [hbm4b:s5+s24], $0x60, s20, s24, $0xb8;
	[tilespmem:$0x1D500] =	vst v63  }
0x9f: {  	_ =	swait.ge [sflag:s9], $0x3000  }
0xa0: {  	[sflag:s9] =	ssyncset.done $0x0  }
0xa1: {  	[sflag:s9] =	ssyncadd.s32 $0xFFFFD000  }
0xa2: {  	[spmem:s1] =	stream.indirect.scatter.add.f32 [tilespmem:s25], [sflag:$0x5], $0x60, s12, s24, $0xb8;
	[tilespmem:$0x1D500] =	vst v63  }
0xa3: {  	_ =	swait.ge [sflag:s6], $0x3000  }
0xa4: {  	[sflag:s6] =	ssyncset.done $0x0  }
0xa5: {  	[sflag:s6] =	ssyncadd.s32 $0xFFFFD000  }
0xa6: {  	_ =	swait.ge [sflag:s7], $0x3000  }
0xa7: {  	[sflag:s7] =	ssyncset.done $0x0  }
0xa8: {  	[sflag:s7] =	ssyncadd.s32 $0xFFFFD000  }
0xa9: {  	[spmem:s1] =	stream.indirect.scatter.add.f32 [tilespmem:s28], [sflag:$0x6], $0x60, s13, s24, $0xb8;
	[tilespmem:$0x1D500] =	vst v63  }
0xaa: {  	_ =	swait.ge [sflag:s19], $0x3000  }
0xab: {  	[sflag:s19] =	ssyncset.done $0x0  }
0xac: {  	[sflag:s19] =	ssyncadd.s32 $0xFFFFD000  }
0xad: {  	_ =	swait.ge [sflag:s4], $0x3000  }
0xae: {  	[sflag:s4] =	ssyncset.done $0x0  }
0xaf: {  	[sflag:s4] =	ssyncadd.s32 $0xFFFFD000  }
0xb0: {  	[spmem:s1] =	stream.indirect.scatter.add.f32 [tilespmem:s30], [sflag:$0x7], $0x60, s14, s24, $0xb8;
	[tilespmem:$0x1D500] =	vst v63  }
0xb1: {  	_ =	swait.ge [sflag:s8], $0x3000  }
0xb2: {  	[sflag:s8] =	ssyncset.done $0x0  }
0xb3: {  	[sflag:s8] =	ssyncadd.s32 $0xFFFFD000  }
0xb4: {  	_ =	swait.ge [sflag:s10], $0x3000  }
0xb5: {  	[sflag:s10] =	ssyncset.done $0x0  }
0xb6: {  	[sflag:s10] =	ssyncadd.s32 $0xFFFFD000  }
0xb7: {  	[spmem:s1] =	stream.indirect.scatter.add.f32 [tilespmem:s0], [sflag:$0x8], $0x60, s15, s24, $0xb8;
	[tilespmem:$0x1D500] =	vst v63  }
0xb8: {  	_ =	swait.ge [sflag:s11], $0x3000  }
0xb9: {  	[sflag:s11] =	ssyncset.done $0x0  }
0xba: {  	s18 =	simm.s32 $0x0;
	s23 =	rddreg [dreg:$0x9];
	[sflag:s11] =	ssyncadd.s32 $0xFFFFD000  }
0xbb: {  	[tilespmem:s22], [sflag:$0x9] =	stream.linear.gather [hbm4b:s23+s18], $0x1400, $0x38;
	[tilespmem:$0x1D500] =	vst v63  }
0xbc: {  	_ =	swait.ge [sflag:s21], $0x1400  }
0xbd: {  	[sflag:s21] =	ssyncset.done $0x0  }
0xbe: {  	s23 =	simm.s32 $0x10100;
	s20 =	rddreg [dreg:$0xa];
	[sflag:s21] =	ssyncadd.s32 $0xFFFFEC00  }
0xbf: {  	[tilespmem:s23], [sflag:$0x9] =	stream.linear.gather [hbm4b:s20+s18], $0x1400, $0x38;
	[tilespmem:$0x1D500] =	vst v63  }
0xc0: {  	_ =	swait.ge [sflag:s21], $0x1400  }
0xc1: {  	[sflag:s21] =	ssyncset.done $0x0  }
0xc2: {  	[sflag:s21] =	ssyncadd.s32 $0xFFFFEC00  }
0xc3: {  	[tilespmem:s25], [sflag:$0x1] =	stream.indirect.gather [hbm4b:s5+s24], $0x60, s22, s24, $0xb8;
	[tilespmem:$0x1D500] =	vst v63  }
0xc4: {  	_ = 	snop  }
0xc5: {  	[tilespmem:s28], [sflag:$0x2] =	stream.indirect.gather [hbm4b:s5+s24], $0x60, s26, s24, $0xb8;
	[tilespmem:$0x1D500] =	vst v63  }
0xc6: {  	_ = 	snop  }
0xc7: {  	[tilespmem:s30], [sflag:$0x3] =	stream.indirect.gather [hbm4b:s5+s24], $0x60, s29, s24, $0xb8;
	[tilespmem:$0x1D500] =	vst v63  }
0xc8: {  	_ = 	snop  }
0xc9: {  	[tilespmem:s0], [sflag:$0x4] =	stream.indirect.gather [hbm4b:s5+s24], $0x60, s31, s24, $0xb8;
	[tilespmem:$0x1D500] =	vst v63  }
0xca: {  	_ =	swait.ge [sflag:s9], $0x3000  }
0xcb: {  	[sflag:s9] =	ssyncset.done $0x0  }
0xcc: {  	s23 =	simm.s32 $0x10100;
	[sflag:s9] =	ssyncadd.s32 $0xFFFFD000  }
0xcd: {  	[spmem:s1] =	stream.indirect.scatter.add.f32 [tilespmem:s25], [sflag:$0x5], $0x60, s23, s24, $0xb8;
	[tilespmem:$0x1D500] =	vst v63  }
0xce: {  	_ =	swait.ge [sflag:s6], $0x3000  }
0xcf: {  	[sflag:s6] =	ssyncset.done $0x0  }
0xd0: {  	s20 =	simm.s32 $0xEF00;
	[sflag:s6] =	ssyncadd.s32 $0xFFFFD000  }
0xd1: {  	[tilespmem:s25], [sflag:$0x1] =	stream.indirect.gather [hbm4b:s5+s24], $0x60, s20, s24, $0xb8;
	[tilespmem:$0x1D500] =	vst v63  }
0xd2: {  	_ =	swait.ge [sflag:s7], $0x3000  }
0xd3: {  	[sflag:s7] =	ssyncset.done $0x0  }
0xd4: {  	s23 =	simm.s32 $0x10180;
	[sflag:s7] =	ssyncadd.s32 $0xFFFFD000  }
0xd5: {  	[spmem:s1] =	stream.indirect.scatter.add.f32 [tilespmem:s28], [sflag:$0x6], $0x60, s23, s24, $0xb8;
	[tilespmem:$0x1D500] =	vst v63  }
0xd6: {  	_ =	swait.ge [sflag:s19], $0x3000  }
0xd7: {  	[sflag:s19] =	ssyncset.done $0x0  }
0xd8: {  	s20 =	simm.s32 $0xEF80;
	[sflag:s19] =	ssyncadd.s32 $0xFFFFD000  }
0xd9: {  	[tilespmem:s28], [sflag:$0x2] =	stream.indirect.gather [hbm4b:s5+s24], $0x60, s20, s24, $0xb8;
	[tilespmem:$0x1D500] =	vst v63  }
0xda: {  	_ =	swait.ge [sflag:s4], $0x3000  }
0xdb: {  	[sflag:s4] =	ssyncset.done $0x0  }
0xdc: {  	s23 =	simm.s32 $0x10200;
	[sflag:s4] =	ssyncadd.s32 $0xFFFFD000  }
0xdd: {  	[spmem:s1] =	stream.indirect.scatter.add.f32 [tilespmem:s30], [sflag:$0x7], $0x60, s23, s24, $0xb8;
	[tilespmem:$0x1D500] =	vst v63  }
0xde: {  	_ =	swait.ge [sflag:s8], $0x3000  }
0xdf: {  	[sflag:s8] =	ssyncset.done $0x0  }
0xe0: {  	s20 =	simm.s32 $0xF000;
	[sflag:s8] =	ssyncadd.s32 $0xFFFFD000  }
0xe1: {  	[tilespmem:s30], [sflag:$0x3] =	stream.indirect.gather [hbm4b:s5+s24], $0x60, s20, s24, $0xb8;
	[tilespmem:$0x1D500] =	vst v63  }
0xe2: {  	_ =	swait.ge [sflag:s10], $0x3000  }
0xe3: {  	[sflag:s10] =	ssyncset.done $0x0  }
0xe4: {  	s23 =	simm.s32 $0x10280;
	[sflag:s10] =	ssyncadd.s32 $0xFFFFD000  }
0xe5: {  	[spmem:s1] =	stream.indirect.scatter.add.f32 [tilespmem:s0], [sflag:$0x8], $0x60, s23, s24, $0xb8;
	[tilespmem:$0x1D500] =	vst v63  }
0xe6: {  	_ =	swait.ge [sflag:s11], $0x3000  }
0xe7: {  	[sflag:s11] =	ssyncset.done $0x0  }
0xe8: {  	s18 =	simm.s32 $0x800;
	s20 =	simm.s32 $0xF080;
	[sflag:s11] =	ssyncadd.s32 $0xFFFFD000  }
.LBB2_14:
0xe9: {  	[tilespmem:s0], [sflag:$0x4] =	stream.indirect.gather [hbm4b:s5+s24], $0x60, s20, s24, $0xb8;
	[tilespmem:$0x1D500] =	vst v63  }
0xea: {  	s20 =	smov.u32 s18  }
0xeb: {  	p1 =	sne.s32 s18, $0x4000;
	s18 =	sadd.s32 $0x800, s18;
	_ =	swait.ge [sflag:s9], $0x3000  }
0xec: {  	s20 =	sshra.s32 s20, $0x2;
	[sflag:s9] =	ssyncset.done $0x0  }
0xed: {  	s23 =	sadd.s32 $0x10100, s20;
	[sflag:s9] =	ssyncadd.s32 $0xFFFFD000  }
0xee: {  	[spmem:s1] =	stream.indirect.scatter.add.f32 [tilespmem:s25], [sflag:$0x5], $0x60, s23, s24, $0xb8;
	[tilespmem:$0x1D500] =	vst v63  }
0xef: {  	_ =	swait.ge [sflag:s6], $0x3000  }
0xf0: {  	[sflag:s6] =	ssyncset.done $0x0  }
0xf1: {  	s23 =	sadd.s32 $0xEF00, s20;
	[sflag:s6] =	ssyncadd.s32 $0xFFFFD000  }
0xf2: {  	[tilespmem:s25], [sflag:$0x1] =	stream.indirect.gather [hbm4b:s5+s24], $0x60, s23, s24, $0xb8;
	[tilespmem:$0x1D500] =	vst v63  }
0xf3: {  	_ =	swait.ge [sflag:s7], $0x3000  }
0xf4: {  	[sflag:s7] =	ssyncset.done $0x0  }
0xf5: {  	s23 =	sadd.s32 $0x10180, s20;
	[sflag:s7] =	ssyncadd.s32 $0xFFFFD000  }
0xf6: {  	[spmem:s1] =	stream.indirect.scatter.add.f32 [tilespmem:s28], [sflag:$0x6], $0x60, s23, s24, $0xb8;
	[tilespmem:$0x1D500] =	vst v63  }
0xf7: {  	_ =	swait.ge [sflag:s19], $0x3000  }
0xf8: {  	[sflag:s19] =	ssyncset.done $0x0  }
0xf9: {  	s23 =	sadd.s32 $0xEF80, s20;
	[sflag:s19] =	ssyncadd.s32 $0xFFFFD000  }
0xfa: {  	[tilespmem:s28], [sflag:$0x2] =	stream.indirect.gather [hbm4b:s5+s24], $0x60, s23, s24, $0xb8;
	[tilespmem:$0x1D500] =	vst v63  }
0xfb: {  	_ =	swait.ge [sflag:s4], $0x3000  }
0xfc: {  	[sflag:s4] =	ssyncset.done $0x0  }
0xfd: {  	s23 =	sadd.s32 $0x10200, s20;
	[sflag:s4] =	ssyncadd.s32 $0xFFFFD000  }
0xfe: {  	[spmem:s1] =	stream.indirect.scatter.add.f32 [tilespmem:s30], [sflag:$0x7], $0x60, s23, s24, $0xb8;
	[tilespmem:$0x1D500] =	vst v63  }
0xff: {  	_ =	swait.ge [sflag:s8], $0x3000  }
0x100: {  	[sflag:s8] =	ssyncset.done $0x0  }
0x101: {  	s23 =	sadd.s32 $0xF000, s20;
	[sflag:s8] =	ssyncadd.s32 $0xFFFFD000  }
0x102: {  	[tilespmem:s30], [sflag:$0x3] =	stream.indirect.gather [hbm4b:s5+s24], $0x60, s23, s24, $0xb8;
	[tilespmem:$0x1D500] =	vst v63  }
0x103: {  	_ =	swait.ge [sflag:s10], $0x3000  }
0x104: {  	[sflag:s10] =	ssyncset.done $0x0  }
.Ltmp4:
0x105: {  	s23 =	sadd.s32 $0x10280, s20;
	[sflag:s10] =	ssyncadd.s32 $0xFFFFD000;
	(pc) =	sbr.rel @p1 .LBB2_14-.Ltmp4, $4  }
0x106: {  	[spmem:s1] =	stream.indirect.scatter.add.f32 [tilespmem:s0], [sflag:$0x8], $0x60, s23, s24, $0xb8;
	[tilespmem:$0x1D500] =	vst v63  }
0x107: {  	_ =	swait.ge [sflag:s11], $0x3000  }
0x108: {  	[sflag:s11] =	ssyncset.done $0x0  }
0x109: {  	s20 =	sadd.s32 $0xF080, s20;
	[sflag:s11] =	ssyncadd.s32 $0xFFFFD000  }
0x10a: {  	[tilespmem:s0], [sflag:$0x4] =	stream.indirect.gather [hbm4b:s5+s24], $0x60, s20, s24, $0xb8;
	[tilespmem:$0x1D500] =	vst v63  }
0x10b: {  	_ =	swait.ge [sflag:s9], $0x3000  }
0x10c: {  	[sflag:s9] =	ssyncset.done $0x0  }
0x10d: {  	[sflag:s9] =	ssyncadd.s32 $0xFFFFD000  }
0x10e: {  	[spmem:s1] =	stream.indirect.scatter.add.f32 [tilespmem:s25], [sflag:$0x5], $0x60, s12, s24, $0xb8;
	[tilespmem:$0x1D500] =	vst v63  }
0x10f: {  	_ =	swait.ge [sflag:s6], $0x3000  }
0x110: {  	[sflag:s6] =	ssyncset.done $0x0  }
0x111: {  	[sflag:s6] =	ssyncadd.s32 $0xFFFFD000  }
0x112: {  	_ =	swait.ge [sflag:s7], $0x3000  }
0x113: {  	[sflag:s7] =	ssyncset.done $0x0  }
0x114: {  	[sflag:s7] =	ssyncadd.s32 $0xFFFFD000  }
0x115: {  	[spmem:s1] =	stream.indirect.scatter.add.f32 [tilespmem:s28], [sflag:$0x6], $0x60, s13, s24, $0xb8;
	[tilespmem:$0x1D500] =	vst v63  }
0x116: {  	_ =	swait.ge [sflag:s19], $0x3000  }
0x117: {  	[sflag:s19] =	ssyncset.done $0x0  }
0x118: {  	[sflag:s19] =	ssyncadd.s32 $0xFFFFD000  }
0x119: {  	_ =	swait.ge [sflag:s4], $0x3000  }
0x11a: {  	[sflag:s4] =	ssyncset.done $0x0  }
0x11b: {  	[sflag:s4] =	ssyncadd.s32 $0xFFFFD000  }
0x11c: {  	[spmem:s1] =	stream.indirect.scatter.add.f32 [tilespmem:s30], [sflag:$0x7], $0x60, s14, s24, $0xb8;
	[tilespmem:$0x1D500] =	vst v63  }
0x11d: {  	_ =	swait.ge [sflag:s8], $0x3000  }
0x11e: {  	[sflag:s8] =	ssyncset.done $0x0  }
0x11f: {  	[sflag:s8] =	ssyncadd.s32 $0xFFFFD000  }
0x120: {  	_ =	swait.ge [sflag:s10], $0x3000  }
0x121: {  	[sflag:s10] =	ssyncset.done $0x0  }
0x122: {  	[sflag:s10] =	ssyncadd.s32 $0xFFFFD000  }
0x123: {  	[spmem:s1] =	stream.indirect.scatter.add.f32 [tilespmem:s0], [sflag:$0x8], $0x60, s15, s24, $0xb8;
	[tilespmem:$0x1D500] =	vst v63  }
0x124: {  	_ =	swait.ge [sflag:s11], $0x3000  }
0x125: {  	[sflag:s11] =	ssyncset.done $0x0  }
0x126: {  	s18 =	simm.s32 $0x0;
	s23 =	rddreg [dreg:$0xb];
	[sflag:s11] =	ssyncadd.s32 $0xFFFFD000  }
0x127: {  	[tilespmem:s22], [sflag:$0x9] =	stream.linear.gather [hbm4b:s23+s18], $0x1400, $0x38;
	[tilespmem:$0x1D500] =	vst v63  }
0x128: {  	_ =	swait.ge [sflag:s21], $0x1400  }
0x129: {  	[sflag:s21] =	ssyncset.done $0x0  }
0x12a: {  	s23 =	simm.s32 $0x10100;
	s20 =	rddreg [dreg:$0xc];
	[sflag:s21] =	ssyncadd.s32 $0xFFFFEC00  }
0x12b: {  	[tilespmem:s23], [sflag:$0x9] =	stream.linear.gather [hbm4b:s20+s18], $0x1400, $0x38;
	[tilespmem:$0x1D500] =	vst v63  }
0x12c: {  	_ =	swait.ge [sflag:s21], $0x1400  }
0x12d: {  	[sflag:s21] =	ssyncset.done $0x0  }
0x12e: {  	[sflag:s21] =	ssyncadd.s32 $0xFFFFEC00  }
0x12f: {  	[tilespmem:s25], [sflag:$0x1] =	stream.indirect.gather [hbm4b:s5+s24], $0x60, s22, s24, $0xb8;
	[tilespmem:$0x1D500] =	vst v63  }
0x130: {  	_ = 	snop  }
0x131: {  	[tilespmem:s28], [sflag:$0x2] =	stream.indirect.gather [hbm4b:s5+s24], $0x60, s26, s24, $0xb8;
	[tilespmem:$0x1D500] =	vst v63  }
0x132: {  	_ = 	snop  }
0x133: {  	[tilespmem:s30], [sflag:$0x3] =	stream.indirect.gather [hbm4b:s5+s24], $0x60, s29, s24, $0xb8;
	[tilespmem:$0x1D500] =	vst v63  }
0x134: {  	_ = 	snop  }
0x135: {  	[tilespmem:s0], [sflag:$0x4] =	stream.indirect.gather [hbm4b:s5+s24], $0x60, s31, s24, $0xb8;
	[tilespmem:$0x1D500] =	vst v63  }
0x136: {  	_ =	swait.ge [sflag:s9], $0x3000  }
0x137: {  	[sflag:s9] =	ssyncset.done $0x0  }
0x138: {  	s23 =	simm.s32 $0x10100;
	[sflag:s9] =	ssyncadd.s32 $0xFFFFD000  }
0x139: {  	[spmem:s1] =	stream.indirect.scatter.add.f32 [tilespmem:s25], [sflag:$0x5], $0x60, s23, s24, $0xb8;
	[tilespmem:$0x1D500] =	vst v63  }
0x13a: {  	_ =	swait.ge [sflag:s6], $0x3000  }
0x13b: {  	[sflag:s6] =	ssyncset.done $0x0  }
0x13c: {  	s20 =	simm.s32 $0xEF00;
	[sflag:s6] =	ssyncadd.s32 $0xFFFFD000  }
0x13d: {  	[tilespmem:s25], [sflag:$0x1] =	stream.indirect.gather [hbm4b:s5+s24], $0x60, s20, s24, $0xb8;
	[tilespmem:$0x1D500] =	vst v63  }
0x13e: {  	_ =	swait.ge [sflag:s7], $0x3000  }
0x13f: {  	[sflag:s7] =	ssyncset.done $0x0  }
0x140: {  	s23 =	simm.s32 $0x10180;
	[sflag:s7] =	ssyncadd.s32 $0xFFFFD000  }
0x141: {  	[spmem:s1] =	stream.indirect.scatter.add.f32 [tilespmem:s28], [sflag:$0x6], $0x60, s23, s24, $0xb8;
	[tilespmem:$0x1D500] =	vst v63  }
0x142: {  	_ =	swait.ge [sflag:s19], $0x3000  }
0x143: {  	[sflag:s19] =	ssyncset.done $0x0  }
0x144: {  	s20 =	simm.s32 $0xEF80;
	[sflag:s19] =	ssyncadd.s32 $0xFFFFD000  }
0x145: {  	[tilespmem:s28], [sflag:$0x2] =	stream.indirect.gather [hbm4b:s5+s24], $0x60, s20, s24, $0xb8;
	[tilespmem:$0x1D500] =	vst v63  }
0x146: {  	_ =	swait.ge [sflag:s4], $0x3000  }
0x147: {  	[sflag:s4] =	ssyncset.done $0x0  }
0x148: {  	s23 =	simm.s32 $0x10200;
	[sflag:s4] =	ssyncadd.s32 $0xFFFFD000  }
0x149: {  	[spmem:s1] =	stream.indirect.scatter.add.f32 [tilespmem:s30], [sflag:$0x7], $0x60, s23, s24, $0xb8;
	[tilespmem:$0x1D500] =	vst v63  }
0x14a: {  	_ =	swait.ge [sflag:s8], $0x3000  }
0x14b: {  	[sflag:s8] =	ssyncset.done $0x0  }
0x14c: {  	s20 =	simm.s32 $0xF000;
	[sflag:s8] =	ssyncadd.s32 $0xFFFFD000  }
0x14d: {  	[tilespmem:s30], [sflag:$0x3] =	stream.indirect.gather [hbm4b:s5+s24], $0x60, s20, s24, $0xb8;
	[tilespmem:$0x1D500] =	vst v63  }
0x14e: {  	_ =	swait.ge [sflag:s10], $0x3000  }
0x14f: {  	[sflag:s10] =	ssyncset.done $0x0  }
0x150: {  	s23 =	simm.s32 $0x10280;
	[sflag:s10] =	ssyncadd.s32 $0xFFFFD000  }
0x151: {  	[spmem:s1] =	stream.indirect.scatter.add.f32 [tilespmem:s0], [sflag:$0x8], $0x60, s23, s24, $0xb8;
	[tilespmem:$0x1D500] =	vst v63  }
0x152: {  	_ =	swait.ge [sflag:s11], $0x3000  }
0x153: {  	[sflag:s11] =	ssyncset.done $0x0  }
0x154: {  	s18 =	simm.s32 $0x800;
	s20 =	simm.s32 $0xF080;
	[sflag:s11] =	ssyncadd.s32 $0xFFFFD000  }
.LBB2_16:
0x155: {  	[tilespmem:s0], [sflag:$0x4] =	stream.indirect.gather [hbm4b:s5+s24], $0x60, s20, s24, $0xb8;
	[tilespmem:$0x1D500] =	vst v63  }
0x156: {  	s20 =	smov.u32 s18  }
0x157: {  	p1 =	sne.s32 s18, $0x4000;
	s18 =	sadd.s32 $0x800, s18;
	_ =	swait.ge [sflag:s9], $0x3000  }
0x158: {  	s20 =	sshra.s32 s20, $0x2;
	[sflag:s9] =	ssyncset.done $0x0  }
0x159: {  	s23 =	sadd.s32 $0x10100, s20;
	[sflag:s9] =	ssyncadd.s32 $0xFFFFD000  }
0x15a: {  	[spmem:s1] =	stream.indirect.scatter.add.f32 [tilespmem:s25], [sflag:$0x5], $0x60, s23, s24, $0xb8;
	[tilespmem:$0x1D500] =	vst v63  }
0x15b: {  	_ =	swait.ge [sflag:s6], $0x3000  }
0x15c: {  	[sflag:s6] =	ssyncset.done $0x0  }
0x15d: {  	s23 =	sadd.s32 $0xEF00, s20;
	[sflag:s6] =	ssyncadd.s32 $0xFFFFD000  }
0x15e: {  	[tilespmem:s25], [sflag:$0x1] =	stream.indirect.gather [hbm4b:s5+s24], $0x60, s23, s24, $0xb8;
	[tilespmem:$0x1D500] =	vst v63  }
0x15f: {  	_ =	swait.ge [sflag:s7], $0x3000  }
0x160: {  	[sflag:s7] =	ssyncset.done $0x0  }
0x161: {  	s23 =	sadd.s32 $0x10180, s20;
	[sflag:s7] =	ssyncadd.s32 $0xFFFFD000  }
0x162: {  	[spmem:s1] =	stream.indirect.scatter.add.f32 [tilespmem:s28], [sflag:$0x6], $0x60, s23, s24, $0xb8;
	[tilespmem:$0x1D500] =	vst v63  }
0x163: {  	_ =	swait.ge [sflag:s19], $0x3000  }
0x164: {  	[sflag:s19] =	ssyncset.done $0x0  }
0x165: {  	s23 =	sadd.s32 $0xEF80, s20;
	[sflag:s19] =	ssyncadd.s32 $0xFFFFD000  }
0x166: {  	[tilespmem:s28], [sflag:$0x2] =	stream.indirect.gather [hbm4b:s5+s24], $0x60, s23, s24, $0xb8;
	[tilespmem:$0x1D500] =	vst v63  }
0x167: {  	_ =	swait.ge [sflag:s4], $0x3000  }
0x168: {  	[sflag:s4] =	ssyncset.done $0x0  }
0x169: {  	s23 =	sadd.s32 $0x10200, s20;
	[sflag:s4] =	ssyncadd.s32 $0xFFFFD000  }
0x16a: {  	[spmem:s1] =	stream.indirect.scatter.add.f32 [tilespmem:s30], [sflag:$0x7], $0x60, s23, s24, $0xb8;
	[tilespmem:$0x1D500] =	vst v63  }
0x16b: {  	_ =	swait.ge [sflag:s8], $0x3000  }
0x16c: {  	[sflag:s8] =	ssyncset.done $0x0  }
0x16d: {  	s23 =	sadd.s32 $0xF000, s20;
	[sflag:s8] =	ssyncadd.s32 $0xFFFFD000  }
0x16e: {  	[tilespmem:s30], [sflag:$0x3] =	stream.indirect.gather [hbm4b:s5+s24], $0x60, s23, s24, $0xb8;
	[tilespmem:$0x1D500] =	vst v63  }
0x16f: {  	_ =	swait.ge [sflag:s10], $0x3000  }
0x170: {  	[sflag:s10] =	ssyncset.done $0x0  }
.Ltmp5:
0x171: {  	s23 =	sadd.s32 $0x10280, s20;
	[sflag:s10] =	ssyncadd.s32 $0xFFFFD000;
	(pc) =	sbr.rel @p1 .LBB2_16-.Ltmp5, $4  }
0x172: {  	[spmem:s1] =	stream.indirect.scatter.add.f32 [tilespmem:s0], [sflag:$0x8], $0x60, s23, s24, $0xb8;
	[tilespmem:$0x1D500] =	vst v63  }
0x173: {  	_ =	swait.ge [sflag:s11], $0x3000  }
0x174: {  	[sflag:s11] =	ssyncset.done $0x0  }
0x175: {  	s20 =	sadd.s32 $0xF080, s20;
	[sflag:s11] =	ssyncadd.s32 $0xFFFFD000  }
0x176: {  	[tilespmem:s0], [sflag:$0x4] =	stream.indirect.gather [hbm4b:s5+s24], $0x60, s20, s24, $0xb8;
	[tilespmem:$0x1D500] =	vst v63  }
0x177: {  	_ =	swait.ge [sflag:s9], $0x3000  }
0x178: {  	[sflag:s9] =	ssyncset.done $0x0  }
0x179: {  	[sflag:s9] =	ssyncadd.s32 $0xFFFFD000  }
0x17a: {  	[spmem:s1] =	stream.indirect.scatter.add.f32 [tilespmem:s25], [sflag:$0x5], $0x60, s12, s24, $0xb8;
	[tilespmem:$0x1D500] =	vst v63  }
0x17b: {  	_ =	swait.ge [sflag:s6], $0x3000  }
0x17c: {  	[sflag:s6] =	ssyncset.done $0x0  }
0x17d: {  	[sflag:s6] =	ssyncadd.s32 $0xFFFFD000  }
0x17e: {  	_ =	swait.ge [sflag:s7], $0x3000  }
0x17f: {  	[sflag:s7] =	ssyncset.done $0x0  }
0x180: {  	[sflag:s7] =	ssyncadd.s32 $0xFFFFD000  }
0x181: {  	[spmem:s1] =	stream.indirect.scatter.add.f32 [tilespmem:s28], [sflag:$0x6], $0x60, s13, s24, $0xb8;
	[tilespmem:$0x1D500] =	vst v63  }
0x182: {  	_ =	swait.ge [sflag:s19], $0x3000  }
0x183: {  	[sflag:s19] =	ssyncset.done $0x0  }
0x184: {  	[sflag:s19] =	ssyncadd.s32 $0xFFFFD000  }
0x185: {  	_ =	swait.ge [sflag:s4], $0x3000  }
0x186: {  	[sflag:s4] =	ssyncset.done $0x0  }
0x187: {  	[sflag:s4] =	ssyncadd.s32 $0xFFFFD000  }
0x188: {  	[spmem:s1] =	stream.indirect.scatter.add.f32 [tilespmem:s30], [sflag:$0x7], $0x60, s14, s24, $0xb8;
	[tilespmem:$0x1D500] =	vst v63  }
0x189: {  	_ =	swait.ge [sflag:s8], $0x3000  }
0x18a: {  	[sflag:s8] =	ssyncset.done $0x0  }
0x18b: {  	[sflag:s8] =	ssyncadd.s32 $0xFFFFD000  }
0x18c: {  	_ =	swait.ge [sflag:s10], $0x3000  }
0x18d: {  	[sflag:s10] =	ssyncset.done $0x0  }
0x18e: {  	[sflag:s10] =	ssyncadd.s32 $0xFFFFD000  }
0x18f: {  	[spmem:s1] =	stream.indirect.scatter.add.f32 [tilespmem:s0], [sflag:$0x8], $0x60, s15, s24, $0xb8;
	[tilespmem:$0x1D500] =	vst v63  }
0x190: {  	_ =	swait.ge [sflag:s11], $0x3000  }
0x191: {  	[sflag:s11] =	ssyncset.done $0x0  }
0x192: {  	s18 =	simm.s32 $0x0;
	s23 =	rddreg [dreg:$0xd];
	[sflag:s11] =	ssyncadd.s32 $0xFFFFD000  }
0x193: {  	[tilespmem:s22], [sflag:$0x9] =	stream.linear.gather [hbm4b:s23+s18], $0x1400, $0x38;
	[tilespmem:$0x1D500] =	vst v63  }
0x194: {  	_ =	swait.ge [sflag:s21], $0x1400  }
0x195: {  	[sflag:s21] =	ssyncset.done $0x0  }
0x196: {  	s23 =	simm.s32 $0x10100;
	s20 =	rddreg [dreg:$0xe];
	[sflag:s21] =	ssyncadd.s32 $0xFFFFEC00  }
0x197: {  	[tilespmem:s23], [sflag:$0x9] =	stream.linear.gather [hbm4b:s20+s18], $0x1400, $0x38;
	[tilespmem:$0x1D500] =	vst v63  }
0x198: {  	_ =	swait.ge [sflag:s21], $0x1400  }
0x199: {  	[sflag:s21] =	ssyncset.done $0x0  }
0x19a: {  	[sflag:s21] =	ssyncadd.s32 $0xFFFFEC00  }
0x19b: {  	[tilespmem:s25], [sflag:$0x1] =	stream.indirect.gather [hbm4b:s5+s24], $0x60, s22, s24, $0xb8;
	[tilespmem:$0x1D500] =	vst v63  }
0x19c: {  	_ = 	snop  }
0x19d: {  	[tilespmem:s28], [sflag:$0x2] =	stream.indirect.gather [hbm4b:s5+s24], $0x60, s26, s24, $0xb8;
	[tilespmem:$0x1D500] =	vst v63  }
0x19e: {  	_ = 	snop  }
0x19f: {  	[tilespmem:s30], [sflag:$0x3] =	stream.indirect.gather [hbm4b:s5+s24], $0x60, s29, s24, $0xb8;
	[tilespmem:$0x1D500] =	vst v63  }
0x1a0: {  	_ = 	snop  }
0x1a1: {  	[tilespmem:s0], [sflag:$0x4] =	stream.indirect.gather [hbm4b:s5+s24], $0x60, s31, s24, $0xb8;
	[tilespmem:$0x1D500] =	vst v63  }
0x1a2: {  	_ =	swait.ge [sflag:s9], $0x3000  }
0x1a3: {  	[sflag:s9] =	ssyncset.done $0x0  }
0x1a4: {  	s23 =	simm.s32 $0x10100;
	[sflag:s9] =	ssyncadd.s32 $0xFFFFD000  }
0x1a5: {  	[spmem:s1] =	stream.indirect.scatter.add.f32 [tilespmem:s25], [sflag:$0x5], $0x60, s23, s24, $0xb8;
	[tilespmem:$0x1D500] =	vst v63  }
0x1a6: {  	_ =	swait.ge [sflag:s6], $0x3000  }
0x1a7: {  	[sflag:s6] =	ssyncset.done $0x0  }
0x1a8: {  	s20 =	simm.s32 $0xEF00;
	[sflag:s6] =	ssyncadd.s32 $0xFFFFD000  }
0x1a9: {  	[tilespmem:s25], [sflag:$0x1] =	stream.indirect.gather [hbm4b:s5+s24], $0x60, s20, s24, $0xb8;
	[tilespmem:$0x1D500] =	vst v63  }
0x1aa: {  	_ =	swait.ge [sflag:s7], $0x3000  }
0x1ab: {  	[sflag:s7] =	ssyncset.done $0x0  }
0x1ac: {  	s23 =	simm.s32 $0x10180;
	[sflag:s7] =	ssyncadd.s32 $0xFFFFD000  }
0x1ad: {  	[spmem:s1] =	stream.indirect.scatter.add.f32 [tilespmem:s28], [sflag:$0x6], $0x60, s23, s24, $0xb8;
	[tilespmem:$0x1D500] =	vst v63  }
0x1ae: {  	_ =	swait.ge [sflag:s19], $0x3000  }
0x1af: {  	[sflag:s19] =	ssyncset.done $0x0  }
0x1b0: {  	s20 =	simm.s32 $0xEF80;
	[sflag:s19] =	ssyncadd.s32 $0xFFFFD000  }
0x1b1: {  	[tilespmem:s28], [sflag:$0x2] =	stream.indirect.gather [hbm4b:s5+s24], $0x60, s20, s24, $0xb8;
	[tilespmem:$0x1D500] =	vst v63  }
0x1b2: {  	_ =	swait.ge [sflag:s4], $0x3000  }
0x1b3: {  	[sflag:s4] =	ssyncset.done $0x0  }
0x1b4: {  	s23 =	simm.s32 $0x10200;
	[sflag:s4] =	ssyncadd.s32 $0xFFFFD000  }
0x1b5: {  	[spmem:s1] =	stream.indirect.scatter.add.f32 [tilespmem:s30], [sflag:$0x7], $0x60, s23, s24, $0xb8;
	[tilespmem:$0x1D500] =	vst v63  }
0x1b6: {  	_ =	swait.ge [sflag:s8], $0x3000  }
0x1b7: {  	[sflag:s8] =	ssyncset.done $0x0  }
0x1b8: {  	s20 =	simm.s32 $0xF000;
	[sflag:s8] =	ssyncadd.s32 $0xFFFFD000  }
0x1b9: {  	[tilespmem:s30], [sflag:$0x3] =	stream.indirect.gather [hbm4b:s5+s24], $0x60, s20, s24, $0xb8;
	[tilespmem:$0x1D500] =	vst v63  }
0x1ba: {  	_ =	swait.ge [sflag:s10], $0x3000  }
0x1bb: {  	[sflag:s10] =	ssyncset.done $0x0  }
0x1bc: {  	s23 =	simm.s32 $0x10280;
	[sflag:s10] =	ssyncadd.s32 $0xFFFFD000  }
0x1bd: {  	[spmem:s1] =	stream.indirect.scatter.add.f32 [tilespmem:s0], [sflag:$0x8], $0x60, s23, s24, $0xb8;
	[tilespmem:$0x1D500] =	vst v63  }
0x1be: {  	_ =	swait.ge [sflag:s11], $0x3000  }
0x1bf: {  	[sflag:s11] =	ssyncset.done $0x0  }
0x1c0: {  	s18 =	simm.s32 $0x800;
	s20 =	simm.s32 $0xF080;
	[sflag:s11] =	ssyncadd.s32 $0xFFFFD000  }
.LBB2_18:
0x1c1: {  	[tilespmem:s0], [sflag:$0x4] =	stream.indirect.gather [hbm4b:s5+s24], $0x60, s20, s24, $0xb8;
	[tilespmem:$0x1D500] =	vst v63  }
0x1c2: {  	s20 =	smov.u32 s18  }
0x1c3: {  	p1 =	sne.s32 s18, $0x4000;
	s18 =	sadd.s32 $0x800, s18;
	_ =	swait.ge [sflag:s9], $0x3000  }
0x1c4: {  	s20 =	sshra.s32 s20, $0x2;
	[sflag:s9] =	ssyncset.done $0x0  }
0x1c5: {  	s23 =	sadd.s32 $0x10100, s20;
	[sflag:s9] =	ssyncadd.s32 $0xFFFFD000  }
0x1c6: {  	[spmem:s1] =	stream.indirect.scatter.add.f32 [tilespmem:s25], [sflag:$0x5], $0x60, s23, s24, $0xb8;
	[tilespmem:$0x1D500] =	vst v63  }
0x1c7: {  	_ =	swait.ge [sflag:s6], $0x3000  }
0x1c8: {  	[sflag:s6] =	ssyncset.done $0x0  }
0x1c9: {  	s23 =	sadd.s32 $0xEF00, s20;
	[sflag:s6] =	ssyncadd.s32 $0xFFFFD000  }
0x1ca: {  	[tilespmem:s25], [sflag:$0x1] =	stream.indirect.gather [hbm4b:s5+s24], $0x60, s23, s24, $0xb8;
	[tilespmem:$0x1D500] =	vst v63  }
0x1cb: {  	_ =	swait.ge [sflag:s7], $0x3000  }
0x1cc: {  	[sflag:s7] =	ssyncset.done $0x0  }
0x1cd: {  	s23 =	sadd.s32 $0x10180, s20;
	[sflag:s7] =	ssyncadd.s32 $0xFFFFD000  }
0x1ce: {  	[spmem:s1] =	stream.indirect.scatter.add.f32 [tilespmem:s28], [sflag:$0x6], $0x60, s23, s24, $0xb8;
	[tilespmem:$0x1D500] =	vst v63  }
0x1cf: {  	_ =	swait.ge [sflag:s19], $0x3000  }
0x1d0: {  	[sflag:s19] =	ssyncset.done $0x0  }
0x1d1: {  	s23 =	sadd.s32 $0xEF80, s20;
	[sflag:s19] =	ssyncadd.s32 $0xFFFFD000  }
0x1d2: {  	[tilespmem:s28], [sflag:$0x2] =	stream.indirect.gather [hbm4b:s5+s24], $0x60, s23, s24, $0xb8;
	[tilespmem:$0x1D500] =	vst v63  }
0x1d3: {  	_ =	swait.ge [sflag:s4], $0x3000  }
0x1d4: {  	[sflag:s4] =	ssyncset.done $0x0  }
0x1d5: {  	s23 =	sadd.s32 $0x10200, s20;
	[sflag:s4] =	ssyncadd.s32 $0xFFFFD000  }
0x1d6: {  	[spmem:s1] =	stream.indirect.scatter.add.f32 [tilespmem:s30], [sflag:$0x7], $0x60, s23, s24, $0xb8;
	[tilespmem:$0x1D500] =	vst v63  }
0x1d7: {  	_ =	swait.ge [sflag:s8], $0x3000  }
0x1d8: {  	[sflag:s8] =	ssyncset.done $0x0  }
0x1d9: {  	s23 =	sadd.s32 $0xF000, s20;
	[sflag:s8] =	ssyncadd.s32 $0xFFFFD000  }
0x1da: {  	[tilespmem:s30], [sflag:$0x3] =	stream.indirect.gather [hbm4b:s5+s24], $0x60, s23, s24, $0xb8;
	[tilespmem:$0x1D500] =	vst v63  }
0x1db: {  	_ =	swait.ge [sflag:s10], $0x3000  }
0x1dc: {  	[sflag:s10] =	ssyncset.done $0x0  }
.Ltmp6:
0x1dd: {  	s23 =	sadd.s32 $0x10280, s20;
	[sflag:s10] =	ssyncadd.s32 $0xFFFFD000;
	(pc) =	sbr.rel @p1 .LBB2_18-.Ltmp6, $4  }
0x1de: {  	[spmem:s1] =	stream.indirect.scatter.add.f32 [tilespmem:s0], [sflag:$0x8], $0x60, s23, s24, $0xb8;
	[tilespmem:$0x1D500] =	vst v63  }
0x1df: {  	_ =	swait.ge [sflag:s11], $0x3000  }
0x1e0: {  	[sflag:s11] =	ssyncset.done $0x0  }
0x1e1: {  	s20 =	sadd.s32 $0xF080, s20;
	[sflag:s11] =	ssyncadd.s32 $0xFFFFD000  }
.Ltmp7:
0x1e2: {  	_ = 	snop;
	(pc) =	sbr.rel .LBB2_19-.Ltmp7, $1  }
0x1e3: {  	_ =	sdelay $0x3  }
.LBB2_2:
0x1e4: {  	s18 =	rddreg [dreg:$0x6]  }
0x1e5: {  	[spmem:s16], [sflag:s17] =	dma.local [hbm:s18], $0x1DA0  }
0x1e6: {  	_ =	swait.ge [sflag:s21], $0x1DA0  }
0x1e7: {  	[sflag:s21] =	ssyncset.done $0x0  }
0x1e8: {  	[sflag:s21] =	ssyncadd.s32 $0xFFFFE260  }
0x1e9: {  	[bflag:$0x0] =	sbarrier.arrive $0xFFFF  }
0x1ea: {  	s18 =	simm.s32 $0x0;
	s20 =	rddreg [dreg:$0x7]  }
0x1eb: {  	[tilespmem:s22], [sflag:$0x9] =	stream.linear.gather [hbm4b:s20+s18], $0x1400, $0x38;
	[tilespmem:$0x1D500] =	vst v63  }
0x1ec: {  	_ =	swait.ge [sflag:s21], $0x1400  }
0x1ed: {  	[sflag:s21] =	ssyncset.done $0x0  }
0x1ee: {  	s23 =	simm.s32 $0x10100;
	s20 =	rddreg [dreg:$0x8];
	[sflag:s21] =	ssyncadd.s32 $0xFFFFEC00  }
0x1ef: {  	[tilespmem:s23], [sflag:$0x9] =	stream.linear.gather [hbm4b:s20+s18], $0x1400, $0x38;
	[tilespmem:$0x1D500] =	vst v63  }
0x1f0: {  	_ =	swait.ge [sflag:s21], $0x1400  }
0x1f1: {  	[sflag:s21] =	ssyncset.done $0x0  }
0x1f2: {  	[sflag:s21] =	ssyncadd.s32 $0xFFFFEC00  }
0x1f3: {  	[tilespmem:s25], [sflag:$0x1] =	stream.indirect.gather [hbm4b:s3+s24], $0x60, s22, s24, $0xb8;
	[tilespmem:$0x1D500] =	vst v63  }
0x1f4: {  	_ = 	snop  }
0x1f5: {  	[tilespmem:s28], [sflag:$0x2] =	stream.indirect.gather [hbm4b:s3+s24], $0x60, s26, s24, $0xb8;
	[tilespmem:$0x1D500] =	vst v63  }
0x1f6: {  	_ = 	snop  }
0x1f7: {  	[tilespmem:s30], [sflag:$0x3] =	stream.indirect.gather [hbm4b:s3+s24], $0x60, s29, s24, $0xb8;
	[tilespmem:$0x1D500] =	vst v63  }
0x1f8: {  	_ = 	snop  }
0x1f9: {  	[tilespmem:s0], [sflag:$0x4] =	stream.indirect.gather [hbm4b:s3+s24], $0x60, s31, s24, $0xb8;
	[tilespmem:$0x1D500] =	vst v63  }
0x1fa: {  	_ =	swait.ge [sflag:s9], $0x3000  }
0x1fb: {  	[sflag:s9] =	ssyncset.done $0x0  }
0x1fc: {  	s23 =	simm.s32 $0x10100;
	[sflag:s9] =	ssyncadd.s32 $0xFFFFD000  }
0x1fd: {  	[spmem:s1] =	stream.indirect.scatter.add.f32 [tilespmem:s25], [sflag:$0x5], $0x60, s23, s24, $0xb8;
	[tilespmem:$0x1D500] =	vst v63  }
0x1fe: {  	_ =	swait.ge [sflag:s6], $0x3000  }
0x1ff: {  	[sflag:s6] =	ssyncset.done $0x0  }
0x200: {  	s20 =	simm.s32 $0xEF00;
	[sflag:s6] =	ssyncadd.s32 $0xFFFFD000  }
0x201: {  	[tilespmem:s25], [sflag:$0x1] =	stream.indirect.gather [hbm4b:s3+s24], $0x60, s20, s24, $0xb8;
	[tilespmem:$0x1D500] =	vst v63  }
0x202: {  	_ =	swait.ge [sflag:s7], $0x3000  }
0x203: {  	[sflag:s7] =	ssyncset.done $0x0  }
0x204: {  	s23 =	simm.s32 $0x10180;
	[sflag:s7] =	ssyncadd.s32 $0xFFFFD000  }
0x205: {  	[spmem:s1] =	stream.indirect.scatter.add.f32 [tilespmem:s28], [sflag:$0x6], $0x60, s23, s24, $0xb8;
	[tilespmem:$0x1D500] =	vst v63  }
0x206: {  	_ =	swait.ge [sflag:s19], $0x3000  }
0x207: {  	[sflag:s19] =	ssyncset.done $0x0  }
0x208: {  	s20 =	simm.s32 $0xEF80;
	[sflag:s19] =	ssyncadd.s32 $0xFFFFD000  }
0x209: {  	[tilespmem:s28], [sflag:$0x2] =	stream.indirect.gather [hbm4b:s3+s24], $0x60, s20, s24, $0xb8;
	[tilespmem:$0x1D500] =	vst v63  }
0x20a: {  	_ =	swait.ge [sflag:s4], $0x3000  }
0x20b: {  	[sflag:s4] =	ssyncset.done $0x0  }
0x20c: {  	s23 =	simm.s32 $0x10200;
	[sflag:s4] =	ssyncadd.s32 $0xFFFFD000  }
0x20d: {  	[spmem:s1] =	stream.indirect.scatter.add.f32 [tilespmem:s30], [sflag:$0x7], $0x60, s23, s24, $0xb8;
	[tilespmem:$0x1D500] =	vst v63  }
0x20e: {  	_ =	swait.ge [sflag:s8], $0x3000  }
0x20f: {  	[sflag:s8] =	ssyncset.done $0x0  }
0x210: {  	s20 =	simm.s32 $0xF000;
	[sflag:s8] =	ssyncadd.s32 $0xFFFFD000  }
0x211: {  	[tilespmem:s30], [sflag:$0x3] =	stream.indirect.gather [hbm4b:s3+s24], $0x60, s20, s24, $0xb8;
	[tilespmem:$0x1D500] =	vst v63  }
0x212: {  	_ =	swait.ge [sflag:s10], $0x3000  }
0x213: {  	[sflag:s10] =	ssyncset.done $0x0  }
0x214: {  	s23 =	simm.s32 $0x10280;
	[sflag:s10] =	ssyncadd.s32 $0xFFFFD000  }
0x215: {  	[spmem:s1] =	stream.indirect.scatter.add.f32 [tilespmem:s0], [sflag:$0x8], $0x60, s23, s24, $0xb8;
	[tilespmem:$0x1D500] =	vst v63  }
0x216: {  	_ =	swait.ge [sflag:s11], $0x3000  }
0x217: {  	[sflag:s11] =	ssyncset.done $0x0  }
0x218: {  	s18 =	simm.s32 $0x800;
	s20 =	simm.s32 $0xF080;
	[sflag:s11] =	ssyncadd.s32 $0xFFFFD000  }
.LBB2_3:
0x219: {  	[tilespmem:s0], [sflag:$0x4] =	stream.indirect.gather [hbm4b:s3+s24], $0x60, s20, s24, $0xb8;
	[tilespmem:$0x1D500] =	vst v63  }
0x21a: {  	s20 =	smov.u32 s18  }
0x21b: {  	p1 =	sne.s32 s18, $0x4000;
	s18 =	sadd.s32 $0x800, s18;
	_ =	swait.ge [sflag:s9], $0x3000  }
0x21c: {  	s20 =	sshra.s32 s20, $0x2;
	[sflag:s9] =	ssyncset.done $0x0  }
0x21d: {  	s23 =	sadd.s32 $0x10100, s20;
	[sflag:s9] =	ssyncadd.s32 $0xFFFFD000  }
0x21e: {  	[spmem:s1] =	stream.indirect.scatter.add.f32 [tilespmem:s25], [sflag:$0x5], $0x60, s23, s24, $0xb8;
	[tilespmem:$0x1D500] =	vst v63  }
0x21f: {  	_ =	swait.ge [sflag:s6], $0x3000  }
0x220: {  	[sflag:s6] =	ssyncset.done $0x0  }
0x221: {  	s23 =	sadd.s32 $0xEF00, s20;
	[sflag:s6] =	ssyncadd.s32 $0xFFFFD000  }
0x222: {  	[tilespmem:s25], [sflag:$0x1] =	stream.indirect.gather [hbm4b:s3+s24], $0x60, s23, s24, $0xb8;
	[tilespmem:$0x1D500] =	vst v63  }
0x223: {  	_ =	swait.ge [sflag:s7], $0x3000  }
0x224: {  	[sflag:s7] =	ssyncset.done $0x0  }
0x225: {  	s23 =	sadd.s32 $0x10180, s20;
	[sflag:s7] =	ssyncadd.s32 $0xFFFFD000  }
0x226: {  	[spmem:s1] =	stream.indirect.scatter.add.f32 [tilespmem:s28], [sflag:$0x6], $0x60, s23, s24, $0xb8;
	[tilespmem:$0x1D500] =	vst v63  }
0x227: {  	_ =	swait.ge [sflag:s19], $0x3000  }
0x228: {  	[sflag:s19] =	ssyncset.done $0x0  }
0x229: {  	s23 =	sadd.s32 $0xEF80, s20;
	[sflag:s19] =	ssyncadd.s32 $0xFFFFD000  }
0x22a: {  	[tilespmem:s28], [sflag:$0x2] =	stream.indirect.gather [hbm4b:s3+s24], $0x60, s23, s24, $0xb8;
	[tilespmem:$0x1D500] =	vst v63  }
0x22b: {  	_ =	swait.ge [sflag:s4], $0x3000  }
0x22c: {  	[sflag:s4] =	ssyncset.done $0x0  }
0x22d: {  	s23 =	sadd.s32 $0x10200, s20;
	[sflag:s4] =	ssyncadd.s32 $0xFFFFD000  }
0x22e: {  	[spmem:s1] =	stream.indirect.scatter.add.f32 [tilespmem:s30], [sflag:$0x7], $0x60, s23, s24, $0xb8;
	[tilespmem:$0x1D500] =	vst v63  }
0x22f: {  	_ =	swait.ge [sflag:s8], $0x3000  }
0x230: {  	[sflag:s8] =	ssyncset.done $0x0  }
0x231: {  	s23 =	sadd.s32 $0xF000, s20;
	[sflag:s8] =	ssyncadd.s32 $0xFFFFD000  }
0x232: {  	[tilespmem:s30], [sflag:$0x3] =	stream.indirect.gather [hbm4b:s3+s24], $0x60, s23, s24, $0xb8;
	[tilespmem:$0x1D500] =	vst v63  }
0x233: {  	_ =	swait.ge [sflag:s10], $0x3000  }
0x234: {  	[sflag:s10] =	ssyncset.done $0x0  }
.Ltmp8:
0x235: {  	s23 =	sadd.s32 $0x10280, s20;
	[sflag:s10] =	ssyncadd.s32 $0xFFFFD000;
	(pc) =	sbr.rel @p1 .LBB2_3-.Ltmp8, $4  }
0x236: {  	[spmem:s1] =	stream.indirect.scatter.add.f32 [tilespmem:s0], [sflag:$0x8], $0x60, s23, s24, $0xb8;
	[tilespmem:$0x1D500] =	vst v63  }
0x237: {  	_ =	swait.ge [sflag:s11], $0x3000  }
0x238: {  	[sflag:s11] =	ssyncset.done $0x0  }
0x239: {  	s20 =	sadd.s32 $0xF080, s20;
	[sflag:s11] =	ssyncadd.s32 $0xFFFFD000  }
0x23a: {  	[tilespmem:s0], [sflag:$0x4] =	stream.indirect.gather [hbm4b:s3+s24], $0x60, s20, s24, $0xb8;
	[tilespmem:$0x1D500] =	vst v63  }
0x23b: {  	_ =	swait.ge [sflag:s9], $0x3000  }
0x23c: {  	[sflag:s9] =	ssyncset.done $0x0  }
0x23d: {  	[sflag:s9] =	ssyncadd.s32 $0xFFFFD000  }
0x23e: {  	[spmem:s1] =	stream.indirect.scatter.add.f32 [tilespmem:s25], [sflag:$0x5], $0x60, s12, s24, $0xb8;
	[tilespmem:$0x1D500] =	vst v63  }
0x23f: {  	_ =	swait.ge [sflag:s6], $0x3000  }
0x240: {  	[sflag:s6] =	ssyncset.done $0x0  }
0x241: {  	[sflag:s6] =	ssyncadd.s32 $0xFFFFD000  }
0x242: {  	_ =	swait.ge [sflag:s7], $0x3000  }
0x243: {  	[sflag:s7] =	ssyncset.done $0x0  }
0x244: {  	[sflag:s7] =	ssyncadd.s32 $0xFFFFD000  }
0x245: {  	[spmem:s1] =	stream.indirect.scatter.add.f32 [tilespmem:s28], [sflag:$0x6], $0x60, s13, s24, $0xb8;
	[tilespmem:$0x1D500] =	vst v63  }
0x246: {  	_ =	swait.ge [sflag:s19], $0x3000  }
0x247: {  	[sflag:s19] =	ssyncset.done $0x0  }
0x248: {  	[sflag:s19] =	ssyncadd.s32 $0xFFFFD000  }
0x249: {  	_ =	swait.ge [sflag:s4], $0x3000  }
0x24a: {  	[sflag:s4] =	ssyncset.done $0x0  }
0x24b: {  	[sflag:s4] =	ssyncadd.s32 $0xFFFFD000  }
0x24c: {  	[spmem:s1] =	stream.indirect.scatter.add.f32 [tilespmem:s30], [sflag:$0x7], $0x60, s14, s24, $0xb8;
	[tilespmem:$0x1D500] =	vst v63  }
0x24d: {  	_ =	swait.ge [sflag:s8], $0x3000  }
0x24e: {  	[sflag:s8] =	ssyncset.done $0x0  }
0x24f: {  	[sflag:s8] =	ssyncadd.s32 $0xFFFFD000  }
0x250: {  	_ =	swait.ge [sflag:s10], $0x3000  }
0x251: {  	[sflag:s10] =	ssyncset.done $0x0  }
0x252: {  	[sflag:s10] =	ssyncadd.s32 $0xFFFFD000  }
0x253: {  	[spmem:s1] =	stream.indirect.scatter.add.f32 [tilespmem:s0], [sflag:$0x8], $0x60, s15, s24, $0xb8;
	[tilespmem:$0x1D500] =	vst v63  }
0x254: {  	_ =	swait.ge [sflag:s11], $0x3000  }
0x255: {  	[sflag:s11] =	ssyncset.done $0x0  }
0x256: {  	s18 =	simm.s32 $0x0;
	s23 =	rddreg [dreg:$0x9];
	[sflag:s11] =	ssyncadd.s32 $0xFFFFD000  }
0x257: {  	[tilespmem:s22], [sflag:$0x9] =	stream.linear.gather [hbm4b:s23+s18], $0x1400, $0x38;
	[tilespmem:$0x1D500] =	vst v63  }
0x258: {  	_ =	swait.ge [sflag:s21], $0x1400  }
0x259: {  	[sflag:s21] =	ssyncset.done $0x0  }
0x25a: {  	s23 =	simm.s32 $0x10100;
	s20 =	rddreg [dreg:$0xa];
	[sflag:s21] =	ssyncadd.s32 $0xFFFFEC00  }
0x25b: {  	[tilespmem:s23], [sflag:$0x9] =	stream.linear.gather [hbm4b:s20+s18], $0x1400, $0x38;
	[tilespmem:$0x1D500] =	vst v63  }
0x25c: {  	_ =	swait.ge [sflag:s21], $0x1400  }
0x25d: {  	[sflag:s21] =	ssyncset.done $0x0  }
0x25e: {  	[sflag:s21] =	ssyncadd.s32 $0xFFFFEC00  }
0x25f: {  	[tilespmem:s25], [sflag:$0x1] =	stream.indirect.gather [hbm4b:s3+s24], $0x60, s22, s24, $0xb8;
	[tilespmem:$0x1D500] =	vst v63  }
0x260: {  	_ = 	snop  }
0x261: {  	[tilespmem:s28], [sflag:$0x2] =	stream.indirect.gather [hbm4b:s3+s24], $0x60, s26, s24, $0xb8;
	[tilespmem:$0x1D500] =	vst v63  }
0x262: {  	_ = 	snop  }
0x263: {  	[tilespmem:s30], [sflag:$0x3] =	stream.indirect.gather [hbm4b:s3+s24], $0x60, s29, s24, $0xb8;
	[tilespmem:$0x1D500] =	vst v63  }
0x264: {  	_ = 	snop  }
0x265: {  	[tilespmem:s0], [sflag:$0x4] =	stream.indirect.gather [hbm4b:s3+s24], $0x60, s31, s24, $0xb8;
	[tilespmem:$0x1D500] =	vst v63  }
0x266: {  	_ =	swait.ge [sflag:s9], $0x3000  }
0x267: {  	[sflag:s9] =	ssyncset.done $0x0  }
0x268: {  	s23 =	simm.s32 $0x10100;
	[sflag:s9] =	ssyncadd.s32 $0xFFFFD000  }
0x269: {  	[spmem:s1] =	stream.indirect.scatter.add.f32 [tilespmem:s25], [sflag:$0x5], $0x60, s23, s24, $0xb8;
	[tilespmem:$0x1D500] =	vst v63  }
0x26a: {  	_ =	swait.ge [sflag:s6], $0x3000  }
0x26b: {  	[sflag:s6] =	ssyncset.done $0x0  }
0x26c: {  	s20 =	simm.s32 $0xEF00;
	[sflag:s6] =	ssyncadd.s32 $0xFFFFD000  }
0x26d: {  	[tilespmem:s25], [sflag:$0x1] =	stream.indirect.gather [hbm4b:s3+s24], $0x60, s20, s24, $0xb8;
	[tilespmem:$0x1D500] =	vst v63  }
0x26e: {  	_ =	swait.ge [sflag:s7], $0x3000  }
0x26f: {  	[sflag:s7] =	ssyncset.done $0x0  }
0x270: {  	s23 =	simm.s32 $0x10180;
	[sflag:s7] =	ssyncadd.s32 $0xFFFFD000  }
0x271: {  	[spmem:s1] =	stream.indirect.scatter.add.f32 [tilespmem:s28], [sflag:$0x6], $0x60, s23, s24, $0xb8;
	[tilespmem:$0x1D500] =	vst v63  }
0x272: {  	_ =	swait.ge [sflag:s19], $0x3000  }
0x273: {  	[sflag:s19] =	ssyncset.done $0x0  }
0x274: {  	s20 =	simm.s32 $0xEF80;
	[sflag:s19] =	ssyncadd.s32 $0xFFFFD000  }
0x275: {  	[tilespmem:s28], [sflag:$0x2] =	stream.indirect.gather [hbm4b:s3+s24], $0x60, s20, s24, $0xb8;
	[tilespmem:$0x1D500] =	vst v63  }
0x276: {  	_ =	swait.ge [sflag:s4], $0x3000  }
0x277: {  	[sflag:s4] =	ssyncset.done $0x0  }
0x278: {  	s23 =	simm.s32 $0x10200;
	[sflag:s4] =	ssyncadd.s32 $0xFFFFD000  }
0x279: {  	[spmem:s1] =	stream.indirect.scatter.add.f32 [tilespmem:s30], [sflag:$0x7], $0x60, s23, s24, $0xb8;
	[tilespmem:$0x1D500] =	vst v63  }
0x27a: {  	_ =	swait.ge [sflag:s8], $0x3000  }
0x27b: {  	[sflag:s8] =	ssyncset.done $0x0  }
0x27c: {  	s20 =	simm.s32 $0xF000;
	[sflag:s8] =	ssyncadd.s32 $0xFFFFD000  }
0x27d: {  	[tilespmem:s30], [sflag:$0x3] =	stream.indirect.gather [hbm4b:s3+s24], $0x60, s20, s24, $0xb8;
	[tilespmem:$0x1D500] =	vst v63  }
0x27e: {  	_ =	swait.ge [sflag:s10], $0x3000  }
0x27f: {  	[sflag:s10] =	ssyncset.done $0x0  }
0x280: {  	s23 =	simm.s32 $0x10280;
	[sflag:s10] =	ssyncadd.s32 $0xFFFFD000  }
0x281: {  	[spmem:s1] =	stream.indirect.scatter.add.f32 [tilespmem:s0], [sflag:$0x8], $0x60, s23, s24, $0xb8;
	[tilespmem:$0x1D500] =	vst v63  }
0x282: {  	_ =	swait.ge [sflag:s11], $0x3000  }
0x283: {  	[sflag:s11] =	ssyncset.done $0x0  }
0x284: {  	s18 =	simm.s32 $0x800;
	s20 =	simm.s32 $0xF080;
	[sflag:s11] =	ssyncadd.s32 $0xFFFFD000  }
.LBB2_5:
0x285: {  	[tilespmem:s0], [sflag:$0x4] =	stream.indirect.gather [hbm4b:s3+s24], $0x60, s20, s24, $0xb8;
	[tilespmem:$0x1D500] =	vst v63  }
0x286: {  	s20 =	smov.u32 s18  }
0x287: {  	p1 =	sne.s32 s18, $0x4000;
	s18 =	sadd.s32 $0x800, s18;
	_ =	swait.ge [sflag:s9], $0x3000  }
0x288: {  	s20 =	sshra.s32 s20, $0x2;
	[sflag:s9] =	ssyncset.done $0x0  }
0x289: {  	s23 =	sadd.s32 $0x10100, s20;
	[sflag:s9] =	ssyncadd.s32 $0xFFFFD000  }
0x28a: {  	[spmem:s1] =	stream.indirect.scatter.add.f32 [tilespmem:s25], [sflag:$0x5], $0x60, s23, s24, $0xb8;
	[tilespmem:$0x1D500] =	vst v63  }
0x28b: {  	_ =	swait.ge [sflag:s6], $0x3000  }
0x28c: {  	[sflag:s6] =	ssyncset.done $0x0  }
0x28d: {  	s23 =	sadd.s32 $0xEF00, s20;
	[sflag:s6] =	ssyncadd.s32 $0xFFFFD000  }
0x28e: {  	[tilespmem:s25], [sflag:$0x1] =	stream.indirect.gather [hbm4b:s3+s24], $0x60, s23, s24, $0xb8;
	[tilespmem:$0x1D500] =	vst v63  }
0x28f: {  	_ =	swait.ge [sflag:s7], $0x3000  }
0x290: {  	[sflag:s7] =	ssyncset.done $0x0  }
0x291: {  	s23 =	sadd.s32 $0x10180, s20;
	[sflag:s7] =	ssyncadd.s32 $0xFFFFD000  }
0x292: {  	[spmem:s1] =	stream.indirect.scatter.add.f32 [tilespmem:s28], [sflag:$0x6], $0x60, s23, s24, $0xb8;
	[tilespmem:$0x1D500] =	vst v63  }
0x293: {  	_ =	swait.ge [sflag:s19], $0x3000  }
0x294: {  	[sflag:s19] =	ssyncset.done $0x0  }
0x295: {  	s23 =	sadd.s32 $0xEF80, s20;
	[sflag:s19] =	ssyncadd.s32 $0xFFFFD000  }
0x296: {  	[tilespmem:s28], [sflag:$0x2] =	stream.indirect.gather [hbm4b:s3+s24], $0x60, s23, s24, $0xb8;
	[tilespmem:$0x1D500] =	vst v63  }
0x297: {  	_ =	swait.ge [sflag:s4], $0x3000  }
0x298: {  	[sflag:s4] =	ssyncset.done $0x0  }
0x299: {  	s23 =	sadd.s32 $0x10200, s20;
	[sflag:s4] =	ssyncadd.s32 $0xFFFFD000  }
0x29a: {  	[spmem:s1] =	stream.indirect.scatter.add.f32 [tilespmem:s30], [sflag:$0x7], $0x60, s23, s24, $0xb8;
	[tilespmem:$0x1D500] =	vst v63  }
0x29b: {  	_ =	swait.ge [sflag:s8], $0x3000  }
0x29c: {  	[sflag:s8] =	ssyncset.done $0x0  }
0x29d: {  	s23 =	sadd.s32 $0xF000, s20;
	[sflag:s8] =	ssyncadd.s32 $0xFFFFD000  }
0x29e: {  	[tilespmem:s30], [sflag:$0x3] =	stream.indirect.gather [hbm4b:s3+s24], $0x60, s23, s24, $0xb8;
	[tilespmem:$0x1D500] =	vst v63  }
0x29f: {  	_ =	swait.ge [sflag:s10], $0x3000  }
0x2a0: {  	[sflag:s10] =	ssyncset.done $0x0  }
.Ltmp9:
0x2a1: {  	s23 =	sadd.s32 $0x10280, s20;
	[sflag:s10] =	ssyncadd.s32 $0xFFFFD000;
	(pc) =	sbr.rel @p1 .LBB2_5-.Ltmp9, $4  }
0x2a2: {  	[spmem:s1] =	stream.indirect.scatter.add.f32 [tilespmem:s0], [sflag:$0x8], $0x60, s23, s24, $0xb8;
	[tilespmem:$0x1D500] =	vst v63  }
0x2a3: {  	_ =	swait.ge [sflag:s11], $0x3000  }
0x2a4: {  	[sflag:s11] =	ssyncset.done $0x0  }
0x2a5: {  	s20 =	sadd.s32 $0xF080, s20;
	[sflag:s11] =	ssyncadd.s32 $0xFFFFD000  }
0x2a6: {  	[tilespmem:s0], [sflag:$0x4] =	stream.indirect.gather [hbm4b:s3+s24], $0x60, s20, s24, $0xb8;
	[tilespmem:$0x1D500] =	vst v63  }
0x2a7: {  	_ =	swait.ge [sflag:s9], $0x3000  }
0x2a8: {  	[sflag:s9] =	ssyncset.done $0x0  }
0x2a9: {  	[sflag:s9] =	ssyncadd.s32 $0xFFFFD000  }
0x2aa: {  	[spmem:s1] =	stream.indirect.scatter.add.f32 [tilespmem:s25], [sflag:$0x5], $0x60, s12, s24, $0xb8;
	[tilespmem:$0x1D500] =	vst v63  }
0x2ab: {  	_ =	swait.ge [sflag:s6], $0x3000  }
0x2ac: {  	[sflag:s6] =	ssyncset.done $0x0  }
0x2ad: {  	[sflag:s6] =	ssyncadd.s32 $0xFFFFD000  }
0x2ae: {  	_ =	swait.ge [sflag:s7], $0x3000  }
0x2af: {  	[sflag:s7] =	ssyncset.done $0x0  }
0x2b0: {  	[sflag:s7] =	ssyncadd.s32 $0xFFFFD000  }
0x2b1: {  	[spmem:s1] =	stream.indirect.scatter.add.f32 [tilespmem:s28], [sflag:$0x6], $0x60, s13, s24, $0xb8;
	[tilespmem:$0x1D500] =	vst v63  }
0x2b2: {  	_ =	swait.ge [sflag:s19], $0x3000  }
0x2b3: {  	[sflag:s19] =	ssyncset.done $0x0  }
0x2b4: {  	[sflag:s19] =	ssyncadd.s32 $0xFFFFD000  }
0x2b5: {  	_ =	swait.ge [sflag:s4], $0x3000  }
0x2b6: {  	[sflag:s4] =	ssyncset.done $0x0  }
0x2b7: {  	[sflag:s4] =	ssyncadd.s32 $0xFFFFD000  }
0x2b8: {  	[spmem:s1] =	stream.indirect.scatter.add.f32 [tilespmem:s30], [sflag:$0x7], $0x60, s14, s24, $0xb8;
	[tilespmem:$0x1D500] =	vst v63  }
0x2b9: {  	_ =	swait.ge [sflag:s8], $0x3000  }
0x2ba: {  	[sflag:s8] =	ssyncset.done $0x0  }
0x2bb: {  	[sflag:s8] =	ssyncadd.s32 $0xFFFFD000  }
0x2bc: {  	_ =	swait.ge [sflag:s10], $0x3000  }
0x2bd: {  	[sflag:s10] =	ssyncset.done $0x0  }
0x2be: {  	[sflag:s10] =	ssyncadd.s32 $0xFFFFD000  }
0x2bf: {  	[spmem:s1] =	stream.indirect.scatter.add.f32 [tilespmem:s0], [sflag:$0x8], $0x60, s15, s24, $0xb8;
	[tilespmem:$0x1D500] =	vst v63  }
0x2c0: {  	_ =	swait.ge [sflag:s11], $0x3000  }
0x2c1: {  	[sflag:s11] =	ssyncset.done $0x0  }
0x2c2: {  	s18 =	simm.s32 $0x0;
	s23 =	rddreg [dreg:$0xb];
	[sflag:s11] =	ssyncadd.s32 $0xFFFFD000  }
0x2c3: {  	[tilespmem:s22], [sflag:$0x9] =	stream.linear.gather [hbm4b:s23+s18], $0x1400, $0x38;
	[tilespmem:$0x1D500] =	vst v63  }
0x2c4: {  	_ =	swait.ge [sflag:s21], $0x1400  }
0x2c5: {  	[sflag:s21] =	ssyncset.done $0x0  }
0x2c6: {  	s23 =	simm.s32 $0x10100;
	s20 =	rddreg [dreg:$0xc];
	[sflag:s21] =	ssyncadd.s32 $0xFFFFEC00  }
0x2c7: {  	[tilespmem:s23], [sflag:$0x9] =	stream.linear.gather [hbm4b:s20+s18], $0x1400, $0x38;
	[tilespmem:$0x1D500] =	vst v63  }
0x2c8: {  	_ =	swait.ge [sflag:s21], $0x1400  }
0x2c9: {  	[sflag:s21] =	ssyncset.done $0x0  }
0x2ca: {  	[sflag:s21] =	ssyncadd.s32 $0xFFFFEC00  }
0x2cb: {  	[tilespmem:s25], [sflag:$0x1] =	stream.indirect.gather [hbm4b:s3+s24], $0x60, s22, s24, $0xb8;
	[tilespmem:$0x1D500] =	vst v63  }
0x2cc: {  	_ = 	snop  }
0x2cd: {  	[tilespmem:s28], [sflag:$0x2] =	stream.indirect.gather [hbm4b:s3+s24], $0x60, s26, s24, $0xb8;
	[tilespmem:$0x1D500] =	vst v63  }
0x2ce: {  	_ = 	snop  }
0x2cf: {  	[tilespmem:s30], [sflag:$0x3] =	stream.indirect.gather [hbm4b:s3+s24], $0x60, s29, s24, $0xb8;
	[tilespmem:$0x1D500] =	vst v63  }
0x2d0: {  	_ = 	snop  }
0x2d1: {  	[tilespmem:s0], [sflag:$0x4] =	stream.indirect.gather [hbm4b:s3+s24], $0x60, s31, s24, $0xb8;
	[tilespmem:$0x1D500] =	vst v63  }
0x2d2: {  	_ =	swait.ge [sflag:s9], $0x3000  }
0x2d3: {  	[sflag:s9] =	ssyncset.done $0x0  }
0x2d4: {  	s23 =	simm.s32 $0x10100;
	[sflag:s9] =	ssyncadd.s32 $0xFFFFD000  }
0x2d5: {  	[spmem:s1] =	stream.indirect.scatter.add.f32 [tilespmem:s25], [sflag:$0x5], $0x60, s23, s24, $0xb8;
	[tilespmem:$0x1D500] =	vst v63  }
0x2d6: {  	_ =	swait.ge [sflag:s6], $0x3000  }
0x2d7: {  	[sflag:s6] =	ssyncset.done $0x0  }
0x2d8: {  	s20 =	simm.s32 $0xEF00;
	[sflag:s6] =	ssyncadd.s32 $0xFFFFD000  }
0x2d9: {  	[tilespmem:s25], [sflag:$0x1] =	stream.indirect.gather [hbm4b:s3+s24], $0x60, s20, s24, $0xb8;
	[tilespmem:$0x1D500] =	vst v63  }
0x2da: {  	_ =	swait.ge [sflag:s7], $0x3000  }
0x2db: {  	[sflag:s7] =	ssyncset.done $0x0  }
0x2dc: {  	s23 =	simm.s32 $0x10180;
	[sflag:s7] =	ssyncadd.s32 $0xFFFFD000  }
0x2dd: {  	[spmem:s1] =	stream.indirect.scatter.add.f32 [tilespmem:s28], [sflag:$0x6], $0x60, s23, s24, $0xb8;
	[tilespmem:$0x1D500] =	vst v63  }
0x2de: {  	_ =	swait.ge [sflag:s19], $0x3000  }
0x2df: {  	[sflag:s19] =	ssyncset.done $0x0  }
0x2e0: {  	s20 =	simm.s32 $0xEF80;
	[sflag:s19] =	ssyncadd.s32 $0xFFFFD000  }
0x2e1: {  	[tilespmem:s28], [sflag:$0x2] =	stream.indirect.gather [hbm4b:s3+s24], $0x60, s20, s24, $0xb8;
	[tilespmem:$0x1D500] =	vst v63  }
0x2e2: {  	_ =	swait.ge [sflag:s4], $0x3000  }
0x2e3: {  	[sflag:s4] =	ssyncset.done $0x0  }
0x2e4: {  	s23 =	simm.s32 $0x10200;
	[sflag:s4] =	ssyncadd.s32 $0xFFFFD000  }
0x2e5: {  	[spmem:s1] =	stream.indirect.scatter.add.f32 [tilespmem:s30], [sflag:$0x7], $0x60, s23, s24, $0xb8;
	[tilespmem:$0x1D500] =	vst v63  }
0x2e6: {  	_ =	swait.ge [sflag:s8], $0x3000  }
0x2e7: {  	[sflag:s8] =	ssyncset.done $0x0  }
0x2e8: {  	s20 =	simm.s32 $0xF000;
	[sflag:s8] =	ssyncadd.s32 $0xFFFFD000  }
0x2e9: {  	[tilespmem:s30], [sflag:$0x3] =	stream.indirect.gather [hbm4b:s3+s24], $0x60, s20, s24, $0xb8;
	[tilespmem:$0x1D500] =	vst v63  }
0x2ea: {  	_ =	swait.ge [sflag:s10], $0x3000  }
0x2eb: {  	[sflag:s10] =	ssyncset.done $0x0  }
0x2ec: {  	s23 =	simm.s32 $0x10280;
	[sflag:s10] =	ssyncadd.s32 $0xFFFFD000  }
0x2ed: {  	[spmem:s1] =	stream.indirect.scatter.add.f32 [tilespmem:s0], [sflag:$0x8], $0x60, s23, s24, $0xb8;
	[tilespmem:$0x1D500] =	vst v63  }
0x2ee: {  	_ =	swait.ge [sflag:s11], $0x3000  }
0x2ef: {  	[sflag:s11] =	ssyncset.done $0x0  }
0x2f0: {  	s18 =	simm.s32 $0x800;
	s20 =	simm.s32 $0xF080;
	[sflag:s11] =	ssyncadd.s32 $0xFFFFD000  }
.LBB2_7:
0x2f1: {  	[tilespmem:s0], [sflag:$0x4] =	stream.indirect.gather [hbm4b:s3+s24], $0x60, s20, s24, $0xb8;
	[tilespmem:$0x1D500] =	vst v63  }
0x2f2: {  	s20 =	smov.u32 s18  }
0x2f3: {  	p1 =	sne.s32 s18, $0x4000;
	s18 =	sadd.s32 $0x800, s18;
	_ =	swait.ge [sflag:s9], $0x3000  }
0x2f4: {  	s20 =	sshra.s32 s20, $0x2;
	[sflag:s9] =	ssyncset.done $0x0  }
0x2f5: {  	s23 =	sadd.s32 $0x10100, s20;
	[sflag:s9] =	ssyncadd.s32 $0xFFFFD000  }
0x2f6: {  	[spmem:s1] =	stream.indirect.scatter.add.f32 [tilespmem:s25], [sflag:$0x5], $0x60, s23, s24, $0xb8;
	[tilespmem:$0x1D500] =	vst v63  }
0x2f7: {  	_ =	swait.ge [sflag:s6], $0x3000  }
0x2f8: {  	[sflag:s6] =	ssyncset.done $0x0  }
0x2f9: {  	s23 =	sadd.s32 $0xEF00, s20;
	[sflag:s6] =	ssyncadd.s32 $0xFFFFD000  }
0x2fa: {  	[tilespmem:s25], [sflag:$0x1] =	stream.indirect.gather [hbm4b:s3+s24], $0x60, s23, s24, $0xb8;
	[tilespmem:$0x1D500] =	vst v63  }
0x2fb: {  	_ =	swait.ge [sflag:s7], $0x3000  }
0x2fc: {  	[sflag:s7] =	ssyncset.done $0x0  }
0x2fd: {  	s23 =	sadd.s32 $0x10180, s20;
	[sflag:s7] =	ssyncadd.s32 $0xFFFFD000  }
0x2fe: {  	[spmem:s1] =	stream.indirect.scatter.add.f32 [tilespmem:s28], [sflag:$0x6], $0x60, s23, s24, $0xb8;
	[tilespmem:$0x1D500] =	vst v63  }
0x2ff: {  	_ =	swait.ge [sflag:s19], $0x3000  }
0x300: {  	[sflag:s19] =	ssyncset.done $0x0  }
0x301: {  	s23 =	sadd.s32 $0xEF80, s20;
	[sflag:s19] =	ssyncadd.s32 $0xFFFFD000  }
0x302: {  	[tilespmem:s28], [sflag:$0x2] =	stream.indirect.gather [hbm4b:s3+s24], $0x60, s23, s24, $0xb8;
	[tilespmem:$0x1D500] =	vst v63  }
0x303: {  	_ =	swait.ge [sflag:s4], $0x3000  }
0x304: {  	[sflag:s4] =	ssyncset.done $0x0  }
0x305: {  	s23 =	sadd.s32 $0x10200, s20;
	[sflag:s4] =	ssyncadd.s32 $0xFFFFD000  }
0x306: {  	[spmem:s1] =	stream.indirect.scatter.add.f32 [tilespmem:s30], [sflag:$0x7], $0x60, s23, s24, $0xb8;
	[tilespmem:$0x1D500] =	vst v63  }
0x307: {  	_ =	swait.ge [sflag:s8], $0x3000  }
0x308: {  	[sflag:s8] =	ssyncset.done $0x0  }
0x309: {  	s23 =	sadd.s32 $0xF000, s20;
	[sflag:s8] =	ssyncadd.s32 $0xFFFFD000  }
0x30a: {  	[tilespmem:s30], [sflag:$0x3] =	stream.indirect.gather [hbm4b:s3+s24], $0x60, s23, s24, $0xb8;
	[tilespmem:$0x1D500] =	vst v63  }
0x30b: {  	_ =	swait.ge [sflag:s10], $0x3000  }
0x30c: {  	[sflag:s10] =	ssyncset.done $0x0  }
.Ltmp10:
0x30d: {  	s23 =	sadd.s32 $0x10280, s20;
	[sflag:s10] =	ssyncadd.s32 $0xFFFFD000;
	(pc) =	sbr.rel @p1 .LBB2_7-.Ltmp10, $4  }
0x30e: {  	[spmem:s1] =	stream.indirect.scatter.add.f32 [tilespmem:s0], [sflag:$0x8], $0x60, s23, s24, $0xb8;
	[tilespmem:$0x1D500] =	vst v63  }
0x30f: {  	_ =	swait.ge [sflag:s11], $0x3000  }
0x310: {  	[sflag:s11] =	ssyncset.done $0x0  }
0x311: {  	s20 =	sadd.s32 $0xF080, s20;
	[sflag:s11] =	ssyncadd.s32 $0xFFFFD000  }
0x312: {  	[tilespmem:s0], [sflag:$0x4] =	stream.indirect.gather [hbm4b:s3+s24], $0x60, s20, s24, $0xb8;
	[tilespmem:$0x1D500] =	vst v63  }
0x313: {  	_ =	swait.ge [sflag:s9], $0x3000  }
0x314: {  	[sflag:s9] =	ssyncset.done $0x0  }
0x315: {  	[sflag:s9] =	ssyncadd.s32 $0xFFFFD000  }
0x316: {  	[spmem:s1] =	stream.indirect.scatter.add.f32 [tilespmem:s25], [sflag:$0x5], $0x60, s12, s24, $0xb8;
	[tilespmem:$0x1D500] =	vst v63  }
0x317: {  	_ =	swait.ge [sflag:s6], $0x3000  }
0x318: {  	[sflag:s6] =	ssyncset.done $0x0  }
0x319: {  	[sflag:s6] =	ssyncadd.s32 $0xFFFFD000  }
0x31a: {  	_ =	swait.ge [sflag:s7], $0x3000  }
0x31b: {  	[sflag:s7] =	ssyncset.done $0x0  }
0x31c: {  	[sflag:s7] =	ssyncadd.s32 $0xFFFFD000  }
0x31d: {  	[spmem:s1] =	stream.indirect.scatter.add.f32 [tilespmem:s28], [sflag:$0x6], $0x60, s13, s24, $0xb8;
	[tilespmem:$0x1D500] =	vst v63  }
0x31e: {  	_ =	swait.ge [sflag:s19], $0x3000  }
0x31f: {  	[sflag:s19] =	ssyncset.done $0x0  }
0x320: {  	[sflag:s19] =	ssyncadd.s32 $0xFFFFD000  }
0x321: {  	_ =	swait.ge [sflag:s4], $0x3000  }
0x322: {  	[sflag:s4] =	ssyncset.done $0x0  }
0x323: {  	[sflag:s4] =	ssyncadd.s32 $0xFFFFD000  }
0x324: {  	[spmem:s1] =	stream.indirect.scatter.add.f32 [tilespmem:s30], [sflag:$0x7], $0x60, s14, s24, $0xb8;
	[tilespmem:$0x1D500] =	vst v63  }
0x325: {  	_ =	swait.ge [sflag:s8], $0x3000  }
0x326: {  	[sflag:s8] =	ssyncset.done $0x0  }
0x327: {  	[sflag:s8] =	ssyncadd.s32 $0xFFFFD000  }
0x328: {  	_ =	swait.ge [sflag:s10], $0x3000  }
0x329: {  	[sflag:s10] =	ssyncset.done $0x0  }
0x32a: {  	[sflag:s10] =	ssyncadd.s32 $0xFFFFD000  }
0x32b: {  	[spmem:s1] =	stream.indirect.scatter.add.f32 [tilespmem:s0], [sflag:$0x8], $0x60, s15, s24, $0xb8;
	[tilespmem:$0x1D500] =	vst v63  }
0x32c: {  	_ =	swait.ge [sflag:s11], $0x3000  }
0x32d: {  	[sflag:s11] =	ssyncset.done $0x0  }
0x32e: {  	s18 =	simm.s32 $0x0;
	s23 =	rddreg [dreg:$0xd];
	[sflag:s11] =	ssyncadd.s32 $0xFFFFD000  }
0x32f: {  	[tilespmem:s22], [sflag:$0x9] =	stream.linear.gather [hbm4b:s23+s18], $0x1400, $0x38;
	[tilespmem:$0x1D500] =	vst v63  }
0x330: {  	_ =	swait.ge [sflag:s21], $0x1400  }
0x331: {  	[sflag:s21] =	ssyncset.done $0x0  }
0x332: {  	s23 =	simm.s32 $0x10100;
	s20 =	rddreg [dreg:$0xe];
	[sflag:s21] =	ssyncadd.s32 $0xFFFFEC00  }
0x333: {  	[tilespmem:s23], [sflag:$0x9] =	stream.linear.gather [hbm4b:s20+s18], $0x1400, $0x38;
	[tilespmem:$0x1D500] =	vst v63  }
0x334: {  	_ =	swait.ge [sflag:s21], $0x1400  }
0x335: {  	[sflag:s21] =	ssyncset.done $0x0  }
0x336: {  	[sflag:s21] =	ssyncadd.s32 $0xFFFFEC00  }
0x337: {  	[tilespmem:s25], [sflag:$0x1] =	stream.indirect.gather [hbm4b:s3+s24], $0x60, s22, s24, $0xb8;
	[tilespmem:$0x1D500] =	vst v63  }
0x338: {  	_ = 	snop  }
0x339: {  	[tilespmem:s28], [sflag:$0x2] =	stream.indirect.gather [hbm4b:s3+s24], $0x60, s26, s24, $0xb8;
	[tilespmem:$0x1D500] =	vst v63  }
0x33a: {  	_ = 	snop  }
0x33b: {  	[tilespmem:s30], [sflag:$0x3] =	stream.indirect.gather [hbm4b:s3+s24], $0x60, s29, s24, $0xb8;
	[tilespmem:$0x1D500] =	vst v63  }
0x33c: {  	_ = 	snop  }
0x33d: {  	[tilespmem:s0], [sflag:$0x4] =	stream.indirect.gather [hbm4b:s3+s24], $0x60, s31, s24, $0xb8;
	[tilespmem:$0x1D500] =	vst v63  }
0x33e: {  	_ =	swait.ge [sflag:s9], $0x3000  }
0x33f: {  	[sflag:s9] =	ssyncset.done $0x0  }
0x340: {  	s23 =	simm.s32 $0x10100;
	[sflag:s9] =	ssyncadd.s32 $0xFFFFD000  }
0x341: {  	[spmem:s1] =	stream.indirect.scatter.add.f32 [tilespmem:s25], [sflag:$0x5], $0x60, s23, s24, $0xb8;
	[tilespmem:$0x1D500] =	vst v63  }
0x342: {  	_ =	swait.ge [sflag:s6], $0x3000  }
0x343: {  	[sflag:s6] =	ssyncset.done $0x0  }
0x344: {  	s20 =	simm.s32 $0xEF00;
	[sflag:s6] =	ssyncadd.s32 $0xFFFFD000  }
0x345: {  	[tilespmem:s25], [sflag:$0x1] =	stream.indirect.gather [hbm4b:s3+s24], $0x60, s20, s24, $0xb8;
	[tilespmem:$0x1D500] =	vst v63  }
0x346: {  	_ =	swait.ge [sflag:s7], $0x3000  }
0x347: {  	[sflag:s7] =	ssyncset.done $0x0  }
0x348: {  	s23 =	simm.s32 $0x10180;
	[sflag:s7] =	ssyncadd.s32 $0xFFFFD000  }
0x349: {  	[spmem:s1] =	stream.indirect.scatter.add.f32 [tilespmem:s28], [sflag:$0x6], $0x60, s23, s24, $0xb8;
	[tilespmem:$0x1D500] =	vst v63  }
0x34a: {  	_ =	swait.ge [sflag:s19], $0x3000  }
0x34b: {  	[sflag:s19] =	ssyncset.done $0x0  }
0x34c: {  	s20 =	simm.s32 $0xEF80;
	[sflag:s19] =	ssyncadd.s32 $0xFFFFD000  }
0x34d: {  	[tilespmem:s28], [sflag:$0x2] =	stream.indirect.gather [hbm4b:s3+s24], $0x60, s20, s24, $0xb8;
	[tilespmem:$0x1D500] =	vst v63  }
0x34e: {  	_ =	swait.ge [sflag:s4], $0x3000  }
0x34f: {  	[sflag:s4] =	ssyncset.done $0x0  }
0x350: {  	s23 =	simm.s32 $0x10200;
	[sflag:s4] =	ssyncadd.s32 $0xFFFFD000  }
0x351: {  	[spmem:s1] =	stream.indirect.scatter.add.f32 [tilespmem:s30], [sflag:$0x7], $0x60, s23, s24, $0xb8;
	[tilespmem:$0x1D500] =	vst v63  }
0x352: {  	_ =	swait.ge [sflag:s8], $0x3000  }
0x353: {  	[sflag:s8] =	ssyncset.done $0x0  }
0x354: {  	s20 =	simm.s32 $0xF000;
	[sflag:s8] =	ssyncadd.s32 $0xFFFFD000  }
0x355: {  	[tilespmem:s30], [sflag:$0x3] =	stream.indirect.gather [hbm4b:s3+s24], $0x60, s20, s24, $0xb8;
	[tilespmem:$0x1D500] =	vst v63  }
0x356: {  	_ =	swait.ge [sflag:s10], $0x3000  }
0x357: {  	[sflag:s10] =	ssyncset.done $0x0  }
0x358: {  	s23 =	simm.s32 $0x10280;
	[sflag:s10] =	ssyncadd.s32 $0xFFFFD000  }
0x359: {  	[spmem:s1] =	stream.indirect.scatter.add.f32 [tilespmem:s0], [sflag:$0x8], $0x60, s23, s24, $0xb8;
	[tilespmem:$0x1D500] =	vst v63  }
0x35a: {  	_ =	swait.ge [sflag:s11], $0x3000  }
0x35b: {  	[sflag:s11] =	ssyncset.done $0x0  }
0x35c: {  	s18 =	simm.s32 $0x800;
	s20 =	simm.s32 $0xF080;
	[sflag:s11] =	ssyncadd.s32 $0xFFFFD000  }
.LBB2_9:
0x35d: {  	[tilespmem:s0], [sflag:$0x4] =	stream.indirect.gather [hbm4b:s3+s24], $0x60, s20, s24, $0xb8;
	[tilespmem:$0x1D500] =	vst v63  }
0x35e: {  	s20 =	smov.u32 s18  }
0x35f: {  	p1 =	seq.s32 s18, $0x4000;
	s18 =	sadd.s32 $0x800, s18;
	_ =	swait.ge [sflag:s9], $0x3000  }
0x360: {  	s20 =	sshra.s32 s20, $0x2;
	[sflag:s9] =	ssyncset.done $0x0  }
0x361: {  	s23 =	sadd.s32 $0x10100, s20;
	[sflag:s9] =	ssyncadd.s32 $0xFFFFD000  }
0x362: {  	[spmem:s1] =	stream.indirect.scatter.add.f32 [tilespmem:s25], [sflag:$0x5], $0x60, s23, s24, $0xb8;
	[tilespmem:$0x1D500] =	vst v63  }
0x363: {  	_ =	swait.ge [sflag:s6], $0x3000  }
0x364: {  	[sflag:s6] =	ssyncset.done $0x0  }
0x365: {  	s23 =	sadd.s32 $0xEF00, s20;
	[sflag:s6] =	ssyncadd.s32 $0xFFFFD000  }
0x366: {  	[tilespmem:s25], [sflag:$0x1] =	stream.indirect.gather [hbm4b:s3+s24], $0x60, s23, s24, $0xb8;
	[tilespmem:$0x1D500] =	vst v63  }
0x367: {  	_ =	swait.ge [sflag:s7], $0x3000  }
0x368: {  	[sflag:s7] =	ssyncset.done $0x0  }
0x369: {  	s23 =	sadd.s32 $0x10180, s20;
	[sflag:s7] =	ssyncadd.s32 $0xFFFFD000  }
0x36a: {  	[spmem:s1] =	stream.indirect.scatter.add.f32 [tilespmem:s28], [sflag:$0x6], $0x60, s23, s24, $0xb8;
	[tilespmem:$0x1D500] =	vst v63  }
0x36b: {  	_ =	swait.ge [sflag:s19], $0x3000  }
0x36c: {  	[sflag:s19] =	ssyncset.done $0x0  }
0x36d: {  	s23 =	sadd.s32 $0xEF80, s20;
	[sflag:s19] =	ssyncadd.s32 $0xFFFFD000  }
0x36e: {  	[tilespmem:s28], [sflag:$0x2] =	stream.indirect.gather [hbm4b:s3+s24], $0x60, s23, s24, $0xb8;
	[tilespmem:$0x1D500] =	vst v63  }
0x36f: {  	_ =	swait.ge [sflag:s4], $0x3000  }
0x370: {  	[sflag:s4] =	ssyncset.done $0x0  }
0x371: {  	s23 =	sadd.s32 $0x10200, s20;
	[sflag:s4] =	ssyncadd.s32 $0xFFFFD000  }
0x372: {  	[spmem:s1] =	stream.indirect.scatter.add.f32 [tilespmem:s30], [sflag:$0x7], $0x60, s23, s24, $0xb8;
	[tilespmem:$0x1D500] =	vst v63  }
0x373: {  	_ =	swait.ge [sflag:s8], $0x3000  }
0x374: {  	[sflag:s8] =	ssyncset.done $0x0  }
0x375: {  	s23 =	sadd.s32 $0xF000, s20;
	[sflag:s8] =	ssyncadd.s32 $0xFFFFD000  }
0x376: {  	[tilespmem:s30], [sflag:$0x3] =	stream.indirect.gather [hbm4b:s3+s24], $0x60, s23, s24, $0xb8;
	[tilespmem:$0x1D500] =	vst v63  }
0x377: {  	_ =	swait.ge [sflag:s10], $0x3000  }
0x378: {  	[sflag:s10] =	ssyncset.done $0x0  }
.Ltmp11:
0x379: {  	s23 =	sadd.s32 $0x10280, s20;
	[sflag:s10] =	ssyncadd.s32 $0xFFFFD000;
	(pc) =	sbr.rel @!p1 .LBB2_9-.Ltmp11, $4  }
0x37a: {  	[spmem:s1] =	stream.indirect.scatter.add.f32 [tilespmem:s0], [sflag:$0x8], $0x60, s23, s24, $0xb8;
	[tilespmem:$0x1D500] =	vst v63  }
0x37b: {  	_ =	swait.ge [sflag:s11], $0x3000  }
0x37c: {  	[sflag:s11] =	ssyncset.done $0x0  }
0x37d: {  	s20 =	sadd.s32 $0xF080, s20;
	[sflag:s11] =	ssyncadd.s32 $0xFFFFD000  }
.Ltmp12:
0x37e: {  	(pc) =	sbr.rel .LBB2_20-.Ltmp12, $3  }
0x37f: {  	_ =	sdelay $0x1  }
0x380: {  	[tilespmem:s0], [sflag:$0x4] =	stream.indirect.gather [hbm4b:s3+s24], $0x60, s20, s24, $0xb8;
	[tilespmem:$0x1D500] =	vst v63  }
0x381: {  	s18 =	rddreg [dreg:$0x3]  }
.LBB2_21:
0x382: {  	_ =	sfence.sel $0x180000  }
0x383: {  	[bflag:$0x0] =	sbarrier.arrive $0xFFFF  }
0x384: {  	_ =	strace $0x9000004A  }
0x385: {  	s0 =	stileid.u32;
	[bflag:$0x2] =	sbarrier.arrive $0xFFFF  }
0x386: {  	p0 =	sne.s32 s0, $0x0;
	s0 =	rddreg [dreg:$0x2]  }
0x387: {  	s0 =	sadd.s32 @!p0 $0x100000, s0  }
0x388: {  	[sflag:s0] =	ssyncadd.tile.s32 @!p0 $0x1;
	_ =	shalt  }
.Lfunc_end2:
_tile_overlayer_lowered:
.L_overlay_start_2:
0x389: {  	(tag) =	ssettag $0x2  }
0x38a: {  	s0 =	rddreg [dreg:$0x0];
	s2 =	stileid.u32  }
0x38b: {  	s1 =	rddreg [dreg:$0x1];
	p0 =	sne.s32 s2, $0x0  }
0x38c: {  	s3 =	rddreg [dreg:$0x2];
	[bflag:$0x3] =	sbarrier.arrive $0xFFFF;
	s2 =	simm.s32 @!p0 $0x1C09  }
0x38d: {  	[timem:s3], [sflag:s2] =	dma.local @!p0 [hbm:s0], s1  }
0x38e: {  	s0 =	simm.s32 @!p0 $0x9  }
0x38f: {  	_ =	swait.ge @!p0 [sflag:s0], s1  }
0x390: {  	s1 =	ssub.s32 @!p0 $0x0, s1;
	[sflag:s0] =	ssyncset.done @!p0 $0x0  }
0x391: {  	[sflag:s0] =	ssyncadd.s32 @!p0 s1  }
0x392: {  	[bflag:$0x3] =	sbarrier.arrive $0xFFFF  }
0x393: {  	_ =	shalt  }

</sc_bundles>
